<compile_context>
chip_gen: v7x
topology: tpu7x:2x2x1
jax: 0.10.2.dev20260603
libtpu: 0.0.44.dev20260713+nightly
codegen_flags: <defaults>
</compile_context>

<pallas_src>
import functools

import jax
import jax.numpy as jnp
from jax import lax
from jax.experimental import pallas as pl
from jax.experimental.pallas import tpu as pltpu
from jax.experimental.pallas import tpu_sc as plsc

B = 16
PNODE_NUM = 4096
D = 3
GCN = 128
GCN_LAYERS = 4
CNN_DIM = 64
CK = 8
CNN_LAYERS = 3
FC = 128
LABELS = 2
N_P = B * PNODE_NUM
N_F = 1024
E_DIR = 262144

NTILES = 16
ED_PER_TILE = E_DIR // NTILES
SC_CHUNK = 128
N_CHUNKS = ED_PER_TILE // SC_CHUNK
A_WORDS = N_F * N_F
A_SLICE = A_WORDS // NTILES
HALF_WORDS = A_WORDS // 2
HALF_SLICE = HALF_WORDS // NTILES



def _adj_body(comb_hbm, out_hbm, comb_v, idx_v, idx2_v, ones_v, zeros_v,
              shared_a, sem):
    sid = lax.axis_index("s")

    def ones_loop(j, _):
        ones_v[pl.ds(j * 16, 16)] = jnp.full((16,), 1.0, jnp.float32)
        return _
    lax.fori_loop(0, SC_CHUNK // 16, ones_loop, 0)

    def zeros_loop(j, _):
        zeros_v[pl.ds(j * 16, 16)] = jnp.zeros((16,), jnp.float32)
        return _
    lax.fori_loop(0, ED_PER_TILE // 16, zeros_loop, 0)

    half = ED_PER_TILE // SC_CHUNK
    for direction in range(2):
        if direction == 0:
            for part in range(2):
                pltpu.sync_copy(comb_hbm.at[part, pl.ds(sid * half, half)],
                                comb_v.at[pl.ds(part * half, half)])
        def ext_loop(j):
            for g in range(8):
                pos = lax.iota(jnp.int32, 16) * 2 + (j * 256 + g * 32
                                                     + direction)
                idx_v[j, pl.ds(g * 16, 16)] = plsc.load_gather(
                    comb_v, [pos >> 7, pos & 127])
        plsc.parallel_loop(0, N_CHUNKS, unroll=4)(ext_loop)

        for mhalf in range(2):
            lo = mhalf * HALF_WORDS

            def rng_loop(j):
                for g in range(8):
                    v = idx_v[j, pl.ds(g * 16, 16)] - lo
                    ok = (v >= 0) & (v < HALF_WORDS)
                    dump = (HALF_WORDS + sid * SC_CHUNK + g * 16
                            + lax.iota(jnp.int32, 16))
                    idx2_v[j, pl.ds(g * 16, 16)] = jnp.where(ok, v, dump)
            plsc.parallel_loop(0, N_CHUNKS, unroll=4)(rng_loop)

            for k in range(HALF_SLICE // ED_PER_TILE):
                pltpu.sync_copy(
                    zeros_v,
                    shared_a.at[pl.ds(sid * HALF_SLICE + k * ED_PER_TILE,
                                      ED_PER_TILE)])
            plsc.subcore_barrier()

            def scat_issue(j, _):
                pltpu.async_copy(ones_v, shared_a.at[idx2_v.at[j]], sem,
                                 add=True)
                return _
            lax.fori_loop(0, N_CHUNKS, scat_issue, 0)

            def scat_drain(j, _):
                pltpu.make_async_copy(ones_v, shared_a.at[idx2_v.at[j]],
                                      sem).wait()
                return _
            lax.fori_loop(0, N_CHUNKS, scat_drain, 0)
            plsc.subcore_barrier()

            for k in range(HALF_SLICE // ED_PER_TILE):
                off = sid * HALF_SLICE + k * ED_PER_TILE
                pltpu.sync_copy(
                    shared_a.at[pl.ds(off, ED_PER_TILE)],
                    out_hbm.at[direction, pl.ds(lo + off, ED_PER_TILE)])


def _build_adj(comb):
    comb2 = comb.reshape(2, E_DIR // SC_CHUNK, SC_CHUNK)
    mesh = plsc.VectorSubcoreMesh(core_axis_name="c", subcore_axis_name="s",
                                  num_cores=1)
    f = pl.kernel(
        _adj_body,
        out_type=jax.ShapeDtypeStruct((2, A_WORDS), jnp.float32),
        mesh=mesh,
        compiler_params=pltpu.CompilerParams(needs_layout_passes=False),
        scratch_types=[
            pltpu.VMEM((2 * ED_PER_TILE // SC_CHUNK, SC_CHUNK), jnp.int32),
            pltpu.VMEM((N_CHUNKS, SC_CHUNK), jnp.int32),
            pltpu.VMEM((N_CHUNKS, SC_CHUNK), jnp.int32),
            pltpu.VMEM((SC_CHUNK,), jnp.float32),
            pltpu.VMEM((ED_PER_TILE,), jnp.float32),
            pltpu.VMEM_SHARED((HALF_WORDS + NTILES * SC_CHUNK,), jnp.float32),
            pltpu.SemaphoreType.DMA,
        ],
    )
    return f(comb2)



def _ln(x, g, b):
    m = jnp.mean(x, axis=-1, keepdims=True)
    v = jnp.mean((x - m) ** 2, axis=-1, keepdims=True)
    return (x - m) * jax.lax.rsqrt(v + 1e-5) * g + b


def _active_body(af_ref, ab_ref, xf_ref, xp_ref, *refs):
    wrefs = refs[:-1]
    out_ref = refs[-1]
    a_f = af_ref[...]
    a_b = ab_ref[...]
    cnt_p = jnp.maximum(jnp.sum(a_f, axis=1, keepdims=True), 1.0)
    cnt_f = jnp.maximum(jnp.sum(a_b, axis=1, keepdims=True), 1.0)
    x_f = xf_ref[...]
    x_p = xp_ref[...]
    k = 0
    for i in range(GCN_LAYERS):
        w1l, w1r, b1, w2l, w2r, b2 = (r[...] for r in wrefs[k:k + 6])
        k += 6
        agg = jnp.dot(a_f, x_f, preferred_element_type=jnp.float32) / cnt_p
        x_p = jax.nn.relu(
            jnp.dot(agg, w1l, preferred_element_type=jnp.float32)
            + jnp.dot(x_p, w1r, preferred_element_type=jnp.float32) + b1)
        agg2 = jnp.dot(a_b, x_p, preferred_element_type=jnp.float32) / cnt_f
        x_f = jax.nn.relu(
            jnp.dot(agg2, w2l, preferred_element_type=jnp.float32)
            + jnp.dot(x_f, w2r, preferred_element_type=jnp.float32) + b2)
        if i != GCN_LAYERS - 1:
            g, b = wrefs[k][...], wrefs[k + 1][...]
            k += 2
            x_p = _ln(x_p, g, b)
            x_f = _ln(x_f, g, b)
    out_ref[...] = x_p


def _active_gcn(a_f, a_b, x_f0, x_p0, wlist):
    return pl.pallas_call(
        _active_body,
        out_shape=jax.ShapeDtypeStruct((N_F, GCN), jnp.float32),
        in_specs=[pl.BlockSpec(a.shape, lambda: (0, 0))
                  for a in (a_f, a_b, x_f0, x_p0, *wlist)],
        out_specs=pl.BlockSpec((N_F, GCN), lambda: (0, 0)),
        grid=(),
    )(a_f, a_b, x_f0, x_p0, *wlist)



PAS_BLK = 1024
PAS_GRID = N_P // PAS_BLK


def _passive_body(x0_ref, xpa_ref, *refs):
    wrefs = refs[:-1]
    out_ref = refs[-1]
    i = pl.program_id(0)
    x = x0_ref[...]
    k = 0
    for layer in range(GCN_LAYERS):
        w, b = wrefs[k][...], wrefs[k + 1][...]
        k += 2
        x = jax.nn.relu(jnp.dot(x, w, preferred_element_type=jnp.float32) + b)
        if layer != GCN_LAYERS - 1:
            g, bb = wrefs[k][...], wrefs[k + 1][...]
            k += 2
            x = _ln(x, g, bb)

    @pl.when(i == 0)
    def _():
        out_ref[...] = xpa_ref[...]

    @pl.when(i != 0)
    def _():
        out_ref[...] = x


def _passive_chain(x0p, x_pa, wlist):
    return pl.pallas_call(
        _passive_body,
        out_shape=jax.ShapeDtypeStruct((N_P, GCN), jnp.float32),
        grid=(PAS_GRID,),
        in_specs=[pl.BlockSpec((PAS_BLK, 8), lambda i: (i, 0)),
                  pl.BlockSpec((N_F, GCN), lambda i: (0, 0))] +
                 [pl.BlockSpec(w.shape, lambda i: (0, 0))
                  for w in wlist],
        out_specs=pl.BlockSpec((PAS_BLK, GCN), lambda i: (i, 0)),
    )(x0p, x_pa, *wlist)



H0 = PNODE_NUM
H1 = H0 - CK + 1
H2 = H1 - CK + 1
H3 = H2 - CK + 1


def _conv_body(x_ref, w1_ref, w2_ref, w3_ref, b1_ref, b2_ref, b3_ref, out_ref):
    x = x_ref[...].reshape(GCN, PNODE_NUM)

    def layer(xin, w_ref, b_ref, hout):
        acc = jnp.dot(w_ref[..., 0], xin[:, 0:hout],
                      preferred_element_type=jnp.float32)
        for kk in range(1, CK):
            acc = acc + jnp.dot(w_ref[..., kk], xin[:, kk:kk + hout],
                                preferred_element_type=jnp.float32)
        return jax.nn.relu(acc + b_ref[...])

    y = layer(x, w1_ref, b1_ref, H1)
    y = layer(y, w2_ref, b2_ref, H2)
    y = layer(y, w3_ref, b3_ref, H3)
    out_ref[0] = y


def _conv_stack(x_p, w1, w2, w3, b1, b2, b3):
    return pl.pallas_call(
        _conv_body,
        out_shape=jax.ShapeDtypeStruct((B, CNN_DIM, H3), jnp.float32),
        grid=(B,),
        in_specs=[pl.BlockSpec((PNODE_NUM, GCN), lambda i: (i, 0)),
                  pl.BlockSpec(w1.shape, lambda i: (0, 0, 0)),
                  pl.BlockSpec(w2.shape, lambda i: (0, 0, 0)),
                  pl.BlockSpec(w3.shape, lambda i: (0, 0, 0)),
                  pl.BlockSpec(b1.shape, lambda i: (0, 0)),
                  pl.BlockSpec(b2.shape, lambda i: (0, 0)),
                  pl.BlockSpec(b3.shape, lambda i: (0, 0))],
        out_specs=pl.BlockSpec((1, CNN_DIM, H3), lambda i: (i, 0, 0)),
    )(x_p, w1, w2, w3, b1, b2, b3)



K_TOT = CNN_DIM * H3
K_BLK = 6520
K_GRID = K_TOT // K_BLK


def _dense_body(xt_ref, w_ref, d1b_ref, d2w_ref, d2b_ref, out_ref, acc_ref):
    i = pl.program_id(0)
    part = jax.lax.dot_general(
        xt_ref[...], w_ref[...], (((0,), (0,)), ((), ())),
        preferred_element_type=jnp.float32)

    @pl.when(i == 0)
    def _():
        acc_ref[...] = part

    @pl.when(i != 0)
    def _():
        acc_ref[...] = acc_ref[...] + part

    @pl.when(i == K_GRID - 1)
    def _():
        h = jax.nn.relu(acc_ref[...] + d1b_ref[...])
        out_ref[...] = (jnp.dot(h, d2w_ref[...],
                                preferred_element_type=jnp.float32)
                        + d2b_ref[...])


def _dense_head(xt, d1w, d1b, d2w_pad, d2b_pad):
    return pl.pallas_call(
        _dense_body,
        out_shape=jax.ShapeDtypeStruct((B, FC), jnp.float32),
        grid=(K_GRID,),
        in_specs=[pl.BlockSpec((K_BLK, B), lambda i: (i, 0)),
                  pl.BlockSpec((K_BLK, FC), lambda i: (i, 0)),
                  pl.BlockSpec((1, FC), lambda i: (0, 0)),
                  pl.BlockSpec((FC, FC), lambda i: (0, 0)),
                  pl.BlockSpec((1, FC), lambda i: (0, 0))],
        out_specs=pl.BlockSpec((B, FC), lambda i: (0, 0)),
        scratch_shapes=[pltpu.VMEM((B, FC), jnp.float32)],
    )(xt, d1w, d1b, d2w_pad, d2b_pad)



def _network(a_f, a_b, x_src, x_dst, p):
    x_f0 = jnp.pad(x_src, ((0, 0), (0, GCN - 1)))
    x_p0a = jnp.pad(x_dst[:N_F], ((0, 0), (0, GCN - D)))
    w1l0 = jnp.pad(p['W1l_0'], ((0, GCN - 1), (0, 0)))
    w1r0 = jnp.pad(p['W1r_0'], ((0, GCN - D), (0, 0)))
    w2r0 = jnp.pad(p['W2r_0'], ((0, GCN - 1), (0, 0)))

    def row(v):
        return v.reshape(1, -1)

    wlist = []
    for i in range(GCN_LAYERS):
        wlist += [w1l0 if i == 0 else p['W1l_%d' % i],
                  w1r0 if i == 0 else p['W1r_%d' % i],
                  row(p['b1_%d' % i]),
                  p['W2l_%d' % i],
                  w2r0 if i == 0 else p['W2r_%d' % i],
                  row(p['b2_%d' % i])]
        if i != GCN_LAYERS - 1:
            wlist += [row(p['ln_g_%d' % i]), row(p['ln_b_%d' % i])]
    x_pa = _active_gcn(a_f, a_b, x_f0, x_p0a, wlist)

    x0p = jnp.pad(x_dst, ((0, 0), (0, 8 - D)))
    w1r0_8 = jnp.pad(p['W1r_0'], ((0, 8 - D), (0, 0)))
    pas_w = []
    for i in range(GCN_LAYERS):
        pas_w += [w1r0_8 if i == 0 else p['W1r_%d' % i], row(p['b1_%d' % i])]
        if i != GCN_LAYERS - 1:
            pas_w += [row(p['ln_g_%d' % i]), row(p['ln_b_%d' % i])]
    x_p = _passive_chain(x0p, x_pa, pas_w)

    cb = [p['cb_%d' % i].reshape(CNN_DIM, 1) for i in range(CNN_LAYERS)]
    y = _conv_stack(x_p, p['cw_0'], p['cw_1'], p['cw_2'], *cb)

    xt = jnp.transpose(y, (1, 2, 0)).reshape(K_TOT, B)
    d2w_pad = jnp.pad(p['d2w'], ((0, 0), (0, FC - LABELS)))
    d2b_pad = jnp.pad(p['d2b'], ((0, FC - LABELS),))
    out = _dense_head(xt, p['d1w'], row(p['d1b']), d2w_pad, row(d2b_pad))
    return out[:, :LABELS]


def kernel(x_src, x_dst, edge_index, params):
    ei = edge_index.astype(jnp.int32)
    fwd = ei[1] * N_F + ei[0]
    bwd = ei[0] * N_F + ei[1]
    par = lax.iota(jnp.int32, 2 * E_DIR) % 2
    comb = jnp.where(par == 0, fwd, bwd)
    a2 = _build_adj(comb)
    a_f = a2[0].reshape(N_F, N_F)
    a_b = a2[1].reshape(N_F, N_F)
    return _network(a_f, a_b, x_src, x_dst, params)

# --- scband reference (transcript-rebuilt; emitter-appended) ---
"""Pipeline reference for scband-mynet-76295799046514 (READ-ONLY COPY).

The authoritative reference and input builder live on the scoring server;
editing this copy changes nothing except your own understanding.
"""

import jax, jax.numpy as jnp
import numpy as np

B = 16
PNODE_NUM = 4096
FNODE_NUM = 64
D = 3
GCN = 128
GCN_LAYERS = 4
CNN_DIM = 64
CK = 8
CNN_LAYERS = 3
FC = 128
LABELS = 2
N_P = B * PNODE_NUM
N_F = B * FNODE_NUM
E = 524288


def setup_inputs(seed: int = 0):
    key = jax.random.key(seed)
    ks = jax.random.split(key, 40)
    x_src = jax.random.normal(ks[0], (N_F, 1), dtype=jnp.float32)
    x_dst = jax.random.normal(ks[1], (N_P, D), dtype=jnp.float32)
    edge_index = jax.random.randint(ks[2], (2, E), 0, N_F)
    p = {}
    k = 3
    in1 = [(1, D)] + [(GCN, GCN)] * (GCN_LAYERS - 1)
    in2 = [(GCN, 1)] + [(GCN, GCN)] * (GCN_LAYERS - 1)
    for i in range(GCN_LAYERS):
        s1, dd1 = in1[i]
        p['W1l_%d' % i] = 0.05 * jax.random.normal(ks[k], (s1, GCN), dtype=jnp.float32); k += 1
        p['W1r_%d' % i] = 0.05 * jax.random.normal(ks[k], (dd1, GCN), dtype=jnp.float32); k += 1
        p['b1_%d' % i] = jnp.zeros((GCN,), jnp.float32)
        s2, dd2 = in2[i]
        p['W2l_%d' % i] = 0.05 * jax.random.normal(ks[k], (s2, GCN), dtype=jnp.float32); k += 1
        p['W2r_%d' % i] = 0.05 * jax.random.normal(ks[k], (dd2, GCN), dtype=jnp.float32); k += 1
        p['b2_%d' % i] = jnp.zeros((GCN,), jnp.float32)
    for i in range(GCN_LAYERS - 1):
        p['ln_g_%d' % i] = jnp.ones((GCN,), jnp.float32)
        p['ln_b_%d' % i] = jnp.zeros((GCN,), jnp.float32)
    cin = [GCN] + [CNN_DIM] * (CNN_LAYERS - 1)
    for i in range(CNN_LAYERS):
        p['cw_%d' % i] = 0.05 * jax.random.normal(ks[k], (CNN_DIM, cin[i], CK), dtype=jnp.float32); k += 1
        p['cb_%d' % i] = jnp.zeros((CNN_DIM,), jnp.float32)
    flat = (PNODE_NUM - (CK - 1) * CNN_LAYERS) * CNN_DIM
    p['d1w'] = 0.01 * jax.random.normal(ks[k], (flat, FC), dtype=jnp.float32); k += 1
    p['d1b'] = jnp.zeros((FC,), jnp.float32)
    p['d2w'] = 0.05 * jax.random.normal(ks[k], (FC, LABELS), dtype=jnp.float32); k += 1
    p['d2b'] = jnp.zeros((LABELS,), jnp.float32)
    return {'x_src': x_src, 'x_dst': x_dst, 'edge_index': edge_index, 'params': p}


def _seg_mean(v, idx, n):
    s = jax.ops.segment_sum(v, idx, num_segments=n)
    c = jax.ops.segment_sum(jnp.ones((idx.shape[0], 1), v.dtype), idx, num_segments=n)
    return s / jnp.clip(c, 1.0, None)


def _ln(x, g, b):
    m = jnp.mean(x, axis=-1, keepdims=True)
    v = jnp.mean((x - m) ** 2, axis=-1, keepdims=True)
    return (x - m) / jnp.sqrt(v + 1e-5) * g + b


def _conv1d(x, w, b):
    y = jax.lax.conv_general_dilated(x, w, window_strides=(1,), padding='VALID', dimension_numbers=('NCH', 'OIH', 'NCH'))
    return y + b[None, :, None]


def _forward(x_src, x_dst, edge_index, params):
    ei_f = edge_index[:, ::2]
    ei_b = edge_index[::-1, :][:, 1::2]
    x_p = jnp.reshape(x_dst, (-1, D))
    x_f = jnp.reshape(x_src, (-1, 1))
    n_p = x_p.shape[0]
    n_f = x_f.shape[0]
    for i in range(GCN_LAYERS):
        agg = _seg_mean(x_f[ei_f[0]], ei_f[1], n_p)
        x_p = agg @ params['W1l_%d' % i] + params['b1_%d' % i] + x_p @ params['W1r_%d' % i]
        x_p = jax.nn.relu(x_p)
        agg2 = _seg_mean(x_p[ei_b[0]], ei_b[1], n_f)
        x_f = agg2 @ params['W2l_%d' % i] + params['b2_%d' % i] + x_f @ params['W2r_%d' % i]
        x_f = jax.nn.relu(x_f)
        if i != GCN_LAYERS - 1:
            x_p = _ln(x_p, params['ln_g_%d' % i], params['ln_b_%d' % i])
            x_f = _ln(x_f, params['ln_g_%d' % i], params['ln_b_%d' % i])
    x = jnp.reshape(x_p, (-1, GCN, PNODE_NUM))
    for i in range(CNN_LAYERS):
        x = jax.nn.relu(_conv1d(x, params['cw_%d' % i], params['cb_%d' % i]))
    x = jnp.reshape(x, (x.shape[0], -1))
    x = jax.nn.relu(x @ params['d1w'] + params['d1b'])
    return x @ params['d2w'] + params['d2b']


def reference(x_src, x_dst, edge_index, params):
    return _forward(x_src, x_dst, edge_index, params)

if __name__ == "__main__":
    import jax
    _d = setup_inputs()
    print(jax.jit(kernel)(*tuple(_d.values())))

</pallas_src>

<mosaic_0001>
#map = affine_map<(d0, d1) -> (0, 0, 0)>
#map1 = affine_map<(d0, d1) -> (0, 0)>
module attributes {stable_mosaic.version = 14 : i64} {
  func.func @_adj_body(%arg0: i32, %arg1: i32, %arg2: memref<2x2048x128xi32, #tpu.memory_space<hbm>>, %arg3: memref<2x1048576xf32, #tpu.memory_space<hbm>>, %arg4: memref<256x128xi32, #tpu.memory_space<vmem>>, %arg5: memref<128x128xi32, #tpu.memory_space<vmem>>, %arg6: memref<128x128xi32, #tpu.memory_space<vmem>>, %arg7: memref<128xf32, #tpu.memory_space<vmem>>, %arg8: memref<16384xf32, #tpu.memory_space<vmem>>, %arg9: memref<526336xf32, #tpu.memory_space<vmem_shared>>, %arg10: memref<!tpu.dma_semaphore, #tpu.memory_space<semaphore_mem>>) attributes {dimension_semantics = [#tpu.dimension_semantics<core_parallel>, #tpu.dimension_semantics<subcore_parallel>], iteration_bounds = array<i64: 1, 16>, scalar_prefetch = 0 : i64, scratch_operands = 7 : i64, tpu.core_type = #tpu.core_type<sc_vector_subcore>, window_params = [{transform_indices = #map}, {transform_indices = #map1}]} {
    %scan3A = arith.constant 0 : i32
    %scan3A_0 = arith.constant 0 : i32
    %scan3A_1 = arith.constant 8 : i32
    %scan3A_2 = arith.addi %scan3A_0, %scan3A_1 : i32
    %scan3A_3 = arith.constant 1 : i32
    scf.for %scan3A_174 = %scan3A_0 to %scan3A_2 step %scan3A_3  : i32 {
      %broadcast_in_dim3A = arith.constant 1.000000e+00 : f32
      %broadcast_in_dim3A_175 = vector.broadcast %broadcast_in_dim3A : f32 to vector<16xf32>
      %mul3A_176 = arith.constant 16 : i32
      %mul3A_177 = arith.muli %scan3A_174, %mul3A_176 : i32
      %swap3A = arith.index_cast %mul3A_177 : i32 to index
      %swap3A_178 = tpu.vector_load %arg7[%swap3A] {strides = array<i32>} : memref<128xf32, #tpu.memory_space<vmem>>, vector<16xf32>,
      tpu.vector_store %arg7[%swap3A], %broadcast_in_dim3A_175 {strides = array<i32>} : memref<128xf32, #tpu.memory_space<vmem>>, vector<16xf32>,
    }
    %scan3A_4 = arith.constant 8 : i32
    %scan3A_5 = arith.constant 0 : i32
    %scan3A_6 = arith.constant 0 : i32
    %scan3A_7 = arith.constant 1024 : i32
    %scan3A_8 = arith.addi %scan3A_6, %scan3A_7 : i32
    %scan3A_9 = arith.constant 1 : i32
    scf.for %scan3A_174 = %scan3A_6 to %scan3A_8 step %scan3A_9  : i32 {
      %broadcast_in_dim3A = arith.constant 0.000000e+00 : f32
      %broadcast_in_dim3A_175 = vector.broadcast %broadcast_in_dim3A : f32 to vector<16xf32>
      %mul3A_176 = arith.constant 16 : i32
      %mul3A_177 = arith.muli %scan3A_174, %mul3A_176 : i32
      %swap3A = arith.index_cast %mul3A_177 : i32 to index
      %swap3A_178 = tpu.vector_load %arg8[%swap3A] {strides = array<i32>} : memref<16384xf32, #tpu.memory_space<vmem>>, vector<16xf32>,
      tpu.vector_store %arg8[%swap3A], %broadcast_in_dim3A_175 {strides = array<i32>} : memref<16384xf32, #tpu.memory_space<vmem>>, vector<16xf32>,
    }
    %scan3A_10 = arith.constant 1024 : i32
    %mul3A = arith.constant 128 : i32
    %mul3A_11 = arith.muli %arg1, %mul3A : i32
    %run_scoped3A = arith.constant 0 : i32
    "tpu.region"() ({
      %run_scoped3A_174 = tpu.sem_alloc : memref<!tpu.dma_semaphore, #tpu.memory_space<semaphore_mem>>
      %dma_start3A = arith.constant 0 : i32
      %dma_start3A_175 = arith.constant 0 : i32
      %dma_start3A_176 = tpu.memref_slice %arg4[%dma_start3A, %dma_start3A_175] : memref<256x128xi32, #tpu.memory_space<vmem>> -> memref<128x128xi32, #tpu.memory_space<vmem>>
      %dma_start3A_177 = arith.constant 0 : i32
      %dma_start3A_178 = tpu.memref_slice %arg2[%run_scoped3A, %mul3A_11, %dma_start3A_177] : memref<2x2048x128xi32, #tpu.memory_space<hbm>> -> memref<1x128x128xi32, #tpu.memory_space<hbm>>
      %dma_start3A_179 = tpu.memref_squeeze %dma_start3A_178 : memref<1x128x128xi32, #tpu.memory_space<hbm>> -> memref<128x128xi32, #tpu.memory_space<hbm>>
      %dma_start3A_180 = arith.constant 0 : i32
      %dma_start3A_181 = arith.constant 0 : i32
      %dma_start3A_182 = tpu.memref_slice %arg4[%dma_start3A_180, %dma_start3A_181] : memref<256x128xi32, #tpu.memory_space<vmem>> -> memref<128x128xi32, #tpu.memory_space<vmem>>
      %dma_start3A_183 = arith.constant 0 : i32
      %dma_start3A_184 = tpu.memref_slice %arg2[%run_scoped3A, %mul3A_11, %dma_start3A_183] : memref<2x2048x128xi32, #tpu.memory_space<hbm>> -> memref<1x128x128xi32, #tpu.memory_space<hbm>>
      %dma_start3A_185 = tpu.memref_squeeze %dma_start3A_184 : memref<1x128x128xi32, #tpu.memory_space<hbm>> -> memref<128x128xi32, #tpu.memory_space<hbm>>
      tpu.enqueue_dma source(%dma_start3A_185 : memref<128x128xi32, #tpu.memory_space<hbm>>) target(%dma_start3A_182 : memref<128x128xi32, #tpu.memory_space<vmem>>) target_semaphore(%run_scoped3A_174 : memref<!tpu.dma_semaphore, #tpu.memory_space<semaphore_mem>>)
      %dma_wait3A = arith.constant 0 : i32
      %dma_wait3A_186 = arith.constant 0 : i32
      %dma_wait3A_187 = tpu.memref_slice %arg4[%dma_wait3A, %dma_wait3A_186] : memref<256x128xi32, #tpu.memory_space<vmem>> -> memref<128x128xi32, #tpu.memory_space<vmem>>
      %dma_wait3A_188 = arith.constant 0 : i32
      %dma_wait3A_189 = tpu.memref_slice %arg2[%run_scoped3A, %mul3A_11, %dma_wait3A_188] : memref<2x2048x128xi32, #tpu.memory_space<hbm>> -> memref<1x128x128xi32, #tpu.memory_space<hbm>>
      %dma_wait3A_190 = tpu.memref_squeeze %dma_wait3A_189 : memref<1x128x128xi32, #tpu.memory_space<hbm>> -> memref<128x128xi32, #tpu.memory_space<hbm>>
      %dma_wait3A_191 = arith.constant 0 : i32
      %dma_wait3A_192 = arith.constant 0 : i32
      %dma_wait3A_193 = tpu.memref_slice %arg4[%dma_wait3A_191, %dma_wait3A_192] : memref<256x128xi32, #tpu.memory_space<vmem>> -> memref<128x128xi32, #tpu.memory_space<vmem>>
      %dma_wait3A_194 = arith.constant 0 : i32
      %dma_wait3A_195 = tpu.memref_slice %arg2[%run_scoped3A, %mul3A_11, %dma_wait3A_194] : memref<2x2048x128xi32, #tpu.memory_space<hbm>> -> memref<1x128x128xi32, #tpu.memory_space<hbm>>
      %dma_wait3A_196 = tpu.memref_squeeze %dma_wait3A_195 : memref<1x128x128xi32, #tpu.memory_space<hbm>> -> memref<128x128xi32, #tpu.memory_space<hbm>>
      tpu.wait_dma2 semaphore(%run_scoped3A_174 : memref<!tpu.dma_semaphore, #tpu.memory_space<semaphore_mem>>) src(%dma_wait3A_196 : memref<128x128xi32, #tpu.memory_space<hbm>>) dst(%dma_wait3A_193 : memref<128x128xi32, #tpu.memory_space<vmem>>)
      tpu.yield
    }) : () -> ()
    %mul3A_12 = arith.constant 128 : i32
    %mul3A_13 = arith.muli %arg1, %mul3A_12 : i32
    %run_scoped3A_14 = arith.constant 1 : i32
    "tpu.region"() ({
      %run_scoped3A_174 = tpu.sem_alloc : memref<!tpu.dma_semaphore, #tpu.memory_space<semaphore_mem>>
      %dma_start3A = arith.constant 128 : i32
      %dma_start3A_175 = arith.constant 0 : i32
      %dma_start3A_176 = tpu.memref_slice %arg4[%dma_start3A, %dma_start3A_175] : memref<256x128xi32, #tpu.memory_space<vmem>> -> memref<128x128xi32, #tpu.memory_space<vmem>>
      %dma_start3A_177 = arith.constant 0 : i32
      %dma_start3A_178 = tpu.memref_slice %arg2[%run_scoped3A_14, %mul3A_13, %dma_start3A_177] : memref<2x2048x128xi32, #tpu.memory_space<hbm>> -> memref<1x128x128xi32, #tpu.memory_space<hbm>>
      %dma_start3A_179 = tpu.memref_squeeze %dma_start3A_178 : memref<1x128x128xi32, #tpu.memory_space<hbm>> -> memref<128x128xi32, #tpu.memory_space<hbm>>
      %dma_start3A_180 = arith.constant 128 : i32
      %dma_start3A_181 = arith.constant 0 : i32
      %dma_start3A_182 = tpu.memref_slice %arg4[%dma_start3A_180, %dma_start3A_181] : memref<256x128xi32, #tpu.memory_space<vmem>> -> memref<128x128xi32, #tpu.memory_space<vmem>>
      %dma_start3A_183 = arith.constant 0 : i32
      %dma_start3A_184 = tpu.memref_slice %arg2[%run_scoped3A_14, %mul3A_13, %dma_start3A_183] : memref<2x2048x128xi32, #tpu.memory_space<hbm>> -> memref<1x128x128xi32, #tpu.memory_space<hbm>>
      %dma_start3A_185 = tpu.memref_squeeze %dma_start3A_184 : memref<1x128x128xi32, #tpu.memory_space<hbm>> -> memref<128x128xi32, #tpu.memory_space<hbm>>
      tpu.enqueue_dma source(%dma_start3A_185 : memref<128x128xi32, #tpu.memory_space<hbm>>) target(%dma_start3A_182 : memref<128x128xi32, #tpu.memory_space<vmem>>) target_semaphore(%run_scoped3A_174 : memref<!tpu.dma_semaphore, #tpu.memory_space<semaphore_mem>>)
      %dma_wait3A = arith.constant 128 : i32
      %dma_wait3A_186 = arith.constant 0 : i32
      %dma_wait3A_187 = tpu.memref_slice %arg4[%dma_wait3A, %dma_wait3A_186] : memref<256x128xi32, #tpu.memory_space<vmem>> -> memref<128x128xi32, #tpu.memory_space<vmem>>
      %dma_wait3A_188 = arith.constant 0 : i32
      %dma_wait3A_189 = tpu.memref_slice %arg2[%run_scoped3A_14, %mul3A_13, %dma_wait3A_188] : memref<2x2048x128xi32, #tpu.memory_space<hbm>> -> memref<1x128x128xi32, #tpu.memory_space<hbm>>
      %dma_wait3A_190 = tpu.memref_squeeze %dma_wait3A_189 : memref<1x128x128xi32, #tpu.memory_space<hbm>> -> memref<128x128xi32, #tpu.memory_space<hbm>>
      %dma_wait3A_191 = arith.constant 128 : i32
      %dma_wait3A_192 = arith.constant 0 : i32
      %dma_wait3A_193 = tpu.memref_slice %arg4[%dma_wait3A_191, %dma_wait3A_192] : memref<256x128xi32, #tpu.memory_space<vmem>> -> memref<128x128xi32, #tpu.memory_space<vmem>>
      %dma_wait3A_194 = arith.constant 0 : i32
      %dma_wait3A_195 = tpu.memref_slice %arg2[%run_scoped3A_14, %mul3A_13, %dma_wait3A_194] : memref<2x2048x128xi32, #tpu.memory_space<hbm>> -> memref<1x128x128xi32, #tpu.memory_space<hbm>>
      %dma_wait3A_196 = tpu.memref_squeeze %dma_wait3A_195 : memref<1x128x128xi32, #tpu.memory_space<hbm>> -> memref<128x128xi32, #tpu.memory_space<hbm>>
      tpu.wait_dma2 semaphore(%run_scoped3A_174 : memref<!tpu.dma_semaphore, #tpu.memory_space<semaphore_mem>>) src(%dma_wait3A_196 : memref<128x128xi32, #tpu.memory_space<hbm>>) dst(%dma_wait3A_193 : memref<128x128xi32, #tpu.memory_space<vmem>>)
      tpu.yield
    }) : () -> ()
    %parallel_loop3A = arith.constant 0 : i32
    %parallel_loop3A_15 = arith.constant 128 : i32
    %parallel_loop3A_16 = arith.constant 1 : i32
    scf.for %parallel_loop3A_174 = %parallel_loop3A to %parallel_loop3A_15 step %parallel_loop3A_16  : i32 {
      %parallel_loop3A_175 = tpu.iota {dimensions = array<i32: 0>} : vector<16xi32>
      %parallel_loop3A_176 = arith.constant 2 : i32
      %parallel_loop3A_177 = vector.broadcast %parallel_loop3A_176 : i32 to vector<16xi32>
      %parallel_loop3A_178 = arith.muli %parallel_loop3A_175, %parallel_loop3A_177 : vector<16xi32>
      %parallel_loop3A_179 = arith.constant 256 : i32
      %parallel_loop3A_180 = arith.muli %parallel_loop3A_174, %parallel_loop3A_179 : i32
      %parallel_loop3A_181 = arith.constant 0 : i32
      %parallel_loop3A_182 = arith.addi %parallel_loop3A_180, %parallel_loop3A_181 : i32
      %parallel_loop3A_183 = arith.constant 0 : i32
      %parallel_loop3A_184 = arith.addi %parallel_loop3A_182, %parallel_loop3A_183 : i32
      %parallel_loop3A_185 = vector.broadcast %parallel_loop3A_184 : i32 to vector<16xi32>
      %parallel_loop3A_186 = arith.addi %parallel_loop3A_178, %parallel_loop3A_185 : vector<16xi32>
      %parallel_loop3A_187 = arith.constant 7 : i32
      %parallel_loop3A_188 = vector.broadcast %parallel_loop3A_187 : i32 to vector<16xi32>
      %parallel_loop3A_189 = arith.shrsi %parallel_loop3A_186, %parallel_loop3A_188 : vector<16xi32>
      %parallel_loop3A_190 = arith.constant 127 : i32
      %parallel_loop3A_191 = vector.broadcast %parallel_loop3A_190 : i32 to vector<16xi32>
      %parallel_loop3A_192 = arith.andi %parallel_loop3A_186, %parallel_loop3A_191 : vector<16xi32>
      %parallel_loop3A_193 = tpu.vector_load_idx %arg4[%parallel_loop3A_189, %parallel_loop3A_192] : memref<256x128xi32, #tpu.memory_space<vmem>>[vector<16xi32>, vector<16xi32>], vector<16xi32>,
      %parallel_loop3A_194 = arith.index_cast %parallel_loop3A_174 : i32 to index
      %parallel_loop3A_195 = arith.constant 0 : index
      %parallel_loop3A_196 = tpu.vector_load %arg5[%parallel_loop3A_194, %parallel_loop3A_195] {strides = array<i32>} : memref<128x128xi32, #tpu.memory_space<vmem>>, vector<16xi32>,
      tpu.vector_store %arg5[%parallel_loop3A_194, %parallel_loop3A_195], %parallel_loop3A_193 {strides = array<i32>} : memref<128x128xi32, #tpu.memory_space<vmem>>, vector<16xi32>,
      %parallel_loop3A_197 = tpu.iota {dimensions = array<i32: 0>} : vector<16xi32>
      %parallel_loop3A_198 = arith.constant 2 : i32
      %parallel_loop3A_199 = vector.broadcast %parallel_loop3A_198 : i32 to vector<16xi32>
      %parallel_loop3A_200 = arith.muli %parallel_loop3A_197, %parallel_loop3A_199 : vector<16xi32>
      %parallel_loop3A_201 = arith.constant 256 : i32
      %parallel_loop3A_202 = arith.muli %parallel_loop3A_174, %parallel_loop3A_201 : i32
      %parallel_loop3A_203 = arith.constant 32 : i32
      %parallel_loop3A_204 = arith.addi %parallel_loop3A_202, %parallel_loop3A_203 : i32
      %parallel_loop3A_205 = arith.constant 0 : i32
      %parallel_loop3A_206 = arith.addi %parallel_loop3A_204, %parallel_loop3A_205 : i32
      %parallel_loop3A_207 = vector.broadcast %parallel_loop3A_206 : i32 to vector<16xi32>
      %parallel_loop3A_208 = arith.addi %parallel_loop3A_200, %parallel_loop3A_207 : vector<16xi32>
      %parallel_loop3A_209 = arith.constant 7 : i32
      %parallel_loop3A_210 = vector.broadcast %parallel_loop3A_209 : i32 to vector<16xi32>
      %parallel_loop3A_211 = arith.shrsi %parallel_loop3A_208, %parallel_loop3A_210 : vector<16xi32>
      %parallel_loop3A_212 = arith.constant 127 : i32
      %parallel_loop3A_213 = vector.broadcast %parallel_loop3A_212 : i32 to vector<16xi32>
      %parallel_loop3A_214 = arith.andi %parallel_loop3A_208, %parallel_loop3A_213 : vector<16xi32>
      %parallel_loop3A_215 = tpu.vector_load_idx %arg4[%parallel_loop3A_211, %parallel_loop3A_214] : memref<256x128xi32, #tpu.memory_space<vmem>>[vector<16xi32>, vector<16xi32>], vector<16xi32>,
      %parallel_loop3A_216 = arith.index_cast %parallel_loop3A_174 : i32 to index
      %parallel_loop3A_217 = arith.constant 16 : index
      %parallel_loop3A_218 = tpu.vector_load %arg5[%parallel_loop3A_216, %parallel_loop3A_217] {strides = array<i32>} : memref<128x128xi32, #tpu.memory_space<vmem>>, vector<16xi32>,
      tpu.vector_store %arg5[%parallel_loop3A_216, %parallel_loop3A_217], %parallel_loop3A_215 {strides = array<i32>} : memref<128x128xi32, #tpu.memory_space<vmem>>, vector<16xi32>,
      %parallel_loop3A_219 = tpu.iota {dimensions = array<i32: 0>} : vector<16xi32>
      %parallel_loop3A_220 = arith.constant 2 : i32
      %parallel_loop3A_221 = vector.broadcast %parallel_loop3A_220 : i32 to vector<16xi32>
      %parallel_loop3A_222 = arith.muli %parallel_loop3A_219, %parallel_loop3A_221 : vector<16xi32>
      %parallel_loop3A_223 = arith.constant 256 : i32
      %parallel_loop3A_224 = arith.muli %parallel_loop3A_174, %parallel_loop3A_223 : i32
      %parallel_loop3A_225 = arith.constant 64 : i32
      %parallel_loop3A_226 = arith.addi %parallel_loop3A_224, %parallel_loop3A_225 : i32
      %parallel_loop3A_227 = arith.constant 0 : i32
      %parallel_loop3A_228 = arith.addi %parallel_loop3A_226, %parallel_loop3A_227 : i32
      %parallel_loop3A_229 = vector.broadcast %parallel_loop3A_228 : i32 to vector<16xi32>
      %parallel_loop3A_230 = arith.addi %parallel_loop3A_222, %parallel_loop3A_229 : vector<16xi32>
      %parallel_loop3A_231 = arith.constant 7 : i32
      %parallel_loop3A_232 = vector.broadcast %parallel_loop3A_231 : i32 to vector<16xi32>
      %parallel_loop3A_233 = arith.shrsi %parallel_loop3A_230, %parallel_loop3A_232 : vector<16xi32>
      %parallel_loop3A_234 = arith.constant 127 : i32
      %parallel_loop3A_235 = vector.broadcast %parallel_loop3A_234 : i32 to vector<16xi32>
      %parallel_loop3A_236 = arith.andi %parallel_loop3A_230, %parallel_loop3A_235 : vector<16xi32>
      %parallel_loop3A_237 = tpu.vector_load_idx %arg4[%parallel_loop3A_233, %parallel_loop3A_236] : memref<256x128xi32, #tpu.memory_space<vmem>>[vector<16xi32>, vector<16xi32>], vector<16xi32>,
      %parallel_loop3A_238 = arith.index_cast %parallel_loop3A_174 : i32 to index
      %parallel_loop3A_239 = arith.constant 32 : index
      %parallel_loop3A_240 = tpu.vector_load %arg5[%parallel_loop3A_238, %parallel_loop3A_239] {strides = array<i32>} : memref<128x128xi32, #tpu.memory_space<vmem>>, vector<16xi32>,
      tpu.vector_store %arg5[%parallel_loop3A_238, %parallel_loop3A_239], %parallel_loop3A_237 {strides = array<i32>} : memref<128x128xi32, #tpu.memory_space<vmem>>, vector<16xi32>,
      %parallel_loop3A_241 = tpu.iota {dimensions = array<i32: 0>} : vector<16xi32>
      %parallel_loop3A_242 = arith.constant 2 : i32
      %parallel_loop3A_243 = vector.broadcast %parallel_loop3A_242 : i32 to vector<16xi32>
      %parallel_loop3A_244 = arith.muli %parallel_loop3A_241, %parallel_loop3A_243 : vector<16xi32>
      %parallel_loop3A_245 = arith.constant 256 : i32
      %parallel_loop3A_246 = arith.muli %parallel_loop3A_174, %parallel_loop3A_245 : i32
      %parallel_loop3A_247 = arith.constant 96 : i32
      %parallel_loop3A_248 = arith.addi %parallel_loop3A_246, %parallel_loop3A_247 : i32
      %parallel_loop3A_249 = arith.constant 0 : i32
      %parallel_loop3A_250 = arith.addi %parallel_loop3A_248, %parallel_loop3A_249 : i32
      %parallel_loop3A_251 = vector.broadcast %parallel_loop3A_250 : i32 to vector<16xi32>
      %parallel_loop3A_252 = arith.addi %parallel_loop3A_244, %parallel_loop3A_251 : vector<16xi32>
      %parallel_loop3A_253 = arith.constant 7 : i32
      %parallel_loop3A_254 = vector.broadcast %parallel_loop3A_253 : i32 to vector<16xi32>
      %parallel_loop3A_255 = arith.shrsi %parallel_loop3A_252, %parallel_loop3A_254 : vector<16xi32>
      %parallel_loop3A_256 = arith.constant 127 : i32
      %parallel_loop3A_257 = vector.broadcast %parallel_loop3A_256 : i32 to vector<16xi32>
      %parallel_loop3A_258 = arith.andi %parallel_loop3A_252, %parallel_loop3A_257 : vector<16xi32>
      %parallel_loop3A_259 = tpu.vector_load_idx %arg4[%parallel_loop3A_255, %parallel_loop3A_258] : memref<256x128xi32, #tpu.memory_space<vmem>>[vector<16xi32>, vector<16xi32>], vector<16xi32>,
      %parallel_loop3A_260 = arith.index_cast %parallel_loop3A_174 : i32 to index
      %parallel_loop3A_261 = arith.constant 48 : index
      %parallel_loop3A_262 = tpu.vector_load %arg5[%parallel_loop3A_260, %parallel_loop3A_261] {strides = array<i32>} : memref<128x128xi32, #tpu.memory_space<vmem>>, vector<16xi32>,
      tpu.vector_store %arg5[%parallel_loop3A_260, %parallel_loop3A_261], %parallel_loop3A_259 {strides = array<i32>} : memref<128x128xi32, #tpu.memory_space<vmem>>, vector<16xi32>,
      %parallel_loop3A_263 = tpu.iota {dimensions = array<i32: 0>} : vector<16xi32>
      %parallel_loop3A_264 = arith.constant 2 : i32
      %parallel_loop3A_265 = vector.broadcast %parallel_loop3A_264 : i32 to vector<16xi32>
      %parallel_loop3A_266 = arith.muli %parallel_loop3A_263, %parallel_loop3A_265 : vector<16xi32>
      %parallel_loop3A_267 = arith.constant 256 : i32
      %parallel_loop3A_268 = arith.muli %parallel_loop3A_174, %parallel_loop3A_267 : i32
      %parallel_loop3A_269 = arith.constant 128 : i32
      %parallel_loop3A_270 = arith.addi %parallel_loop3A_268, %parallel_loop3A_269 : i32
      %parallel_loop3A_271 = arith.constant 0 : i32
      %parallel_loop3A_272 = arith.addi %parallel_loop3A_270, %parallel_loop3A_271 : i32
      %parallel_loop3A_273 = vector.broadcast %parallel_loop3A_272 : i32 to vector<16xi32>
      %parallel_loop3A_274 = arith.addi %parallel_loop3A_266, %parallel_loop3A_273 : vector<16xi32>
      %parallel_loop3A_275 = arith.constant 7 : i32
      %parallel_loop3A_276 = vector.broadcast %parallel_loop3A_275 : i32 to vector<16xi32>
      %parallel_loop3A_277 = arith.shrsi %parallel_loop3A_274, %parallel_loop3A_276 : vector<16xi32>
      %parallel_loop3A_278 = arith.constant 127 : i32
      %parallel_loop3A_279 = vector.broadcast %parallel_loop3A_278 : i32 to vector<16xi32>
      %parallel_loop3A_280 = arith.andi %parallel_loop3A_274, %parallel_loop3A_279 : vector<16xi32>
      %parallel_loop3A_281 = tpu.vector_load_idx %arg4[%parallel_loop3A_277, %parallel_loop3A_280] : memref<256x128xi32, #tpu.memory_space<vmem>>[vector<16xi32>, vector<16xi32>], vector<16xi32>,
      %parallel_loop3A_282 = arith.index_cast %parallel_loop3A_174 : i32 to index
      %parallel_loop3A_283 = arith.constant 64 : index
      %parallel_loop3A_284 = tpu.vector_load %arg5[%parallel_loop3A_282, %parallel_loop3A_283] {strides = array<i32>} : memref<128x128xi32, #tpu.memory_space<vmem>>, vector<16xi32>,
      tpu.vector_store %arg5[%parallel_loop3A_282, %parallel_loop3A_283], %parallel_loop3A_281 {strides = array<i32>} : memref<128x128xi32, #tpu.memory_space<vmem>>, vector<16xi32>,
      %parallel_loop3A_285 = tpu.iota {dimensions = array<i32: 0>} : vector<16xi32>
      %parallel_loop3A_286 = arith.constant 2 : i32
      %parallel_loop3A_287 = vector.broadcast %parallel_loop3A_286 : i32 to vector<16xi32>
      %parallel_loop3A_288 = arith.muli %parallel_loop3A_285, %parallel_loop3A_287 : vector<16xi32>
      %parallel_loop3A_289 = arith.constant 256 : i32
      %parallel_loop3A_290 = arith.muli %parallel_loop3A_174, %parallel_loop3A_289 : i32
      %parallel_loop3A_291 = arith.constant 160 : i32
      %parallel_loop3A_292 = arith.addi %parallel_loop3A_290, %parallel_loop3A_291 : i32
      %parallel_loop3A_293 = arith.constant 0 : i32
      %parallel_loop3A_294 = arith.addi %parallel_loop3A_292, %parallel_loop3A_293 : i32
      %parallel_loop3A_295 = vector.broadcast %parallel_loop3A_294 : i32 to vector<16xi32>
      %parallel_loop3A_296 = arith.addi %parallel_loop3A_288, %parallel_loop3A_295 : vector<16xi32>
      %parallel_loop3A_297 = arith.constant 7 : i32
      %parallel_loop3A_298 = vector.broadcast %parallel_loop3A_297 : i32 to vector<16xi32>
      %parallel_loop3A_299 = arith.shrsi %parallel_loop3A_296, %parallel_loop3A_298 : vector<16xi32>
      %parallel_loop3A_300 = arith.constant 127 : i32
      %parallel_loop3A_301 = vector.broadcast %parallel_loop3A_300 : i32 to vector<16xi32>
      %parallel_loop3A_302 = arith.andi %parallel_loop3A_296, %parallel_loop3A_301 : vector<16xi32>
      %parallel_loop3A_303 = tpu.vector_load_idx %arg4[%parallel_loop3A_299, %parallel_loop3A_302] : memref<256x128xi32, #tpu.memory_space<vmem>>[vector<16xi32>, vector<16xi32>], vector<16xi32>,
      %parallel_loop3A_304 = arith.index_cast %parallel_loop3A_174 : i32 to index
      %parallel_loop3A_305 = arith.constant 80 : index
      %parallel_loop3A_306 = tpu.vector_load %arg5[%parallel_loop3A_304, %parallel_loop3A_305] {strides = array<i32>} : memref<128x128xi32, #tpu.memory_space<vmem>>, vector<16xi32>,
      tpu.vector_store %arg5[%parallel_loop3A_304, %parallel_loop3A_305], %parallel_loop3A_303 {strides = array<i32>} : memref<128x128xi32, #tpu.memory_space<vmem>>, vector<16xi32>,
      %parallel_loop3A_307 = tpu.iota {dimensions = array<i32: 0>} : vector<16xi32>
      %parallel_loop3A_308 = arith.constant 2 : i32
      %parallel_loop3A_309 = vector.broadcast %parallel_loop3A_308 : i32 to vector<16xi32>
      %parallel_loop3A_310 = arith.muli %parallel_loop3A_307, %parallel_loop3A_309 : vector<16xi32>
      %parallel_loop3A_311 = arith.constant 256 : i32
      %parallel_loop3A_312 = arith.muli %parallel_loop3A_174, %parallel_loop3A_311 : i32
      %parallel_loop3A_313 = arith.constant 192 : i32
      %parallel_loop3A_314 = arith.addi %parallel_loop3A_312, %parallel_loop3A_313 : i32
      %parallel_loop3A_315 = arith.constant 0 : i32
      %parallel_loop3A_316 = arith.addi %parallel_loop3A_314, %parallel_loop3A_315 : i32
      %parallel_loop3A_317 = vector.broadcast %parallel_loop3A_316 : i32 to vector<16xi32>
      %parallel_loop3A_318 = arith.addi %parallel_loop3A_310, %parallel_loop3A_317 : vector<16xi32>
      %parallel_loop3A_319 = arith.constant 7 : i32
      %parallel_loop3A_320 = vector.broadcast %parallel_loop3A_319 : i32 to vector<16xi32>
      %parallel_loop3A_321 = arith.shrsi %parallel_loop3A_318, %parallel_loop3A_320 : vector<16xi32>
      %parallel_loop3A_322 = arith.constant 127 : i32
      %parallel_loop3A_323 = vector.broadcast %parallel_loop3A_322 : i32 to vector<16xi32>
      %parallel_loop3A_324 = arith.andi %parallel_loop3A_318, %parallel_loop3A_323 : vector<16xi32>
      %parallel_loop3A_325 = tpu.vector_load_idx %arg4[%parallel_loop3A_321, %parallel_loop3A_324] : memref<256x128xi32, #tpu.memory_space<vmem>>[vector<16xi32>, vector<16xi32>], vector<16xi32>,
      %parallel_loop3A_326 = arith.index_cast %parallel_loop3A_174 : i32 to index
      %parallel_loop3A_327 = arith.constant 96 : index
      %parallel_loop3A_328 = tpu.vector_load %arg5[%parallel_loop3A_326, %parallel_loop3A_327] {strides = array<i32>} : memref<128x128xi32, #tpu.memory_space<vmem>>, vector<16xi32>,
      tpu.vector_store %arg5[%parallel_loop3A_326, %parallel_loop3A_327], %parallel_loop3A_325 {strides = array<i32>} : memref<128x128xi32, #tpu.memory_space<vmem>>, vector<16xi32>,
      %parallel_loop3A_329 = tpu.iota {dimensions = array<i32: 0>} : vector<16xi32>
      %parallel_loop3A_330 = arith.constant 2 : i32
      %parallel_loop3A_331 = vector.broadcast %parallel_loop3A_330 : i32 to vector<16xi32>
      %parallel_loop3A_332 = arith.muli %parallel_loop3A_329, %parallel_loop3A_331 : vector<16xi32>
      %parallel_loop3A_333 = arith.constant 256 : i32
      %parallel_loop3A_334 = arith.muli %parallel_loop3A_174, %parallel_loop3A_333 : i32
      %parallel_loop3A_335 = arith.constant 224 : i32
      %parallel_loop3A_336 = arith.addi %parallel_loop3A_334, %parallel_loop3A_335 : i32
      %parallel_loop3A_337 = arith.constant 0 : i32
      %parallel_loop3A_338 = arith.addi %parallel_loop3A_336, %parallel_loop3A_337 : i32
      %parallel_loop3A_339 = vector.broadcast %parallel_loop3A_338 : i32 to vector<16xi32>
      %parallel_loop3A_340 = arith.addi %parallel_loop3A_332, %parallel_loop3A_339 : vector<16xi32>
      %parallel_loop3A_341 = arith.constant 7 : i32
      %parallel_loop3A_342 = vector.broadcast %parallel_loop3A_341 : i32 to vector<16xi32>
      %parallel_loop3A_343 = arith.shrsi %parallel_loop3A_340, %parallel_loop3A_342 : vector<16xi32>
      %parallel_loop3A_344 = arith.constant 127 : i32
      %parallel_loop3A_345 = vector.broadcast %parallel_loop3A_344 : i32 to vector<16xi32>
      %parallel_loop3A_346 = arith.andi %parallel_loop3A_340, %parallel_loop3A_345 : vector<16xi32>
      %parallel_loop3A_347 = tpu.vector_load_idx %arg4[%parallel_loop3A_343, %parallel_loop3A_346] : memref<256x128xi32, #tpu.memory_space<vmem>>[vector<16xi32>, vector<16xi32>], vector<16xi32>,
      %parallel_loop3A_348 = arith.index_cast %parallel_loop3A_174 : i32 to index
      %parallel_loop3A_349 = arith.constant 112 : index
      %parallel_loop3A_350 = tpu.vector_load %arg5[%parallel_loop3A_348, %parallel_loop3A_349] {strides = array<i32>} : memref<128x128xi32, #tpu.memory_space<vmem>>, vector<16xi32>,
      tpu.vector_store %arg5[%parallel_loop3A_348, %parallel_loop3A_349], %parallel_loop3A_347 {strides = array<i32>} : memref<128x128xi32, #tpu.memory_space<vmem>>, vector<16xi32>,
    } {sc.loop_unroll_factor = 4 : i64, sc.parallel_access}
    %parallel_loop3A_17 = arith.constant 0 : i32
    %parallel_loop3A_18 = arith.constant 128 : i32
    %parallel_loop3A_19 = arith.constant 1 : i32
    scf.for %parallel_loop3A_174 = %parallel_loop3A_17 to %parallel_loop3A_18 step %parallel_loop3A_19  : i32 {
      %parallel_loop3A_175 = arith.index_cast %parallel_loop3A_174 : i32 to index
      %parallel_loop3A_176 = arith.constant 0 : index
      %parallel_loop3A_177 = tpu.vector_load %arg5[%parallel_loop3A_175, %parallel_loop3A_176] {strides = array<i32>} : memref<128x128xi32, #tpu.memory_space<vmem>>, vector<16xi32>,
      %parallel_loop3A_178 = arith.constant 0 : i32
      %parallel_loop3A_179 = vector.broadcast %parallel_loop3A_178 : i32 to vector<16xi32>
      %parallel_loop3A_180 = arith.subi %parallel_loop3A_177, %parallel_loop3A_179 : vector<16xi32>
      %parallel_loop3A_181 = arith.constant 0 : i32
      %parallel_loop3A_182 = vector.broadcast %parallel_loop3A_181 : i32 to vector<16xi32>
      %parallel_loop3A_183 = arith.cmpi sge, %parallel_loop3A_180, %parallel_loop3A_182 : vector<16xi32>
      %parallel_loop3A_184 = arith.constant 524288 : i32
      %parallel_loop3A_185 = vector.broadcast %parallel_loop3A_184 : i32 to vector<16xi32>
      %parallel_loop3A_186 = arith.cmpi slt, %parallel_loop3A_180, %parallel_loop3A_185 : vector<16xi32>
      %parallel_loop3A_187 = arith.andi %parallel_loop3A_183, %parallel_loop3A_186 : vector<16xi1>
      %parallel_loop3A_188 = arith.constant 128 : i32
      %parallel_loop3A_189 = arith.muli %arg1, %parallel_loop3A_188 : i32
      %parallel_loop3A_190 = arith.constant 524288 : i32
      %parallel_loop3A_191 = arith.addi %parallel_loop3A_190, %parallel_loop3A_189 : i32
      %parallel_loop3A_192 = arith.constant 0 : i32
      %parallel_loop3A_193 = arith.addi %parallel_loop3A_191, %parallel_loop3A_192 : i32
      %parallel_loop3A_194 = tpu.iota {dimensions = array<i32: 0>} : vector<16xi32>
      %parallel_loop3A_195 = vector.broadcast %parallel_loop3A_193 : i32 to vector<16xi32>
      %parallel_loop3A_196 = arith.addi %parallel_loop3A_195, %parallel_loop3A_194 : vector<16xi32>
      %parallel_loop3A_197 = arith.select %parallel_loop3A_187, %parallel_loop3A_180, %parallel_loop3A_196 : vector<16xi1>, vector<16xi32>
      %parallel_loop3A_198 = arith.index_cast %parallel_loop3A_174 : i32 to index
      %parallel_loop3A_199 = arith.constant 0 : index
      %parallel_loop3A_200 = tpu.vector_load %arg6[%parallel_loop3A_198, %parallel_loop3A_199] {strides = array<i32>} : memref<128x128xi32, #tpu.memory_space<vmem>>, vector<16xi32>,
      tpu.vector_store %arg6[%parallel_loop3A_198, %parallel_loop3A_199], %parallel_loop3A_197 {strides = array<i32>} : memref<128x128xi32, #tpu.memory_space<vmem>>, vector<16xi32>,
      %parallel_loop3A_201 = arith.index_cast %parallel_loop3A_174 : i32 to index
      %parallel_loop3A_202 = arith.constant 16 : index
      %parallel_loop3A_203 = tpu.vector_load %arg5[%parallel_loop3A_201, %parallel_loop3A_202] {strides = array<i32>} : memref<128x128xi32, #tpu.memory_space<vmem>>, vector<16xi32>,
      %parallel_loop3A_204 = arith.constant 0 : i32
      %parallel_loop3A_205 = vector.broadcast %parallel_loop3A_204 : i32 to vector<16xi32>
      %parallel_loop3A_206 = arith.subi %parallel_loop3A_203, %parallel_loop3A_205 : vector<16xi32>
      %parallel_loop3A_207 = arith.constant 0 : i32
      %parallel_loop3A_208 = vector.broadcast %parallel_loop3A_207 : i32 to vector<16xi32>
      %parallel_loop3A_209 = arith.cmpi sge, %parallel_loop3A_206, %parallel_loop3A_208 : vector<16xi32>
      %parallel_loop3A_210 = arith.constant 524288 : i32
      %parallel_loop3A_211 = vector.broadcast %parallel_loop3A_210 : i32 to vector<16xi32>
      %parallel_loop3A_212 = arith.cmpi slt, %parallel_loop3A_206, %parallel_loop3A_211 : vector<16xi32>
      %parallel_loop3A_213 = arith.andi %parallel_loop3A_209, %parallel_loop3A_212 : vector<16xi1>
      %parallel_loop3A_214 = arith.constant 128 : i32
      %parallel_loop3A_215 = arith.muli %arg1, %parallel_loop3A_214 : i32
      %parallel_loop3A_216 = arith.constant 524288 : i32
      %parallel_loop3A_217 = arith.addi %parallel_loop3A_216, %parallel_loop3A_215 : i32
      %parallel_loop3A_218 = arith.constant 16 : i32
      %parallel_loop3A_219 = arith.addi %parallel_loop3A_217, %parallel_loop3A_218 : i32
      %parallel_loop3A_220 = tpu.iota {dimensions = array<i32: 0>} : vector<16xi32>
      %parallel_loop3A_221 = vector.broadcast %parallel_loop3A_219 : i32 to vector<16xi32>
      %parallel_loop3A_222 = arith.addi %parallel_loop3A_221, %parallel_loop3A_220 : vector<16xi32>
      %parallel_loop3A_223 = arith.select %parallel_loop3A_213, %parallel_loop3A_206, %parallel_loop3A_222 : vector<16xi1>, vector<16xi32>
      %parallel_loop3A_224 = arith.index_cast %parallel_loop3A_174 : i32 to index
      %parallel_loop3A_225 = arith.constant 16 : index
      %parallel_loop3A_226 = tpu.vector_load %arg6[%parallel_loop3A_224, %parallel_loop3A_225] {strides = array<i32>} : memref<128x128xi32, #tpu.memory_space<vmem>>, vector<16xi32>,
      tpu.vector_store %arg6[%parallel_loop3A_224, %parallel_loop3A_225], %parallel_loop3A_223 {strides = array<i32>} : memref<128x128xi32, #tpu.memory_space<vmem>>, vector<16xi32>,
      %parallel_loop3A_227 = arith.index_cast %parallel_loop3A_174 : i32 to index
      %parallel_loop3A_228 = arith.constant 32 : index
      %parallel_loop3A_229 = tpu.vector_load %arg5[%parallel_loop3A_227, %parallel_loop3A_228] {strides = array<i32>} : memref<128x128xi32, #tpu.memory_space<vmem>>, vector<16xi32>,
      %parallel_loop3A_230 = arith.constant 0 : i32
      %parallel_loop3A_231 = vector.broadcast %parallel_loop3A_230 : i32 to vector<16xi32>
      %parallel_loop3A_232 = arith.subi %parallel_loop3A_229, %parallel_loop3A_231 : vector<16xi32>
      %parallel_loop3A_233 = arith.constant 0 : i32
      %parallel_loop3A_234 = vector.broadcast %parallel_loop3A_233 : i32 to vector<16xi32>
      %parallel_loop3A_235 = arith.cmpi sge, %parallel_loop3A_232, %parallel_loop3A_234 : vector<16xi32>
      %parallel_loop3A_236 = arith.constant 524288 : i32
      %parallel_loop3A_237 = vector.broadcast %parallel_loop3A_236 : i32 to vector<16xi32>
      %parallel_loop3A_238 = arith.cmpi slt, %parallel_loop3A_232, %parallel_loop3A_237 : vector<16xi32>
      %parallel_loop3A_239 = arith.andi %parallel_loop3A_235, %parallel_loop3A_238 : vector<16xi1>
      %parallel_loop3A_240 = arith.constant 128 : i32
      %parallel_loop3A_241 = arith.muli %arg1, %parallel_loop3A_240 : i32
      %parallel_loop3A_242 = arith.constant 524288 : i32
      %parallel_loop3A_243 = arith.addi %parallel_loop3A_242, %parallel_loop3A_241 : i32
      %parallel_loop3A_244 = arith.constant 32 : i32
      %parallel_loop3A_245 = arith.addi %parallel_loop3A_243, %parallel_loop3A_244 : i32
      %parallel_loop3A_246 = tpu.iota {dimensions = array<i32: 0>} : vector<16xi32>
      %parallel_loop3A_247 = vector.broadcast %parallel_loop3A_245 : i32 to vector<16xi32>
      %parallel_loop3A_248 = arith.addi %parallel_loop3A_247, %parallel_loop3A_246 : vector<16xi32>
      %parallel_loop3A_249 = arith.select %parallel_loop3A_239, %parallel_loop3A_232, %parallel_loop3A_248 : vector<16xi1>, vector<16xi32>
      %parallel_loop3A_250 = arith.index_cast %parallel_loop3A_174 : i32 to index
      %parallel_loop3A_251 = arith.constant 32 : index
      %parallel_loop3A_252 = tpu.vector_load %arg6[%parallel_loop3A_250, %parallel_loop3A_251] {strides = array<i32>} : memref<128x128xi32, #tpu.memory_space<vmem>>, vector<16xi32>,
      tpu.vector_store %arg6[%parallel_loop3A_250, %parallel_loop3A_251], %parallel_loop3A_249 {strides = array<i32>} : memref<128x128xi32, #tpu.memory_space<vmem>>, vector<16xi32>,
      %parallel_loop3A_253 = arith.index_cast %parallel_loop3A_174 : i32 to index
      %parallel_loop3A_254 = arith.constant 48 : index
      %parallel_loop3A_255 = tpu.vector_load %arg5[%parallel_loop3A_253, %parallel_loop3A_254] {strides = array<i32>} : memref<128x128xi32, #tpu.memory_space<vmem>>, vector<16xi32>,
      %parallel_loop3A_256 = arith.constant 0 : i32
      %parallel_loop3A_257 = vector.broadcast %parallel_loop3A_256 : i32 to vector<16xi32>
      %parallel_loop3A_258 = arith.subi %parallel_loop3A_255, %parallel_loop3A_257 : vector<16xi32>
      %parallel_loop3A_259 = arith.constant 0 : i32
      %parallel_loop3A_260 = vector.broadcast %parallel_loop3A_259 : i32 to vector<16xi32>
      %parallel_loop3A_261 = arith.cmpi sge, %parallel_loop3A_258, %parallel_loop3A_260 : vector<16xi32>
      %parallel_loop3A_262 = arith.constant 524288 : i32
      %parallel_loop3A_263 = vector.broadcast %parallel_loop3A_262 : i32 to vector<16xi32>
      %parallel_loop3A_264 = arith.cmpi slt, %parallel_loop3A_258, %parallel_loop3A_263 : vector<16xi32>
      %parallel_loop3A_265 = arith.andi %parallel_loop3A_261, %parallel_loop3A_264 : vector<16xi1>
      %parallel_loop3A_266 = arith.constant 128 : i32
      %parallel_loop3A_267 = arith.muli %arg1, %parallel_loop3A_266 : i32
      %parallel_loop3A_268 = arith.constant 524288 : i32
      %parallel_loop3A_269 = arith.addi %parallel_loop3A_268, %parallel_loop3A_267 : i32
      %parallel_loop3A_270 = arith.constant 48 : i32
      %parallel_loop3A_271 = arith.addi %parallel_loop3A_269, %parallel_loop3A_270 : i32
      %parallel_loop3A_272 = tpu.iota {dimensions = array<i32: 0>} : vector<16xi32>
      %parallel_loop3A_273 = vector.broadcast %parallel_loop3A_271 : i32 to vector<16xi32>
      %parallel_loop3A_274 = arith.addi %parallel_loop3A_273, %parallel_loop3A_272 : vector<16xi32>
      %parallel_loop3A_275 = arith.select %parallel_loop3A_265, %parallel_loop3A_258, %parallel_loop3A_274 : vector<16xi1>, vector<16xi32>
      %parallel_loop3A_276 = arith.index_cast %parallel_loop3A_174 : i32 to index
      %parallel_loop3A_277 = arith.constant 48 : index
      %parallel_loop3A_278 = tpu.vector_load %arg6[%parallel_loop3A_276, %parallel_loop3A_277] {strides = array<i32>} : memref<128x128xi32, #tpu.memory_space<vmem>>, vector<16xi32>,
      tpu.vector_store %arg6[%parallel_loop3A_276, %parallel_loop3A_277], %parallel_loop3A_275 {strides = array<i32>} : memref<128x128xi32, #tpu.memory_space<vmem>>, vector<16xi32>,
      %parallel_loop3A_279 = arith.index_cast %parallel_loop3A_174 : i32 to index
      %parallel_loop3A_280 = arith.constant 64 : index
      %parallel_loop3A_281 = tpu.vector_load %arg5[%parallel_loop3A_279, %parallel_loop3A_280] {strides = array<i32>} : memref<128x128xi32, #tpu.memory_space<vmem>>, vector<16xi32>,
      %parallel_loop3A_282 = arith.constant 0 : i32
      %parallel_loop3A_283 = vector.broadcast %parallel_loop3A_282 : i32 to vector<16xi32>
      %parallel_loop3A_284 = arith.subi %parallel_loop3A_281, %parallel_loop3A_283 : vector<16xi32>
      %parallel_loop3A_285 = arith.constant 0 : i32
      %parallel_loop3A_286 = vector.broadcast %parallel_loop3A_285 : i32 to vector<16xi32>
      %parallel_loop3A_287 = arith.cmpi sge, %parallel_loop3A_284, %parallel_loop3A_286 : vector<16xi32>
      %parallel_loop3A_288 = arith.constant 524288 : i32
      %parallel_loop3A_289 = vector.broadcast %parallel_loop3A_288 : i32 to vector<16xi32>
      %parallel_loop3A_290 = arith.cmpi slt, %parallel_loop3A_284, %parallel_loop3A_289 : vector<16xi32>
      %parallel_loop3A_291 = arith.andi %parallel_loop3A_287, %parallel_loop3A_290 : vector<16xi1>
      %parallel_loop3A_292 = arith.constant 128 : i32
      %parallel_loop3A_293 = arith.muli %arg1, %parallel_loop3A_292 : i32
      %parallel_loop3A_294 = arith.constant 524288 : i32
      %parallel_loop3A_295 = arith.addi %parallel_loop3A_294, %parallel_loop3A_293 : i32
      %parallel_loop3A_296 = arith.constant 64 : i32
      %parallel_loop3A_297 = arith.addi %parallel_loop3A_295, %parallel_loop3A_296 : i32
      %parallel_loop3A_298 = tpu.iota {dimensions = array<i32: 0>} : vector<16xi32>
      %parallel_loop3A_299 = vector.broadcast %parallel_loop3A_297 : i32 to vector<16xi32>
      %parallel_loop3A_300 = arith.addi %parallel_loop3A_299, %parallel_loop3A_298 : vector<16xi32>
      %parallel_loop3A_301 = arith.select %parallel_loop3A_291, %parallel_loop3A_284, %parallel_loop3A_300 : vector<16xi1>, vector<16xi32>
      %parallel_loop3A_302 = arith.index_cast %parallel_loop3A_174 : i32 to index
      %parallel_loop3A_303 = arith.constant 64 : index
      %parallel_loop3A_304 = tpu.vector_load %arg6[%parallel_loop3A_302, %parallel_loop3A_303] {strides = array<i32>} : memref<128x128xi32, #tpu.memory_space<vmem>>, vector<16xi32>,
      tpu.vector_store %arg6[%parallel_loop3A_302, %parallel_loop3A_303], %parallel_loop3A_301 {strides = array<i32>} : memref<128x128xi32, #tpu.memory_space<vmem>>, vector<16xi32>,
      %parallel_loop3A_305 = arith.index_cast %parallel_loop3A_174 : i32 to index
      %parallel_loop3A_306 = arith.constant 80 : index
      %parallel_loop3A_307 = tpu.vector_load %arg5[%parallel_loop3A_305, %parallel_loop3A_306] {strides = array<i32>} : memref<128x128xi32, #tpu.memory_space<vmem>>, vector<16xi32>,
      %parallel_loop3A_308 = arith.constant 0 : i32
      %parallel_loop3A_309 = vector.broadcast %parallel_loop3A_308 : i32 to vector<16xi32>
      %parallel_loop3A_310 = arith.subi %parallel_loop3A_307, %parallel_loop3A_309 : vector<16xi32>
      %parallel_loop3A_311 = arith.constant 0 : i32
      %parallel_loop3A_312 = vector.broadcast %parallel_loop3A_311 : i32 to vector<16xi32>
      %parallel_loop3A_313 = arith.cmpi sge, %parallel_loop3A_310, %parallel_loop3A_312 : vector<16xi32>
      %parallel_loop3A_314 = arith.constant 524288 : i32
      %parallel_loop3A_315 = vector.broadcast %parallel_loop3A_314 : i32 to vector<16xi32>
      %parallel_loop3A_316 = arith.cmpi slt, %parallel_loop3A_310, %parallel_loop3A_315 : vector<16xi32>
      %parallel_loop3A_317 = arith.andi %parallel_loop3A_313, %parallel_loop3A_316 : vector<16xi1>
      %parallel_loop3A_318 = arith.constant 128 : i32
      %parallel_loop3A_319 = arith.muli %arg1, %parallel_loop3A_318 : i32
      %parallel_loop3A_320 = arith.constant 524288 : i32
      %parallel_loop3A_321 = arith.addi %parallel_loop3A_320, %parallel_loop3A_319 : i32
      %parallel_loop3A_322 = arith.constant 80 : i32
      %parallel_loop3A_323 = arith.addi %parallel_loop3A_321, %parallel_loop3A_322 : i32
      %parallel_loop3A_324 = tpu.iota {dimensions = array<i32: 0>} : vector<16xi32>
      %parallel_loop3A_325 = vector.broadcast %parallel_loop3A_323 : i32 to vector<16xi32>
      %parallel_loop3A_326 = arith.addi %parallel_loop3A_325, %parallel_loop3A_324 : vector<16xi32>
      %parallel_loop3A_327 = arith.select %parallel_loop3A_317, %parallel_loop3A_310, %parallel_loop3A_326 : vector<16xi1>, vector<16xi32>
      %parallel_loop3A_328 = arith.index_cast %parallel_loop3A_174 : i32 to index
      %parallel_loop3A_329 = arith.constant 80 : index
      %parallel_loop3A_330 = tpu.vector_load %arg6[%parallel_loop3A_328, %parallel_loop3A_329] {strides = array<i32>} : memref<128x128xi32, #tpu.memory_space<vmem>>, vector<16xi32>,
      tpu.vector_store %arg6[%parallel_loop3A_328, %parallel_loop3A_329], %parallel_loop3A_327 {strides = array<i32>} : memref<128x128xi32, #tpu.memory_space<vmem>>, vector<16xi32>,
      %parallel_loop3A_331 = arith.index_cast %parallel_loop3A_174 : i32 to index
      %parallel_loop3A_332 = arith.constant 96 : index
      %parallel_loop3A_333 = tpu.vector_load %arg5[%parallel_loop3A_331, %parallel_loop3A_332] {strides = array<i32>} : memref<128x128xi32, #tpu.memory_space<vmem>>, vector<16xi32>,
      %parallel_loop3A_334 = arith.constant 0 : i32
      %parallel_loop3A_335 = vector.broadcast %parallel_loop3A_334 : i32 to vector<16xi32>
      %parallel_loop3A_336 = arith.subi %parallel_loop3A_333, %parallel_loop3A_335 : vector<16xi32>
      %parallel_loop3A_337 = arith.constant 0 : i32
      %parallel_loop3A_338 = vector.broadcast %parallel_loop3A_337 : i32 to vector<16xi32>
      %parallel_loop3A_339 = arith.cmpi sge, %parallel_loop3A_336, %parallel_loop3A_338 : vector<16xi32>
      %parallel_loop3A_340 = arith.constant 524288 : i32
      %parallel_loop3A_341 = vector.broadcast %parallel_loop3A_340 : i32 to vector<16xi32>
      %parallel_loop3A_342 = arith.cmpi slt, %parallel_loop3A_336, %parallel_loop3A_341 : vector<16xi32>
      %parallel_loop3A_343 = arith.andi %parallel_loop3A_339, %parallel_loop3A_342 : vector<16xi1>
      %parallel_loop3A_344 = arith.constant 128 : i32
      %parallel_loop3A_345 = arith.muli %arg1, %parallel_loop3A_344 : i32
      %parallel_loop3A_346 = arith.constant 524288 : i32
      %parallel_loop3A_347 = arith.addi %parallel_loop3A_346, %parallel_loop3A_345 : i32
      %parallel_loop3A_348 = arith.constant 96 : i32
      %parallel_loop3A_349 = arith.addi %parallel_loop3A_347, %parallel_loop3A_348 : i32
      %parallel_loop3A_350 = tpu.iota {dimensions = array<i32: 0>} : vector<16xi32>
      %parallel_loop3A_351 = vector.broadcast %parallel_loop3A_349 : i32 to vector<16xi32>
      %parallel_loop3A_352 = arith.addi %parallel_loop3A_351, %parallel_loop3A_350 : vector<16xi32>
      %parallel_loop3A_353 = arith.select %parallel_loop3A_343, %parallel_loop3A_336, %parallel_loop3A_352 : vector<16xi1>, vector<16xi32>
      %parallel_loop3A_354 = arith.index_cast %parallel_loop3A_174 : i32 to index
      %parallel_loop3A_355 = arith.constant 96 : index
      %parallel_loop3A_356 = tpu.vector_load %arg6[%parallel_loop3A_354, %parallel_loop3A_355] {strides = array<i32>} : memref<128x128xi32, #tpu.memory_space<vmem>>, vector<16xi32>,
      tpu.vector_store %arg6[%parallel_loop3A_354, %parallel_loop3A_355], %parallel_loop3A_353 {strides = array<i32>} : memref<128x128xi32, #tpu.memory_space<vmem>>, vector<16xi32>,
      %parallel_loop3A_357 = arith.index_cast %parallel_loop3A_174 : i32 to index
      %parallel_loop3A_358 = arith.constant 112 : index
      %parallel_loop3A_359 = tpu.vector_load %arg5[%parallel_loop3A_357, %parallel_loop3A_358] {strides = array<i32>} : memref<128x128xi32, #tpu.memory_space<vmem>>, vector<16xi32>,
      %parallel_loop3A_360 = arith.constant 0 : i32
      %parallel_loop3A_361 = vector.broadcast %parallel_loop3A_360 : i32 to vector<16xi32>
      %parallel_loop3A_362 = arith.subi %parallel_loop3A_359, %parallel_loop3A_361 : vector<16xi32>
      %parallel_loop3A_363 = arith.constant 0 : i32
      %parallel_loop3A_364 = vector.broadcast %parallel_loop3A_363 : i32 to vector<16xi32>
      %parallel_loop3A_365 = arith.cmpi sge, %parallel_loop3A_362, %parallel_loop3A_364 : vector<16xi32>
      %parallel_loop3A_366 = arith.constant 524288 : i32
      %parallel_loop3A_367 = vector.broadcast %parallel_loop3A_366 : i32 to vector<16xi32>
      %parallel_loop3A_368 = arith.cmpi slt, %parallel_loop3A_362, %parallel_loop3A_367 : vector<16xi32>
      %parallel_loop3A_369 = arith.andi %parallel_loop3A_365, %parallel_loop3A_368 : vector<16xi1>
      %parallel_loop3A_370 = arith.constant 128 : i32
      %parallel_loop3A_371 = arith.muli %arg1, %parallel_loop3A_370 : i32
      %parallel_loop3A_372 = arith.constant 524288 : i32
      %parallel_loop3A_373 = arith.addi %parallel_loop3A_372, %parallel_loop3A_371 : i32
      %parallel_loop3A_374 = arith.constant 112 : i32
      %parallel_loop3A_375 = arith.addi %parallel_loop3A_373, %parallel_loop3A_374 : i32
      %parallel_loop3A_376 = tpu.iota {dimensions = array<i32: 0>} : vector<16xi32>
      %parallel_loop3A_377 = vector.broadcast %parallel_loop3A_375 : i32 to vector<16xi32>
      %parallel_loop3A_378 = arith.addi %parallel_loop3A_377, %parallel_loop3A_376 : vector<16xi32>
      %parallel_loop3A_379 = arith.select %parallel_loop3A_369, %parallel_loop3A_362, %parallel_loop3A_378 : vector<16xi1>, vector<16xi32>
      %parallel_loop3A_380 = arith.index_cast %parallel_loop3A_174 : i32 to index
      %parallel_loop3A_381 = arith.constant 112 : index
      %parallel_loop3A_382 = tpu.vector_load %arg6[%parallel_loop3A_380, %parallel_loop3A_381] {strides = array<i32>} : memref<128x128xi32, #tpu.memory_space<vmem>>, vector<16xi32>,
      tpu.vector_store %arg6[%parallel_loop3A_380, %parallel_loop3A_381], %parallel_loop3A_379 {strides = array<i32>} : memref<128x128xi32, #tpu.memory_space<vmem>>, vector<16xi32>,
    } {sc.loop_unroll_factor = 4 : i64, sc.parallel_access}
    %mul3A_20 = arith.constant 32768 : i32
    %mul3A_21 = arith.muli %arg1, %mul3A_20 : i32
    %add3A = arith.constant 0 : i32
    %add3A_22 = arith.addi %mul3A_21, %add3A : i32
    "tpu.region"() ({
      %run_scoped3A_174 = tpu.sem_alloc : memref<!tpu.dma_semaphore, #tpu.memory_space<semaphore_mem>>
      %dma_start3A = tpu.memref_slice %arg9[%add3A_22] : memref<526336xf32, #tpu.memory_space<vmem_shared>> -> memref<16384xf32, #tpu.memory_space<vmem_shared>>
      %dma_start3A_175 = tpu.memref_slice %arg9[%add3A_22] : memref<526336xf32, #tpu.memory_space<vmem_shared>> -> memref<16384xf32, #tpu.memory_space<vmem_shared>>
      tpu.enqueue_dma source(%arg8 : memref<16384xf32, #tpu.memory_space<vmem>>) target(%dma_start3A_175 : memref<16384xf32, #tpu.memory_space<vmem_shared>>) target_semaphore(%run_scoped3A_174 : memref<!tpu.dma_semaphore, #tpu.memory_space<semaphore_mem>>)
      %dma_wait3A = tpu.memref_slice %arg9[%add3A_22] : memref<526336xf32, #tpu.memory_space<vmem_shared>> -> memref<16384xf32, #tpu.memory_space<vmem_shared>>
      %dma_wait3A_176 = tpu.memref_slice %arg9[%add3A_22] : memref<526336xf32, #tpu.memory_space<vmem_shared>> -> memref<16384xf32, #tpu.memory_space<vmem_shared>>
      tpu.wait_dma2 semaphore(%run_scoped3A_174 : memref<!tpu.dma_semaphore, #tpu.memory_space<semaphore_mem>>) src(%arg8 : memref<16384xf32, #tpu.memory_space<vmem>>) dst(%dma_wait3A_176 : memref<16384xf32, #tpu.memory_space<vmem_shared>>)
      tpu.yield
    }) : () -> ()
    %mul3A_23 = arith.constant 32768 : i32
    %mul3A_24 = arith.muli %arg1, %mul3A_23 : i32
    %add3A_25 = arith.constant 16384 : i32
    %add3A_26 = arith.addi %mul3A_24, %add3A_25 : i32
    "tpu.region"() ({
      %run_scoped3A_174 = tpu.sem_alloc : memref<!tpu.dma_semaphore, #tpu.memory_space<semaphore_mem>>
      %dma_start3A = tpu.memref_slice %arg9[%add3A_26] : memref<526336xf32, #tpu.memory_space<vmem_shared>> -> memref<16384xf32, #tpu.memory_space<vmem_shared>>
      %dma_start3A_175 = tpu.memref_slice %arg9[%add3A_26] : memref<526336xf32, #tpu.memory_space<vmem_shared>> -> memref<16384xf32, #tpu.memory_space<vmem_shared>>
      tpu.enqueue_dma source(%arg8 : memref<16384xf32, #tpu.memory_space<vmem>>) target(%dma_start3A_175 : memref<16384xf32, #tpu.memory_space<vmem_shared>>) target_semaphore(%run_scoped3A_174 : memref<!tpu.dma_semaphore, #tpu.memory_space<semaphore_mem>>)
      %dma_wait3A = tpu.memref_slice %arg9[%add3A_26] : memref<526336xf32, #tpu.memory_space<vmem_shared>> -> memref<16384xf32, #tpu.memory_space<vmem_shared>>
      %dma_wait3A_176 = tpu.memref_slice %arg9[%add3A_26] : memref<526336xf32, #tpu.memory_space<vmem_shared>> -> memref<16384xf32, #tpu.memory_space<vmem_shared>>
      tpu.wait_dma2 semaphore(%run_scoped3A_174 : memref<!tpu.dma_semaphore, #tpu.memory_space<semaphore_mem>>) src(%arg8 : memref<16384xf32, #tpu.memory_space<vmem>>) dst(%dma_wait3A_176 : memref<16384xf32, #tpu.memory_space<vmem_shared>>)
      tpu.yield
    }) : () -> ()
    %barrier3A = arith.constant 0 : index
    tpu.barrier barrier_id(%barrier3A)
    %scan3A_27 = arith.constant 0 : i32
    %scan3A_28 = arith.constant 0 : i32
    %scan3A_29 = arith.constant 128 : i32
    %scan3A_30 = arith.addi %scan3A_28, %scan3A_29 : i32
    %scan3A_31 = arith.constant 1 : i32
    scf.for %scan3A_174 = %scan3A_28 to %scan3A_30 step %scan3A_31  : i32 {
      %dma_start3A = arith.constant 0 : i32
      %dma_start3A_175 = tpu.memref_slice %arg6[%scan3A_174, %dma_start3A] : memref<128x128xi32, #tpu.memory_space<vmem>> -> memref<1x128xi32, #tpu.memory_space<vmem>>
      %dma_start3A_176 = tpu.memref_squeeze %dma_start3A_175 : memref<1x128xi32, #tpu.memory_space<vmem>> -> memref<128xi32, #tpu.memory_space<vmem>>
      %dma_start3A_177 = arith.constant 0 : i32
      %dma_start3A_178 = tpu.memref_slice %arg9[%dma_start3A_177] : memref<526336xf32, #tpu.memory_space<vmem_shared>> -> memref<526336xf32, #tpu.memory_space<vmem_shared>>
      tpu.enqueue_indirect_dma source(%arg7 : memref<128xf32, #tpu.memory_space<vmem>>) target(%dma_start3A_178 : memref<526336xf32, #tpu.memory_space<vmem_shared>>) offsets(%dma_start3A_176 : memref<128xi32, #tpu.memory_space<vmem>>) semaphore(%arg10 : memref<!tpu.dma_semaphore, #tpu.memory_space<semaphore_mem>>) {add = true}
    }
    %scan3A_32 = arith.constant 128 : i32
    %scan3A_33 = arith.constant 0 : i32
    %scan3A_34 = arith.constant 0 : i32
    %scan3A_35 = arith.constant 128 : i32
    %scan3A_36 = arith.addi %scan3A_34, %scan3A_35 : i32
    %scan3A_37 = arith.constant 1 : i32
    scf.for %scan3A_174 = %scan3A_34 to %scan3A_36 step %scan3A_37  : i32 {
      %dma_wait3A = arith.constant 0 : i32
      %dma_wait3A_175 = tpu.memref_slice %arg6[%scan3A_174, %dma_wait3A] : memref<128x128xi32, #tpu.memory_space<vmem>> -> memref<1x128xi32, #tpu.memory_space<vmem>>
      %dma_wait3A_176 = tpu.memref_squeeze %dma_wait3A_175 : memref<1x128xi32, #tpu.memory_space<vmem>> -> memref<128xi32, #tpu.memory_space<vmem>>
      %dma_wait3A_177 = arith.constant 0 : i32
      %dma_wait3A_178 = tpu.memref_slice %arg9[%dma_wait3A_177] : memref<526336xf32, #tpu.memory_space<vmem_shared>> -> memref<526336xf32, #tpu.memory_space<vmem_shared>>
      tpu.wait_indirect_dma semaphore(%arg10 : memref<!tpu.dma_semaphore, #tpu.memory_space<semaphore_mem>>) src(%arg7 : memref<128xf32, #tpu.memory_space<vmem>>) dst(%dma_wait3A_178 : memref<526336xf32, #tpu.memory_space<vmem_shared>>)
    }
    %scan3A_38 = arith.constant 128 : i32
    %barrier3A_39 = arith.constant 0 : index
    tpu.barrier barrier_id(%barrier3A_39)
    %mul3A_40 = arith.constant 32768 : i32
    %mul3A_41 = arith.muli %arg1, %mul3A_40 : i32
    %add3A_42 = arith.constant 0 : i32
    %add3A_43 = arith.addi %mul3A_41, %add3A_42 : i32
    %add3A_44 = arith.constant 0 : i32
    %add3A_45 = arith.addi %add3A_44, %add3A_43 : i32
    %run_scoped3A_46 = arith.constant 0 : i32
    "tpu.region"() ({
      %run_scoped3A_174 = tpu.sem_alloc : memref<!tpu.dma_semaphore, #tpu.memory_space<semaphore_mem>>
      %dma_start3A = tpu.memref_slice %arg3[%run_scoped3A_46, %add3A_45] : memref<2x1048576xf32, #tpu.memory_space<hbm>> -> memref<1x16384xf32, #tpu.memory_space<hbm>>
      %dma_start3A_175 = tpu.memref_squeeze %dma_start3A : memref<1x16384xf32, #tpu.memory_space<hbm>> -> memref<16384xf32, #tpu.memory_space<hbm>>
      %dma_start3A_176 = tpu.memref_slice %arg9[%add3A_43] : memref<526336xf32, #tpu.memory_space<vmem_shared>> -> memref<16384xf32, #tpu.memory_space<vmem_shared>>
      tpu.enqueue_dma source(%dma_start3A_176 : memref<16384xf32, #tpu.memory_space<vmem_shared>>) target(%dma_start3A_175 : memref<16384xf32, #tpu.memory_space<hbm>>) target_semaphore(%run_scoped3A_174 : memref<!tpu.dma_semaphore, #tpu.memory_space<semaphore_mem>>)
      %dma_wait3A = tpu.memref_slice %arg3[%run_scoped3A_46, %add3A_45] : memref<2x1048576xf32, #tpu.memory_space<hbm>> -> memref<1x16384xf32, #tpu.memory_space<hbm>>
      %dma_wait3A_177 = tpu.memref_squeeze %dma_wait3A : memref<1x16384xf32, #tpu.memory_space<hbm>> -> memref<16384xf32, #tpu.memory_space<hbm>>
      %dma_wait3A_178 = tpu.memref_slice %arg9[%add3A_43] : memref<526336xf32, #tpu.memory_space<vmem_shared>> -> memref<16384xf32, #tpu.memory_space<vmem_shared>>
      tpu.wait_dma2 semaphore(%run_scoped3A_174 : memref<!tpu.dma_semaphore, #tpu.memory_space<semaphore_mem>>) src(%dma_wait3A_178 : memref<16384xf32, #tpu.memory_space<vmem_shared>>) dst(%dma_wait3A_177 : memref<16384xf32, #tpu.memory_space<hbm>>)
      tpu.yield
    }) : () -> ()
    %mul3A_47 = arith.constant 32768 : i32
    %mul3A_48 = arith.muli %arg1, %mul3A_47 : i32
    %add3A_49 = arith.constant 16384 : i32
    %add3A_50 = arith.addi %mul3A_48, %add3A_49 : i32
    %add3A_51 = arith.constant 0 : i32
    %add3A_52 = arith.addi %add3A_51, %add3A_50 : i32
    %run_scoped3A_53 = arith.constant 0 : i32
    "tpu.region"() ({
      %run_scoped3A_174 = tpu.sem_alloc : memref<!tpu.dma_semaphore, #tpu.memory_space<semaphore_mem>>
      %dma_start3A = tpu.memref_slice %arg3[%run_scoped3A_53, %add3A_52] : memref<2x1048576xf32, #tpu.memory_space<hbm>> -> memref<1x16384xf32, #tpu.memory_space<hbm>>
      %dma_start3A_175 = tpu.memref_squeeze %dma_start3A : memref<1x16384xf32, #tpu.memory_space<hbm>> -> memref<16384xf32, #tpu.memory_space<hbm>>
      %dma_start3A_176 = tpu.memref_slice %arg9[%add3A_50] : memref<526336xf32, #tpu.memory_space<vmem_shared>> -> memref<16384xf32, #tpu.memory_space<vmem_shared>>
      tpu.enqueue_dma source(%dma_start3A_176 : memref<16384xf32, #tpu.memory_space<vmem_shared>>) target(%dma_start3A_175 : memref<16384xf32, #tpu.memory_space<hbm>>) target_semaphore(%run_scoped3A_174 : memref<!tpu.dma_semaphore, #tpu.memory_space<semaphore_mem>>)
      %dma_wait3A = tpu.memref_slice %arg3[%run_scoped3A_53, %add3A_52] : memref<2x1048576xf32, #tpu.memory_space<hbm>> -> memref<1x16384xf32, #tpu.memory_space<hbm>>
      %dma_wait3A_177 = tpu.memref_squeeze %dma_wait3A : memref<1x16384xf32, #tpu.memory_space<hbm>> -> memref<16384xf32, #tpu.memory_space<hbm>>
      %dma_wait3A_178 = tpu.memref_slice %arg9[%add3A_50] : memref<526336xf32, #tpu.memory_space<vmem_shared>> -> memref<16384xf32, #tpu.memory_space<vmem_shared>>
      tpu.wait_dma2 semaphore(%run_scoped3A_174 : memref<!tpu.dma_semaphore, #tpu.memory_space<semaphore_mem>>) src(%dma_wait3A_178 : memref<16384xf32, #tpu.memory_space<vmem_shared>>) dst(%dma_wait3A_177 : memref<16384xf32, #tpu.memory_space<hbm>>)
      tpu.yield
    }) : () -> ()
    %parallel_loop3A_54 = arith.constant 0 : i32
    %parallel_loop3A_55 = arith.constant 128 : i32
    %parallel_loop3A_56 = arith.constant 1 : i32
    scf.for %parallel_loop3A_174 = %parallel_loop3A_54 to %parallel_loop3A_55 step %parallel_loop3A_56  : i32 {
      %parallel_loop3A_175 = arith.index_cast %parallel_loop3A_174 : i32 to index
      %parallel_loop3A_176 = arith.constant 0 : index
      %parallel_loop3A_177 = tpu.vector_load %arg5[%parallel_loop3A_175, %parallel_loop3A_176] {strides = array<i32>} : memref<128x128xi32, #tpu.memory_space<vmem>>, vector<16xi32>,
      %parallel_loop3A_178 = arith.constant 524288 : i32
      %parallel_loop3A_179 = vector.broadcast %parallel_loop3A_178 : i32 to vector<16xi32>
      %parallel_loop3A_180 = arith.subi %parallel_loop3A_177, %parallel_loop3A_179 : vector<16xi32>
      %parallel_loop3A_181 = arith.constant 0 : i32
      %parallel_loop3A_182 = vector.broadcast %parallel_loop3A_181 : i32 to vector<16xi32>
      %parallel_loop3A_183 = arith.cmpi sge, %parallel_loop3A_180, %parallel_loop3A_182 : vector<16xi32>
      %parallel_loop3A_184 = arith.constant 524288 : i32
      %parallel_loop3A_185 = vector.broadcast %parallel_loop3A_184 : i32 to vector<16xi32>
      %parallel_loop3A_186 = arith.cmpi slt, %parallel_loop3A_180, %parallel_loop3A_185 : vector<16xi32>
      %parallel_loop3A_187 = arith.andi %parallel_loop3A_183, %parallel_loop3A_186 : vector<16xi1>
      %parallel_loop3A_188 = arith.constant 128 : i32
      %parallel_loop3A_189 = arith.muli %arg1, %parallel_loop3A_188 : i32
      %parallel_loop3A_190 = arith.constant 524288 : i32
      %parallel_loop3A_191 = arith.addi %parallel_loop3A_190, %parallel_loop3A_189 : i32
      %parallel_loop3A_192 = arith.constant 0 : i32
      %parallel_loop3A_193 = arith.addi %parallel_loop3A_191, %parallel_loop3A_192 : i32
      %parallel_loop3A_194 = tpu.iota {dimensions = array<i32: 0>} : vector<16xi32>
      %parallel_loop3A_195 = vector.broadcast %parallel_loop3A_193 : i32 to vector<16xi32>
      %parallel_loop3A_196 = arith.addi %parallel_loop3A_195, %parallel_loop3A_194 : vector<16xi32>
      %parallel_loop3A_197 = arith.select %parallel_loop3A_187, %parallel_loop3A_180, %parallel_loop3A_196 : vector<16xi1>, vector<16xi32>
      %parallel_loop3A_198 = arith.index_cast %parallel_loop3A_174 : i32 to index
      %parallel_loop3A_199 = arith.constant 0 : index
      %parallel_loop3A_200 = tpu.vector_load %arg6[%parallel_loop3A_198, %parallel_loop3A_199] {strides = array<i32>} : memref<128x128xi32, #tpu.memory_space<vmem>>, vector<16xi32>,
      tpu.vector_store %arg6[%parallel_loop3A_198, %parallel_loop3A_199], %parallel_loop3A_197 {strides = array<i32>} : memref<128x128xi32, #tpu.memory_space<vmem>>, vector<16xi32>,
      %parallel_loop3A_201 = arith.index_cast %parallel_loop3A_174 : i32 to index
      %parallel_loop3A_202 = arith.constant 16 : index
      %parallel_loop3A_203 = tpu.vector_load %arg5[%parallel_loop3A_201, %parallel_loop3A_202] {strides = array<i32>} : memref<128x128xi32, #tpu.memory_space<vmem>>, vector<16xi32>,
      %parallel_loop3A_204 = arith.constant 524288 : i32
      %parallel_loop3A_205 = vector.broadcast %parallel_loop3A_204 : i32 to vector<16xi32>
      %parallel_loop3A_206 = arith.subi %parallel_loop3A_203, %parallel_loop3A_205 : vector<16xi32>
      %parallel_loop3A_207 = arith.constant 0 : i32
      %parallel_loop3A_208 = vector.broadcast %parallel_loop3A_207 : i32 to vector<16xi32>
      %parallel_loop3A_209 = arith.cmpi sge, %parallel_loop3A_206, %parallel_loop3A_208 : vector<16xi32>
      %parallel_loop3A_210 = arith.constant 524288 : i32
      %parallel_loop3A_211 = vector.broadcast %parallel_loop3A_210 : i32 to vector<16xi32>
      %parallel_loop3A_212 = arith.cmpi slt, %parallel_loop3A_206, %parallel_loop3A_211 : vector<16xi32>
      %parallel_loop3A_213 = arith.andi %parallel_loop3A_209, %parallel_loop3A_212 : vector<16xi1>
      %parallel_loop3A_214 = arith.constant 128 : i32
      %parallel_loop3A_215 = arith.muli %arg1, %parallel_loop3A_214 : i32
      %parallel_loop3A_216 = arith.constant 524288 : i32
      %parallel_loop3A_217 = arith.addi %parallel_loop3A_216, %parallel_loop3A_215 : i32
      %parallel_loop3A_218 = arith.constant 16 : i32
      %parallel_loop3A_219 = arith.addi %parallel_loop3A_217, %parallel_loop3A_218 : i32
      %parallel_loop3A_220 = tpu.iota {dimensions = array<i32: 0>} : vector<16xi32>
      %parallel_loop3A_221 = vector.broadcast %parallel_loop3A_219 : i32 to vector<16xi32>
      %parallel_loop3A_222 = arith.addi %parallel_loop3A_221, %parallel_loop3A_220 : vector<16xi32>
      %parallel_loop3A_223 = arith.select %parallel_loop3A_213, %parallel_loop3A_206, %parallel_loop3A_222 : vector<16xi1>, vector<16xi32>
      %parallel_loop3A_224 = arith.index_cast %parallel_loop3A_174 : i32 to index
      %parallel_loop3A_225 = arith.constant 16 : index
      %parallel_loop3A_226 = tpu.vector_load %arg6[%parallel_loop3A_224, %parallel_loop3A_225] {strides = array<i32>} : memref<128x128xi32, #tpu.memory_space<vmem>>, vector<16xi32>,
      tpu.vector_store %arg6[%parallel_loop3A_224, %parallel_loop3A_225], %parallel_loop3A_223 {strides = array<i32>} : memref<128x128xi32, #tpu.memory_space<vmem>>, vector<16xi32>,
      %parallel_loop3A_227 = arith.index_cast %parallel_loop3A_174 : i32 to index
      %parallel_loop3A_228 = arith.constant 32 : index
      %parallel_loop3A_229 = tpu.vector_load %arg5[%parallel_loop3A_227, %parallel_loop3A_228] {strides = array<i32>} : memref<128x128xi32, #tpu.memory_space<vmem>>, vector<16xi32>,
      %parallel_loop3A_230 = arith.constant 524288 : i32
      %parallel_loop3A_231 = vector.broadcast %parallel_loop3A_230 : i32 to vector<16xi32>
      %parallel_loop3A_232 = arith.subi %parallel_loop3A_229, %parallel_loop3A_231 : vector<16xi32>
      %parallel_loop3A_233 = arith.constant 0 : i32
      %parallel_loop3A_234 = vector.broadcast %parallel_loop3A_233 : i32 to vector<16xi32>
      %parallel_loop3A_235 = arith.cmpi sge, %parallel_loop3A_232, %parallel_loop3A_234 : vector<16xi32>
      %parallel_loop3A_236 = arith.constant 524288 : i32
      %parallel_loop3A_237 = vector.broadcast %parallel_loop3A_236 : i32 to vector<16xi32>
      %parallel_loop3A_238 = arith.cmpi slt, %parallel_loop3A_232, %parallel_loop3A_237 : vector<16xi32>
      %parallel_loop3A_239 = arith.andi %parallel_loop3A_235, %parallel_loop3A_238 : vector<16xi1>
      %parallel_loop3A_240 = arith.constant 128 : i32
      %parallel_loop3A_241 = arith.muli %arg1, %parallel_loop3A_240 : i32
      %parallel_loop3A_242 = arith.constant 524288 : i32
      %parallel_loop3A_243 = arith.addi %parallel_loop3A_242, %parallel_loop3A_241 : i32
      %parallel_loop3A_244 = arith.constant 32 : i32
      %parallel_loop3A_245 = arith.addi %parallel_loop3A_243, %parallel_loop3A_244 : i32
      %parallel_loop3A_246 = tpu.iota {dimensions = array<i32: 0>} : vector<16xi32>
      %parallel_loop3A_247 = vector.broadcast %parallel_loop3A_245 : i32 to vector<16xi32>
      %parallel_loop3A_248 = arith.addi %parallel_loop3A_247, %parallel_loop3A_246 : vector<16xi32>
      %parallel_loop3A_249 = arith.select %parallel_loop3A_239, %parallel_loop3A_232, %parallel_loop3A_248 : vector<16xi1>, vector<16xi32>
      %parallel_loop3A_250 = arith.index_cast %parallel_loop3A_174 : i32 to index
      %parallel_loop3A_251 = arith.constant 32 : index
      %parallel_loop3A_252 = tpu.vector_load %arg6[%parallel_loop3A_250, %parallel_loop3A_251] {strides = array<i32>} : memref<128x128xi32, #tpu.memory_space<vmem>>, vector<16xi32>,
      tpu.vector_store %arg6[%parallel_loop3A_250, %parallel_loop3A_251], %parallel_loop3A_249 {strides = array<i32>} : memref<128x128xi32, #tpu.memory_space<vmem>>, vector<16xi32>,
      %parallel_loop3A_253 = arith.index_cast %parallel_loop3A_174 : i32 to index
      %parallel_loop3A_254 = arith.constant 48 : index
      %parallel_loop3A_255 = tpu.vector_load %arg5[%parallel_loop3A_253, %parallel_loop3A_254] {strides = array<i32>} : memref<128x128xi32, #tpu.memory_space<vmem>>, vector<16xi32>,
      %parallel_loop3A_256 = arith.constant 524288 : i32
      %parallel_loop3A_257 = vector.broadcast %parallel_loop3A_256 : i32 to vector<16xi32>
      %parallel_loop3A_258 = arith.subi %parallel_loop3A_255, %parallel_loop3A_257 : vector<16xi32>
      %parallel_loop3A_259 = arith.constant 0 : i32
      %parallel_loop3A_260 = vector.broadcast %parallel_loop3A_259 : i32 to vector<16xi32>
      %parallel_loop3A_261 = arith.cmpi sge, %parallel_loop3A_258, %parallel_loop3A_260 : vector<16xi32>
      %parallel_loop3A_262 = arith.constant 524288 : i32
      %parallel_loop3A_263 = vector.broadcast %parallel_loop3A_262 : i32 to vector<16xi32>
      %parallel_loop3A_264 = arith.cmpi slt, %parallel_loop3A_258, %parallel_loop3A_263 : vector<16xi32>
      %parallel_loop3A_265 = arith.andi %parallel_loop3A_261, %parallel_loop3A_264 : vector<16xi1>
      %parallel_loop3A_266 = arith.constant 128 : i32
      %parallel_loop3A_267 = arith.muli %arg1, %parallel_loop3A_266 : i32
      %parallel_loop3A_268 = arith.constant 524288 : i32
      %parallel_loop3A_269 = arith.addi %parallel_loop3A_268, %parallel_loop3A_267 : i32
      %parallel_loop3A_270 = arith.constant 48 : i32
      %parallel_loop3A_271 = arith.addi %parallel_loop3A_269, %parallel_loop3A_270 : i32
      %parallel_loop3A_272 = tpu.iota {dimensions = array<i32: 0>} : vector<16xi32>
      %parallel_loop3A_273 = vector.broadcast %parallel_loop3A_271 : i32 to vector<16xi32>
      %parallel_loop3A_274 = arith.addi %parallel_loop3A_273, %parallel_loop3A_272 : vector<16xi32>
      %parallel_loop3A_275 = arith.select %parallel_loop3A_265, %parallel_loop3A_258, %parallel_loop3A_274 : vector<16xi1>, vector<16xi32>
      %parallel_loop3A_276 = arith.index_cast %parallel_loop3A_174 : i32 to index
      %parallel_loop3A_277 = arith.constant 48 : index
      %parallel_loop3A_278 = tpu.vector_load %arg6[%parallel_loop3A_276, %parallel_loop3A_277] {strides = array<i32>} : memref<128x128xi32, #tpu.memory_space<vmem>>, vector<16xi32>,
      tpu.vector_store %arg6[%parallel_loop3A_276, %parallel_loop3A_277], %parallel_loop3A_275 {strides = array<i32>} : memref<128x128xi32, #tpu.memory_space<vmem>>, vector<16xi32>,
      %parallel_loop3A_279 = arith.index_cast %parallel_loop3A_174 : i32 to index
      %parallel_loop3A_280 = arith.constant 64 : index
      %parallel_loop3A_281 = tpu.vector_load %arg5[%parallel_loop3A_279, %parallel_loop3A_280] {strides = array<i32>} : memref<128x128xi32, #tpu.memory_space<vmem>>, vector<16xi32>,
      %parallel_loop3A_282 = arith.constant 524288 : i32
      %parallel_loop3A_283 = vector.broadcast %parallel_loop3A_282 : i32 to vector<16xi32>
      %parallel_loop3A_284 = arith.subi %parallel_loop3A_281, %parallel_loop3A_283 : vector<16xi32>
      %parallel_loop3A_285 = arith.constant 0 : i32
      %parallel_loop3A_286 = vector.broadcast %parallel_loop3A_285 : i32 to vector<16xi32>
      %parallel_loop3A_287 = arith.cmpi sge, %parallel_loop3A_284, %parallel_loop3A_286 : vector<16xi32>
      %parallel_loop3A_288 = arith.constant 524288 : i32
      %parallel_loop3A_289 = vector.broadcast %parallel_loop3A_288 : i32 to vector<16xi32>
      %parallel_loop3A_290 = arith.cmpi slt, %parallel_loop3A_284, %parallel_loop3A_289 : vector<16xi32>
      %parallel_loop3A_291 = arith.andi %parallel_loop3A_287, %parallel_loop3A_290 : vector<16xi1>
      %parallel_loop3A_292 = arith.constant 128 : i32
      %parallel_loop3A_293 = arith.muli %arg1, %parallel_loop3A_292 : i32
      %parallel_loop3A_294 = arith.constant 524288 : i32
      %parallel_loop3A_295 = arith.addi %parallel_loop3A_294, %parallel_loop3A_293 : i32
      %parallel_loop3A_296 = arith.constant 64 : i32
      %parallel_loop3A_297 = arith.addi %parallel_loop3A_295, %parallel_loop3A_296 : i32
      %parallel_loop3A_298 = tpu.iota {dimensions = array<i32: 0>} : vector<16xi32>
      %parallel_loop3A_299 = vector.broadcast %parallel_loop3A_297 : i32 to vector<16xi32>
      %parallel_loop3A_300 = arith.addi %parallel_loop3A_299, %parallel_loop3A_298 : vector<16xi32>
      %parallel_loop3A_301 = arith.select %parallel_loop3A_291, %parallel_loop3A_284, %parallel_loop3A_300 : vector<16xi1>, vector<16xi32>
      %parallel_loop3A_302 = arith.index_cast %parallel_loop3A_174 : i32 to index
      %parallel_loop3A_303 = arith.constant 64 : index
      %parallel_loop3A_304 = tpu.vector_load %arg6[%parallel_loop3A_302, %parallel_loop3A_303] {strides = array<i32>} : memref<128x128xi32, #tpu.memory_space<vmem>>, vector<16xi32>,
      tpu.vector_store %arg6[%parallel_loop3A_302, %parallel_loop3A_303], %parallel_loop3A_301 {strides = array<i32>} : memref<128x128xi32, #tpu.memory_space<vmem>>, vector<16xi32>,
      %parallel_loop3A_305 = arith.index_cast %parallel_loop3A_174 : i32 to index
      %parallel_loop3A_306 = arith.constant 80 : index
      %parallel_loop3A_307 = tpu.vector_load %arg5[%parallel_loop3A_305, %parallel_loop3A_306] {strides = array<i32>} : memref<128x128xi32, #tpu.memory_space<vmem>>, vector<16xi32>,
      %parallel_loop3A_308 = arith.constant 524288 : i32
      %parallel_loop3A_309 = vector.broadcast %parallel_loop3A_308 : i32 to vector<16xi32>
      %parallel_loop3A_310 = arith.subi %parallel_loop3A_307, %parallel_loop3A_309 : vector<16xi32>
      %parallel_loop3A_311 = arith.constant 0 : i32
      %parallel_loop3A_312 = vector.broadcast %parallel_loop3A_311 : i32 to vector<16xi32>
      %parallel_loop3A_313 = arith.cmpi sge, %parallel_loop3A_310, %parallel_loop3A_312 : vector<16xi32>
      %parallel_loop3A_314 = arith.constant 524288 : i32
      %parallel_loop3A_315 = vector.broadcast %parallel_loop3A_314 : i32 to vector<16xi32>
      %parallel_loop3A_316 = arith.cmpi slt, %parallel_loop3A_310, %parallel_loop3A_315 : vector<16xi32>
      %parallel_loop3A_317 = arith.andi %parallel_loop3A_313, %parallel_loop3A_316 : vector<16xi1>
      %parallel_loop3A_318 = arith.constant 128 : i32
      %parallel_loop3A_319 = arith.muli %arg1, %parallel_loop3A_318 : i32
      %parallel_loop3A_320 = arith.constant 524288 : i32
      %parallel_loop3A_321 = arith.addi %parallel_loop3A_320, %parallel_loop3A_319 : i32
      %parallel_loop3A_322 = arith.constant 80 : i32
      %parallel_loop3A_323 = arith.addi %parallel_loop3A_321, %parallel_loop3A_322 : i32
      %parallel_loop3A_324 = tpu.iota {dimensions = array<i32: 0>} : vector<16xi32>
      %parallel_loop3A_325 = vector.broadcast %parallel_loop3A_323 : i32 to vector<16xi32>
      %parallel_loop3A_326 = arith.addi %parallel_loop3A_325, %parallel_loop3A_324 : vector<16xi32>
      %parallel_loop3A_327 = arith.select %parallel_loop3A_317, %parallel_loop3A_310, %parallel_loop3A_326 : vector<16xi1>, vector<16xi32>
      %parallel_loop3A_328 = arith.index_cast %parallel_loop3A_174 : i32 to index
      %parallel_loop3A_329 = arith.constant 80 : index
      %parallel_loop3A_330 = tpu.vector_load %arg6[%parallel_loop3A_328, %parallel_loop3A_329] {strides = array<i32>} : memref<128x128xi32, #tpu.memory_space<vmem>>, vector<16xi32>,
      tpu.vector_store %arg6[%parallel_loop3A_328, %parallel_loop3A_329], %parallel_loop3A_327 {strides = array<i32>} : memref<128x128xi32, #tpu.memory_space<vmem>>, vector<16xi32>,
      %parallel_loop3A_331 = arith.index_cast %parallel_loop3A_174 : i32 to index
      %parallel_loop3A_332 = arith.constant 96 : index
      %parallel_loop3A_333 = tpu.vector_load %arg5[%parallel_loop3A_331, %parallel_loop3A_332] {strides = array<i32>} : memref<128x128xi32, #tpu.memory_space<vmem>>, vector<16xi32>,
      %parallel_loop3A_334 = arith.constant 524288 : i32
      %parallel_loop3A_335 = vector.broadcast %parallel_loop3A_334 : i32 to vector<16xi32>
      %parallel_loop3A_336 = arith.subi %parallel_loop3A_333, %parallel_loop3A_335 : vector<16xi32>
      %parallel_loop3A_337 = arith.constant 0 : i32
      %parallel_loop3A_338 = vector.broadcast %parallel_loop3A_337 : i32 to vector<16xi32>
      %parallel_loop3A_339 = arith.cmpi sge, %parallel_loop3A_336, %parallel_loop3A_338 : vector<16xi32>
      %parallel_loop3A_340 = arith.constant 524288 : i32
      %parallel_loop3A_341 = vector.broadcast %parallel_loop3A_340 : i32 to vector<16xi32>
      %parallel_loop3A_342 = arith.cmpi slt, %parallel_loop3A_336, %parallel_loop3A_341 : vector<16xi32>
      %parallel_loop3A_343 = arith.andi %parallel_loop3A_339, %parallel_loop3A_342 : vector<16xi1>
      %parallel_loop3A_344 = arith.constant 128 : i32
      %parallel_loop3A_345 = arith.muli %arg1, %parallel_loop3A_344 : i32
      %parallel_loop3A_346 = arith.constant 524288 : i32
      %parallel_loop3A_347 = arith.addi %parallel_loop3A_346, %parallel_loop3A_345 : i32
      %parallel_loop3A_348 = arith.constant 96 : i32
      %parallel_loop3A_349 = arith.addi %parallel_loop3A_347, %parallel_loop3A_348 : i32
      %parallel_loop3A_350 = tpu.iota {dimensions = array<i32: 0>} : vector<16xi32>
      %parallel_loop3A_351 = vector.broadcast %parallel_loop3A_349 : i32 to vector<16xi32>
      %parallel_loop3A_352 = arith.addi %parallel_loop3A_351, %parallel_loop3A_350 : vector<16xi32>
      %parallel_loop3A_353 = arith.select %parallel_loop3A_343, %parallel_loop3A_336, %parallel_loop3A_352 : vector<16xi1>, vector<16xi32>
      %parallel_loop3A_354 = arith.index_cast %parallel_loop3A_174 : i32 to index
      %parallel_loop3A_355 = arith.constant 96 : index
      %parallel_loop3A_356 = tpu.vector_load %arg6[%parallel_loop3A_354, %parallel_loop3A_355] {strides = array<i32>} : memref<128x128xi32, #tpu.memory_space<vmem>>, vector<16xi32>,
      tpu.vector_store %arg6[%parallel_loop3A_354, %parallel_loop3A_355], %parallel_loop3A_353 {strides = array<i32>} : memref<128x128xi32, #tpu.memory_space<vmem>>, vector<16xi32>,
      %parallel_loop3A_357 = arith.index_cast %parallel_loop3A_174 : i32 to index
      %parallel_loop3A_358 = arith.constant 112 : index
      %parallel_loop3A_359 = tpu.vector_load %arg5[%parallel_loop3A_357, %parallel_loop3A_358] {strides = array<i32>} : memref<128x128xi32, #tpu.memory_space<vmem>>, vector<16xi32>,
      %parallel_loop3A_360 = arith.constant 524288 : i32
      %parallel_loop3A_361 = vector.broadcast %parallel_loop3A_360 : i32 to vector<16xi32>
      %parallel_loop3A_362 = arith.subi %parallel_loop3A_359, %parallel_loop3A_361 : vector<16xi32>
      %parallel_loop3A_363 = arith.constant 0 : i32
      %parallel_loop3A_364 = vector.broadcast %parallel_loop3A_363 : i32 to vector<16xi32>
      %parallel_loop3A_365 = arith.cmpi sge, %parallel_loop3A_362, %parallel_loop3A_364 : vector<16xi32>
      %parallel_loop3A_366 = arith.constant 524288 : i32
      %parallel_loop3A_367 = vector.broadcast %parallel_loop3A_366 : i32 to vector<16xi32>
      %parallel_loop3A_368 = arith.cmpi slt, %parallel_loop3A_362, %parallel_loop3A_367 : vector<16xi32>
      %parallel_loop3A_369 = arith.andi %parallel_loop3A_365, %parallel_loop3A_368 : vector<16xi1>
      %parallel_loop3A_370 = arith.constant 128 : i32
      %parallel_loop3A_371 = arith.muli %arg1, %parallel_loop3A_370 : i32
      %parallel_loop3A_372 = arith.constant 524288 : i32
      %parallel_loop3A_373 = arith.addi %parallel_loop3A_372, %parallel_loop3A_371 : i32
      %parallel_loop3A_374 = arith.constant 112 : i32
      %parallel_loop3A_375 = arith.addi %parallel_loop3A_373, %parallel_loop3A_374 : i32
      %parallel_loop3A_376 = tpu.iota {dimensions = array<i32: 0>} : vector<16xi32>
      %parallel_loop3A_377 = vector.broadcast %parallel_loop3A_375 : i32 to vector<16xi32>
      %parallel_loop3A_378 = arith.addi %parallel_loop3A_377, %parallel_loop3A_376 : vector<16xi32>
      %parallel_loop3A_379 = arith.select %parallel_loop3A_369, %parallel_loop3A_362, %parallel_loop3A_378 : vector<16xi1>, vector<16xi32>
      %parallel_loop3A_380 = arith.index_cast %parallel_loop3A_174 : i32 to index
      %parallel_loop3A_381 = arith.constant 112 : index
      %parallel_loop3A_382 = tpu.vector_load %arg6[%parallel_loop3A_380, %parallel_loop3A_381] {strides = array<i32>} : memref<128x128xi32, #tpu.memory_space<vmem>>, vector<16xi32>,
      tpu.vector_store %arg6[%parallel_loop3A_380, %parallel_loop3A_381], %parallel_loop3A_379 {strides = array<i32>} : memref<128x128xi32, #tpu.memory_space<vmem>>, vector<16xi32>,
    } {sc.loop_unroll_factor = 4 : i64, sc.parallel_access}
    %mul3A_57 = arith.constant 32768 : i32
    %mul3A_58 = arith.muli %arg1, %mul3A_57 : i32
    %add3A_59 = arith.constant 0 : i32
    %add3A_60 = arith.addi %mul3A_58, %add3A_59 : i32
    "tpu.region"() ({
      %run_scoped3A_174 = tpu.sem_alloc : memref<!tpu.dma_semaphore, #tpu.memory_space<semaphore_mem>>
      %dma_start3A = tpu.memref_slice %arg9[%add3A_60] : memref<526336xf32, #tpu.memory_space<vmem_shared>> -> memref<16384xf32, #tpu.memory_space<vmem_shared>>
      %dma_start3A_175 = tpu.memref_slice %arg9[%add3A_60] : memref<526336xf32, #tpu.memory_space<vmem_shared>> -> memref<16384xf32, #tpu.memory_space<vmem_shared>>
      tpu.enqueue_dma source(%arg8 : memref<16384xf32, #tpu.memory_space<vmem>>) target(%dma_start3A_175 : memref<16384xf32, #tpu.memory_space<vmem_shared>>) target_semaphore(%run_scoped3A_174 : memref<!tpu.dma_semaphore, #tpu.memory_space<semaphore_mem>>)
      %dma_wait3A = tpu.memref_slice %arg9[%add3A_60] : memref<526336xf32, #tpu.memory_space<vmem_shared>> -> memref<16384xf32, #tpu.memory_space<vmem_shared>>
      %dma_wait3A_176 = tpu.memref_slice %arg9[%add3A_60] : memref<526336xf32, #tpu.memory_space<vmem_shared>> -> memref<16384xf32, #tpu.memory_space<vmem_shared>>
      tpu.wait_dma2 semaphore(%run_scoped3A_174 : memref<!tpu.dma_semaphore, #tpu.memory_space<semaphore_mem>>) src(%arg8 : memref<16384xf32, #tpu.memory_space<vmem>>) dst(%dma_wait3A_176 : memref<16384xf32, #tpu.memory_space<vmem_shared>>)
      tpu.yield
    }) : () -> ()
    %mul3A_61 = arith.constant 32768 : i32
    %mul3A_62 = arith.muli %arg1, %mul3A_61 : i32
    %add3A_63 = arith.constant 16384 : i32
    %add3A_64 = arith.addi %mul3A_62, %add3A_63 : i32
    "tpu.region"() ({
      %run_scoped3A_174 = tpu.sem_alloc : memref<!tpu.dma_semaphore, #tpu.memory_space<semaphore_mem>>
      %dma_start3A = tpu.memref_slice %arg9[%add3A_64] : memref<526336xf32, #tpu.memory_space<vmem_shared>> -> memref<16384xf32, #tpu.memory_space<vmem_shared>>
      %dma_start3A_175 = tpu.memref_slice %arg9[%add3A_64] : memref<526336xf32, #tpu.memory_space<vmem_shared>> -> memref<16384xf32, #tpu.memory_space<vmem_shared>>
      tpu.enqueue_dma source(%arg8 : memref<16384xf32, #tpu.memory_space<vmem>>) target(%dma_start3A_175 : memref<16384xf32, #tpu.memory_space<vmem_shared>>) target_semaphore(%run_scoped3A_174 : memref<!tpu.dma_semaphore, #tpu.memory_space<semaphore_mem>>)
      %dma_wait3A = tpu.memref_slice %arg9[%add3A_64] : memref<526336xf32, #tpu.memory_space<vmem_shared>> -> memref<16384xf32, #tpu.memory_space<vmem_shared>>
      %dma_wait3A_176 = tpu.memref_slice %arg9[%add3A_64] : memref<526336xf32, #tpu.memory_space<vmem_shared>> -> memref<16384xf32, #tpu.memory_space<vmem_shared>>
      tpu.wait_dma2 semaphore(%run_scoped3A_174 : memref<!tpu.dma_semaphore, #tpu.memory_space<semaphore_mem>>) src(%arg8 : memref<16384xf32, #tpu.memory_space<vmem>>) dst(%dma_wait3A_176 : memref<16384xf32, #tpu.memory_space<vmem_shared>>)
      tpu.yield
    }) : () -> ()
    %barrier3A_65 = arith.constant 0 : index
    tpu.barrier barrier_id(%barrier3A_65)
    %scan3A_66 = arith.constant 0 : i32
    %scan3A_67 = arith.constant 0 : i32
    %scan3A_68 = arith.constant 128 : i32
    %scan3A_69 = arith.addi %scan3A_67, %scan3A_68 : i32
    %scan3A_70 = arith.constant 1 : i32
    scf.for %scan3A_174 = %scan3A_67 to %scan3A_69 step %scan3A_70  : i32 {
      %dma_start3A = arith.constant 0 : i32
      %dma_start3A_175 = tpu.memref_slice %arg6[%scan3A_174, %dma_start3A] : memref<128x128xi32, #tpu.memory_space<vmem>> -> memref<1x128xi32, #tpu.memory_space<vmem>>
      %dma_start3A_176 = tpu.memref_squeeze %dma_start3A_175 : memref<1x128xi32, #tpu.memory_space<vmem>> -> memref<128xi32, #tpu.memory_space<vmem>>
      %dma_start3A_177 = arith.constant 0 : i32
      %dma_start3A_178 = tpu.memref_slice %arg9[%dma_start3A_177] : memref<526336xf32, #tpu.memory_space<vmem_shared>> -> memref<526336xf32, #tpu.memory_space<vmem_shared>>
      tpu.enqueue_indirect_dma source(%arg7 : memref<128xf32, #tpu.memory_space<vmem>>) target(%dma_start3A_178 : memref<526336xf32, #tpu.memory_space<vmem_shared>>) offsets(%dma_start3A_176 : memref<128xi32, #tpu.memory_space<vmem>>) semaphore(%arg10 : memref<!tpu.dma_semaphore, #tpu.memory_space<semaphore_mem>>) {add = true}
    }
    %scan3A_71 = arith.constant 128 : i32
    %scan3A_72 = arith.constant 0 : i32
    %scan3A_73 = arith.constant 0 : i32
    %scan3A_74 = arith.constant 128 : i32
    %scan3A_75 = arith.addi %scan3A_73, %scan3A_74 : i32
    %scan3A_76 = arith.constant 1 : i32
    scf.for %scan3A_174 = %scan3A_73 to %scan3A_75 step %scan3A_76  : i32 {
      %dma_wait3A = arith.constant 0 : i32
      %dma_wait3A_175 = tpu.memref_slice %arg6[%scan3A_174, %dma_wait3A] : memref<128x128xi32, #tpu.memory_space<vmem>> -> memref<1x128xi32, #tpu.memory_space<vmem>>
      %dma_wait3A_176 = tpu.memref_squeeze %dma_wait3A_175 : memref<1x128xi32, #tpu.memory_space<vmem>> -> memref<128xi32, #tpu.memory_space<vmem>>
      %dma_wait3A_177 = arith.constant 0 : i32
      %dma_wait3A_178 = tpu.memref_slice %arg9[%dma_wait3A_177] : memref<526336xf32, #tpu.memory_space<vmem_shared>> -> memref<526336xf32, #tpu.memory_space<vmem_shared>>
      tpu.wait_indirect_dma semaphore(%arg10 : memref<!tpu.dma_semaphore, #tpu.memory_space<semaphore_mem>>) src(%arg7 : memref<128xf32, #tpu.memory_space<vmem>>) dst(%dma_wait3A_178 : memref<526336xf32, #tpu.memory_space<vmem_shared>>)
    }
    %scan3A_77 = arith.constant 128 : i32
    %barrier3A_78 = arith.constant 0 : index
    tpu.barrier barrier_id(%barrier3A_78)
    %mul3A_79 = arith.constant 32768 : i32
    %mul3A_80 = arith.muli %arg1, %mul3A_79 : i32
    %add3A_81 = arith.constant 0 : i32
    %add3A_82 = arith.addi %mul3A_80, %add3A_81 : i32
    %add3A_83 = arith.constant 524288 : i32
    %add3A_84 = arith.addi %add3A_83, %add3A_82 : i32
    %run_scoped3A_85 = arith.constant 0 : i32
    "tpu.region"() ({
      %run_scoped3A_174 = tpu.sem_alloc : memref<!tpu.dma_semaphore, #tpu.memory_space<semaphore_mem>>
      %dma_start3A = tpu.memref_slice %arg3[%run_scoped3A_85, %add3A_84] : memref<2x1048576xf32, #tpu.memory_space<hbm>> -> memref<1x16384xf32, #tpu.memory_space<hbm>>
      %dma_start3A_175 = tpu.memref_squeeze %dma_start3A : memref<1x16384xf32, #tpu.memory_space<hbm>> -> memref<16384xf32, #tpu.memory_space<hbm>>
      %dma_start3A_176 = tpu.memref_slice %arg9[%add3A_82] : memref<526336xf32, #tpu.memory_space<vmem_shared>> -> memref<16384xf32, #tpu.memory_space<vmem_shared>>
      tpu.enqueue_dma source(%dma_start3A_176 : memref<16384xf32, #tpu.memory_space<vmem_shared>>) target(%dma_start3A_175 : memref<16384xf32, #tpu.memory_space<hbm>>) target_semaphore(%run_scoped3A_174 : memref<!tpu.dma_semaphore, #tpu.memory_space<semaphore_mem>>)
      %dma_wait3A = tpu.memref_slice %arg3[%run_scoped3A_85, %add3A_84] : memref<2x1048576xf32, #tpu.memory_space<hbm>> -> memref<1x16384xf32, #tpu.memory_space<hbm>>
      %dma_wait3A_177 = tpu.memref_squeeze %dma_wait3A : memref<1x16384xf32, #tpu.memory_space<hbm>> -> memref<16384xf32, #tpu.memory_space<hbm>>
      %dma_wait3A_178 = tpu.memref_slice %arg9[%add3A_82] : memref<526336xf32, #tpu.memory_space<vmem_shared>> -> memref<16384xf32, #tpu.memory_space<vmem_shared>>
      tpu.wait_dma2 semaphore(%run_scoped3A_174 : memref<!tpu.dma_semaphore, #tpu.memory_space<semaphore_mem>>) src(%dma_wait3A_178 : memref<16384xf32, #tpu.memory_space<vmem_shared>>) dst(%dma_wait3A_177 : memref<16384xf32, #tpu.memory_space<hbm>>)
      tpu.yield
    }) : () -> ()
    %mul3A_86 = arith.constant 32768 : i32
    %mul3A_87 = arith.muli %arg1, %mul3A_86 : i32
    %add3A_88 = arith.constant 16384 : i32
    %add3A_89 = arith.addi %mul3A_87, %add3A_88 : i32
    %add3A_90 = arith.constant 524288 : i32
    %add3A_91 = arith.addi %add3A_90, %add3A_89 : i32
    %run_scoped3A_92 = arith.constant 0 : i32
    "tpu.region"() ({
      %run_scoped3A_174 = tpu.sem_alloc : memref<!tpu.dma_semaphore, #tpu.memory_space<semaphore_mem>>
      %dma_start3A = tpu.memref_slice %arg3[%run_scoped3A_92, %add3A_91] : memref<2x1048576xf32, #tpu.memory_space<hbm>> -> memref<1x16384xf32, #tpu.memory_space<hbm>>
      %dma_start3A_175 = tpu.memref_squeeze %dma_start3A : memref<1x16384xf32, #tpu.memory_space<hbm>> -> memref<16384xf32, #tpu.memory_space<hbm>>
      %dma_start3A_176 = tpu.memref_slice %arg9[%add3A_89] : memref<526336xf32, #tpu.memory_space<vmem_shared>> -> memref<16384xf32, #tpu.memory_space<vmem_shared>>
      tpu.enqueue_dma source(%dma_start3A_176 : memref<16384xf32, #tpu.memory_space<vmem_shared>>) target(%dma_start3A_175 : memref<16384xf32, #tpu.memory_space<hbm>>) target_semaphore(%run_scoped3A_174 : memref<!tpu.dma_semaphore, #tpu.memory_space<semaphore_mem>>)
      %dma_wait3A = tpu.memref_slice %arg3[%run_scoped3A_92, %add3A_91] : memref<2x1048576xf32, #tpu.memory_space<hbm>> -> memref<1x16384xf32, #tpu.memory_space<hbm>>
      %dma_wait3A_177 = tpu.memref_squeeze %dma_wait3A : memref<1x16384xf32, #tpu.memory_space<hbm>> -> memref<16384xf32, #tpu.memory_space<hbm>>
      %dma_wait3A_178 = tpu.memref_slice %arg9[%add3A_89] : memref<526336xf32, #tpu.memory_space<vmem_shared>> -> memref<16384xf32, #tpu.memory_space<vmem_shared>>
      tpu.wait_dma2 semaphore(%run_scoped3A_174 : memref<!tpu.dma_semaphore, #tpu.memory_space<semaphore_mem>>) src(%dma_wait3A_178 : memref<16384xf32, #tpu.memory_space<vmem_shared>>) dst(%dma_wait3A_177 : memref<16384xf32, #tpu.memory_space<hbm>>)
      tpu.yield
    }) : () -> ()
    %parallel_loop3A_93 = arith.constant 0 : i32
    %parallel_loop3A_94 = arith.constant 128 : i32
    %parallel_loop3A_95 = arith.constant 1 : i32
    scf.for %parallel_loop3A_174 = %parallel_loop3A_93 to %parallel_loop3A_94 step %parallel_loop3A_95  : i32 {
      %parallel_loop3A_175 = tpu.iota {dimensions = array<i32: 0>} : vector<16xi32>
      %parallel_loop3A_176 = arith.constant 2 : i32
      %parallel_loop3A_177 = vector.broadcast %parallel_loop3A_176 : i32 to vector<16xi32>
      %parallel_loop3A_178 = arith.muli %parallel_loop3A_175, %parallel_loop3A_177 : vector<16xi32>
      %parallel_loop3A_179 = arith.constant 256 : i32
      %parallel_loop3A_180 = arith.muli %parallel_loop3A_174, %parallel_loop3A_179 : i32
      %parallel_loop3A_181 = arith.constant 0 : i32
      %parallel_loop3A_182 = arith.addi %parallel_loop3A_180, %parallel_loop3A_181 : i32
      %parallel_loop3A_183 = arith.constant 1 : i32
      %parallel_loop3A_184 = arith.addi %parallel_loop3A_182, %parallel_loop3A_183 : i32
      %parallel_loop3A_185 = vector.broadcast %parallel_loop3A_184 : i32 to vector<16xi32>
      %parallel_loop3A_186 = arith.addi %parallel_loop3A_178, %parallel_loop3A_185 : vector<16xi32>
      %parallel_loop3A_187 = arith.constant 7 : i32
      %parallel_loop3A_188 = vector.broadcast %parallel_loop3A_187 : i32 to vector<16xi32>
      %parallel_loop3A_189 = arith.shrsi %parallel_loop3A_186, %parallel_loop3A_188 : vector<16xi32>
      %parallel_loop3A_190 = arith.constant 127 : i32
      %parallel_loop3A_191 = vector.broadcast %parallel_loop3A_190 : i32 to vector<16xi32>
      %parallel_loop3A_192 = arith.andi %parallel_loop3A_186, %parallel_loop3A_191 : vector<16xi32>
      %parallel_loop3A_193 = tpu.vector_load_idx %arg4[%parallel_loop3A_189, %parallel_loop3A_192] : memref<256x128xi32, #tpu.memory_space<vmem>>[vector<16xi32>, vector<16xi32>], vector<16xi32>,
      %parallel_loop3A_194 = arith.index_cast %parallel_loop3A_174 : i32 to index
      %parallel_loop3A_195 = arith.constant 0 : index
      %parallel_loop3A_196 = tpu.vector_load %arg5[%parallel_loop3A_194, %parallel_loop3A_195] {strides = array<i32>} : memref<128x128xi32, #tpu.memory_space<vmem>>, vector<16xi32>,
      tpu.vector_store %arg5[%parallel_loop3A_194, %parallel_loop3A_195], %parallel_loop3A_193 {strides = array<i32>} : memref<128x128xi32, #tpu.memory_space<vmem>>, vector<16xi32>,
      %parallel_loop3A_197 = tpu.iota {dimensions = array<i32: 0>} : vector<16xi32>
      %parallel_loop3A_198 = arith.constant 2 : i32
      %parallel_loop3A_199 = vector.broadcast %parallel_loop3A_198 : i32 to vector<16xi32>
      %parallel_loop3A_200 = arith.muli %parallel_loop3A_197, %parallel_loop3A_199 : vector<16xi32>
      %parallel_loop3A_201 = arith.constant 256 : i32
      %parallel_loop3A_202 = arith.muli %parallel_loop3A_174, %parallel_loop3A_201 : i32
      %parallel_loop3A_203 = arith.constant 32 : i32
      %parallel_loop3A_204 = arith.addi %parallel_loop3A_202, %parallel_loop3A_203 : i32
      %parallel_loop3A_205 = arith.constant 1 : i32
      %parallel_loop3A_206 = arith.addi %parallel_loop3A_204, %parallel_loop3A_205 : i32
      %parallel_loop3A_207 = vector.broadcast %parallel_loop3A_206 : i32 to vector<16xi32>
      %parallel_loop3A_208 = arith.addi %parallel_loop3A_200, %parallel_loop3A_207 : vector<16xi32>
      %parallel_loop3A_209 = arith.constant 7 : i32
      %parallel_loop3A_210 = vector.broadcast %parallel_loop3A_209 : i32 to vector<16xi32>
      %parallel_loop3A_211 = arith.shrsi %parallel_loop3A_208, %parallel_loop3A_210 : vector<16xi32>
      %parallel_loop3A_212 = arith.constant 127 : i32
      %parallel_loop3A_213 = vector.broadcast %parallel_loop3A_212 : i32 to vector<16xi32>
      %parallel_loop3A_214 = arith.andi %parallel_loop3A_208, %parallel_loop3A_213 : vector<16xi32>
      %parallel_loop3A_215 = tpu.vector_load_idx %arg4[%parallel_loop3A_211, %parallel_loop3A_214] : memref<256x128xi32, #tpu.memory_space<vmem>>[vector<16xi32>, vector<16xi32>], vector<16xi32>,
      %parallel_loop3A_216 = arith.index_cast %parallel_loop3A_174 : i32 to index
      %parallel_loop3A_217 = arith.constant 16 : index
      %parallel_loop3A_218 = tpu.vector_load %arg5[%parallel_loop3A_216, %parallel_loop3A_217] {strides = array<i32>} : memref<128x128xi32, #tpu.memory_space<vmem>>, vector<16xi32>,
      tpu.vector_store %arg5[%parallel_loop3A_216, %parallel_loop3A_217], %parallel_loop3A_215 {strides = array<i32>} : memref<128x128xi32, #tpu.memory_space<vmem>>, vector<16xi32>,
      %parallel_loop3A_219 = tpu.iota {dimensions = array<i32: 0>} : vector<16xi32>
      %parallel_loop3A_220 = arith.constant 2 : i32
      %parallel_loop3A_221 = vector.broadcast %parallel_loop3A_220 : i32 to vector<16xi32>
      %parallel_loop3A_222 = arith.muli %parallel_loop3A_219, %parallel_loop3A_221 : vector<16xi32>
      %parallel_loop3A_223 = arith.constant 256 : i32
      %parallel_loop3A_224 = arith.muli %parallel_loop3A_174, %parallel_loop3A_223 : i32
      %parallel_loop3A_225 = arith.constant 64 : i32
      %parallel_loop3A_226 = arith.addi %parallel_loop3A_224, %parallel_loop3A_225 : i32
      %parallel_loop3A_227 = arith.constant 1 : i32
      %parallel_loop3A_228 = arith.addi %parallel_loop3A_226, %parallel_loop3A_227 : i32
      %parallel_loop3A_229 = vector.broadcast %parallel_loop3A_228 : i32 to vector<16xi32>
      %parallel_loop3A_230 = arith.addi %parallel_loop3A_222, %parallel_loop3A_229 : vector<16xi32>
      %parallel_loop3A_231 = arith.constant 7 : i32
      %parallel_loop3A_232 = vector.broadcast %parallel_loop3A_231 : i32 to vector<16xi32>
      %parallel_loop3A_233 = arith.shrsi %parallel_loop3A_230, %parallel_loop3A_232 : vector<16xi32>
      %parallel_loop3A_234 = arith.constant 127 : i32
      %parallel_loop3A_235 = vector.broadcast %parallel_loop3A_234 : i32 to vector<16xi32>
      %parallel_loop3A_236 = arith.andi %parallel_loop3A_230, %parallel_loop3A_235 : vector<16xi32>
      %parallel_loop3A_237 = tpu.vector_load_idx %arg4[%parallel_loop3A_233, %parallel_loop3A_236] : memref<256x128xi32, #tpu.memory_space<vmem>>[vector<16xi32>, vector<16xi32>], vector<16xi32>,
      %parallel_loop3A_238 = arith.index_cast %parallel_loop3A_174 : i32 to index
      %parallel_loop3A_239 = arith.constant 32 : index
      %parallel_loop3A_240 = tpu.vector_load %arg5[%parallel_loop3A_238, %parallel_loop3A_239] {strides = array<i32>} : memref<128x128xi32, #tpu.memory_space<vmem>>, vector<16xi32>,
      tpu.vector_store %arg5[%parallel_loop3A_238, %parallel_loop3A_239], %parallel_loop3A_237 {strides = array<i32>} : memref<128x128xi32, #tpu.memory_space<vmem>>, vector<16xi32>,
      %parallel_loop3A_241 = tpu.iota {dimensions = array<i32: 0>} : vector<16xi32>
      %parallel_loop3A_242 = arith.constant 2 : i32
      %parallel_loop3A_243 = vector.broadcast %parallel_loop3A_242 : i32 to vector<16xi32>
      %parallel_loop3A_244 = arith.muli %parallel_loop3A_241, %parallel_loop3A_243 : vector<16xi32>
      %parallel_loop3A_245 = arith.constant 256 : i32
      %parallel_loop3A_246 = arith.muli %parallel_loop3A_174, %parallel_loop3A_245 : i32
      %parallel_loop3A_247 = arith.constant 96 : i32
      %parallel_loop3A_248 = arith.addi %parallel_loop3A_246, %parallel_loop3A_247 : i32
      %parallel_loop3A_249 = arith.constant 1 : i32
      %parallel_loop3A_250 = arith.addi %parallel_loop3A_248, %parallel_loop3A_249 : i32
      %parallel_loop3A_251 = vector.broadcast %parallel_loop3A_250 : i32 to vector<16xi32>
      %parallel_loop3A_252 = arith.addi %parallel_loop3A_244, %parallel_loop3A_251 : vector<16xi32>
      %parallel_loop3A_253 = arith.constant 7 : i32
      %parallel_loop3A_254 = vector.broadcast %parallel_loop3A_253 : i32 to vector<16xi32>
      %parallel_loop3A_255 = arith.shrsi %parallel_loop3A_252, %parallel_loop3A_254 : vector<16xi32>
      %parallel_loop3A_256 = arith.constant 127 : i32
      %parallel_loop3A_257 = vector.broadcast %parallel_loop3A_256 : i32 to vector<16xi32>
      %parallel_loop3A_258 = arith.andi %parallel_loop3A_252, %parallel_loop3A_257 : vector<16xi32>
      %parallel_loop3A_259 = tpu.vector_load_idx %arg4[%parallel_loop3A_255, %parallel_loop3A_258] : memref<256x128xi32, #tpu.memory_space<vmem>>[vector<16xi32>, vector<16xi32>], vector<16xi32>,
      %parallel_loop3A_260 = arith.index_cast %parallel_loop3A_174 : i32 to index
      %parallel_loop3A_261 = arith.constant 48 : index
      %parallel_loop3A_262 = tpu.vector_load %arg5[%parallel_loop3A_260, %parallel_loop3A_261] {strides = array<i32>} : memref<128x128xi32, #tpu.memory_space<vmem>>, vector<16xi32>,
      tpu.vector_store %arg5[%parallel_loop3A_260, %parallel_loop3A_261], %parallel_loop3A_259 {strides = array<i32>} : memref<128x128xi32, #tpu.memory_space<vmem>>, vector<16xi32>,
      %parallel_loop3A_263 = tpu.iota {dimensions = array<i32: 0>} : vector<16xi32>
      %parallel_loop3A_264 = arith.constant 2 : i32
      %parallel_loop3A_265 = vector.broadcast %parallel_loop3A_264 : i32 to vector<16xi32>
      %parallel_loop3A_266 = arith.muli %parallel_loop3A_263, %parallel_loop3A_265 : vector<16xi32>
      %parallel_loop3A_267 = arith.constant 256 : i32
      %parallel_loop3A_268 = arith.muli %parallel_loop3A_174, %parallel_loop3A_267 : i32
      %parallel_loop3A_269 = arith.constant 128 : i32
      %parallel_loop3A_270 = arith.addi %parallel_loop3A_268, %parallel_loop3A_269 : i32
      %parallel_loop3A_271 = arith.constant 1 : i32
      %parallel_loop3A_272 = arith.addi %parallel_loop3A_270, %parallel_loop3A_271 : i32
      %parallel_loop3A_273 = vector.broadcast %parallel_loop3A_272 : i32 to vector<16xi32>
      %parallel_loop3A_274 = arith.addi %parallel_loop3A_266, %parallel_loop3A_273 : vector<16xi32>
      %parallel_loop3A_275 = arith.constant 7 : i32
      %parallel_loop3A_276 = vector.broadcast %parallel_loop3A_275 : i32 to vector<16xi32>
      %parallel_loop3A_277 = arith.shrsi %parallel_loop3A_274, %parallel_loop3A_276 : vector<16xi32>
      %parallel_loop3A_278 = arith.constant 127 : i32
      %parallel_loop3A_279 = vector.broadcast %parallel_loop3A_278 : i32 to vector<16xi32>
      %parallel_loop3A_280 = arith.andi %parallel_loop3A_274, %parallel_loop3A_279 : vector<16xi32>
      %parallel_loop3A_281 = tpu.vector_load_idx %arg4[%parallel_loop3A_277, %parallel_loop3A_280] : memref<256x128xi32, #tpu.memory_space<vmem>>[vector<16xi32>, vector<16xi32>], vector<16xi32>,
      %parallel_loop3A_282 = arith.index_cast %parallel_loop3A_174 : i32 to index
      %parallel_loop3A_283 = arith.constant 64 : index
      %parallel_loop3A_284 = tpu.vector_load %arg5[%parallel_loop3A_282, %parallel_loop3A_283] {strides = array<i32>} : memref<128x128xi32, #tpu.memory_space<vmem>>, vector<16xi32>,
      tpu.vector_store %arg5[%parallel_loop3A_282, %parallel_loop3A_283], %parallel_loop3A_281 {strides = array<i32>} : memref<128x128xi32, #tpu.memory_space<vmem>>, vector<16xi32>,
      %parallel_loop3A_285 = tpu.iota {dimensions = array<i32: 0>} : vector<16xi32>
      %parallel_loop3A_286 = arith.constant 2 : i32
      %parallel_loop3A_287 = vector.broadcast %parallel_loop3A_286 : i32 to vector<16xi32>
      %parallel_loop3A_288 = arith.muli %parallel_loop3A_285, %parallel_loop3A_287 : vector<16xi32>
      %parallel_loop3A_289 = arith.constant 256 : i32
      %parallel_loop3A_290 = arith.muli %parallel_loop3A_174, %parallel_loop3A_289 : i32
      %parallel_loop3A_291 = arith.constant 160 : i32
      %parallel_loop3A_292 = arith.addi %parallel_loop3A_290, %parallel_loop3A_291 : i32
      %parallel_loop3A_293 = arith.constant 1 : i32
      %parallel_loop3A_294 = arith.addi %parallel_loop3A_292, %parallel_loop3A_293 : i32
      %parallel_loop3A_295 = vector.broadcast %parallel_loop3A_294 : i32 to vector<16xi32>
      %parallel_loop3A_296 = arith.addi %parallel_loop3A_288, %parallel_loop3A_295 : vector<16xi32>
      %parallel_loop3A_297 = arith.constant 7 : i32
      %parallel_loop3A_298 = vector.broadcast %parallel_loop3A_297 : i32 to vector<16xi32>
      %parallel_loop3A_299 = arith.shrsi %parallel_loop3A_296, %parallel_loop3A_298 : vector<16xi32>
      %parallel_loop3A_300 = arith.constant 127 : i32
      %parallel_loop3A_301 = vector.broadcast %parallel_loop3A_300 : i32 to vector<16xi32>
      %parallel_loop3A_302 = arith.andi %parallel_loop3A_296, %parallel_loop3A_301 : vector<16xi32>
      %parallel_loop3A_303 = tpu.vector_load_idx %arg4[%parallel_loop3A_299, %parallel_loop3A_302] : memref<256x128xi32, #tpu.memory_space<vmem>>[vector<16xi32>, vector<16xi32>], vector<16xi32>,
      %parallel_loop3A_304 = arith.index_cast %parallel_loop3A_174 : i32 to index
      %parallel_loop3A_305 = arith.constant 80 : index
      %parallel_loop3A_306 = tpu.vector_load %arg5[%parallel_loop3A_304, %parallel_loop3A_305] {strides = array<i32>} : memref<128x128xi32, #tpu.memory_space<vmem>>, vector<16xi32>,
      tpu.vector_store %arg5[%parallel_loop3A_304, %parallel_loop3A_305], %parallel_loop3A_303 {strides = array<i32>} : memref<128x128xi32, #tpu.memory_space<vmem>>, vector<16xi32>,
      %parallel_loop3A_307 = tpu.iota {dimensions = array<i32: 0>} : vector<16xi32>
      %parallel_loop3A_308 = arith.constant 2 : i32
      %parallel_loop3A_309 = vector.broadcast %parallel_loop3A_308 : i32 to vector<16xi32>
      %parallel_loop3A_310 = arith.muli %parallel_loop3A_307, %parallel_loop3A_309 : vector<16xi32>
      %parallel_loop3A_311 = arith.constant 256 : i32
      %parallel_loop3A_312 = arith.muli %parallel_loop3A_174, %parallel_loop3A_311 : i32
      %parallel_loop3A_313 = arith.constant 192 : i32
      %parallel_loop3A_314 = arith.addi %parallel_loop3A_312, %parallel_loop3A_313 : i32
      %parallel_loop3A_315 = arith.constant 1 : i32
      %parallel_loop3A_316 = arith.addi %parallel_loop3A_314, %parallel_loop3A_315 : i32
      %parallel_loop3A_317 = vector.broadcast %parallel_loop3A_316 : i32 to vector<16xi32>
      %parallel_loop3A_318 = arith.addi %parallel_loop3A_310, %parallel_loop3A_317 : vector<16xi32>
      %parallel_loop3A_319 = arith.constant 7 : i32
      %parallel_loop3A_320 = vector.broadcast %parallel_loop3A_319 : i32 to vector<16xi32>
      %parallel_loop3A_321 = arith.shrsi %parallel_loop3A_318, %parallel_loop3A_320 : vector<16xi32>
      %parallel_loop3A_322 = arith.constant 127 : i32
      %parallel_loop3A_323 = vector.broadcast %parallel_loop3A_322 : i32 to vector<16xi32>
      %parallel_loop3A_324 = arith.andi %parallel_loop3A_318, %parallel_loop3A_323 : vector<16xi32>
      %parallel_loop3A_325 = tpu.vector_load_idx %arg4[%parallel_loop3A_321, %parallel_loop3A_324] : memref<256x128xi32, #tpu.memory_space<vmem>>[vector<16xi32>, vector<16xi32>], vector<16xi32>,
      %parallel_loop3A_326 = arith.index_cast %parallel_loop3A_174 : i32 to index
      %parallel_loop3A_327 = arith.constant 96 : index
      %parallel_loop3A_328 = tpu.vector_load %arg5[%parallel_loop3A_326, %parallel_loop3A_327] {strides = array<i32>} : memref<128x128xi32, #tpu.memory_space<vmem>>, vector<16xi32>,
      tpu.vector_store %arg5[%parallel_loop3A_326, %parallel_loop3A_327], %parallel_loop3A_325 {strides = array<i32>} : memref<128x128xi32, #tpu.memory_space<vmem>>, vector<16xi32>,
      %parallel_loop3A_329 = tpu.iota {dimensions = array<i32: 0>} : vector<16xi32>
      %parallel_loop3A_330 = arith.constant 2 : i32
      %parallel_loop3A_331 = vector.broadcast %parallel_loop3A_330 : i32 to vector<16xi32>
      %parallel_loop3A_332 = arith.muli %parallel_loop3A_329, %parallel_loop3A_331 : vector<16xi32>
      %parallel_loop3A_333 = arith.constant 256 : i32
      %parallel_loop3A_334 = arith.muli %parallel_loop3A_174, %parallel_loop3A_333 : i32
      %parallel_loop3A_335 = arith.constant 224 : i32
      %parallel_loop3A_336 = arith.addi %parallel_loop3A_334, %parallel_loop3A_335 : i32
      %parallel_loop3A_337 = arith.constant 1 : i32
      %parallel_loop3A_338 = arith.addi %parallel_loop3A_336, %parallel_loop3A_337 : i32
      %parallel_loop3A_339 = vector.broadcast %parallel_loop3A_338 : i32 to vector<16xi32>
      %parallel_loop3A_340 = arith.addi %parallel_loop3A_332, %parallel_loop3A_339 : vector<16xi32>
      %parallel_loop3A_341 = arith.constant 7 : i32
      %parallel_loop3A_342 = vector.broadcast %parallel_loop3A_341 : i32 to vector<16xi32>
      %parallel_loop3A_343 = arith.shrsi %parallel_loop3A_340, %parallel_loop3A_342 : vector<16xi32>
      %parallel_loop3A_344 = arith.constant 127 : i32
      %parallel_loop3A_345 = vector.broadcast %parallel_loop3A_344 : i32 to vector<16xi32>
      %parallel_loop3A_346 = arith.andi %parallel_loop3A_340, %parallel_loop3A_345 : vector<16xi32>
      %parallel_loop3A_347 = tpu.vector_load_idx %arg4[%parallel_loop3A_343, %parallel_loop3A_346] : memref<256x128xi32, #tpu.memory_space<vmem>>[vector<16xi32>, vector<16xi32>], vector<16xi32>,
      %parallel_loop3A_348 = arith.index_cast %parallel_loop3A_174 : i32 to index
      %parallel_loop3A_349 = arith.constant 112 : index
      %parallel_loop3A_350 = tpu.vector_load %arg5[%parallel_loop3A_348, %parallel_loop3A_349] {strides = array<i32>} : memref<128x128xi32, #tpu.memory_space<vmem>>, vector<16xi32>,
      tpu.vector_store %arg5[%parallel_loop3A_348, %parallel_loop3A_349], %parallel_loop3A_347 {strides = array<i32>} : memref<128x128xi32, #tpu.memory_space<vmem>>, vector<16xi32>,
    } {sc.loop_unroll_factor = 4 : i64, sc.parallel_access}
    %parallel_loop3A_96 = arith.constant 0 : i32
    %parallel_loop3A_97 = arith.constant 128 : i32
    %parallel_loop3A_98 = arith.constant 1 : i32
    scf.for %parallel_loop3A_174 = %parallel_loop3A_96 to %parallel_loop3A_97 step %parallel_loop3A_98  : i32 {
      %parallel_loop3A_175 = arith.index_cast %parallel_loop3A_174 : i32 to index
      %parallel_loop3A_176 = arith.constant 0 : index
      %parallel_loop3A_177 = tpu.vector_load %arg5[%parallel_loop3A_175, %parallel_loop3A_176] {strides = array<i32>} : memref<128x128xi32, #tpu.memory_space<vmem>>, vector<16xi32>,
      %parallel_loop3A_178 = arith.constant 0 : i32
      %parallel_loop3A_179 = vector.broadcast %parallel_loop3A_178 : i32 to vector<16xi32>
      %parallel_loop3A_180 = arith.subi %parallel_loop3A_177, %parallel_loop3A_179 : vector<16xi32>
      %parallel_loop3A_181 = arith.constant 0 : i32
      %parallel_loop3A_182 = vector.broadcast %parallel_loop3A_181 : i32 to vector<16xi32>
      %parallel_loop3A_183 = arith.cmpi sge, %parallel_loop3A_180, %parallel_loop3A_182 : vector<16xi32>
      %parallel_loop3A_184 = arith.constant 524288 : i32
      %parallel_loop3A_185 = vector.broadcast %parallel_loop3A_184 : i32 to vector<16xi32>
      %parallel_loop3A_186 = arith.cmpi slt, %parallel_loop3A_180, %parallel_loop3A_185 : vector<16xi32>
      %parallel_loop3A_187 = arith.andi %parallel_loop3A_183, %parallel_loop3A_186 : vector<16xi1>
      %parallel_loop3A_188 = arith.constant 128 : i32
      %parallel_loop3A_189 = arith.muli %arg1, %parallel_loop3A_188 : i32
      %parallel_loop3A_190 = arith.constant 524288 : i32
      %parallel_loop3A_191 = arith.addi %parallel_loop3A_190, %parallel_loop3A_189 : i32
      %parallel_loop3A_192 = arith.constant 0 : i32
      %parallel_loop3A_193 = arith.addi %parallel_loop3A_191, %parallel_loop3A_192 : i32
      %parallel_loop3A_194 = tpu.iota {dimensions = array<i32: 0>} : vector<16xi32>
      %parallel_loop3A_195 = vector.broadcast %parallel_loop3A_193 : i32 to vector<16xi32>
      %parallel_loop3A_196 = arith.addi %parallel_loop3A_195, %parallel_loop3A_194 : vector<16xi32>
      %parallel_loop3A_197 = arith.select %parallel_loop3A_187, %parallel_loop3A_180, %parallel_loop3A_196 : vector<16xi1>, vector<16xi32>
      %parallel_loop3A_198 = arith.index_cast %parallel_loop3A_174 : i32 to index
      %parallel_loop3A_199 = arith.constant 0 : index
      %parallel_loop3A_200 = tpu.vector_load %arg6[%parallel_loop3A_198, %parallel_loop3A_199] {strides = array<i32>} : memref<128x128xi32, #tpu.memory_space<vmem>>, vector<16xi32>,
      tpu.vector_store %arg6[%parallel_loop3A_198, %parallel_loop3A_199], %parallel_loop3A_197 {strides = array<i32>} : memref<128x128xi32, #tpu.memory_space<vmem>>, vector<16xi32>,
      %parallel_loop3A_201 = arith.index_cast %parallel_loop3A_174 : i32 to index
      %parallel_loop3A_202 = arith.constant 16 : index
      %parallel_loop3A_203 = tpu.vector_load %arg5[%parallel_loop3A_201, %parallel_loop3A_202] {strides = array<i32>} : memref<128x128xi32, #tpu.memory_space<vmem>>, vector<16xi32>,
      %parallel_loop3A_204 = arith.constant 0 : i32
      %parallel_loop3A_205 = vector.broadcast %parallel_loop3A_204 : i32 to vector<16xi32>
      %parallel_loop3A_206 = arith.subi %parallel_loop3A_203, %parallel_loop3A_205 : vector<16xi32>
      %parallel_loop3A_207 = arith.constant 0 : i32
      %parallel_loop3A_208 = vector.broadcast %parallel_loop3A_207 : i32 to vector<16xi32>
      %parallel_loop3A_209 = arith.cmpi sge, %parallel_loop3A_206, %parallel_loop3A_208 : vector<16xi32>
      %parallel_loop3A_210 = arith.constant 524288 : i32
      %parallel_loop3A_211 = vector.broadcast %parallel_loop3A_210 : i32 to vector<16xi32>
      %parallel_loop3A_212 = arith.cmpi slt, %parallel_loop3A_206, %parallel_loop3A_211 : vector<16xi32>
      %parallel_loop3A_213 = arith.andi %parallel_loop3A_209, %parallel_loop3A_212 : vector<16xi1>
      %parallel_loop3A_214 = arith.constant 128 : i32
      %parallel_loop3A_215 = arith.muli %arg1, %parallel_loop3A_214 : i32
      %parallel_loop3A_216 = arith.constant 524288 : i32
      %parallel_loop3A_217 = arith.addi %parallel_loop3A_216, %parallel_loop3A_215 : i32
      %parallel_loop3A_218 = arith.constant 16 : i32
      %parallel_loop3A_219 = arith.addi %parallel_loop3A_217, %parallel_loop3A_218 : i32
      %parallel_loop3A_220 = tpu.iota {dimensions = array<i32: 0>} : vector<16xi32>
      %parallel_loop3A_221 = vector.broadcast %parallel_loop3A_219 : i32 to vector<16xi32>
      %parallel_loop3A_222 = arith.addi %parallel_loop3A_221, %parallel_loop3A_220 : vector<16xi32>
      %parallel_loop3A_223 = arith.select %parallel_loop3A_213, %parallel_loop3A_206, %parallel_loop3A_222 : vector<16xi1>, vector<16xi32>
      %parallel_loop3A_224 = arith.index_cast %parallel_loop3A_174 : i32 to index
      %parallel_loop3A_225 = arith.constant 16 : index
      %parallel_loop3A_226 = tpu.vector_load %arg6[%parallel_loop3A_224, %parallel_loop3A_225] {strides = array<i32>} : memref<128x128xi32, #tpu.memory_space<vmem>>, vector<16xi32>,
      tpu.vector_store %arg6[%parallel_loop3A_224, %parallel_loop3A_225], %parallel_loop3A_223 {strides = array<i32>} : memref<128x128xi32, #tpu.memory_space<vmem>>, vector<16xi32>,
      %parallel_loop3A_227 = arith.index_cast %parallel_loop3A_174 : i32 to index
      %parallel_loop3A_228 = arith.constant 32 : index
      %parallel_loop3A_229 = tpu.vector_load %arg5[%parallel_loop3A_227, %parallel_loop3A_228] {strides = array<i32>} : memref<128x128xi32, #tpu.memory_space<vmem>>, vector<16xi32>,
      %parallel_loop3A_230 = arith.constant 0 : i32
      %parallel_loop3A_231 = vector.broadcast %parallel_loop3A_230 : i32 to vector<16xi32>
      %parallel_loop3A_232 = arith.subi %parallel_loop3A_229, %parallel_loop3A_231 : vector<16xi32>
      %parallel_loop3A_233 = arith.constant 0 : i32
      %parallel_loop3A_234 = vector.broadcast %parallel_loop3A_233 : i32 to vector<16xi32>
      %parallel_loop3A_235 = arith.cmpi sge, %parallel_loop3A_232, %parallel_loop3A_234 : vector<16xi32>
      %parallel_loop3A_236 = arith.constant 524288 : i32
      %parallel_loop3A_237 = vector.broadcast %parallel_loop3A_236 : i32 to vector<16xi32>
      %parallel_loop3A_238 = arith.cmpi slt, %parallel_loop3A_232, %parallel_loop3A_237 : vector<16xi32>
      %parallel_loop3A_239 = arith.andi %parallel_loop3A_235, %parallel_loop3A_238 : vector<16xi1>
      %parallel_loop3A_240 = arith.constant 128 : i32
      %parallel_loop3A_241 = arith.muli %arg1, %parallel_loop3A_240 : i32
      %parallel_loop3A_242 = arith.constant 524288 : i32
      %parallel_loop3A_243 = arith.addi %parallel_loop3A_242, %parallel_loop3A_241 : i32
      %parallel_loop3A_244 = arith.constant 32 : i32
      %parallel_loop3A_245 = arith.addi %parallel_loop3A_243, %parallel_loop3A_244 : i32
      %parallel_loop3A_246 = tpu.iota {dimensions = array<i32: 0>} : vector<16xi32>
      %parallel_loop3A_247 = vector.broadcast %parallel_loop3A_245 : i32 to vector<16xi32>
      %parallel_loop3A_248 = arith.addi %parallel_loop3A_247, %parallel_loop3A_246 : vector<16xi32>
      %parallel_loop3A_249 = arith.select %parallel_loop3A_239, %parallel_loop3A_232, %parallel_loop3A_248 : vector<16xi1>, vector<16xi32>
      %parallel_loop3A_250 = arith.index_cast %parallel_loop3A_174 : i32 to index
      %parallel_loop3A_251 = arith.constant 32 : index
      %parallel_loop3A_252 = tpu.vector_load %arg6[%parallel_loop3A_250, %parallel_loop3A_251] {strides = array<i32>} : memref<128x128xi32, #tpu.memory_space<vmem>>, vector<16xi32>,
      tpu.vector_store %arg6[%parallel_loop3A_250, %parallel_loop3A_251], %parallel_loop3A_249 {strides = array<i32>} : memref<128x128xi32, #tpu.memory_space<vmem>>, vector<16xi32>,
      %parallel_loop3A_253 = arith.index_cast %parallel_loop3A_174 : i32 to index
      %parallel_loop3A_254 = arith.constant 48 : index
      %parallel_loop3A_255 = tpu.vector_load %arg5[%parallel_loop3A_253, %parallel_loop3A_254] {strides = array<i32>} : memref<128x128xi32, #tpu.memory_space<vmem>>, vector<16xi32>,
      %parallel_loop3A_256 = arith.constant 0 : i32
      %parallel_loop3A_257 = vector.broadcast %parallel_loop3A_256 : i32 to vector<16xi32>
      %parallel_loop3A_258 = arith.subi %parallel_loop3A_255, %parallel_loop3A_257 : vector<16xi32>
      %parallel_loop3A_259 = arith.constant 0 : i32
      %parallel_loop3A_260 = vector.broadcast %parallel_loop3A_259 : i32 to vector<16xi32>
      %parallel_loop3A_261 = arith.cmpi sge, %parallel_loop3A_258, %parallel_loop3A_260 : vector<16xi32>
      %parallel_loop3A_262 = arith.constant 524288 : i32
      %parallel_loop3A_263 = vector.broadcast %parallel_loop3A_262 : i32 to vector<16xi32>
      %parallel_loop3A_264 = arith.cmpi slt, %parallel_loop3A_258, %parallel_loop3A_263 : vector<16xi32>
      %parallel_loop3A_265 = arith.andi %parallel_loop3A_261, %parallel_loop3A_264 : vector<16xi1>
      %parallel_loop3A_266 = arith.constant 128 : i32
      %parallel_loop3A_267 = arith.muli %arg1, %parallel_loop3A_266 : i32
      %parallel_loop3A_268 = arith.constant 524288 : i32
      %parallel_loop3A_269 = arith.addi %parallel_loop3A_268, %parallel_loop3A_267 : i32
      %parallel_loop3A_270 = arith.constant 48 : i32
      %parallel_loop3A_271 = arith.addi %parallel_loop3A_269, %parallel_loop3A_270 : i32
      %parallel_loop3A_272 = tpu.iota {dimensions = array<i32: 0>} : vector<16xi32>
      %parallel_loop3A_273 = vector.broadcast %parallel_loop3A_271 : i32 to vector<16xi32>
      %parallel_loop3A_274 = arith.addi %parallel_loop3A_273, %parallel_loop3A_272 : vector<16xi32>
      %parallel_loop3A_275 = arith.select %parallel_loop3A_265, %parallel_loop3A_258, %parallel_loop3A_274 : vector<16xi1>, vector<16xi32>
      %parallel_loop3A_276 = arith.index_cast %parallel_loop3A_174 : i32 to index
      %parallel_loop3A_277 = arith.constant 48 : index
      %parallel_loop3A_278 = tpu.vector_load %arg6[%parallel_loop3A_276, %parallel_loop3A_277] {strides = array<i32>} : memref<128x128xi32, #tpu.memory_space<vmem>>, vector<16xi32>,
      tpu.vector_store %arg6[%parallel_loop3A_276, %parallel_loop3A_277], %parallel_loop3A_275 {strides = array<i32>} : memref<128x128xi32, #tpu.memory_space<vmem>>, vector<16xi32>,
      %parallel_loop3A_279 = arith.index_cast %parallel_loop3A_174 : i32 to index
      %parallel_loop3A_280 = arith.constant 64 : index
      %parallel_loop3A_281 = tpu.vector_load %arg5[%parallel_loop3A_279, %parallel_loop3A_280] {strides = array<i32>} : memref<128x128xi32, #tpu.memory_space<vmem>>, vector<16xi32>,
      %parallel_loop3A_282 = arith.constant 0 : i32
      %parallel_loop3A_283 = vector.broadcast %parallel_loop3A_282 : i32 to vector<16xi32>
      %parallel_loop3A_284 = arith.subi %parallel_loop3A_281, %parallel_loop3A_283 : vector<16xi32>
      %parallel_loop3A_285 = arith.constant 0 : i32
      %parallel_loop3A_286 = vector.broadcast %parallel_loop3A_285 : i32 to vector<16xi32>
      %parallel_loop3A_287 = arith.cmpi sge, %parallel_loop3A_284, %parallel_loop3A_286 : vector<16xi32>
      %parallel_loop3A_288 = arith.constant 524288 : i32
      %parallel_loop3A_289 = vector.broadcast %parallel_loop3A_288 : i32 to vector<16xi32>
      %parallel_loop3A_290 = arith.cmpi slt, %parallel_loop3A_284, %parallel_loop3A_289 : vector<16xi32>
      %parallel_loop3A_291 = arith.andi %parallel_loop3A_287, %parallel_loop3A_290 : vector<16xi1>
      %parallel_loop3A_292 = arith.constant 128 : i32
      %parallel_loop3A_293 = arith.muli %arg1, %parallel_loop3A_292 : i32
      %parallel_loop3A_294 = arith.constant 524288 : i32
      %parallel_loop3A_295 = arith.addi %parallel_loop3A_294, %parallel_loop3A_293 : i32
      %parallel_loop3A_296 = arith.constant 64 : i32
      %parallel_loop3A_297 = arith.addi %parallel_loop3A_295, %parallel_loop3A_296 : i32
      %parallel_loop3A_298 = tpu.iota {dimensions = array<i32: 0>} : vector<16xi32>
      %parallel_loop3A_299 = vector.broadcast %parallel_loop3A_297 : i32 to vector<16xi32>
      %parallel_loop3A_300 = arith.addi %parallel_loop3A_299, %parallel_loop3A_298 : vector<16xi32>
      %parallel_loop3A_301 = arith.select %parallel_loop3A_291, %parallel_loop3A_284, %parallel_loop3A_300 : vector<16xi1>, vector<16xi32>
      %parallel_loop3A_302 = arith.index_cast %parallel_loop3A_174 : i32 to index
      %parallel_loop3A_303 = arith.constant 64 : index
      %parallel_loop3A_304 = tpu.vector_load %arg6[%parallel_loop3A_302, %parallel_loop3A_303] {strides = array<i32>} : memref<128x128xi32, #tpu.memory_space<vmem>>, vector<16xi32>,
      tpu.vector_store %arg6[%parallel_loop3A_302, %parallel_loop3A_303], %parallel_loop3A_301 {strides = array<i32>} : memref<128x128xi32, #tpu.memory_space<vmem>>, vector<16xi32>,
      %parallel_loop3A_305 = arith.index_cast %parallel_loop3A_174 : i32 to index
      %parallel_loop3A_306 = arith.constant 80 : index
      %parallel_loop3A_307 = tpu.vector_load %arg5[%parallel_loop3A_305, %parallel_loop3A_306] {strides = array<i32>} : memref<128x128xi32, #tpu.memory_space<vmem>>, vector<16xi32>,
      %parallel_loop3A_308 = arith.constant 0 : i32
      %parallel_loop3A_309 = vector.broadcast %parallel_loop3A_308 : i32 to vector<16xi32>
      %parallel_loop3A_310 = arith.subi %parallel_loop3A_307, %parallel_loop3A_309 : vector<16xi32>
      %parallel_loop3A_311 = arith.constant 0 : i32
      %parallel_loop3A_312 = vector.broadcast %parallel_loop3A_311 : i32 to vector<16xi32>
      %parallel_loop3A_313 = arith.cmpi sge, %parallel_loop3A_310, %parallel_loop3A_312 : vector<16xi32>
      %parallel_loop3A_314 = arith.constant 524288 : i32
      %parallel_loop3A_315 = vector.broadcast %parallel_loop3A_314 : i32 to vector<16xi32>
      %parallel_loop3A_316 = arith.cmpi slt, %parallel_loop3A_310, %parallel_loop3A_315 : vector<16xi32>
      %parallel_loop3A_317 = arith.andi %parallel_loop3A_313, %parallel_loop3A_316 : vector<16xi1>
      %parallel_loop3A_318 = arith.constant 128 : i32
      %parallel_loop3A_319 = arith.muli %arg1, %parallel_loop3A_318 : i32
      %parallel_loop3A_320 = arith.constant 524288 : i32
      %parallel_loop3A_321 = arith.addi %parallel_loop3A_320, %parallel_loop3A_319 : i32
      %parallel_loop3A_322 = arith.constant 80 : i32
      %parallel_loop3A_323 = arith.addi %parallel_loop3A_321, %parallel_loop3A_322 : i32
      %parallel_loop3A_324 = tpu.iota {dimensions = array<i32: 0>} : vector<16xi32>
      %parallel_loop3A_325 = vector.broadcast %parallel_loop3A_323 : i32 to vector<16xi32>
      %parallel_loop3A_326 = arith.addi %parallel_loop3A_325, %parallel_loop3A_324 : vector<16xi32>
      %parallel_loop3A_327 = arith.select %parallel_loop3A_317, %parallel_loop3A_310, %parallel_loop3A_326 : vector<16xi1>, vector<16xi32>
      %parallel_loop3A_328 = arith.index_cast %parallel_loop3A_174 : i32 to index
      %parallel_loop3A_329 = arith.constant 80 : index
      %parallel_loop3A_330 = tpu.vector_load %arg6[%parallel_loop3A_328, %parallel_loop3A_329] {strides = array<i32>} : memref<128x128xi32, #tpu.memory_space<vmem>>, vector<16xi32>,
      tpu.vector_store %arg6[%parallel_loop3A_328, %parallel_loop3A_329], %parallel_loop3A_327 {strides = array<i32>} : memref<128x128xi32, #tpu.memory_space<vmem>>, vector<16xi32>,
      %parallel_loop3A_331 = arith.index_cast %parallel_loop3A_174 : i32 to index
      %parallel_loop3A_332 = arith.constant 96 : index
      %parallel_loop3A_333 = tpu.vector_load %arg5[%parallel_loop3A_331, %parallel_loop3A_332] {strides = array<i32>} : memref<128x128xi32, #tpu.memory_space<vmem>>, vector<16xi32>,
      %parallel_loop3A_334 = arith.constant 0 : i32
      %parallel_loop3A_335 = vector.broadcast %parallel_loop3A_334 : i32 to vector<16xi32>
      %parallel_loop3A_336 = arith.subi %parallel_loop3A_333, %parallel_loop3A_335 : vector<16xi32>
      %parallel_loop3A_337 = arith.constant 0 : i32
      %parallel_loop3A_338 = vector.broadcast %parallel_loop3A_337 : i32 to vector<16xi32>
      %parallel_loop3A_339 = arith.cmpi sge, %parallel_loop3A_336, %parallel_loop3A_338 : vector<16xi32>
      %parallel_loop3A_340 = arith.constant 524288 : i32
      %parallel_loop3A_341 = vector.broadcast %parallel_loop3A_340 : i32 to vector<16xi32>
      %parallel_loop3A_342 = arith.cmpi slt, %parallel_loop3A_336, %parallel_loop3A_341 : vector<16xi32>
      %parallel_loop3A_343 = arith.andi %parallel_loop3A_339, %parallel_loop3A_342 : vector<16xi1>
      %parallel_loop3A_344 = arith.constant 128 : i32
      %parallel_loop3A_345 = arith.muli %arg1, %parallel_loop3A_344 : i32
      %parallel_loop3A_346 = arith.constant 524288 : i32
      %parallel_loop3A_347 = arith.addi %parallel_loop3A_346, %parallel_loop3A_345 : i32
      %parallel_loop3A_348 = arith.constant 96 : i32
      %parallel_loop3A_349 = arith.addi %parallel_loop3A_347, %parallel_loop3A_348 : i32
      %parallel_loop3A_350 = tpu.iota {dimensions = array<i32: 0>} : vector<16xi32>
      %parallel_loop3A_351 = vector.broadcast %parallel_loop3A_349 : i32 to vector<16xi32>
      %parallel_loop3A_352 = arith.addi %parallel_loop3A_351, %parallel_loop3A_350 : vector<16xi32>
      %parallel_loop3A_353 = arith.select %parallel_loop3A_343, %parallel_loop3A_336, %parallel_loop3A_352 : vector<16xi1>, vector<16xi32>
      %parallel_loop3A_354 = arith.index_cast %parallel_loop3A_174 : i32 to index
      %parallel_loop3A_355 = arith.constant 96 : index
      %parallel_loop3A_356 = tpu.vector_load %arg6[%parallel_loop3A_354, %parallel_loop3A_355] {strides = array<i32>} : memref<128x128xi32, #tpu.memory_space<vmem>>, vector<16xi32>,
      tpu.vector_store %arg6[%parallel_loop3A_354, %parallel_loop3A_355], %parallel_loop3A_353 {strides = array<i32>} : memref<128x128xi32, #tpu.memory_space<vmem>>, vector<16xi32>,
      %parallel_loop3A_357 = arith.index_cast %parallel_loop3A_174 : i32 to index
      %parallel_loop3A_358 = arith.constant 112 : index
      %parallel_loop3A_359 = tpu.vector_load %arg5[%parallel_loop3A_357, %parallel_loop3A_358] {strides = array<i32>} : memref<128x128xi32, #tpu.memory_space<vmem>>, vector<16xi32>,
      %parallel_loop3A_360 = arith.constant 0 : i32
      %parallel_loop3A_361 = vector.broadcast %parallel_loop3A_360 : i32 to vector<16xi32>
      %parallel_loop3A_362 = arith.subi %parallel_loop3A_359, %parallel_loop3A_361 : vector<16xi32>
      %parallel_loop3A_363 = arith.constant 0 : i32
      %parallel_loop3A_364 = vector.broadcast %parallel_loop3A_363 : i32 to vector<16xi32>
      %parallel_loop3A_365 = arith.cmpi sge, %parallel_loop3A_362, %parallel_loop3A_364 : vector<16xi32>
      %parallel_loop3A_366 = arith.constant 524288 : i32
      %parallel_loop3A_367 = vector.broadcast %parallel_loop3A_366 : i32 to vector<16xi32>
      %parallel_loop3A_368 = arith.cmpi slt, %parallel_loop3A_362, %parallel_loop3A_367 : vector<16xi32>
      %parallel_loop3A_369 = arith.andi %parallel_loop3A_365, %parallel_loop3A_368 : vector<16xi1>
      %parallel_loop3A_370 = arith.constant 128 : i32
      %parallel_loop3A_371 = arith.muli %arg1, %parallel_loop3A_370 : i32
      %parallel_loop3A_372 = arith.constant 524288 : i32
      %parallel_loop3A_373 = arith.addi %parallel_loop3A_372, %parallel_loop3A_371 : i32
      %parallel_loop3A_374 = arith.constant 112 : i32
      %parallel_loop3A_375 = arith.addi %parallel_loop3A_373, %parallel_loop3A_374 : i32
      %parallel_loop3A_376 = tpu.iota {dimensions = array<i32: 0>} : vector<16xi32>
      %parallel_loop3A_377 = vector.broadcast %parallel_loop3A_375 : i32 to vector<16xi32>
      %parallel_loop3A_378 = arith.addi %parallel_loop3A_377, %parallel_loop3A_376 : vector<16xi32>
      %parallel_loop3A_379 = arith.select %parallel_loop3A_369, %parallel_loop3A_362, %parallel_loop3A_378 : vector<16xi1>, vector<16xi32>
      %parallel_loop3A_380 = arith.index_cast %parallel_loop3A_174 : i32 to index
      %parallel_loop3A_381 = arith.constant 112 : index
      %parallel_loop3A_382 = tpu.vector_load %arg6[%parallel_loop3A_380, %parallel_loop3A_381] {strides = array<i32>} : memref<128x128xi32, #tpu.memory_space<vmem>>, vector<16xi32>,
      tpu.vector_store %arg6[%parallel_loop3A_380, %parallel_loop3A_381], %parallel_loop3A_379 {strides = array<i32>} : memref<128x128xi32, #tpu.memory_space<vmem>>, vector<16xi32>,
    } {sc.loop_unroll_factor = 4 : i64, sc.parallel_access}
    %mul3A_99 = arith.constant 32768 : i32
    %mul3A_100 = arith.muli %arg1, %mul3A_99 : i32
    %add3A_101 = arith.constant 0 : i32
    %add3A_102 = arith.addi %mul3A_100, %add3A_101 : i32
    "tpu.region"() ({
      %run_scoped3A_174 = tpu.sem_alloc : memref<!tpu.dma_semaphore, #tpu.memory_space<semaphore_mem>>
      %dma_start3A = tpu.memref_slice %arg9[%add3A_102] : memref<526336xf32, #tpu.memory_space<vmem_shared>> -> memref<16384xf32, #tpu.memory_space<vmem_shared>>
      %dma_start3A_175 = tpu.memref_slice %arg9[%add3A_102] : memref<526336xf32, #tpu.memory_space<vmem_shared>> -> memref<16384xf32, #tpu.memory_space<vmem_shared>>
      tpu.enqueue_dma source(%arg8 : memref<16384xf32, #tpu.memory_space<vmem>>) target(%dma_start3A_175 : memref<16384xf32, #tpu.memory_space<vmem_shared>>) target_semaphore(%run_scoped3A_174 : memref<!tpu.dma_semaphore, #tpu.memory_space<semaphore_mem>>)
      %dma_wait3A = tpu.memref_slice %arg9[%add3A_102] : memref<526336xf32, #tpu.memory_space<vmem_shared>> -> memref<16384xf32, #tpu.memory_space<vmem_shared>>
      %dma_wait3A_176 = tpu.memref_slice %arg9[%add3A_102] : memref<526336xf32, #tpu.memory_space<vmem_shared>> -> memref<16384xf32, #tpu.memory_space<vmem_shared>>
      tpu.wait_dma2 semaphore(%run_scoped3A_174 : memref<!tpu.dma_semaphore, #tpu.memory_space<semaphore_mem>>) src(%arg8 : memref<16384xf32, #tpu.memory_space<vmem>>) dst(%dma_wait3A_176 : memref<16384xf32, #tpu.memory_space<vmem_shared>>)
      tpu.yield
    }) : () -> ()
    %mul3A_103 = arith.constant 32768 : i32
    %mul3A_104 = arith.muli %arg1, %mul3A_103 : i32
    %add3A_105 = arith.constant 16384 : i32
    %add3A_106 = arith.addi %mul3A_104, %add3A_105 : i32
    "tpu.region"() ({
      %run_scoped3A_174 = tpu.sem_alloc : memref<!tpu.dma_semaphore, #tpu.memory_space<semaphore_mem>>
      %dma_start3A = tpu.memref_slice %arg9[%add3A_106] : memref<526336xf32, #tpu.memory_space<vmem_shared>> -> memref<16384xf32, #tpu.memory_space<vmem_shared>>
      %dma_start3A_175 = tpu.memref_slice %arg9[%add3A_106] : memref<526336xf32, #tpu.memory_space<vmem_shared>> -> memref<16384xf32, #tpu.memory_space<vmem_shared>>
      tpu.enqueue_dma source(%arg8 : memref<16384xf32, #tpu.memory_space<vmem>>) target(%dma_start3A_175 : memref<16384xf32, #tpu.memory_space<vmem_shared>>) target_semaphore(%run_scoped3A_174 : memref<!tpu.dma_semaphore, #tpu.memory_space<semaphore_mem>>)
      %dma_wait3A = tpu.memref_slice %arg9[%add3A_106] : memref<526336xf32, #tpu.memory_space<vmem_shared>> -> memref<16384xf32, #tpu.memory_space<vmem_shared>>
      %dma_wait3A_176 = tpu.memref_slice %arg9[%add3A_106] : memref<526336xf32, #tpu.memory_space<vmem_shared>> -> memref<16384xf32, #tpu.memory_space<vmem_shared>>
      tpu.wait_dma2 semaphore(%run_scoped3A_174 : memref<!tpu.dma_semaphore, #tpu.memory_space<semaphore_mem>>) src(%arg8 : memref<16384xf32, #tpu.memory_space<vmem>>) dst(%dma_wait3A_176 : memref<16384xf32, #tpu.memory_space<vmem_shared>>)
      tpu.yield
    }) : () -> ()
    %barrier3A_107 = arith.constant 0 : index
    tpu.barrier barrier_id(%barrier3A_107)
    %scan3A_108 = arith.constant 0 : i32
    %scan3A_109 = arith.constant 0 : i32
    %scan3A_110 = arith.constant 128 : i32
    %scan3A_111 = arith.addi %scan3A_109, %scan3A_110 : i32
    %scan3A_112 = arith.constant 1 : i32
    scf.for %scan3A_174 = %scan3A_109 to %scan3A_111 step %scan3A_112  : i32 {
      %dma_start3A = arith.constant 0 : i32
      %dma_start3A_175 = tpu.memref_slice %arg6[%scan3A_174, %dma_start3A] : memref<128x128xi32, #tpu.memory_space<vmem>> -> memref<1x128xi32, #tpu.memory_space<vmem>>
      %dma_start3A_176 = tpu.memref_squeeze %dma_start3A_175 : memref<1x128xi32, #tpu.memory_space<vmem>> -> memref<128xi32, #tpu.memory_space<vmem>>
      %dma_start3A_177 = arith.constant 0 : i32
      %dma_start3A_178 = tpu.memref_slice %arg9[%dma_start3A_177] : memref<526336xf32, #tpu.memory_space<vmem_shared>> -> memref<526336xf32, #tpu.memory_space<vmem_shared>>
      tpu.enqueue_indirect_dma source(%arg7 : memref<128xf32, #tpu.memory_space<vmem>>) target(%dma_start3A_178 : memref<526336xf32, #tpu.memory_space<vmem_shared>>) offsets(%dma_start3A_176 : memref<128xi32, #tpu.memory_space<vmem>>) semaphore(%arg10 : memref<!tpu.dma_semaphore, #tpu.memory_space<semaphore_mem>>) {add = true}
    }
    %scan3A_113 = arith.constant 128 : i32
    %scan3A_114 = arith.constant 0 : i32
    %scan3A_115 = arith.constant 0 : i32
    %scan3A_116 = arith.constant 128 : i32
    %scan3A_117 = arith.addi %scan3A_115, %scan3A_116 : i32
    %scan3A_118 = arith.constant 1 : i32
    scf.for %scan3A_174 = %scan3A_115 to %scan3A_117 step %scan3A_118  : i32 {
      %dma_wait3A = arith.constant 0 : i32
      %dma_wait3A_175 = tpu.memref_slice %arg6[%scan3A_174, %dma_wait3A] : memref<128x128xi32, #tpu.memory_space<vmem>> -> memref<1x128xi32, #tpu.memory_space<vmem>>
      %dma_wait3A_176 = tpu.memref_squeeze %dma_wait3A_175 : memref<1x128xi32, #tpu.memory_space<vmem>> -> memref<128xi32, #tpu.memory_space<vmem>>
      %dma_wait3A_177 = arith.constant 0 : i32
      %dma_wait3A_178 = tpu.memref_slice %arg9[%dma_wait3A_177] : memref<526336xf32, #tpu.memory_space<vmem_shared>> -> memref<526336xf32, #tpu.memory_space<vmem_shared>>
      tpu.wait_indirect_dma semaphore(%arg10 : memref<!tpu.dma_semaphore, #tpu.memory_space<semaphore_mem>>) src(%arg7 : memref<128xf32, #tpu.memory_space<vmem>>) dst(%dma_wait3A_178 : memref<526336xf32, #tpu.memory_space<vmem_shared>>)
    }
    %scan3A_119 = arith.constant 128 : i32
    %barrier3A_120 = arith.constant 0 : index
    tpu.barrier barrier_id(%barrier3A_120)
    %mul3A_121 = arith.constant 32768 : i32
    %mul3A_122 = arith.muli %arg1, %mul3A_121 : i32
    %add3A_123 = arith.constant 0 : i32
    %add3A_124 = arith.addi %mul3A_122, %add3A_123 : i32
    %add3A_125 = arith.constant 0 : i32
    %add3A_126 = arith.addi %add3A_125, %add3A_124 : i32
    %run_scoped3A_127 = arith.constant 1 : i32
    "tpu.region"() ({
      %run_scoped3A_174 = tpu.sem_alloc : memref<!tpu.dma_semaphore, #tpu.memory_space<semaphore_mem>>
      %dma_start3A = tpu.memref_slice %arg3[%run_scoped3A_127, %add3A_126] : memref<2x1048576xf32, #tpu.memory_space<hbm>> -> memref<1x16384xf32, #tpu.memory_space<hbm>>
      %dma_start3A_175 = tpu.memref_squeeze %dma_start3A : memref<1x16384xf32, #tpu.memory_space<hbm>> -> memref<16384xf32, #tpu.memory_space<hbm>>
      %dma_start3A_176 = tpu.memref_slice %arg9[%add3A_124] : memref<526336xf32, #tpu.memory_space<vmem_shared>> -> memref<16384xf32, #tpu.memory_space<vmem_shared>>
      tpu.enqueue_dma source(%dma_start3A_176 : memref<16384xf32, #tpu.memory_space<vmem_shared>>) target(%dma_start3A_175 : memref<16384xf32, #tpu.memory_space<hbm>>) target_semaphore(%run_scoped3A_174 : memref<!tpu.dma_semaphore, #tpu.memory_space<semaphore_mem>>)
      %dma_wait3A = tpu.memref_slice %arg3[%run_scoped3A_127, %add3A_126] : memref<2x1048576xf32, #tpu.memory_space<hbm>> -> memref<1x16384xf32, #tpu.memory_space<hbm>>
      %dma_wait3A_177 = tpu.memref_squeeze %dma_wait3A : memref<1x16384xf32, #tpu.memory_space<hbm>> -> memref<16384xf32, #tpu.memory_space<hbm>>
      %dma_wait3A_178 = tpu.memref_slice %arg9[%add3A_124] : memref<526336xf32, #tpu.memory_space<vmem_shared>> -> memref<16384xf32, #tpu.memory_space<vmem_shared>>
      tpu.wait_dma2 semaphore(%run_scoped3A_174 : memref<!tpu.dma_semaphore, #tpu.memory_space<semaphore_mem>>) src(%dma_wait3A_178 : memref<16384xf32, #tpu.memory_space<vmem_shared>>) dst(%dma_wait3A_177 : memref<16384xf32, #tpu.memory_space<hbm>>)
      tpu.yield
    }) : () -> ()
    %mul3A_128 = arith.constant 32768 : i32
    %mul3A_129 = arith.muli %arg1, %mul3A_128 : i32
    %add3A_130 = arith.constant 16384 : i32
    %add3A_131 = arith.addi %mul3A_129, %add3A_130 : i32
    %add3A_132 = arith.constant 0 : i32
    %add3A_133 = arith.addi %add3A_132, %add3A_131 : i32
    %run_scoped3A_134 = arith.constant 1 : i32
    "tpu.region"() ({
      %run_scoped3A_174 = tpu.sem_alloc : memref<!tpu.dma_semaphore, #tpu.memory_space<semaphore_mem>>
      %dma_start3A = tpu.memref_slice %arg3[%run_scoped3A_134, %add3A_133] : memref<2x1048576xf32, #tpu.memory_space<hbm>> -> memref<1x16384xf32, #tpu.memory_space<hbm>>
      %dma_start3A_175 = tpu.memref_squeeze %dma_start3A : memref<1x16384xf32, #tpu.memory_space<hbm>> -> memref<16384xf32, #tpu.memory_space<hbm>>
      %dma_start3A_176 = tpu.memref_slice %arg9[%add3A_131] : memref<526336xf32, #tpu.memory_space<vmem_shared>> -> memref<16384xf32, #tpu.memory_space<vmem_shared>>
      tpu.enqueue_dma source(%dma_start3A_176 : memref<16384xf32, #tpu.memory_space<vmem_shared>>) target(%dma_start3A_175 : memref<16384xf32, #tpu.memory_space<hbm>>) target_semaphore(%run_scoped3A_174 : memref<!tpu.dma_semaphore, #tpu.memory_space<semaphore_mem>>)
      %dma_wait3A = tpu.memref_slice %arg3[%run_scoped3A_134, %add3A_133] : memref<2x1048576xf32, #tpu.memory_space<hbm>> -> memref<1x16384xf32, #tpu.memory_space<hbm>>
      %dma_wait3A_177 = tpu.memref_squeeze %dma_wait3A : memref<1x16384xf32, #tpu.memory_space<hbm>> -> memref<16384xf32, #tpu.memory_space<hbm>>
      %dma_wait3A_178 = tpu.memref_slice %arg9[%add3A_131] : memref<526336xf32, #tpu.memory_space<vmem_shared>> -> memref<16384xf32, #tpu.memory_space<vmem_shared>>
      tpu.wait_dma2 semaphore(%run_scoped3A_174 : memref<!tpu.dma_semaphore, #tpu.memory_space<semaphore_mem>>) src(%dma_wait3A_178 : memref<16384xf32, #tpu.memory_space<vmem_shared>>) dst(%dma_wait3A_177 : memref<16384xf32, #tpu.memory_space<hbm>>)
      tpu.yield
    }) : () -> ()
    %parallel_loop3A_135 = arith.constant 0 : i32
    %parallel_loop3A_136 = arith.constant 128 : i32
    %parallel_loop3A_137 = arith.constant 1 : i32
    scf.for %parallel_loop3A_174 = %parallel_loop3A_135 to %parallel_loop3A_136 step %parallel_loop3A_137  : i32 {
      %parallel_loop3A_175 = arith.index_cast %parallel_loop3A_174 : i32 to index
      %parallel_loop3A_176 = arith.constant 0 : index
      %parallel_loop3A_177 = tpu.vector_load %arg5[%parallel_loop3A_175, %parallel_loop3A_176] {strides = array<i32>} : memref<128x128xi32, #tpu.memory_space<vmem>>, vector<16xi32>,
      %parallel_loop3A_178 = arith.constant 524288 : i32
      %parallel_loop3A_179 = vector.broadcast %parallel_loop3A_178 : i32 to vector<16xi32>
      %parallel_loop3A_180 = arith.subi %parallel_loop3A_177, %parallel_loop3A_179 : vector<16xi32>
      %parallel_loop3A_181 = arith.constant 0 : i32
      %parallel_loop3A_182 = vector.broadcast %parallel_loop3A_181 : i32 to vector<16xi32>
      %parallel_loop3A_183 = arith.cmpi sge, %parallel_loop3A_180, %parallel_loop3A_182 : vector<16xi32>
      %parallel_loop3A_184 = arith.constant 524288 : i32
      %parallel_loop3A_185 = vector.broadcast %parallel_loop3A_184 : i32 to vector<16xi32>
      %parallel_loop3A_186 = arith.cmpi slt, %parallel_loop3A_180, %parallel_loop3A_185 : vector<16xi32>
      %parallel_loop3A_187 = arith.andi %parallel_loop3A_183, %parallel_loop3A_186 : vector<16xi1>
      %parallel_loop3A_188 = arith.constant 128 : i32
      %parallel_loop3A_189 = arith.muli %arg1, %parallel_loop3A_188 : i32
      %parallel_loop3A_190 = arith.constant 524288 : i32
      %parallel_loop3A_191 = arith.addi %parallel_loop3A_190, %parallel_loop3A_189 : i32
      %parallel_loop3A_192 = arith.constant 0 : i32
      %parallel_loop3A_193 = arith.addi %parallel_loop3A_191, %parallel_loop3A_192 : i32
      %parallel_loop3A_194 = tpu.iota {dimensions = array<i32: 0>} : vector<16xi32>
      %parallel_loop3A_195 = vector.broadcast %parallel_loop3A_193 : i32 to vector<16xi32>
      %parallel_loop3A_196 = arith.addi %parallel_loop3A_195, %parallel_loop3A_194 : vector<16xi32>
      %parallel_loop3A_197 = arith.select %parallel_loop3A_187, %parallel_loop3A_180, %parallel_loop3A_196 : vector<16xi1>, vector<16xi32>
      %parallel_loop3A_198 = arith.index_cast %parallel_loop3A_174 : i32 to index
      %parallel_loop3A_199 = arith.constant 0 : index
      %parallel_loop3A_200 = tpu.vector_load %arg6[%parallel_loop3A_198, %parallel_loop3A_199] {strides = array<i32>} : memref<128x128xi32, #tpu.memory_space<vmem>>, vector<16xi32>,
      tpu.vector_store %arg6[%parallel_loop3A_198, %parallel_loop3A_199], %parallel_loop3A_197 {strides = array<i32>} : memref<128x128xi32, #tpu.memory_space<vmem>>, vector<16xi32>,
      %parallel_loop3A_201 = arith.index_cast %parallel_loop3A_174 : i32 to index
      %parallel_loop3A_202 = arith.constant 16 : index
      %parallel_loop3A_203 = tpu.vector_load %arg5[%parallel_loop3A_201, %parallel_loop3A_202] {strides = array<i32>} : memref<128x128xi32, #tpu.memory_space<vmem>>, vector<16xi32>,
      %parallel_loop3A_204 = arith.constant 524288 : i32
      %parallel_loop3A_205 = vector.broadcast %parallel_loop3A_204 : i32 to vector<16xi32>
      %parallel_loop3A_206 = arith.subi %parallel_loop3A_203, %parallel_loop3A_205 : vector<16xi32>
      %parallel_loop3A_207 = arith.constant 0 : i32
      %parallel_loop3A_208 = vector.broadcast %parallel_loop3A_207 : i32 to vector<16xi32>
      %parallel_loop3A_209 = arith.cmpi sge, %parallel_loop3A_206, %parallel_loop3A_208 : vector<16xi32>
      %parallel_loop3A_210 = arith.constant 524288 : i32
      %parallel_loop3A_211 = vector.broadcast %parallel_loop3A_210 : i32 to vector<16xi32>
      %parallel_loop3A_212 = arith.cmpi slt, %parallel_loop3A_206, %parallel_loop3A_211 : vector<16xi32>
      %parallel_loop3A_213 = arith.andi %parallel_loop3A_209, %parallel_loop3A_212 : vector<16xi1>
      %parallel_loop3A_214 = arith.constant 128 : i32
      %parallel_loop3A_215 = arith.muli %arg1, %parallel_loop3A_214 : i32
      %parallel_loop3A_216 = arith.constant 524288 : i32
      %parallel_loop3A_217 = arith.addi %parallel_loop3A_216, %parallel_loop3A_215 : i32
      %parallel_loop3A_218 = arith.constant 16 : i32
      %parallel_loop3A_219 = arith.addi %parallel_loop3A_217, %parallel_loop3A_218 : i32
      %parallel_loop3A_220 = tpu.iota {dimensions = array<i32: 0>} : vector<16xi32>
      %parallel_loop3A_221 = vector.broadcast %parallel_loop3A_219 : i32 to vector<16xi32>
      %parallel_loop3A_222 = arith.addi %parallel_loop3A_221, %parallel_loop3A_220 : vector<16xi32>
      %parallel_loop3A_223 = arith.select %parallel_loop3A_213, %parallel_loop3A_206, %parallel_loop3A_222 : vector<16xi1>, vector<16xi32>
      %parallel_loop3A_224 = arith.index_cast %parallel_loop3A_174 : i32 to index
      %parallel_loop3A_225 = arith.constant 16 : index
      %parallel_loop3A_226 = tpu.vector_load %arg6[%parallel_loop3A_224, %parallel_loop3A_225] {strides = array<i32>} : memref<128x128xi32, #tpu.memory_space<vmem>>, vector<16xi32>,
      tpu.vector_store %arg6[%parallel_loop3A_224, %parallel_loop3A_225], %parallel_loop3A_223 {strides = array<i32>} : memref<128x128xi32, #tpu.memory_space<vmem>>, vector<16xi32>,
      %parallel_loop3A_227 = arith.index_cast %parallel_loop3A_174 : i32 to index
      %parallel_loop3A_228 = arith.constant 32 : index
      %parallel_loop3A_229 = tpu.vector_load %arg5[%parallel_loop3A_227, %parallel_loop3A_228] {strides = array<i32>} : memref<128x128xi32, #tpu.memory_space<vmem>>, vector<16xi32>,
      %parallel_loop3A_230 = arith.constant 524288 : i32
      %parallel_loop3A_231 = vector.broadcast %parallel_loop3A_230 : i32 to vector<16xi32>
      %parallel_loop3A_232 = arith.subi %parallel_loop3A_229, %parallel_loop3A_231 : vector<16xi32>
      %parallel_loop3A_233 = arith.constant 0 : i32
      %parallel_loop3A_234 = vector.broadcast %parallel_loop3A_233 : i32 to vector<16xi32>
      %parallel_loop3A_235 = arith.cmpi sge, %parallel_loop3A_232, %parallel_loop3A_234 : vector<16xi32>
      %parallel_loop3A_236 = arith.constant 524288 : i32
      %parallel_loop3A_237 = vector.broadcast %parallel_loop3A_236 : i32 to vector<16xi32>
      %parallel_loop3A_238 = arith.cmpi slt, %parallel_loop3A_232, %parallel_loop3A_237 : vector<16xi32>
      %parallel_loop3A_239 = arith.andi %parallel_loop3A_235, %parallel_loop3A_238 : vector<16xi1>
      %parallel_loop3A_240 = arith.constant 128 : i32
      %parallel_loop3A_241 = arith.muli %arg1, %parallel_loop3A_240 : i32
      %parallel_loop3A_242 = arith.constant 524288 : i32
      %parallel_loop3A_243 = arith.addi %parallel_loop3A_242, %parallel_loop3A_241 : i32
      %parallel_loop3A_244 = arith.constant 32 : i32
      %parallel_loop3A_245 = arith.addi %parallel_loop3A_243, %parallel_loop3A_244 : i32
      %parallel_loop3A_246 = tpu.iota {dimensions = array<i32: 0>} : vector<16xi32>
      %parallel_loop3A_247 = vector.broadcast %parallel_loop3A_245 : i32 to vector<16xi32>
      %parallel_loop3A_248 = arith.addi %parallel_loop3A_247, %parallel_loop3A_246 : vector<16xi32>
      %parallel_loop3A_249 = arith.select %parallel_loop3A_239, %parallel_loop3A_232, %parallel_loop3A_248 : vector<16xi1>, vector<16xi32>
      %parallel_loop3A_250 = arith.index_cast %parallel_loop3A_174 : i32 to index
      %parallel_loop3A_251 = arith.constant 32 : index
      %parallel_loop3A_252 = tpu.vector_load %arg6[%parallel_loop3A_250, %parallel_loop3A_251] {strides = array<i32>} : memref<128x128xi32, #tpu.memory_space<vmem>>, vector<16xi32>,
      tpu.vector_store %arg6[%parallel_loop3A_250, %parallel_loop3A_251], %parallel_loop3A_249 {strides = array<i32>} : memref<128x128xi32, #tpu.memory_space<vmem>>, vector<16xi32>,
      %parallel_loop3A_253 = arith.index_cast %parallel_loop3A_174 : i32 to index
      %parallel_loop3A_254 = arith.constant 48 : index
      %parallel_loop3A_255 = tpu.vector_load %arg5[%parallel_loop3A_253, %parallel_loop3A_254] {strides = array<i32>} : memref<128x128xi32, #tpu.memory_space<vmem>>, vector<16xi32>,
      %parallel_loop3A_256 = arith.constant 524288 : i32
      %parallel_loop3A_257 = vector.broadcast %parallel_loop3A_256 : i32 to vector<16xi32>
      %parallel_loop3A_258 = arith.subi %parallel_loop3A_255, %parallel_loop3A_257 : vector<16xi32>
      %parallel_loop3A_259 = arith.constant 0 : i32
      %parallel_loop3A_260 = vector.broadcast %parallel_loop3A_259 : i32 to vector<16xi32>
      %parallel_loop3A_261 = arith.cmpi sge, %parallel_loop3A_258, %parallel_loop3A_260 : vector<16xi32>
      %parallel_loop3A_262 = arith.constant 524288 : i32
      %parallel_loop3A_263 = vector.broadcast %parallel_loop3A_262 : i32 to vector<16xi32>
      %parallel_loop3A_264 = arith.cmpi slt, %parallel_loop3A_258, %parallel_loop3A_263 : vector<16xi32>
      %parallel_loop3A_265 = arith.andi %parallel_loop3A_261, %parallel_loop3A_264 : vector<16xi1>
      %parallel_loop3A_266 = arith.constant 128 : i32
      %parallel_loop3A_267 = arith.muli %arg1, %parallel_loop3A_266 : i32
      %parallel_loop3A_268 = arith.constant 524288 : i32
      %parallel_loop3A_269 = arith.addi %parallel_loop3A_268, %parallel_loop3A_267 : i32
      %parallel_loop3A_270 = arith.constant 48 : i32
      %parallel_loop3A_271 = arith.addi %parallel_loop3A_269, %parallel_loop3A_270 : i32
      %parallel_loop3A_272 = tpu.iota {dimensions = array<i32: 0>} : vector<16xi32>
      %parallel_loop3A_273 = vector.broadcast %parallel_loop3A_271 : i32 to vector<16xi32>
      %parallel_loop3A_274 = arith.addi %parallel_loop3A_273, %parallel_loop3A_272 : vector<16xi32>
      %parallel_loop3A_275 = arith.select %parallel_loop3A_265, %parallel_loop3A_258, %parallel_loop3A_274 : vector<16xi1>, vector<16xi32>
      %parallel_loop3A_276 = arith.index_cast %parallel_loop3A_174 : i32 to index
      %parallel_loop3A_277 = arith.constant 48 : index
      %parallel_loop3A_278 = tpu.vector_load %arg6[%parallel_loop3A_276, %parallel_loop3A_277] {strides = array<i32>} : memref<128x128xi32, #tpu.memory_space<vmem>>, vector<16xi32>,
      tpu.vector_store %arg6[%parallel_loop3A_276, %parallel_loop3A_277], %parallel_loop3A_275 {strides = array<i32>} : memref<128x128xi32, #tpu.memory_space<vmem>>, vector<16xi32>,
      %parallel_loop3A_279 = arith.index_cast %parallel_loop3A_174 : i32 to index
      %parallel_loop3A_280 = arith.constant 64 : index
      %parallel_loop3A_281 = tpu.vector_load %arg5[%parallel_loop3A_279, %parallel_loop3A_280] {strides = array<i32>} : memref<128x128xi32, #tpu.memory_space<vmem>>, vector<16xi32>,
      %parallel_loop3A_282 = arith.constant 524288 : i32
      %parallel_loop3A_283 = vector.broadcast %parallel_loop3A_282 : i32 to vector<16xi32>
      %parallel_loop3A_284 = arith.subi %parallel_loop3A_281, %parallel_loop3A_283 : vector<16xi32>
      %parallel_loop3A_285 = arith.constant 0 : i32
      %parallel_loop3A_286 = vector.broadcast %parallel_loop3A_285 : i32 to vector<16xi32>
      %parallel_loop3A_287 = arith.cmpi sge, %parallel_loop3A_284, %parallel_loop3A_286 : vector<16xi32>
      %parallel_loop3A_288 = arith.constant 524288 : i32
      %parallel_loop3A_289 = vector.broadcast %parallel_loop3A_288 : i32 to vector<16xi32>
      %parallel_loop3A_290 = arith.cmpi slt, %parallel_loop3A_284, %parallel_loop3A_289 : vector<16xi32>
      %parallel_loop3A_291 = arith.andi %parallel_loop3A_287, %parallel_loop3A_290 : vector<16xi1>
      %parallel_loop3A_292 = arith.constant 128 : i32
      %parallel_loop3A_293 = arith.muli %arg1, %parallel_loop3A_292 : i32
      %parallel_loop3A_294 = arith.constant 524288 : i32
      %parallel_loop3A_295 = arith.addi %parallel_loop3A_294, %parallel_loop3A_293 : i32
      %parallel_loop3A_296 = arith.constant 64 : i32
      %parallel_loop3A_297 = arith.addi %parallel_loop3A_295, %parallel_loop3A_296 : i32
      %parallel_loop3A_298 = tpu.iota {dimensions = array<i32: 0>} : vector<16xi32>
      %parallel_loop3A_299 = vector.broadcast %parallel_loop3A_297 : i32 to vector<16xi32>
      %parallel_loop3A_300 = arith.addi %parallel_loop3A_299, %parallel_loop3A_298 : vector<16xi32>
      %parallel_loop3A_301 = arith.select %parallel_loop3A_291, %parallel_loop3A_284, %parallel_loop3A_300 : vector<16xi1>, vector<16xi32>
      %parallel_loop3A_302 = arith.index_cast %parallel_loop3A_174 : i32 to index
      %parallel_loop3A_303 = arith.constant 64 : index
      %parallel_loop3A_304 = tpu.vector_load %arg6[%parallel_loop3A_302, %parallel_loop3A_303] {strides = array<i32>} : memref<128x128xi32, #tpu.memory_space<vmem>>, vector<16xi32>,
      tpu.vector_store %arg6[%parallel_loop3A_302, %parallel_loop3A_303], %parallel_loop3A_301 {strides = array<i32>} : memref<128x128xi32, #tpu.memory_space<vmem>>, vector<16xi32>,
      %parallel_loop3A_305 = arith.index_cast %parallel_loop3A_174 : i32 to index
      %parallel_loop3A_306 = arith.constant 80 : index
      %parallel_loop3A_307 = tpu.vector_load %arg5[%parallel_loop3A_305, %parallel_loop3A_306] {strides = array<i32>} : memref<128x128xi32, #tpu.memory_space<vmem>>, vector<16xi32>,
      %parallel_loop3A_308 = arith.constant 524288 : i32
      %parallel_loop3A_309 = vector.broadcast %parallel_loop3A_308 : i32 to vector<16xi32>
      %parallel_loop3A_310 = arith.subi %parallel_loop3A_307, %parallel_loop3A_309 : vector<16xi32>
      %parallel_loop3A_311 = arith.constant 0 : i32
      %parallel_loop3A_312 = vector.broadcast %parallel_loop3A_311 : i32 to vector<16xi32>
      %parallel_loop3A_313 = arith.cmpi sge, %parallel_loop3A_310, %parallel_loop3A_312 : vector<16xi32>
      %parallel_loop3A_314 = arith.constant 524288 : i32
      %parallel_loop3A_315 = vector.broadcast %parallel_loop3A_314 : i32 to vector<16xi32>
      %parallel_loop3A_316 = arith.cmpi slt, %parallel_loop3A_310, %parallel_loop3A_315 : vector<16xi32>
      %parallel_loop3A_317 = arith.andi %parallel_loop3A_313, %parallel_loop3A_316 : vector<16xi1>
      %parallel_loop3A_318 = arith.constant 128 : i32
      %parallel_loop3A_319 = arith.muli %arg1, %parallel_loop3A_318 : i32
      %parallel_loop3A_320 = arith.constant 524288 : i32
      %parallel_loop3A_321 = arith.addi %parallel_loop3A_320, %parallel_loop3A_319 : i32
      %parallel_loop3A_322 = arith.constant 80 : i32
      %parallel_loop3A_323 = arith.addi %parallel_loop3A_321, %parallel_loop3A_322 : i32
      %parallel_loop3A_324 = tpu.iota {dimensions = array<i32: 0>} : vector<16xi32>
      %parallel_loop3A_325 = vector.broadcast %parallel_loop3A_323 : i32 to vector<16xi32>
      %parallel_loop3A_326 = arith.addi %parallel_loop3A_325, %parallel_loop3A_324 : vector<16xi32>
      %parallel_loop3A_327 = arith.select %parallel_loop3A_317, %parallel_loop3A_310, %parallel_loop3A_326 : vector<16xi1>, vector<16xi32>
      %parallel_loop3A_328 = arith.index_cast %parallel_loop3A_174 : i32 to index
      %parallel_loop3A_329 = arith.constant 80 : index
      %parallel_loop3A_330 = tpu.vector_load %arg6[%parallel_loop3A_328, %parallel_loop3A_329] {strides = array<i32>} : memref<128x128xi32, #tpu.memory_space<vmem>>, vector<16xi32>,
      tpu.vector_store %arg6[%parallel_loop3A_328, %parallel_loop3A_329], %parallel_loop3A_327 {strides = array<i32>} : memref<128x128xi32, #tpu.memory_space<vmem>>, vector<16xi32>,
      %parallel_loop3A_331 = arith.index_cast %parallel_loop3A_174 : i32 to index
      %parallel_loop3A_332 = arith.constant 96 : index
      %parallel_loop3A_333 = tpu.vector_load %arg5[%parallel_loop3A_331, %parallel_loop3A_332] {strides = array<i32>} : memref<128x128xi32, #tpu.memory_space<vmem>>, vector<16xi32>,
      %parallel_loop3A_334 = arith.constant 524288 : i32
      %parallel_loop3A_335 = vector.broadcast %parallel_loop3A_334 : i32 to vector<16xi32>
      %parallel_loop3A_336 = arith.subi %parallel_loop3A_333, %parallel_loop3A_335 : vector<16xi32>
      %parallel_loop3A_337 = arith.constant 0 : i32
      %parallel_loop3A_338 = vector.broadcast %parallel_loop3A_337 : i32 to vector<16xi32>
      %parallel_loop3A_339 = arith.cmpi sge, %parallel_loop3A_336, %parallel_loop3A_338 : vector<16xi32>
      %parallel_loop3A_340 = arith.constant 524288 : i32
      %parallel_loop3A_341 = vector.broadcast %parallel_loop3A_340 : i32 to vector<16xi32>
      %parallel_loop3A_342 = arith.cmpi slt, %parallel_loop3A_336, %parallel_loop3A_341 : vector<16xi32>
      %parallel_loop3A_343 = arith.andi %parallel_loop3A_339, %parallel_loop3A_342 : vector<16xi1>
      %parallel_loop3A_344 = arith.constant 128 : i32
      %parallel_loop3A_345 = arith.muli %arg1, %parallel_loop3A_344 : i32
      %parallel_loop3A_346 = arith.constant 524288 : i32
      %parallel_loop3A_347 = arith.addi %parallel_loop3A_346, %parallel_loop3A_345 : i32
      %parallel_loop3A_348 = arith.constant 96 : i32
      %parallel_loop3A_349 = arith.addi %parallel_loop3A_347, %parallel_loop3A_348 : i32
      %parallel_loop3A_350 = tpu.iota {dimensions = array<i32: 0>} : vector<16xi32>
      %parallel_loop3A_351 = vector.broadcast %parallel_loop3A_349 : i32 to vector<16xi32>
      %parallel_loop3A_352 = arith.addi %parallel_loop3A_351, %parallel_loop3A_350 : vector<16xi32>
      %parallel_loop3A_353 = arith.select %parallel_loop3A_343, %parallel_loop3A_336, %parallel_loop3A_352 : vector<16xi1>, vector<16xi32>
      %parallel_loop3A_354 = arith.index_cast %parallel_loop3A_174 : i32 to index
      %parallel_loop3A_355 = arith.constant 96 : index
      %parallel_loop3A_356 = tpu.vector_load %arg6[%parallel_loop3A_354, %parallel_loop3A_355] {strides = array<i32>} : memref<128x128xi32, #tpu.memory_space<vmem>>, vector<16xi32>,
      tpu.vector_store %arg6[%parallel_loop3A_354, %parallel_loop3A_355], %parallel_loop3A_353 {strides = array<i32>} : memref<128x128xi32, #tpu.memory_space<vmem>>, vector<16xi32>,
      %parallel_loop3A_357 = arith.index_cast %parallel_loop3A_174 : i32 to index
      %parallel_loop3A_358 = arith.constant 112 : index
      %parallel_loop3A_359 = tpu.vector_load %arg5[%parallel_loop3A_357, %parallel_loop3A_358] {strides = array<i32>} : memref<128x128xi32, #tpu.memory_space<vmem>>, vector<16xi32>,
      %parallel_loop3A_360 = arith.constant 524288 : i32
      %parallel_loop3A_361 = vector.broadcast %parallel_loop3A_360 : i32 to vector<16xi32>
      %parallel_loop3A_362 = arith.subi %parallel_loop3A_359, %parallel_loop3A_361 : vector<16xi32>
      %parallel_loop3A_363 = arith.constant 0 : i32
      %parallel_loop3A_364 = vector.broadcast %parallel_loop3A_363 : i32 to vector<16xi32>
      %parallel_loop3A_365 = arith.cmpi sge, %parallel_loop3A_362, %parallel_loop3A_364 : vector<16xi32>
      %parallel_loop3A_366 = arith.constant 524288 : i32
      %parallel_loop3A_367 = vector.broadcast %parallel_loop3A_366 : i32 to vector<16xi32>
      %parallel_loop3A_368 = arith.cmpi slt, %parallel_loop3A_362, %parallel_loop3A_367 : vector<16xi32>
      %parallel_loop3A_369 = arith.andi %parallel_loop3A_365, %parallel_loop3A_368 : vector<16xi1>
      %parallel_loop3A_370 = arith.constant 128 : i32
      %parallel_loop3A_371 = arith.muli %arg1, %parallel_loop3A_370 : i32
      %parallel_loop3A_372 = arith.constant 524288 : i32
      %parallel_loop3A_373 = arith.addi %parallel_loop3A_372, %parallel_loop3A_371 : i32
      %parallel_loop3A_374 = arith.constant 112 : i32
      %parallel_loop3A_375 = arith.addi %parallel_loop3A_373, %parallel_loop3A_374 : i32
      %parallel_loop3A_376 = tpu.iota {dimensions = array<i32: 0>} : vector<16xi32>
      %parallel_loop3A_377 = vector.broadcast %parallel_loop3A_375 : i32 to vector<16xi32>
      %parallel_loop3A_378 = arith.addi %parallel_loop3A_377, %parallel_loop3A_376 : vector<16xi32>
      %parallel_loop3A_379 = arith.select %parallel_loop3A_369, %parallel_loop3A_362, %parallel_loop3A_378 : vector<16xi1>, vector<16xi32>
      %parallel_loop3A_380 = arith.index_cast %parallel_loop3A_174 : i32 to index
      %parallel_loop3A_381 = arith.constant 112 : index
      %parallel_loop3A_382 = tpu.vector_load %arg6[%parallel_loop3A_380, %parallel_loop3A_381] {strides = array<i32>} : memref<128x128xi32, #tpu.memory_space<vmem>>, vector<16xi32>,
      tpu.vector_store %arg6[%parallel_loop3A_380, %parallel_loop3A_381], %parallel_loop3A_379 {strides = array<i32>} : memref<128x128xi32, #tpu.memory_space<vmem>>, vector<16xi32>,
    } {sc.loop_unroll_factor = 4 : i64, sc.parallel_access}
    %mul3A_138 = arith.constant 32768 : i32
    %mul3A_139 = arith.muli %arg1, %mul3A_138 : i32
    %add3A_140 = arith.constant 0 : i32
    %add3A_141 = arith.addi %mul3A_139, %add3A_140 : i32
    "tpu.region"() ({
      %run_scoped3A_174 = tpu.sem_alloc : memref<!tpu.dma_semaphore, #tpu.memory_space<semaphore_mem>>
      %dma_start3A = tpu.memref_slice %arg9[%add3A_141] : memref<526336xf32, #tpu.memory_space<vmem_shared>> -> memref<16384xf32, #tpu.memory_space<vmem_shared>>
      %dma_start3A_175 = tpu.memref_slice %arg9[%add3A_141] : memref<526336xf32, #tpu.memory_space<vmem_shared>> -> memref<16384xf32, #tpu.memory_space<vmem_shared>>
      tpu.enqueue_dma source(%arg8 : memref<16384xf32, #tpu.memory_space<vmem>>) target(%dma_start3A_175 : memref<16384xf32, #tpu.memory_space<vmem_shared>>) target_semaphore(%run_scoped3A_174 : memref<!tpu.dma_semaphore, #tpu.memory_space<semaphore_mem>>)
      %dma_wait3A = tpu.memref_slice %arg9[%add3A_141] : memref<526336xf32, #tpu.memory_space<vmem_shared>> -> memref<16384xf32, #tpu.memory_space<vmem_shared>>
      %dma_wait3A_176 = tpu.memref_slice %arg9[%add3A_141] : memref<526336xf32, #tpu.memory_space<vmem_shared>> -> memref<16384xf32, #tpu.memory_space<vmem_shared>>
      tpu.wait_dma2 semaphore(%run_scoped3A_174 : memref<!tpu.dma_semaphore, #tpu.memory_space<semaphore_mem>>) src(%arg8 : memref<16384xf32, #tpu.memory_space<vmem>>) dst(%dma_wait3A_176 : memref<16384xf32, #tpu.memory_space<vmem_shared>>)
      tpu.yield
    }) : () -> ()
    %mul3A_142 = arith.constant 32768 : i32
    %mul3A_143 = arith.muli %arg1, %mul3A_142 : i32
    %add3A_144 = arith.constant 16384 : i32
    %add3A_145 = arith.addi %mul3A_143, %add3A_144 : i32
    "tpu.region"() ({
      %run_scoped3A_174 = tpu.sem_alloc : memref<!tpu.dma_semaphore, #tpu.memory_space<semaphore_mem>>
      %dma_start3A = tpu.memref_slice %arg9[%add3A_145] : memref<526336xf32, #tpu.memory_space<vmem_shared>> -> memref<16384xf32, #tpu.memory_space<vmem_shared>>
      %dma_start3A_175 = tpu.memref_slice %arg9[%add3A_145] : memref<526336xf32, #tpu.memory_space<vmem_shared>> -> memref<16384xf32, #tpu.memory_space<vmem_shared>>
      tpu.enqueue_dma source(%arg8 : memref<16384xf32, #tpu.memory_space<vmem>>) target(%dma_start3A_175 : memref<16384xf32, #tpu.memory_space<vmem_shared>>) target_semaphore(%run_scoped3A_174 : memref<!tpu.dma_semaphore, #tpu.memory_space<semaphore_mem>>)
      %dma_wait3A = tpu.memref_slice %arg9[%add3A_145] : memref<526336xf32, #tpu.memory_space<vmem_shared>> -> memref<16384xf32, #tpu.memory_space<vmem_shared>>
      %dma_wait3A_176 = tpu.memref_slice %arg9[%add3A_145] : memref<526336xf32, #tpu.memory_space<vmem_shared>> -> memref<16384xf32, #tpu.memory_space<vmem_shared>>
      tpu.wait_dma2 semaphore(%run_scoped3A_174 : memref<!tpu.dma_semaphore, #tpu.memory_space<semaphore_mem>>) src(%arg8 : memref<16384xf32, #tpu.memory_space<vmem>>) dst(%dma_wait3A_176 : memref<16384xf32, #tpu.memory_space<vmem_shared>>)
      tpu.yield
    }) : () -> ()
    %barrier3A_146 = arith.constant 0 : index
    tpu.barrier barrier_id(%barrier3A_146)
    %scan3A_147 = arith.constant 0 : i32
    %scan3A_148 = arith.constant 0 : i32
    %scan3A_149 = arith.constant 128 : i32
    %scan3A_150 = arith.addi %scan3A_148, %scan3A_149 : i32
    %scan3A_151 = arith.constant 1 : i32
    scf.for %scan3A_174 = %scan3A_148 to %scan3A_150 step %scan3A_151  : i32 {
      %dma_start3A = arith.constant 0 : i32
      %dma_start3A_175 = tpu.memref_slice %arg6[%scan3A_174, %dma_start3A] : memref<128x128xi32, #tpu.memory_space<vmem>> -> memref<1x128xi32, #tpu.memory_space<vmem>>
      %dma_start3A_176 = tpu.memref_squeeze %dma_start3A_175 : memref<1x128xi32, #tpu.memory_space<vmem>> -> memref<128xi32, #tpu.memory_space<vmem>>
      %dma_start3A_177 = arith.constant 0 : i32
      %dma_start3A_178 = tpu.memref_slice %arg9[%dma_start3A_177] : memref<526336xf32, #tpu.memory_space<vmem_shared>> -> memref<526336xf32, #tpu.memory_space<vmem_shared>>
      tpu.enqueue_indirect_dma source(%arg7 : memref<128xf32, #tpu.memory_space<vmem>>) target(%dma_start3A_178 : memref<526336xf32, #tpu.memory_space<vmem_shared>>) offsets(%dma_start3A_176 : memref<128xi32, #tpu.memory_space<vmem>>) semaphore(%arg10 : memref<!tpu.dma_semaphore, #tpu.memory_space<semaphore_mem>>) {add = true}
    }
    %scan3A_152 = arith.constant 128 : i32
    %scan3A_153 = arith.constant 0 : i32
    %scan3A_154 = arith.constant 0 : i32
    %scan3A_155 = arith.constant 128 : i32
    %scan3A_156 = arith.addi %scan3A_154, %scan3A_155 : i32
    %scan3A_157 = arith.constant 1 : i32
    scf.for %scan3A_174 = %scan3A_154 to %scan3A_156 step %scan3A_157  : i32 {
      %dma_wait3A = arith.constant 0 : i32
      %dma_wait3A_175 = tpu.memref_slice %arg6[%scan3A_174, %dma_wait3A] : memref<128x128xi32, #tpu.memory_space<vmem>> -> memref<1x128xi32, #tpu.memory_space<vmem>>
      %dma_wait3A_176 = tpu.memref_squeeze %dma_wait3A_175 : memref<1x128xi32, #tpu.memory_space<vmem>> -> memref<128xi32, #tpu.memory_space<vmem>>
      %dma_wait3A_177 = arith.constant 0 : i32
      %dma_wait3A_178 = tpu.memref_slice %arg9[%dma_wait3A_177] : memref<526336xf32, #tpu.memory_space<vmem_shared>> -> memref<526336xf32, #tpu.memory_space<vmem_shared>>
      tpu.wait_indirect_dma semaphore(%arg10 : memref<!tpu.dma_semaphore, #tpu.memory_space<semaphore_mem>>) src(%arg7 : memref<128xf32, #tpu.memory_space<vmem>>) dst(%dma_wait3A_178 : memref<526336xf32, #tpu.memory_space<vmem_shared>>)
    }
    %scan3A_158 = arith.constant 128 : i32
    %barrier3A_159 = arith.constant 0 : index
    tpu.barrier barrier_id(%barrier3A_159)
    %mul3A_160 = arith.constant 32768 : i32
    %mul3A_161 = arith.muli %arg1, %mul3A_160 : i32
    %add3A_162 = arith.constant 0 : i32
    %add3A_163 = arith.addi %mul3A_161, %add3A_162 : i32
    %add3A_164 = arith.constant 524288 : i32
    %add3A_165 = arith.addi %add3A_164, %add3A_163 : i32
    %run_scoped3A_166 = arith.constant 1 : i32
    "tpu.region"() ({
      %run_scoped3A_174 = tpu.sem_alloc : memref<!tpu.dma_semaphore, #tpu.memory_space<semaphore_mem>>
      %dma_start3A = tpu.memref_slice %arg3[%run_scoped3A_166, %add3A_165] : memref<2x1048576xf32, #tpu.memory_space<hbm>> -> memref<1x16384xf32, #tpu.memory_space<hbm>>
      %dma_start3A_175 = tpu.memref_squeeze %dma_start3A : memref<1x16384xf32, #tpu.memory_space<hbm>> -> memref<16384xf32, #tpu.memory_space<hbm>>
      %dma_start3A_176 = tpu.memref_slice %arg9[%add3A_163] : memref<526336xf32, #tpu.memory_space<vmem_shared>> -> memref<16384xf32, #tpu.memory_space<vmem_shared>>
      tpu.enqueue_dma source(%dma_start3A_176 : memref<16384xf32, #tpu.memory_space<vmem_shared>>) target(%dma_start3A_175 : memref<16384xf32, #tpu.memory_space<hbm>>) target_semaphore(%run_scoped3A_174 : memref<!tpu.dma_semaphore, #tpu.memory_space<semaphore_mem>>)
      %dma_wait3A = tpu.memref_slice %arg3[%run_scoped3A_166, %add3A_165] : memref<2x1048576xf32, #tpu.memory_space<hbm>> -> memref<1x16384xf32, #tpu.memory_space<hbm>>
      %dma_wait3A_177 = tpu.memref_squeeze %dma_wait3A : memref<1x16384xf32, #tpu.memory_space<hbm>> -> memref<16384xf32, #tpu.memory_space<hbm>>
      %dma_wait3A_178 = tpu.memref_slice %arg9[%add3A_163] : memref<526336xf32, #tpu.memory_space<vmem_shared>> -> memref<16384xf32, #tpu.memory_space<vmem_shared>>
      tpu.wait_dma2 semaphore(%run_scoped3A_174 : memref<!tpu.dma_semaphore, #tpu.memory_space<semaphore_mem>>) src(%dma_wait3A_178 : memref<16384xf32, #tpu.memory_space<vmem_shared>>) dst(%dma_wait3A_177 : memref<16384xf32, #tpu.memory_space<hbm>>)
      tpu.yield
    }) : () -> ()
    %mul3A_167 = arith.constant 32768 : i32
    %mul3A_168 = arith.muli %arg1, %mul3A_167 : i32
    %add3A_169 = arith.constant 16384 : i32
    %add3A_170 = arith.addi %mul3A_168, %add3A_169 : i32
    %add3A_171 = arith.constant 524288 : i32
    %add3A_172 = arith.addi %add3A_171, %add3A_170 : i32
    %run_scoped3A_173 = arith.constant 1 : i32
    "tpu.region"() ({
      %run_scoped3A_174 = tpu.sem_alloc : memref<!tpu.dma_semaphore, #tpu.memory_space<semaphore_mem>>
      %dma_start3A = tpu.memref_slice %arg3[%run_scoped3A_173, %add3A_172] : memref<2x1048576xf32, #tpu.memory_space<hbm>> -> memref<1x16384xf32, #tpu.memory_space<hbm>>
      %dma_start3A_175 = tpu.memref_squeeze %dma_start3A : memref<1x16384xf32, #tpu.memory_space<hbm>> -> memref<16384xf32, #tpu.memory_space<hbm>>
      %dma_start3A_176 = tpu.memref_slice %arg9[%add3A_170] : memref<526336xf32, #tpu.memory_space<vmem_shared>> -> memref<16384xf32, #tpu.memory_space<vmem_shared>>
      tpu.enqueue_dma source(%dma_start3A_176 : memref<16384xf32, #tpu.memory_space<vmem_shared>>) target(%dma_start3A_175 : memref<16384xf32, #tpu.memory_space<hbm>>) target_semaphore(%run_scoped3A_174 : memref<!tpu.dma_semaphore, #tpu.memory_space<semaphore_mem>>)
      %dma_wait3A = tpu.memref_slice %arg3[%run_scoped3A_173, %add3A_172] : memref<2x1048576xf32, #tpu.memory_space<hbm>> -> memref<1x16384xf32, #tpu.memory_space<hbm>>
      %dma_wait3A_177 = tpu.memref_squeeze %dma_wait3A : memref<1x16384xf32, #tpu.memory_space<hbm>> -> memref<16384xf32, #tpu.memory_space<hbm>>
      %dma_wait3A_178 = tpu.memref_slice %arg9[%add3A_170] : memref<526336xf32, #tpu.memory_space<vmem_shared>> -> memref<16384xf32, #tpu.memory_space<vmem_shared>>
      tpu.wait_dma2 semaphore(%run_scoped3A_174 : memref<!tpu.dma_semaphore, #tpu.memory_space<semaphore_mem>>) src(%dma_wait3A_178 : memref<16384xf32, #tpu.memory_space<vmem_shared>>) dst(%dma_wait3A_177 : memref<16384xf32, #tpu.memory_space<hbm>>)
      tpu.yield
    }) : () -> ()
    return
  }
}

module attributes {stable_mosaic.version = 14 : i64} {
  func.func @_active_body(%arg0: memref<1024x1024xf32, #tpu.memory_space<vmem>>, %arg1: memref<1024x1024xf32, #tpu.memory_space<vmem>>, %arg2: memref<1024x128xf32, #tpu.memory_space<vmem>>, %arg3: memref<1024x128xf32, #tpu.memory_space<vmem>>, %arg4: memref<128x128xf32, #tpu.memory_space<vmem>>, %arg5: memref<128x128xf32, #tpu.memory_space<vmem>>, %arg6: memref<1x128xf32, #tpu.memory_space<vmem>>, %arg7: memref<128x128xf32, #tpu.memory_space<vmem>>, %arg8: memref<128x128xf32, #tpu.memory_space<vmem>>, %arg9: memref<1x128xf32, #tpu.memory_space<vmem>>, %arg10: memref<1x128xf32, #tpu.memory_space<vmem>>, %arg11: memref<1x128xf32, #tpu.memory_space<vmem>>, %arg12: memref<128x128xf32, #tpu.memory_space<vmem>>, %arg13: memref<128x128xf32, #tpu.memory_space<vmem>>, %arg14: memref<1x128xf32, #tpu.memory_space<vmem>>, %arg15: memref<128x128xf32, #tpu.memory_space<vmem>>, %arg16: memref<128x128xf32, #tpu.memory_space<vmem>>, %arg17: memref<1x128xf32, #tpu.memory_space<vmem>>, %arg18: memref<1x128xf32, #tpu.memory_space<vmem>>, %arg19: memref<1x128xf32, #tpu.memory_space<vmem>>, %arg20: memref<128x128xf32, #tpu.memory_space<vmem>>, %arg21: memref<128x128xf32, #tpu.memory_space<vmem>>, %arg22: memref<1x128xf32, #tpu.memory_space<vmem>>, %arg23: memref<128x128xf32, #tpu.memory_space<vmem>>, %arg24: memref<128x128xf32, #tpu.memory_space<vmem>>, %arg25: memref<1x128xf32, #tpu.memory_space<vmem>>, %arg26: memref<1x128xf32, #tpu.memory_space<vmem>>, %arg27: memref<1x128xf32, #tpu.memory_space<vmem>>, %arg28: memref<128x128xf32, #tpu.memory_space<vmem>>, %arg29: memref<128x128xf32, #tpu.memory_space<vmem>>, %arg30: memref<1x128xf32, #tpu.memory_space<vmem>>, %arg31: memref<128x128xf32, #tpu.memory_space<vmem>>, %arg32: memref<128x128xf32, #tpu.memory_space<vmem>>, %arg33: memref<1x128xf32, #tpu.memory_space<vmem>>, %arg34: memref<1024x128xf32, #tpu.memory_space<vmem>>) attributes {dimension_semantics = [], scalar_prefetch = 0 : i64, scratch_operands = 0 : i64, tpu.core_type = #tpu.core_type<tc>} {
    %get3A = arith.constant 0 : index
    %get3A_0 = arith.constant 0 : index
    %get3A_1 = vector.load %arg0[%get3A, %get3A_0] : memref<1024x1024xf32, #tpu.memory_space<vmem>>, vector<1024x1024xf32>
    %get3A_2 = arith.constant 0 : index
    %get3A_3 = arith.constant 0 : index
    %get3A_4 = vector.load %arg1[%get3A_2, %get3A_3] : memref<1024x1024xf32, #tpu.memory_space<vmem>>, vector<1024x1024xf32>
    %reduce_sum3A = arith.constant dense<0.000000e+00> : vector<1024xf32>
    %reduce_sum3A_5 = vector.multi_reduction <add>, %get3A_1, %reduce_sum3A [1] : vector<1024x1024xf32> to vector<1024xf32>
    %broadcast_in_dim3A = vector.shape_cast %reduce_sum3A_5 : vector<1024xf32> to vector<1024x1xf32>
    %max3A = arith.constant 1.000000e+00 : f32
    %max3A_6 = vector.broadcast %max3A : f32 to vector<1024x1xf32>
    %max3A_7 = arith.maximumf %broadcast_in_dim3A, %max3A_6 : vector<1024x1xf32>
    %reduce_sum3A_8 = arith.constant dense<0.000000e+00> : vector<1024xf32>
    %reduce_sum3A_9 = vector.multi_reduction <add>, %get3A_4, %reduce_sum3A_8 [1] : vector<1024x1024xf32> to vector<1024xf32>
    %broadcast_in_dim3A_10 = vector.shape_cast %reduce_sum3A_9 : vector<1024xf32> to vector<1024x1xf32>
    %max3A_11 = arith.constant 1.000000e+00 : f32
    %max3A_12 = vector.broadcast %max3A_11 : f32 to vector<1024x1xf32>
    %max3A_13 = arith.maximumf %broadcast_in_dim3A_10, %max3A_12 : vector<1024x1xf32>
    %get3A_14 = arith.constant 0 : index
    %get3A_15 = arith.constant 0 : index
    %get3A_16 = vector.load %arg2[%get3A_14, %get3A_15] : memref<1024x128xf32, #tpu.memory_space<vmem>>, vector<1024x128xf32>
    %get3A_17 = arith.constant 0 : index
    %get3A_18 = arith.constant 0 : index
    %get3A_19 = vector.load %arg3[%get3A_17, %get3A_18] : memref<1024x128xf32, #tpu.memory_space<vmem>>, vector<1024x128xf32>
    %get3A_20 = arith.constant 0 : index
    %get3A_21 = arith.constant 0 : index
    %get3A_22 = vector.load %arg4[%get3A_20, %get3A_21] : memref<128x128xf32, #tpu.memory_space<vmem>>, vector<128x128xf32>
    %get3A_23 = arith.constant 0 : index
    %get3A_24 = arith.constant 0 : index
    %get3A_25 = vector.load %arg5[%get3A_23, %get3A_24] : memref<128x128xf32, #tpu.memory_space<vmem>>, vector<128x128xf32>
    %get3A_26 = arith.constant 0 : index
    %get3A_27 = arith.constant 0 : index
    %get3A_28 = vector.load %arg6[%get3A_26, %get3A_27] : memref<1x128xf32, #tpu.memory_space<vmem>>, vector<1x128xf32>
    %get3A_29 = arith.constant 0 : index
    %get3A_30 = arith.constant 0 : index
    %get3A_31 = vector.load %arg7[%get3A_29, %get3A_30] : memref<128x128xf32, #tpu.memory_space<vmem>>, vector<128x128xf32>
    %get3A_32 = arith.constant 0 : index
    %get3A_33 = arith.constant 0 : index
    %get3A_34 = vector.load %arg8[%get3A_32, %get3A_33] : memref<128x128xf32, #tpu.memory_space<vmem>>, vector<128x128xf32>
    %get3A_35 = arith.constant 0 : index
    %get3A_36 = arith.constant 0 : index
    %get3A_37 = vector.load %arg9[%get3A_35, %get3A_36] : memref<1x128xf32, #tpu.memory_space<vmem>>, vector<1x128xf32>
    %dot_general3A = arith.constant dense<0.000000e+00> : vector<1024x128xf32>
    %dot_general3A_38 = tpu.matmul %get3A_1, %get3A_16, %dot_general3A {dimension_numbers = #tpu.dot_dimension_numbers<[1], [0], [0], [1], [0, 0, 1, 1], [], []>, transpose_lhs_hint = false} : vector<1024x1024xf32>, vector<1024x128xf32>, vector<1024x128xf32> -> vector<1024x128xf32>
    %div3A = vector.broadcast %max3A_7 : vector<1024x1xf32> to vector<1024x128xf32>
    %div3A_39 = arith.divf %dot_general3A_38, %div3A : vector<1024x128xf32>
    %dot_general3A_40 = arith.constant dense<0.000000e+00> : vector<1024x128xf32>
    %dot_general3A_41 = tpu.matmul %div3A_39, %get3A_22, %dot_general3A_40 {dimension_numbers = #tpu.dot_dimension_numbers<[1], [0], [0], [1], [0, 0, 1, 1], [], []>, transpose_lhs_hint = false} : vector<1024x128xf32>, vector<128x128xf32>, vector<1024x128xf32> -> vector<1024x128xf32>
    %dot_general3A_42 = arith.constant dense<0.000000e+00> : vector<1024x128xf32>
    %dot_general3A_43 = tpu.matmul %get3A_19, %get3A_25, %dot_general3A_42 {dimension_numbers = #tpu.dot_dimension_numbers<[1], [0], [0], [1], [0, 0, 1, 1], [], []>, transpose_lhs_hint = false} : vector<1024x128xf32>, vector<128x128xf32>, vector<1024x128xf32> -> vector<1024x128xf32>
    %add3A = arith.addf %dot_general3A_41, %dot_general3A_43 : vector<1024x128xf32>
    %add3A_44 = vector.broadcast %get3A_28 : vector<1x128xf32> to vector<1024x128xf32>
    %add3A_45 = arith.addf %add3A, %add3A_44 : vector<1024x128xf32>
    %max3A_46 = arith.constant 0.000000e+00 : f32
    %max3A_47 = vector.broadcast %max3A_46 : f32 to vector<1024x128xf32>
    %max3A_48 = arith.maximumf %add3A_45, %max3A_47 : vector<1024x128xf32>
    %dot_general3A_49 = arith.constant dense<0.000000e+00> : vector<1024x128xf32>
    %dot_general3A_50 = tpu.matmul %get3A_4, %max3A_48, %dot_general3A_49 {dimension_numbers = #tpu.dot_dimension_numbers<[1], [0], [0], [1], [0, 0, 1, 1], [], []>, transpose_lhs_hint = false} : vector<1024x1024xf32>, vector<1024x128xf32>, vector<1024x128xf32> -> vector<1024x128xf32>
    %div3A_51 = vector.broadcast %max3A_13 : vector<1024x1xf32> to vector<1024x128xf32>
    %div3A_52 = arith.divf %dot_general3A_50, %div3A_51 : vector<1024x128xf32>
    %dot_general3A_53 = arith.constant dense<0.000000e+00> : vector<1024x128xf32>
    %dot_general3A_54 = tpu.matmul %div3A_52, %get3A_31, %dot_general3A_53 {dimension_numbers = #tpu.dot_dimension_numbers<[1], [0], [0], [1], [0, 0, 1, 1], [], []>, transpose_lhs_hint = false} : vector<1024x128xf32>, vector<128x128xf32>, vector<1024x128xf32> -> vector<1024x128xf32>
    %dot_general3A_55 = arith.constant dense<0.000000e+00> : vector<1024x128xf32>
    %dot_general3A_56 = tpu.matmul %get3A_16, %get3A_34, %dot_general3A_55 {dimension_numbers = #tpu.dot_dimension_numbers<[1], [0], [0], [1], [0, 0, 1, 1], [], []>, transpose_lhs_hint = false} : vector<1024x128xf32>, vector<128x128xf32>, vector<1024x128xf32> -> vector<1024x128xf32>
    %add3A_57 = arith.addf %dot_general3A_54, %dot_general3A_56 : vector<1024x128xf32>
    %add3A_58 = vector.broadcast %get3A_37 : vector<1x128xf32> to vector<1024x128xf32>
    %add3A_59 = arith.addf %add3A_57, %add3A_58 : vector<1024x128xf32>
    %max3A_60 = arith.constant 0.000000e+00 : f32
    %max3A_61 = vector.broadcast %max3A_60 : f32 to vector<1024x128xf32>
    %max3A_62 = arith.maximumf %add3A_59, %max3A_61 : vector<1024x128xf32>
    %get3A_63 = arith.constant 0 : index
    %get3A_64 = arith.constant 0 : index
    %get3A_65 = vector.load %arg10[%get3A_63, %get3A_64] : memref<1x128xf32, #tpu.memory_space<vmem>>, vector<1x128xf32>
    %get3A_66 = arith.constant 0 : index
    %get3A_67 = arith.constant 0 : index
    %get3A_68 = vector.load %arg11[%get3A_66, %get3A_67] : memref<1x128xf32, #tpu.memory_space<vmem>>, vector<1x128xf32>
    %reduce_sum3A_69 = arith.constant dense<0.000000e+00> : vector<1024xf32>
    %reduce_sum3A_70 = vector.multi_reduction <add>, %max3A_48, %reduce_sum3A_69 [1] : vector<1024x128xf32> to vector<1024xf32>
    %broadcast_in_dim3A_71 = vector.shape_cast %reduce_sum3A_70 : vector<1024xf32> to vector<1024x1xf32>
    %div3A_72 = arith.constant 1.280000e+02 : f32
    %div3A_73 = vector.broadcast %div3A_72 : f32 to vector<1024x1xf32>
    %div3A_74 = arith.divf %broadcast_in_dim3A_71, %div3A_73 : vector<1024x1xf32>
    %sub3A = vector.broadcast %div3A_74 : vector<1024x1xf32> to vector<1024x128xf32>
    %sub3A_75 = arith.subf %max3A_48, %sub3A : vector<1024x128xf32>
    %integer_pow3A = arith.mulf %sub3A_75, %sub3A_75 : vector<1024x128xf32>
    %reduce_sum3A_76 = arith.constant dense<0.000000e+00> : vector<1024xf32>
    %reduce_sum3A_77 = vector.multi_reduction <add>, %integer_pow3A, %reduce_sum3A_76 [1] : vector<1024x128xf32> to vector<1024xf32>
    %broadcast_in_dim3A_78 = vector.shape_cast %reduce_sum3A_77 : vector<1024xf32> to vector<1024x1xf32>
    %div3A_79 = arith.constant 1.280000e+02 : f32
    %div3A_80 = vector.broadcast %div3A_79 : f32 to vector<1024x1xf32>
    %div3A_81 = arith.divf %broadcast_in_dim3A_78, %div3A_80 : vector<1024x1xf32>
    %sub3A_82 = vector.broadcast %div3A_74 : vector<1024x1xf32> to vector<1024x128xf32>
    %sub3A_83 = arith.subf %max3A_48, %sub3A_82 : vector<1024x128xf32>
    %add3A_84 = arith.constant 9.99999974E-6 : f32
    %add3A_85 = vector.broadcast %add3A_84 : f32 to vector<1024x1xf32>
    %add3A_86 = arith.addf %div3A_81, %add3A_85 : vector<1024x1xf32>
    %sqrt3A = math.sqrt %add3A_86 : vector<1024x1xf32>
    %div3A_87 = vector.broadcast %sqrt3A : vector<1024x1xf32> to vector<1024x128xf32>
    %div3A_88 = arith.divf %sub3A_83, %div3A_87 : vector<1024x128xf32>
    %mul3A = vector.broadcast %get3A_65 : vector<1x128xf32> to vector<1024x128xf32>
    %mul3A_89 = arith.mulf %div3A_88, %mul3A : vector<1024x128xf32>
    %add3A_90 = vector.broadcast %get3A_68 : vector<1x128xf32> to vector<1024x128xf32>
    %add3A_91 = arith.addf %mul3A_89, %add3A_90 : vector<1024x128xf32>
    %reduce_sum3A_92 = arith.constant dense<0.000000e+00> : vector<1024xf32>
    %reduce_sum3A_93 = vector.multi_reduction <add>, %max3A_62, %reduce_sum3A_92 [1] : vector<1024x128xf32> to vector<1024xf32>
    %broadcast_in_dim3A_94 = vector.shape_cast %reduce_sum3A_93 : vector<1024xf32> to vector<1024x1xf32>
    %div3A_95 = arith.constant 1.280000e+02 : f32
    %div3A_96 = vector.broadcast %div3A_95 : f32 to vector<1024x1xf32>
    %div3A_97 = arith.divf %broadcast_in_dim3A_94, %div3A_96 : vector<1024x1xf32>
    %sub3A_98 = vector.broadcast %div3A_97 : vector<1024x1xf32> to vector<1024x128xf32>
    %sub3A_99 = arith.subf %max3A_62, %sub3A_98 : vector<1024x128xf32>
    %integer_pow3A_100 = arith.mulf %sub3A_99, %sub3A_99 : vector<1024x128xf32>
    %reduce_sum3A_101 = arith.constant dense<0.000000e+00> : vector<1024xf32>
    %reduce_sum3A_102 = vector.multi_reduction <add>, %integer_pow3A_100, %reduce_sum3A_101 [1] : vector<1024x128xf32> to vector<1024xf32>
    %broadcast_in_dim3A_103 = vector.shape_cast %reduce_sum3A_102 : vector<1024xf32> to vector<1024x1xf32>
    %div3A_104 = arith.constant 1.280000e+02 : f32
    %div3A_105 = vector.broadcast %div3A_104 : f32 to vector<1024x1xf32>
    %div3A_106 = arith.divf %broadcast_in_dim3A_103, %div3A_105 : vector<1024x1xf32>
    %sub3A_107 = vector.broadcast %div3A_97 : vector<1024x1xf32> to vector<1024x128xf32>
    %sub3A_108 = arith.subf %max3A_62, %sub3A_107 : vector<1024x128xf32>
    %add3A_109 = arith.constant 9.99999974E-6 : f32
    %add3A_110 = vector.broadcast %add3A_109 : f32 to vector<1024x1xf32>
    %add3A_111 = arith.addf %div3A_106, %add3A_110 : vector<1024x1xf32>
    %sqrt3A_112 = math.sqrt %add3A_111 : vector<1024x1xf32>
    %div3A_113 = vector.broadcast %sqrt3A_112 : vector<1024x1xf32> to vector<1024x128xf32>
    %div3A_114 = arith.divf %sub3A_108, %div3A_113 : vector<1024x128xf32>
    %mul3A_115 = vector.broadcast %get3A_65 : vector<1x128xf32> to vector<1024x128xf32>
    %mul3A_116 = arith.mulf %div3A_114, %mul3A_115 : vector<1024x128xf32>
    %add3A_117 = vector.broadcast %get3A_68 : vector<1x128xf32> to vector<1024x128xf32>
    %add3A_118 = arith.addf %mul3A_116, %add3A_117 : vector<1024x128xf32>
    %get3A_119 = arith.constant 0 : index
    %get3A_120 = arith.constant 0 : index
    %get3A_121 = vector.load %arg12[%get3A_119, %get3A_120] : memref<128x128xf32, #tpu.memory_space<vmem>>, vector<128x128xf32>
    %get3A_122 = arith.constant 0 : index
    %get3A_123 = arith.constant 0 : index
    %get3A_124 = vector.load %arg13[%get3A_122, %get3A_123] : memref<128x128xf32, #tpu.memory_space<vmem>>, vector<128x128xf32>
    %get3A_125 = arith.constant 0 : index
    %get3A_126 = arith.constant 0 : index
    %get3A_127 = vector.load %arg14[%get3A_125, %get3A_126] : memref<1x128xf32, #tpu.memory_space<vmem>>, vector<1x128xf32>
    %get3A_128 = arith.constant 0 : index
    %get3A_129 = arith.constant 0 : index
    %get3A_130 = vector.load %arg15[%get3A_128, %get3A_129] : memref<128x128xf32, #tpu.memory_space<vmem>>, vector<128x128xf32>
    %get3A_131 = arith.constant 0 : index
    %get3A_132 = arith.constant 0 : index
    %get3A_133 = vector.load %arg16[%get3A_131, %get3A_132] : memref<128x128xf32, #tpu.memory_space<vmem>>, vector<128x128xf32>
    %get3A_134 = arith.constant 0 : index
    %get3A_135 = arith.constant 0 : index
    %get3A_136 = vector.load %arg17[%get3A_134, %get3A_135] : memref<1x128xf32, #tpu.memory_space<vmem>>, vector<1x128xf32>
    %dot_general3A_137 = arith.constant dense<0.000000e+00> : vector<1024x128xf32>
    %dot_general3A_138 = tpu.matmul %get3A_1, %add3A_118, %dot_general3A_137 {dimension_numbers = #tpu.dot_dimension_numbers<[1], [0], [0], [1], [0, 0, 1, 1], [], []>, transpose_lhs_hint = false} : vector<1024x1024xf32>, vector<1024x128xf32>, vector<1024x128xf32> -> vector<1024x128xf32>
    %div3A_139 = vector.broadcast %max3A_7 : vector<1024x1xf32> to vector<1024x128xf32>
    %div3A_140 = arith.divf %dot_general3A_138, %div3A_139 : vector<1024x128xf32>
    %dot_general3A_141 = arith.constant dense<0.000000e+00> : vector<1024x128xf32>
    %dot_general3A_142 = tpu.matmul %div3A_140, %get3A_121, %dot_general3A_141 {dimension_numbers = #tpu.dot_dimension_numbers<[1], [0], [0], [1], [0, 0, 1, 1], [], []>, transpose_lhs_hint = false} : vector<1024x128xf32>, vector<128x128xf32>, vector<1024x128xf32> -> vector<1024x128xf32>
    %dot_general3A_143 = arith.constant dense<0.000000e+00> : vector<1024x128xf32>
    %dot_general3A_144 = tpu.matmul %add3A_91, %get3A_124, %dot_general3A_143 {dimension_numbers = #tpu.dot_dimension_numbers<[1], [0], [0], [1], [0, 0, 1, 1], [], []>, transpose_lhs_hint = false} : vector<1024x128xf32>, vector<128x128xf32>, vector<1024x128xf32> -> vector<1024x128xf32>
    %add3A_145 = arith.addf %dot_general3A_142, %dot_general3A_144 : vector<1024x128xf32>
    %add3A_146 = vector.broadcast %get3A_127 : vector<1x128xf32> to vector<1024x128xf32>
    %add3A_147 = arith.addf %add3A_145, %add3A_146 : vector<1024x128xf32>
    %max3A_148 = arith.constant 0.000000e+00 : f32
    %max3A_149 = vector.broadcast %max3A_148 : f32 to vector<1024x128xf32>
    %max3A_150 = arith.maximumf %add3A_147, %max3A_149 : vector<1024x128xf32>
    %dot_general3A_151 = arith.constant dense<0.000000e+00> : vector<1024x128xf32>
    %dot_general3A_152 = tpu.matmul %get3A_4, %max3A_150, %dot_general3A_151 {dimension_numbers = #tpu.dot_dimension_numbers<[1], [0], [0], [1], [0, 0, 1, 1], [], []>, transpose_lhs_hint = false} : vector<1024x1024xf32>, vector<1024x128xf32>, vector<1024x128xf32> -> vector<1024x128xf32>
    %div3A_153 = vector.broadcast %max3A_13 : vector<1024x1xf32> to vector<1024x128xf32>
    %div3A_154 = arith.divf %dot_general3A_152, %div3A_153 : vector<1024x128xf32>
    %dot_general3A_155 = arith.constant dense<0.000000e+00> : vector<1024x128xf32>
    %dot_general3A_156 = tpu.matmul %div3A_154, %get3A_130, %dot_general3A_155 {dimension_numbers = #tpu.dot_dimension_numbers<[1], [0], [0], [1], [0, 0, 1, 1], [], []>, transpose_lhs_hint = false} : vector<1024x128xf32>, vector<128x128xf32>, vector<1024x128xf32> -> vector<1024x128xf32>
    %dot_general3A_157 = arith.constant dense<0.000000e+00> : vector<1024x128xf32>
    %dot_general3A_158 = tpu.matmul %add3A_118, %get3A_133, %dot_general3A_157 {dimension_numbers = #tpu.dot_dimension_numbers<[1], [0], [0], [1], [0, 0, 1, 1], [], []>, transpose_lhs_hint = false} : vector<1024x128xf32>, vector<128x128xf32>, vector<1024x128xf32> -> vector<1024x128xf32>
    %add3A_159 = arith.addf %dot_general3A_156, %dot_general3A_158 : vector<1024x128xf32>
    %add3A_160 = vector.broadcast %get3A_136 : vector<1x128xf32> to vector<1024x128xf32>
    %add3A_161 = arith.addf %add3A_159, %add3A_160 : vector<1024x128xf32>
    %max3A_162 = arith.constant 0.000000e+00 : f32
    %max3A_163 = vector.broadcast %max3A_162 : f32 to vector<1024x128xf32>
    %max3A_164 = arith.maximumf %add3A_161, %max3A_163 : vector<1024x128xf32>
    %get3A_165 = arith.constant 0 : index
    %get3A_166 = arith.constant 0 : index
    %get3A_167 = vector.load %arg18[%get3A_165, %get3A_166] : memref<1x128xf32, #tpu.memory_space<vmem>>, vector<1x128xf32>
    %get3A_168 = arith.constant 0 : index
    %get3A_169 = arith.constant 0 : index
    %get3A_170 = vector.load %arg19[%get3A_168, %get3A_169] : memref<1x128xf32, #tpu.memory_space<vmem>>, vector<1x128xf32>
    %reduce_sum3A_171 = arith.constant dense<0.000000e+00> : vector<1024xf32>
    %reduce_sum3A_172 = vector.multi_reduction <add>, %max3A_150, %reduce_sum3A_171 [1] : vector<1024x128xf32> to vector<1024xf32>
    %broadcast_in_dim3A_173 = vector.shape_cast %reduce_sum3A_172 : vector<1024xf32> to vector<1024x1xf32>
    %div3A_174 = arith.constant 1.280000e+02 : f32
    %div3A_175 = vector.broadcast %div3A_174 : f32 to vector<1024x1xf32>
    %div3A_176 = arith.divf %broadcast_in_dim3A_173, %div3A_175 : vector<1024x1xf32>
    %sub3A_177 = vector.broadcast %div3A_176 : vector<1024x1xf32> to vector<1024x128xf32>
    %sub3A_178 = arith.subf %max3A_150, %sub3A_177 : vector<1024x128xf32>
    %integer_pow3A_179 = arith.mulf %sub3A_178, %sub3A_178 : vector<1024x128xf32>
    %reduce_sum3A_180 = arith.constant dense<0.000000e+00> : vector<1024xf32>
    %reduce_sum3A_181 = vector.multi_reduction <add>, %integer_pow3A_179, %reduce_sum3A_180 [1] : vector<1024x128xf32> to vector<1024xf32>
    %broadcast_in_dim3A_182 = vector.shape_cast %reduce_sum3A_181 : vector<1024xf32> to vector<1024x1xf32>
    %div3A_183 = arith.constant 1.280000e+02 : f32
    %div3A_184 = vector.broadcast %div3A_183 : f32 to vector<1024x1xf32>
    %div3A_185 = arith.divf %broadcast_in_dim3A_182, %div3A_184 : vector<1024x1xf32>
    %sub3A_186 = vector.broadcast %div3A_176 : vector<1024x1xf32> to vector<1024x128xf32>
    %sub3A_187 = arith.subf %max3A_150, %sub3A_186 : vector<1024x128xf32>
    %add3A_188 = arith.constant 9.99999974E-6 : f32
    %add3A_189 = vector.broadcast %add3A_188 : f32 to vector<1024x1xf32>
    %add3A_190 = arith.addf %div3A_185, %add3A_189 : vector<1024x1xf32>
    %sqrt3A_191 = math.sqrt %add3A_190 : vector<1024x1xf32>
    %div3A_192 = vector.broadcast %sqrt3A_191 : vector<1024x1xf32> to vector<1024x128xf32>
    %div3A_193 = arith.divf %sub3A_187, %div3A_192 : vector<1024x128xf32>
    %mul3A_194 = vector.broadcast %get3A_167 : vector<1x128xf32> to vector<1024x128xf32>
    %mul3A_195 = arith.mulf %div3A_193, %mul3A_194 : vector<1024x128xf32>
    %add3A_196 = vector.broadcast %get3A_170 : vector<1x128xf32> to vector<1024x128xf32>
    %add3A_197 = arith.addf %mul3A_195, %add3A_196 : vector<1024x128xf32>
    %reduce_sum3A_198 = arith.constant dense<0.000000e+00> : vector<1024xf32>
    %reduce_sum3A_199 = vector.multi_reduction <add>, %max3A_164, %reduce_sum3A_198 [1] : vector<1024x128xf32> to vector<1024xf32>
    %broadcast_in_dim3A_200 = vector.shape_cast %reduce_sum3A_199 : vector<1024xf32> to vector<1024x1xf32>
    %div3A_201 = arith.constant 1.280000e+02 : f32
    %div3A_202 = vector.broadcast %div3A_201 : f32 to vector<1024x1xf32>
    %div3A_203 = arith.divf %broadcast_in_dim3A_200, %div3A_202 : vector<1024x1xf32>
    %sub3A_204 = vector.broadcast %div3A_203 : vector<1024x1xf32> to vector<1024x128xf32>
    %sub3A_205 = arith.subf %max3A_164, %sub3A_204 : vector<1024x128xf32>
    %integer_pow3A_206 = arith.mulf %sub3A_205, %sub3A_205 : vector<1024x128xf32>
    %reduce_sum3A_207 = arith.constant dense<0.000000e+00> : vector<1024xf32>
    %reduce_sum3A_208 = vector.multi_reduction <add>, %integer_pow3A_206, %reduce_sum3A_207 [1] : vector<1024x128xf32> to vector<1024xf32>
    %broadcast_in_dim3A_209 = vector.shape_cast %reduce_sum3A_208 : vector<1024xf32> to vector<1024x1xf32>
    %div3A_210 = arith.constant 1.280000e+02 : f32
    %div3A_211 = vector.broadcast %div3A_210 : f32 to vector<1024x1xf32>
    %div3A_212 = arith.divf %broadcast_in_dim3A_209, %div3A_211 : vector<1024x1xf32>
    %sub3A_213 = vector.broadcast %div3A_203 : vector<1024x1xf32> to vector<1024x128xf32>
    %sub3A_214 = arith.subf %max3A_164, %sub3A_213 : vector<1024x128xf32>
    %add3A_215 = arith.constant 9.99999974E-6 : f32
    %add3A_216 = vector.broadcast %add3A_215 : f32 to vector<1024x1xf32>
    %add3A_217 = arith.addf %div3A_212, %add3A_216 : vector<1024x1xf32>
    %sqrt3A_218 = math.sqrt %add3A_217 : vector<1024x1xf32>
    %div3A_219 = vector.broadcast %sqrt3A_218 : vector<1024x1xf32> to vector<1024x128xf32>
    %div3A_220 = arith.divf %sub3A_214, %div3A_219 : vector<1024x128xf32>
    %mul3A_221 = vector.broadcast %get3A_167 : vector<1x128xf32> to vector<1024x128xf32>
    %mul3A_222 = arith.mulf %div3A_220, %mul3A_221 : vector<1024x128xf32>
    %add3A_223 = vector.broadcast %get3A_170 : vector<1x128xf32> to vector<1024x128xf32>
    %add3A_224 = arith.addf %mul3A_222, %add3A_223 : vector<1024x128xf32>
    %get3A_225 = arith.constant 0 : index
    %get3A_226 = arith.constant 0 : index
    %get3A_227 = vector.load %arg20[%get3A_225, %get3A_226] : memref<128x128xf32, #tpu.memory_space<vmem>>, vector<128x128xf32>
    %get3A_228 = arith.constant 0 : index
    %get3A_229 = arith.constant 0 : index
    %get3A_230 = vector.load %arg21[%get3A_228, %get3A_229] : memref<128x128xf32, #tpu.memory_space<vmem>>, vector<128x128xf32>
    %get3A_231 = arith.constant 0 : index
    %get3A_232 = arith.constant 0 : index
    %get3A_233 = vector.load %arg22[%get3A_231, %get3A_232] : memref<1x128xf32, #tpu.memory_space<vmem>>, vector<1x128xf32>
    %get3A_234 = arith.constant 0 : index
    %get3A_235 = arith.constant 0 : index
    %get3A_236 = vector.load %arg23[%get3A_234, %get3A_235] : memref<128x128xf32, #tpu.memory_space<vmem>>, vector<128x128xf32>
    %get3A_237 = arith.constant 0 : index
    %get3A_238 = arith.constant 0 : index
    %get3A_239 = vector.load %arg24[%get3A_237, %get3A_238] : memref<128x128xf32, #tpu.memory_space<vmem>>, vector<128x128xf32>
    %get3A_240 = arith.constant 0 : index
    %get3A_241 = arith.constant 0 : index
    %get3A_242 = vector.load %arg25[%get3A_240, %get3A_241] : memref<1x128xf32, #tpu.memory_space<vmem>>, vector<1x128xf32>
    %dot_general3A_243 = arith.constant dense<0.000000e+00> : vector<1024x128xf32>
    %dot_general3A_244 = tpu.matmul %get3A_1, %add3A_224, %dot_general3A_243 {dimension_numbers = #tpu.dot_dimension_numbers<[1], [0], [0], [1], [0, 0, 1, 1], [], []>, transpose_lhs_hint = false} : vector<1024x1024xf32>, vector<1024x128xf32>, vector<1024x128xf32> -> vector<1024x128xf32>
    %div3A_245 = vector.broadcast %max3A_7 : vector<1024x1xf32> to vector<1024x128xf32>
    %div3A_246 = arith.divf %dot_general3A_244, %div3A_245 : vector<1024x128xf32>
    %dot_general3A_247 = arith.constant dense<0.000000e+00> : vector<1024x128xf32>
    %dot_general3A_248 = tpu.matmul %div3A_246, %get3A_227, %dot_general3A_247 {dimension_numbers = #tpu.dot_dimension_numbers<[1], [0], [0], [1], [0, 0, 1, 1], [], []>, transpose_lhs_hint = false} : vector<1024x128xf32>, vector<128x128xf32>, vector<1024x128xf32> -> vector<1024x128xf32>
    %dot_general3A_249 = arith.constant dense<0.000000e+00> : vector<1024x128xf32>
    %dot_general3A_250 = tpu.matmul %add3A_197, %get3A_230, %dot_general3A_249 {dimension_numbers = #tpu.dot_dimension_numbers<[1], [0], [0], [1], [0, 0, 1, 1], [], []>, transpose_lhs_hint = false} : vector<1024x128xf32>, vector<128x128xf32>, vector<1024x128xf32> -> vector<1024x128xf32>
    %add3A_251 = arith.addf %dot_general3A_248, %dot_general3A_250 : vector<1024x128xf32>
    %add3A_252 = vector.broadcast %get3A_233 : vector<1x128xf32> to vector<1024x128xf32>
    %add3A_253 = arith.addf %add3A_251, %add3A_252 : vector<1024x128xf32>
    %max3A_254 = arith.constant 0.000000e+00 : f32
    %max3A_255 = vector.broadcast %max3A_254 : f32 to vector<1024x128xf32>
    %max3A_256 = arith.maximumf %add3A_253, %max3A_255 : vector<1024x128xf32>
    %dot_general3A_257 = arith.constant dense<0.000000e+00> : vector<1024x128xf32>
    %dot_general3A_258 = tpu.matmul %get3A_4, %max3A_256, %dot_general3A_257 {dimension_numbers = #tpu.dot_dimension_numbers<[1], [0], [0], [1], [0, 0, 1, 1], [], []>, transpose_lhs_hint = false} : vector<1024x1024xf32>, vector<1024x128xf32>, vector<1024x128xf32> -> vector<1024x128xf32>
    %div3A_259 = vector.broadcast %max3A_13 : vector<1024x1xf32> to vector<1024x128xf32>
    %div3A_260 = arith.divf %dot_general3A_258, %div3A_259 : vector<1024x128xf32>
    %dot_general3A_261 = arith.constant dense<0.000000e+00> : vector<1024x128xf32>
    %dot_general3A_262 = tpu.matmul %div3A_260, %get3A_236, %dot_general3A_261 {dimension_numbers = #tpu.dot_dimension_numbers<[1], [0], [0], [1], [0, 0, 1, 1], [], []>, transpose_lhs_hint = false} : vector<1024x128xf32>, vector<128x128xf32>, vector<1024x128xf32> -> vector<1024x128xf32>
    %dot_general3A_263 = arith.constant dense<0.000000e+00> : vector<1024x128xf32>
    %dot_general3A_264 = tpu.matmul %add3A_224, %get3A_239, %dot_general3A_263 {dimension_numbers = #tpu.dot_dimension_numbers<[1], [0], [0], [1], [0, 0, 1, 1], [], []>, transpose_lhs_hint = false} : vector<1024x128xf32>, vector<128x128xf32>, vector<1024x128xf32> -> vector<1024x128xf32>
    %add3A_265 = arith.addf %dot_general3A_262, %dot_general3A_264 : vector<1024x128xf32>
    %add3A_266 = vector.broadcast %get3A_242 : vector<1x128xf32> to vector<1024x128xf32>
    %add3A_267 = arith.addf %add3A_265, %add3A_266 : vector<1024x128xf32>
    %max3A_268 = arith.constant 0.000000e+00 : f32
    %max3A_269 = vector.broadcast %max3A_268 : f32 to vector<1024x128xf32>
    %max3A_270 = arith.maximumf %add3A_267, %max3A_269 : vector<1024x128xf32>
    %get3A_271 = arith.constant 0 : index
    %get3A_272 = arith.constant 0 : index
    %get3A_273 = vector.load %arg26[%get3A_271, %get3A_272] : memref<1x128xf32, #tpu.memory_space<vmem>>, vector<1x128xf32>
    %get3A_274 = arith.constant 0 : index
    %get3A_275 = arith.constant 0 : index
    %get3A_276 = vector.load %arg27[%get3A_274, %get3A_275] : memref<1x128xf32, #tpu.memory_space<vmem>>, vector<1x128xf32>
    %reduce_sum3A_277 = arith.constant dense<0.000000e+00> : vector<1024xf32>
    %reduce_sum3A_278 = vector.multi_reduction <add>, %max3A_256, %reduce_sum3A_277 [1] : vector<1024x128xf32> to vector<1024xf32>
    %broadcast_in_dim3A_279 = vector.shape_cast %reduce_sum3A_278 : vector<1024xf32> to vector<1024x1xf32>
    %div3A_280 = arith.constant 1.280000e+02 : f32
    %div3A_281 = vector.broadcast %div3A_280 : f32 to vector<1024x1xf32>
    %div3A_282 = arith.divf %broadcast_in_dim3A_279, %div3A_281 : vector<1024x1xf32>
    %sub3A_283 = vector.broadcast %div3A_282 : vector<1024x1xf32> to vector<1024x128xf32>
    %sub3A_284 = arith.subf %max3A_256, %sub3A_283 : vector<1024x128xf32>
    %integer_pow3A_285 = arith.mulf %sub3A_284, %sub3A_284 : vector<1024x128xf32>
    %reduce_sum3A_286 = arith.constant dense<0.000000e+00> : vector<1024xf32>
    %reduce_sum3A_287 = vector.multi_reduction <add>, %integer_pow3A_285, %reduce_sum3A_286 [1] : vector<1024x128xf32> to vector<1024xf32>
    %broadcast_in_dim3A_288 = vector.shape_cast %reduce_sum3A_287 : vector<1024xf32> to vector<1024x1xf32>
    %div3A_289 = arith.constant 1.280000e+02 : f32
    %div3A_290 = vector.broadcast %div3A_289 : f32 to vector<1024x1xf32>
    %div3A_291 = arith.divf %broadcast_in_dim3A_288, %div3A_290 : vector<1024x1xf32>
    %sub3A_292 = vector.broadcast %div3A_282 : vector<1024x1xf32> to vector<1024x128xf32>
    %sub3A_293 = arith.subf %max3A_256, %sub3A_292 : vector<1024x128xf32>
    %add3A_294 = arith.constant 9.99999974E-6 : f32
    %add3A_295 = vector.broadcast %add3A_294 : f32 to vector<1024x1xf32>
    %add3A_296 = arith.addf %div3A_291, %add3A_295 : vector<1024x1xf32>
    %sqrt3A_297 = math.sqrt %add3A_296 : vector<1024x1xf32>
    %div3A_298 = vector.broadcast %sqrt3A_297 : vector<1024x1xf32> to vector<1024x128xf32>
    %div3A_299 = arith.divf %sub3A_293, %div3A_298 : vector<1024x128xf32>
    %mul3A_300 = vector.broadcast %get3A_273 : vector<1x128xf32> to vector<1024x128xf32>
    %mul3A_301 = arith.mulf %div3A_299, %mul3A_300 : vector<1024x128xf32>
    %add3A_302 = vector.broadcast %get3A_276 : vector<1x128xf32> to vector<1024x128xf32>
    %add3A_303 = arith.addf %mul3A_301, %add3A_302 : vector<1024x128xf32>
    %reduce_sum3A_304 = arith.constant dense<0.000000e+00> : vector<1024xf32>
    %reduce_sum3A_305 = vector.multi_reduction <add>, %max3A_270, %reduce_sum3A_304 [1] : vector<1024x128xf32> to vector<1024xf32>
    %broadcast_in_dim3A_306 = vector.shape_cast %reduce_sum3A_305 : vector<1024xf32> to vector<1024x1xf32>
    %div3A_307 = arith.constant 1.280000e+02 : f32
    %div3A_308 = vector.broadcast %div3A_307 : f32 to vector<1024x1xf32>
    %div3A_309 = arith.divf %broadcast_in_dim3A_306, %div3A_308 : vector<1024x1xf32>
    %sub3A_310 = vector.broadcast %div3A_309 : vector<1024x1xf32> to vector<1024x128xf32>
    %sub3A_311 = arith.subf %max3A_270, %sub3A_310 : vector<1024x128xf32>
    %integer_pow3A_312 = arith.mulf %sub3A_311, %sub3A_311 : vector<1024x128xf32>
    %reduce_sum3A_313 = arith.constant dense<0.000000e+00> : vector<1024xf32>
    %reduce_sum3A_314 = vector.multi_reduction <add>, %integer_pow3A_312, %reduce_sum3A_313 [1] : vector<1024x128xf32> to vector<1024xf32>
    %broadcast_in_dim3A_315 = vector.shape_cast %reduce_sum3A_314 : vector<1024xf32> to vector<1024x1xf32>
    %div3A_316 = arith.constant 1.280000e+02 : f32
    %div3A_317 = vector.broadcast %div3A_316 : f32 to vector<1024x1xf32>
    %div3A_318 = arith.divf %broadcast_in_dim3A_315, %div3A_317 : vector<1024x1xf32>
    %sub3A_319 = vector.broadcast %div3A_309 : vector<1024x1xf32> to vector<1024x128xf32>
    %sub3A_320 = arith.subf %max3A_270, %sub3A_319 : vector<1024x128xf32>
    %add3A_321 = arith.constant 9.99999974E-6 : f32
    %add3A_322 = vector.broadcast %add3A_321 : f32 to vector<1024x1xf32>
    %add3A_323 = arith.addf %div3A_318, %add3A_322 : vector<1024x1xf32>
    %sqrt3A_324 = math.sqrt %add3A_323 : vector<1024x1xf32>
    %div3A_325 = vector.broadcast %sqrt3A_324 : vector<1024x1xf32> to vector<1024x128xf32>
    %div3A_326 = arith.divf %sub3A_320, %div3A_325 : vector<1024x128xf32>
    %mul3A_327 = vector.broadcast %get3A_273 : vector<1x128xf32> to vector<1024x128xf32>
    %mul3A_328 = arith.mulf %div3A_326, %mul3A_327 : vector<1024x128xf32>
    %add3A_329 = vector.broadcast %get3A_276 : vector<1x128xf32> to vector<1024x128xf32>
    %add3A_330 = arith.addf %mul3A_328, %add3A_329 : vector<1024x128xf32>
    %get3A_331 = arith.constant 0 : index
    %get3A_332 = arith.constant 0 : index
    %get3A_333 = vector.load %arg28[%get3A_331, %get3A_332] : memref<128x128xf32, #tpu.memory_space<vmem>>, vector<128x128xf32>
    %get3A_334 = arith.constant 0 : index
    %get3A_335 = arith.constant 0 : index
    %get3A_336 = vector.load %arg29[%get3A_334, %get3A_335] : memref<128x128xf32, #tpu.memory_space<vmem>>, vector<128x128xf32>
    %get3A_337 = arith.constant 0 : index
    %get3A_338 = arith.constant 0 : index
    %get3A_339 = vector.load %arg30[%get3A_337, %get3A_338] : memref<1x128xf32, #tpu.memory_space<vmem>>, vector<1x128xf32>
    %dot_general3A_340 = arith.constant dense<0.000000e+00> : vector<1024x128xf32>
    %dot_general3A_341 = tpu.matmul %get3A_1, %add3A_330, %dot_general3A_340 {dimension_numbers = #tpu.dot_dimension_numbers<[1], [0], [0], [1], [0, 0, 1, 1], [], []>, transpose_lhs_hint = false} : vector<1024x1024xf32>, vector<1024x128xf32>, vector<1024x128xf32> -> vector<1024x128xf32>
    %div3A_342 = vector.broadcast %max3A_7 : vector<1024x1xf32> to vector<1024x128xf32>
    %div3A_343 = arith.divf %dot_general3A_341, %div3A_342 : vector<1024x128xf32>
    %dot_general3A_344 = arith.constant dense<0.000000e+00> : vector<1024x128xf32>
    %dot_general3A_345 = tpu.matmul %div3A_343, %get3A_333, %dot_general3A_344 {dimension_numbers = #tpu.dot_dimension_numbers<[1], [0], [0], [1], [0, 0, 1, 1], [], []>, transpose_lhs_hint = false} : vector<1024x128xf32>, vector<128x128xf32>, vector<1024x128xf32> -> vector<1024x128xf32>
    %dot_general3A_346 = arith.constant dense<0.000000e+00> : vector<1024x128xf32>
    %dot_general3A_347 = tpu.matmul %add3A_303, %get3A_336, %dot_general3A_346 {dimension_numbers = #tpu.dot_dimension_numbers<[1], [0], [0], [1], [0, 0, 1, 1], [], []>, transpose_lhs_hint = false} : vector<1024x128xf32>, vector<128x128xf32>, vector<1024x128xf32> -> vector<1024x128xf32>
    %add3A_348 = arith.addf %dot_general3A_345, %dot_general3A_347 : vector<1024x128xf32>
    %add3A_349 = vector.broadcast %get3A_339 : vector<1x128xf32> to vector<1024x128xf32>
    %add3A_350 = arith.addf %add3A_348, %add3A_349 : vector<1024x128xf32>
    %max3A_351 = arith.constant 0.000000e+00 : f32
    %max3A_352 = vector.broadcast %max3A_351 : f32 to vector<1024x128xf32>
    %max3A_353 = arith.maximumf %add3A_350, %max3A_352 : vector<1024x128xf32>
    %swap3A = arith.constant 0 : index
    %swap3A_354 = arith.constant 0 : index
    %swap3A_355 = vector.load %arg34[%swap3A, %swap3A_354] : memref<1024x128xf32, #tpu.memory_space<vmem>>, vector<1024x128xf32>
    tpu.vector_store %arg34[%swap3A, %swap3A_354], %max3A_353 {strides = array<i32>} : memref<1024x128xf32, #tpu.memory_space<vmem>>, vector<1024x128xf32>,
    return
  }
}

module attributes {stable_mosaic.version = 14 : i64} {
  func.func @_passive_body(%arg0: i32, %arg1: memref<1024x8xf32, #tpu.memory_space<vmem>>, %arg2: memref<1024x128xf32, #tpu.memory_space<vmem>>, %arg3: memref<8x128xf32, #tpu.memory_space<vmem>>, %arg4: memref<1x128xf32, #tpu.memory_space<vmem>>, %arg5: memref<1x128xf32, #tpu.memory_space<vmem>>, %arg6: memref<1x128xf32, #tpu.memory_space<vmem>>, %arg7: memref<128x128xf32, #tpu.memory_space<vmem>>, %arg8: memref<1x128xf32, #tpu.memory_space<vmem>>, %arg9: memref<1x128xf32, #tpu.memory_space<vmem>>, %arg10: memref<1x128xf32, #tpu.memory_space<vmem>>, %arg11: memref<128x128xf32, #tpu.memory_space<vmem>>, %arg12: memref<1x128xf32, #tpu.memory_space<vmem>>, %arg13: memref<1x128xf32, #tpu.memory_space<vmem>>, %arg14: memref<1x128xf32, #tpu.memory_space<vmem>>, %arg15: memref<128x128xf32, #tpu.memory_space<vmem>>, %arg16: memref<1x128xf32, #tpu.memory_space<vmem>>, %arg17: memref<1024x128xf32, #tpu.memory_space<vmem>>) attributes {dimension_semantics = [#tpu.dimension_semantics<arbitrary>], iteration_bounds = array<i64: 64>, scalar_prefetch = 0 : i64, scratch_operands = 0 : i64, tpu.core_type = #tpu.core_type<tc>, window_params = [{transform_indices = @transform_0, window_bounds = array<i64: 1024, 8>}, {pipeline_mode = #tpu.pipeline_mode<synchronous>, transform_indices = @transform_1, window_bounds = array<i64: 1024, 128>}, {pipeline_mode = #tpu.pipeline_mode<synchronous>, transform_indices = @transform_2, window_bounds = array<i64: 8, 128>}, {pipeline_mode = #tpu.pipeline_mode<synchronous>, transform_indices = @transform_3, window_bounds = array<i64: 1, 128>}, {pipeline_mode = #tpu.pipeline_mode<synchronous>, transform_indices = @transform_4, window_bounds = array<i64: 1, 128>}, {pipeline_mode = #tpu.pipeline_mode<synchronous>, transform_indices = @transform_5, window_bounds = array<i64: 1, 128>}, {pipeline_mode = #tpu.pipeline_mode<synchronous>, transform_indices = @transform_6, window_bounds = array<i64: 128, 128>}, {pipeline_mode = #tpu.pipeline_mode<synchronous>, transform_indices = @transform_7, window_bounds = array<i64: 1, 128>}, {pipeline_mode = #tpu.pipeline_mode<synchronous>, transform_indices = @transform_8, window_bounds = array<i64: 1, 128>}, {pipeline_mode = #tpu.pipeline_mode<synchronous>, transform_indices = @transform_9, window_bounds = array<i64: 1, 128>}, {pipeline_mode = #tpu.pipeline_mode<synchronous>, transform_indices = @transform_10, window_bounds = array<i64: 128, 128>}, {pipeline_mode = #tpu.pipeline_mode<synchronous>, transform_indices = @transform_11, window_bounds = array<i64: 1, 128>}, {pipeline_mode = #tpu.pipeline_mode<synchronous>, transform_indices = @transform_12, window_bounds = array<i64: 1, 128>}, {pipeline_mode = #tpu.pipeline_mode<synchronous>, transform_indices = @transform_13, window_bounds = array<i64: 1, 128>}, {pipeline_mode = #tpu.pipeline_mode<synchronous>, transform_indices = @transform_14, window_bounds = array<i64: 128, 128>}, {pipeline_mode = #tpu.pipeline_mode<synchronous>, transform_indices = @transform_15, window_bounds = array<i64: 1, 128>}, {transform_indices = @transform_16, window_bounds = array<i64: 1024, 128>}]} {
    %get3A = arith.constant 0 : index
    %get3A_0 = arith.constant 0 : index
    %get3A_1 = vector.load %arg1[%get3A, %get3A_0] : memref<1024x8xf32, #tpu.memory_space<vmem>>, vector<1024x8xf32>
    %get3A_2 = arith.constant 0 : index
    %get3A_3 = arith.constant 0 : index
    %get3A_4 = vector.load %arg3[%get3A_2, %get3A_3] : memref<8x128xf32, #tpu.memory_space<vmem>>, vector<8x128xf32>
    %get3A_5 = arith.constant 0 : index
    %get3A_6 = arith.constant 0 : index
    %get3A_7 = vector.load %arg4[%get3A_5, %get3A_6] : memref<1x128xf32, #tpu.memory_space<vmem>>, vector<1x128xf32>
    %dot_general3A = arith.constant dense<0.000000e+00> : vector<1024x128xf32>
    %dot_general3A_8 = tpu.matmul %get3A_1, %get3A_4, %dot_general3A {dimension_numbers = #tpu.dot_dimension_numbers<[1], [0], [0], [1], [0, 0, 1, 1], [], []>, transpose_lhs_hint = false} : vector<1024x8xf32>, vector<8x128xf32>, vector<1024x128xf32> -> vector<1024x128xf32>
    %add3A = vector.broadcast %get3A_7 : vector<1x128xf32> to vector<1024x128xf32>
    %add3A_9 = arith.addf %dot_general3A_8, %add3A : vector<1024x128xf32>
    %max3A = arith.constant 0.000000e+00 : f32
    %max3A_10 = vector.broadcast %max3A : f32 to vector<1024x128xf32>
    %max3A_11 = arith.maximumf %add3A_9, %max3A_10 : vector<1024x128xf32>
    %get3A_12 = arith.constant 0 : index
    %get3A_13 = arith.constant 0 : index
    %get3A_14 = vector.load %arg5[%get3A_12, %get3A_13] : memref<1x128xf32, #tpu.memory_space<vmem>>, vector<1x128xf32>
    %get3A_15 = arith.constant 0 : index
    %get3A_16 = arith.constant 0 : index
    %get3A_17 = vector.load %arg6[%get3A_15, %get3A_16] : memref<1x128xf32, #tpu.memory_space<vmem>>, vector<1x128xf32>
    %reduce_sum3A = arith.constant dense<0.000000e+00> : vector<1024xf32>
    %reduce_sum3A_18 = vector.multi_reduction <add>, %max3A_11, %reduce_sum3A [1] : vector<1024x128xf32> to vector<1024xf32>
    %broadcast_in_dim3A = vector.shape_cast %reduce_sum3A_18 : vector<1024xf32> to vector<1024x1xf32>
    %div3A = arith.constant 1.280000e+02 : f32
    %div3A_19 = vector.broadcast %div3A : f32 to vector<1024x1xf32>
    %div3A_20 = arith.divf %broadcast_in_dim3A, %div3A_19 : vector<1024x1xf32>
    %sub3A = vector.broadcast %div3A_20 : vector<1024x1xf32> to vector<1024x128xf32>
    %sub3A_21 = arith.subf %max3A_11, %sub3A : vector<1024x128xf32>
    %integer_pow3A = arith.mulf %sub3A_21, %sub3A_21 : vector<1024x128xf32>
    %reduce_sum3A_22 = arith.constant dense<0.000000e+00> : vector<1024xf32>
    %reduce_sum3A_23 = vector.multi_reduction <add>, %integer_pow3A, %reduce_sum3A_22 [1] : vector<1024x128xf32> to vector<1024xf32>
    %broadcast_in_dim3A_24 = vector.shape_cast %reduce_sum3A_23 : vector<1024xf32> to vector<1024x1xf32>
    %div3A_25 = arith.constant 1.280000e+02 : f32
    %div3A_26 = vector.broadcast %div3A_25 : f32 to vector<1024x1xf32>
    %div3A_27 = arith.divf %broadcast_in_dim3A_24, %div3A_26 : vector<1024x1xf32>
    %sub3A_28 = vector.broadcast %div3A_20 : vector<1024x1xf32> to vector<1024x128xf32>
    %sub3A_29 = arith.subf %max3A_11, %sub3A_28 : vector<1024x128xf32>
    %add3A_30 = arith.constant 9.99999974E-6 : f32
    %add3A_31 = vector.broadcast %add3A_30 : f32 to vector<1024x1xf32>
    %add3A_32 = arith.addf %div3A_27, %add3A_31 : vector<1024x1xf32>
    %sqrt3A = math.sqrt %add3A_32 : vector<1024x1xf32>
    %div3A_33 = vector.broadcast %sqrt3A : vector<1024x1xf32> to vector<1024x128xf32>
    %div3A_34 = arith.divf %sub3A_29, %div3A_33 : vector<1024x128xf32>
    %mul3A = vector.broadcast %get3A_14 : vector<1x128xf32> to vector<1024x128xf32>
    %mul3A_35 = arith.mulf %div3A_34, %mul3A : vector<1024x128xf32>
    %add3A_36 = vector.broadcast %get3A_17 : vector<1x128xf32> to vector<1024x128xf32>
    %add3A_37 = arith.addf %mul3A_35, %add3A_36 : vector<1024x128xf32>
    %get3A_38 = arith.constant 0 : index
    %get3A_39 = arith.constant 0 : index
    %get3A_40 = vector.load %arg7[%get3A_38, %get3A_39] : memref<128x128xf32, #tpu.memory_space<vmem>>, vector<128x128xf32>
    %get3A_41 = arith.constant 0 : index
    %get3A_42 = arith.constant 0 : index
    %get3A_43 = vector.load %arg8[%get3A_41, %get3A_42] : memref<1x128xf32, #tpu.memory_space<vmem>>, vector<1x128xf32>
    %dot_general3A_44 = arith.constant dense<0.000000e+00> : vector<1024x128xf32>
    %dot_general3A_45 = tpu.matmul %add3A_37, %get3A_40, %dot_general3A_44 {dimension_numbers = #tpu.dot_dimension_numbers<[1], [0], [0], [1], [0, 0, 1, 1], [], []>, transpose_lhs_hint = false} : vector<1024x128xf32>, vector<128x128xf32>, vector<1024x128xf32> -> vector<1024x128xf32>
    %add3A_46 = vector.broadcast %get3A_43 : vector<1x128xf32> to vector<1024x128xf32>
    %add3A_47 = arith.addf %dot_general3A_45, %add3A_46 : vector<1024x128xf32>
    %max3A_48 = arith.constant 0.000000e+00 : f32
    %max3A_49 = vector.broadcast %max3A_48 : f32 to vector<1024x128xf32>
    %max3A_50 = arith.maximumf %add3A_47, %max3A_49 : vector<1024x128xf32>
    %get3A_51 = arith.constant 0 : index
    %get3A_52 = arith.constant 0 : index
    %get3A_53 = vector.load %arg9[%get3A_51, %get3A_52] : memref<1x128xf32, #tpu.memory_space<vmem>>, vector<1x128xf32>
    %get3A_54 = arith.constant 0 : index
    %get3A_55 = arith.constant 0 : index
    %get3A_56 = vector.load %arg10[%get3A_54, %get3A_55] : memref<1x128xf32, #tpu.memory_space<vmem>>, vector<1x128xf32>
    %reduce_sum3A_57 = arith.constant dense<0.000000e+00> : vector<1024xf32>
    %reduce_sum3A_58 = vector.multi_reduction <add>, %max3A_50, %reduce_sum3A_57 [1] : vector<1024x128xf32> to vector<1024xf32>
    %broadcast_in_dim3A_59 = vector.shape_cast %reduce_sum3A_58 : vector<1024xf32> to vector<1024x1xf32>
    %div3A_60 = arith.constant 1.280000e+02 : f32
    %div3A_61 = vector.broadcast %div3A_60 : f32 to vector<1024x1xf32>
    %div3A_62 = arith.divf %broadcast_in_dim3A_59, %div3A_61 : vector<1024x1xf32>
    %sub3A_63 = vector.broadcast %div3A_62 : vector<1024x1xf32> to vector<1024x128xf32>
    %sub3A_64 = arith.subf %max3A_50, %sub3A_63 : vector<1024x128xf32>
    %integer_pow3A_65 = arith.mulf %sub3A_64, %sub3A_64 : vector<1024x128xf32>
    %reduce_sum3A_66 = arith.constant dense<0.000000e+00> : vector<1024xf32>
    %reduce_sum3A_67 = vector.multi_reduction <add>, %integer_pow3A_65, %reduce_sum3A_66 [1] : vector<1024x128xf32> to vector<1024xf32>
    %broadcast_in_dim3A_68 = vector.shape_cast %reduce_sum3A_67 : vector<1024xf32> to vector<1024x1xf32>
    %div3A_69 = arith.constant 1.280000e+02 : f32
    %div3A_70 = vector.broadcast %div3A_69 : f32 to vector<1024x1xf32>
    %div3A_71 = arith.divf %broadcast_in_dim3A_68, %div3A_70 : vector<1024x1xf32>
    %sub3A_72 = vector.broadcast %div3A_62 : vector<1024x1xf32> to vector<1024x128xf32>
    %sub3A_73 = arith.subf %max3A_50, %sub3A_72 : vector<1024x128xf32>
    %add3A_74 = arith.constant 9.99999974E-6 : f32
    %add3A_75 = vector.broadcast %add3A_74 : f32 to vector<1024x1xf32>
    %add3A_76 = arith.addf %div3A_71, %add3A_75 : vector<1024x1xf32>
    %sqrt3A_77 = math.sqrt %add3A_76 : vector<1024x1xf32>
    %div3A_78 = vector.broadcast %sqrt3A_77 : vector<1024x1xf32> to vector<1024x128xf32>
    %div3A_79 = arith.divf %sub3A_73, %div3A_78 : vector<1024x128xf32>
    %mul3A_80 = vector.broadcast %get3A_53 : vector<1x128xf32> to vector<1024x128xf32>
    %mul3A_81 = arith.mulf %div3A_79, %mul3A_80 : vector<1024x128xf32>
    %add3A_82 = vector.broadcast %get3A_56 : vector<1x128xf32> to vector<1024x128xf32>
    %add3A_83 = arith.addf %mul3A_81, %add3A_82 : vector<1024x128xf32>
    %get3A_84 = arith.constant 0 : index
    %get3A_85 = arith.constant 0 : index
    %get3A_86 = vector.load %arg11[%get3A_84, %get3A_85] : memref<128x128xf32, #tpu.memory_space<vmem>>, vector<128x128xf32>
    %get3A_87 = arith.constant 0 : index
    %get3A_88 = arith.constant 0 : index
    %get3A_89 = vector.load %arg12[%get3A_87, %get3A_88] : memref<1x128xf32, #tpu.memory_space<vmem>>, vector<1x128xf32>
    %dot_general3A_90 = arith.constant dense<0.000000e+00> : vector<1024x128xf32>
    %dot_general3A_91 = tpu.matmul %add3A_83, %get3A_86, %dot_general3A_90 {dimension_numbers = #tpu.dot_dimension_numbers<[1], [0], [0], [1], [0, 0, 1, 1], [], []>, transpose_lhs_hint = false} : vector<1024x128xf32>, vector<128x128xf32>, vector<1024x128xf32> -> vector<1024x128xf32>
    %add3A_92 = vector.broadcast %get3A_89 : vector<1x128xf32> to vector<1024x128xf32>
    %add3A_93 = arith.addf %dot_general3A_91, %add3A_92 : vector<1024x128xf32>
    %max3A_94 = arith.constant 0.000000e+00 : f32
    %max3A_95 = vector.broadcast %max3A_94 : f32 to vector<1024x128xf32>
    %max3A_96 = arith.maximumf %add3A_93, %max3A_95 : vector<1024x128xf32>
    %get3A_97 = arith.constant 0 : index
    %get3A_98 = arith.constant 0 : index
    %get3A_99 = vector.load %arg13[%get3A_97, %get3A_98] : memref<1x128xf32, #tpu.memory_space<vmem>>, vector<1x128xf32>
    %get3A_100 = arith.constant 0 : index
    %get3A_101 = arith.constant 0 : index
    %get3A_102 = vector.load %arg14[%get3A_100, %get3A_101] : memref<1x128xf32, #tpu.memory_space<vmem>>, vector<1x128xf32>
    %reduce_sum3A_103 = arith.constant dense<0.000000e+00> : vector<1024xf32>
    %reduce_sum3A_104 = vector.multi_reduction <add>, %max3A_96, %reduce_sum3A_103 [1] : vector<1024x128xf32> to vector<1024xf32>
    %broadcast_in_dim3A_105 = vector.shape_cast %reduce_sum3A_104 : vector<1024xf32> to vector<1024x1xf32>
    %div3A_106 = arith.constant 1.280000e+02 : f32
    %div3A_107 = vector.broadcast %div3A_106 : f32 to vector<1024x1xf32>
    %div3A_108 = arith.divf %broadcast_in_dim3A_105, %div3A_107 : vector<1024x1xf32>
    %sub3A_109 = vector.broadcast %div3A_108 : vector<1024x1xf32> to vector<1024x128xf32>
    %sub3A_110 = arith.subf %max3A_96, %sub3A_109 : vector<1024x128xf32>
    %integer_pow3A_111 = arith.mulf %sub3A_110, %sub3A_110 : vector<1024x128xf32>
    %reduce_sum3A_112 = arith.constant dense<0.000000e+00> : vector<1024xf32>
    %reduce_sum3A_113 = vector.multi_reduction <add>, %integer_pow3A_111, %reduce_sum3A_112 [1] : vector<1024x128xf32> to vector<1024xf32>
    %broadcast_in_dim3A_114 = vector.shape_cast %reduce_sum3A_113 : vector<1024xf32> to vector<1024x1xf32>
    %div3A_115 = arith.constant 1.280000e+02 : f32
    %div3A_116 = vector.broadcast %div3A_115 : f32 to vector<1024x1xf32>
    %div3A_117 = arith.divf %broadcast_in_dim3A_114, %div3A_116 : vector<1024x1xf32>
    %sub3A_118 = vector.broadcast %div3A_108 : vector<1024x1xf32> to vector<1024x128xf32>
    %sub3A_119 = arith.subf %max3A_96, %sub3A_118 : vector<1024x128xf32>
    %add3A_120 = arith.constant 9.99999974E-6 : f32
    %add3A_121 = vector.broadcast %add3A_120 : f32 to vector<1024x1xf32>
    %add3A_122 = arith.addf %div3A_117, %add3A_121 : vector<1024x1xf32>
    %sqrt3A_123 = math.sqrt %add3A_122 : vector<1024x1xf32>
    %div3A_124 = vector.broadcast %sqrt3A_123 : vector<1024x1xf32> to vector<1024x128xf32>
    %div3A_125 = arith.divf %sub3A_119, %div3A_124 : vector<1024x128xf32>
    %mul3A_126 = vector.broadcast %get3A_99 : vector<1x128xf32> to vector<1024x128xf32>
    %mul3A_127 = arith.mulf %div3A_125, %mul3A_126 : vector<1024x128xf32>
    %add3A_128 = vector.broadcast %get3A_102 : vector<1x128xf32> to vector<1024x128xf32>
    %add3A_129 = arith.addf %mul3A_127, %add3A_128 : vector<1024x128xf32>
    %get3A_130 = arith.constant 0 : index
    %get3A_131 = arith.constant 0 : index
    %get3A_132 = vector.load %arg15[%get3A_130, %get3A_131] : memref<128x128xf32, #tpu.memory_space<vmem>>, vector<128x128xf32>
    %get3A_133 = arith.constant 0 : index
    %get3A_134 = arith.constant 0 : index
    %get3A_135 = vector.load %arg16[%get3A_133, %get3A_134] : memref<1x128xf32, #tpu.memory_space<vmem>>, vector<1x128xf32>
    %dot_general3A_136 = arith.constant dense<0.000000e+00> : vector<1024x128xf32>
    %dot_general3A_137 = tpu.matmul %add3A_129, %get3A_132, %dot_general3A_136 {dimension_numbers = #tpu.dot_dimension_numbers<[1], [0], [0], [1], [0, 0, 1, 1], [], []>, transpose_lhs_hint = false} : vector<1024x128xf32>, vector<128x128xf32>, vector<1024x128xf32> -> vector<1024x128xf32>
    %add3A_138 = vector.broadcast %get3A_135 : vector<1x128xf32> to vector<1024x128xf32>
    %add3A_139 = arith.addf %dot_general3A_137, %add3A_138 : vector<1024x128xf32>
    %max3A_140 = arith.constant 0.000000e+00 : f32
    %max3A_141 = vector.broadcast %max3A_140 : f32 to vector<1024x128xf32>
    %max3A_142 = arith.maximumf %add3A_139, %max3A_141 : vector<1024x128xf32>
    %eq3A = arith.constant 0 : i32
    %eq3A_143 = arith.cmpi eq, %arg0, %eq3A : i32
    %convert_element_type3A = arith.extui %eq3A_143 : i1 to i32
    %cond3A = arith.constant 0 : i32
    %cond3A_144 = arith.cmpi ne, %convert_element_type3A, %cond3A : i32
    scf.if %cond3A_144 {
      %get3A_149 = arith.constant 0 : index
      %get3A_150 = arith.constant 0 : index
      %get3A_151 = vector.load %arg2[%get3A_149, %get3A_150] : memref<1024x128xf32, #tpu.memory_space<vmem>>, vector<1024x128xf32>
      %swap3A = arith.constant 0 : index
      %swap3A_152 = arith.constant 0 : index
      %swap3A_153 = vector.load %arg17[%swap3A, %swap3A_152] : memref<1024x128xf32, #tpu.memory_space<vmem>>, vector<1024x128xf32>
      tpu.vector_store %arg17[%swap3A, %swap3A_152], %get3A_151 {strides = array<i32>} : memref<1024x128xf32, #tpu.memory_space<vmem>>, vector<1024x128xf32>,
    } else {
    }
    %ne3A = arith.constant 0 : i32
    %ne3A_145 = arith.cmpi ne, %arg0, %ne3A : i32
    %convert_element_type3A_146 = arith.extui %ne3A_145 : i1 to i32
    %cond3A_147 = arith.constant 0 : i32
    %cond3A_148 = arith.cmpi ne, %convert_element_type3A_146, %cond3A_147 : i32
    scf.if %cond3A_148 {
      %swap3A = arith.constant 0 : index
      %swap3A_149 = arith.constant 0 : index
      %swap3A_150 = vector.load %arg17[%swap3A, %swap3A_149] : memref<1024x128xf32, #tpu.memory_space<vmem>>, vector<1024x128xf32>
      tpu.vector_store %arg17[%swap3A, %swap3A_149], %max3A_142 {strides = array<i32>} : memref<1024x128xf32, #tpu.memory_space<vmem>>, vector<1024x128xf32>,
    } else {
    }
    return
  }
  func.func @transform_0(%arg0: i32) -> (i32, i32) {
    %c0_i32 = arith.constant 0 : i32
    %c0_i32_0 = arith.constant 0 : i32
    return %arg0, %c0_i32 : i32, i32
  }
  func.func @transform_1(%arg0: i32) -> (i32, i32) {
    %c0_i32 = arith.constant 0 : i32
    %c0_i32_0 = arith.constant 0 : i32
    %c0_i32_1 = arith.constant 0 : i32
    return %c0_i32, %c0_i32_0 : i32, i32
  }
  func.func @transform_2(%arg0: i32) -> (i32, i32) {
    %c0_i32 = arith.constant 0 : i32
    %c0_i32_0 = arith.constant 0 : i32
    %c0_i32_1 = arith.constant 0 : i32
    return %c0_i32, %c0_i32_0 : i32, i32
  }
  func.func @transform_3(%arg0: i32) -> (i32, i32) {
    %c0_i32 = arith.constant 0 : i32
    %c0_i32_0 = arith.constant 0 : i32
    %c0_i32_1 = arith.constant 0 : i32
    return %c0_i32, %c0_i32_0 : i32, i32
  }
  func.func @transform_4(%arg0: i32) -> (i32, i32) {
    %c0_i32 = arith.constant 0 : i32
    %c0_i32_0 = arith.constant 0 : i32
    %c0_i32_1 = arith.constant 0 : i32
    return %c0_i32, %c0_i32_0 : i32, i32
  }
  func.func @transform_5(%arg0: i32) -> (i32, i32) {
    %c0_i32 = arith.constant 0 : i32
    %c0_i32_0 = arith.constant 0 : i32
    %c0_i32_1 = arith.constant 0 : i32
    return %c0_i32, %c0_i32_0 : i32, i32
  }
  func.func @transform_6(%arg0: i32) -> (i32, i32) {
    %c0_i32 = arith.constant 0 : i32
    %c0_i32_0 = arith.constant 0 : i32
    %c0_i32_1 = arith.constant 0 : i32
    return %c0_i32, %c0_i32_0 : i32, i32
  }
  func.func @transform_7(%arg0: i32) -> (i32, i32) {
    %c0_i32 = arith.constant 0 : i32
    %c0_i32_0 = arith.constant 0 : i32
    %c0_i32_1 = arith.constant 0 : i32
    return %c0_i32, %c0_i32_0 : i32, i32
  }
  func.func @transform_8(%arg0: i32) -> (i32, i32) {
    %c0_i32 = arith.constant 0 : i32
    %c0_i32_0 = arith.constant 0 : i32
    %c0_i32_1 = arith.constant 0 : i32
    return %c0_i32, %c0_i32_0 : i32, i32
  }
  func.func @transform_9(%arg0: i32) -> (i32, i32) {
    %c0_i32 = arith.constant 0 : i32
    %c0_i32_0 = arith.constant 0 : i32
    %c0_i32_1 = arith.constant 0 : i32
    return %c0_i32, %c0_i32_0 : i32, i32
  }
  func.func @transform_10(%arg0: i32) -> (i32, i32) {
    %c0_i32 = arith.constant 0 : i32
    %c0_i32_0 = arith.constant 0 : i32
    %c0_i32_1 = arith.constant 0 : i32
    return %c0_i32, %c0_i32_0 : i32, i32
  }
  func.func @transform_11(%arg0: i32) -> (i32, i32) {
    %c0_i32 = arith.constant 0 : i32
    %c0_i32_0 = arith.constant 0 : i32
    %c0_i32_1 = arith.constant 0 : i32
    return %c0_i32, %c0_i32_0 : i32, i32
  }
  func.func @transform_12(%arg0: i32) -> (i32, i32) {
    %c0_i32 = arith.constant 0 : i32
    %c0_i32_0 = arith.constant 0 : i32
    %c0_i32_1 = arith.constant 0 : i32
    return %c0_i32, %c0_i32_0 : i32, i32
  }
  func.func @transform_13(%arg0: i32) -> (i32, i32) {
    %c0_i32 = arith.constant 0 : i32
    %c0_i32_0 = arith.constant 0 : i32
    %c0_i32_1 = arith.constant 0 : i32
    return %c0_i32, %c0_i32_0 : i32, i32
  }
  func.func @transform_14(%arg0: i32) -> (i32, i32) {
    %c0_i32 = arith.constant 0 : i32
    %c0_i32_0 = arith.constant 0 : i32
    %c0_i32_1 = arith.constant 0 : i32
    return %c0_i32, %c0_i32_0 : i32, i32
  }
  func.func @transform_15(%arg0: i32) -> (i32, i32) {
    %c0_i32 = arith.constant 0 : i32
    %c0_i32_0 = arith.constant 0 : i32
    %c0_i32_1 = arith.constant 0 : i32
    return %c0_i32, %c0_i32_0 : i32, i32
  }
  func.func @transform_16(%arg0: i32) -> (i32, i32) {
    %c0_i32 = arith.constant 0 : i32
    %c0_i32_0 = arith.constant 0 : i32
    return %arg0, %c0_i32 : i32, i32
  }
}

module attributes {stable_mosaic.version = 14 : i64} {
  func.func @_conv_body(%arg0: i32, %arg1: memref<4096x128xf32, #tpu.memory_space<vmem>>, %arg2: memref<64x128x8xf32, #tpu.memory_space<vmem>>, %arg3: memref<64x64x8xf32, #tpu.memory_space<vmem>>, %arg4: memref<64x64x8xf32, #tpu.memory_space<vmem>>, %arg5: memref<64x1xf32, #tpu.memory_space<vmem>>, %arg6: memref<64x1xf32, #tpu.memory_space<vmem>>, %arg7: memref<64x1xf32, #tpu.memory_space<vmem>>, %arg8: memref<1x64x4075xf32, #tpu.memory_space<vmem>>) attributes {dimension_semantics = [#tpu.dimension_semantics<arbitrary>], iteration_bounds = array<i64: 16>, scalar_prefetch = 0 : i64, scratch_operands = 0 : i64, tpu.core_type = #tpu.core_type<tc>, window_params = [{transform_indices = @transform_0, window_bounds = array<i64: 4096, 128>}, {pipeline_mode = #tpu.pipeline_mode<synchronous>, transform_indices = @transform_1, window_bounds = array<i64: 64, 128, 8>}, {pipeline_mode = #tpu.pipeline_mode<synchronous>, transform_indices = @transform_2, window_bounds = array<i64: 64, 64, 8>}, {pipeline_mode = #tpu.pipeline_mode<synchronous>, transform_indices = @transform_3, window_bounds = array<i64: 64, 64, 8>}, {pipeline_mode = #tpu.pipeline_mode<synchronous>, transform_indices = @transform_4, window_bounds = array<i64: 64, 1>}, {pipeline_mode = #tpu.pipeline_mode<synchronous>, transform_indices = @transform_5, window_bounds = array<i64: 64, 1>}, {pipeline_mode = #tpu.pipeline_mode<synchronous>, transform_indices = @transform_6, window_bounds = array<i64: 64, 1>}, {transform_indices = @transform_7, window_bounds = array<i64: 1, 64, 4075>}]} {
    %get3A = arith.constant 0 : index
    %get3A_0 = arith.constant 0 : index
    %get3A_1 = vector.load %arg1[%get3A, %get3A_0] : memref<4096x128xf32, #tpu.memory_space<vmem>>, vector<4096x128xf32>
    %reshape3A = vector.shape_cast %get3A_1 : vector<4096x128xf32> to vector<128x4096xf32>
    %get3A_2 = arith.constant 0 : index
    %get3A_3 = arith.constant 0 : index
    %get3A_4 = arith.constant 0 : index
    %get3A_5 = vector.load %arg2[%get3A_2, %get3A_3, %get3A_4] : memref<64x128x8xf32, #tpu.memory_space<vmem>>, vector<64x128x1xf32>
    %get3A_6 = vector.shape_cast %get3A_5 : vector<64x128x1xf32> to vector<64x128xf32>
    %slice3A = vector.extract_strided_slice %reshape3A {offsets = [0, 0], sizes = [128, 4089], strides = [1, 1]} : vector<128x4096xf32> to vector<128x4089xf32>
    %dot_general3A = arith.constant dense<0.000000e+00> : vector<64x4089xf32>
    %dot_general3A_7 = tpu.matmul %get3A_6, %slice3A, %dot_general3A {dimension_numbers = #tpu.dot_dimension_numbers<[1], [0], [0], [1], [0, 0, 1, 1], [], []>, transpose_lhs_hint = false} : vector<64x128xf32>, vector<128x4089xf32>, vector<64x4089xf32> -> vector<64x4089xf32>
    %get3A_8 = arith.constant 0 : index
    %get3A_9 = arith.constant 0 : index
    %get3A_10 = arith.constant 1 : index
    %get3A_11 = vector.load %arg2[%get3A_8, %get3A_9, %get3A_10] : memref<64x128x8xf32, #tpu.memory_space<vmem>>, vector<64x128x1xf32>
    %get3A_12 = vector.shape_cast %get3A_11 : vector<64x128x1xf32> to vector<64x128xf32>
    %slice3A_13 = vector.extract_strided_slice %reshape3A {offsets = [0, 1], sizes = [128, 4089], strides = [1, 1]} : vector<128x4096xf32> to vector<128x4089xf32>
    %dot_general3A_14 = arith.constant dense<0.000000e+00> : vector<64x4089xf32>
    %dot_general3A_15 = tpu.matmul %get3A_12, %slice3A_13, %dot_general3A_14 {dimension_numbers = #tpu.dot_dimension_numbers<[1], [0], [0], [1], [0, 0, 1, 1], [], []>, transpose_lhs_hint = false} : vector<64x128xf32>, vector<128x4089xf32>, vector<64x4089xf32> -> vector<64x4089xf32>
    %add3A = arith.addf %dot_general3A_7, %dot_general3A_15 : vector<64x4089xf32>
    %get3A_16 = arith.constant 0 : index
    %get3A_17 = arith.constant 0 : index
    %get3A_18 = arith.constant 2 : index
    %get3A_19 = vector.load %arg2[%get3A_16, %get3A_17, %get3A_18] : memref<64x128x8xf32, #tpu.memory_space<vmem>>, vector<64x128x1xf32>
    %get3A_20 = vector.shape_cast %get3A_19 : vector<64x128x1xf32> to vector<64x128xf32>
    %slice3A_21 = vector.extract_strided_slice %reshape3A {offsets = [0, 2], sizes = [128, 4089], strides = [1, 1]} : vector<128x4096xf32> to vector<128x4089xf32>
    %dot_general3A_22 = arith.constant dense<0.000000e+00> : vector<64x4089xf32>
    %dot_general3A_23 = tpu.matmul %get3A_20, %slice3A_21, %dot_general3A_22 {dimension_numbers = #tpu.dot_dimension_numbers<[1], [0], [0], [1], [0, 0, 1, 1], [], []>, transpose_lhs_hint = false} : vector<64x128xf32>, vector<128x4089xf32>, vector<64x4089xf32> -> vector<64x4089xf32>
    %add3A_24 = arith.addf %add3A, %dot_general3A_23 : vector<64x4089xf32>
    %get3A_25 = arith.constant 0 : index
    %get3A_26 = arith.constant 0 : index
    %get3A_27 = arith.constant 3 : index
    %get3A_28 = vector.load %arg2[%get3A_25, %get3A_26, %get3A_27] : memref<64x128x8xf32, #tpu.memory_space<vmem>>, vector<64x128x1xf32>
    %get3A_29 = vector.shape_cast %get3A_28 : vector<64x128x1xf32> to vector<64x128xf32>
    %slice3A_30 = vector.extract_strided_slice %reshape3A {offsets = [0, 3], sizes = [128, 4089], strides = [1, 1]} : vector<128x4096xf32> to vector<128x4089xf32>
    %dot_general3A_31 = arith.constant dense<0.000000e+00> : vector<64x4089xf32>
    %dot_general3A_32 = tpu.matmul %get3A_29, %slice3A_30, %dot_general3A_31 {dimension_numbers = #tpu.dot_dimension_numbers<[1], [0], [0], [1], [0, 0, 1, 1], [], []>, transpose_lhs_hint = false} : vector<64x128xf32>, vector<128x4089xf32>, vector<64x4089xf32> -> vector<64x4089xf32>
    %add3A_33 = arith.addf %add3A_24, %dot_general3A_32 : vector<64x4089xf32>
    %get3A_34 = arith.constant 0 : index
    %get3A_35 = arith.constant 0 : index
    %get3A_36 = arith.constant 4 : index
    %get3A_37 = vector.load %arg2[%get3A_34, %get3A_35, %get3A_36] : memref<64x128x8xf32, #tpu.memory_space<vmem>>, vector<64x128x1xf32>
    %get3A_38 = vector.shape_cast %get3A_37 : vector<64x128x1xf32> to vector<64x128xf32>
    %slice3A_39 = vector.extract_strided_slice %reshape3A {offsets = [0, 4], sizes = [128, 4089], strides = [1, 1]} : vector<128x4096xf32> to vector<128x4089xf32>
    %dot_general3A_40 = arith.constant dense<0.000000e+00> : vector<64x4089xf32>
    %dot_general3A_41 = tpu.matmul %get3A_38, %slice3A_39, %dot_general3A_40 {dimension_numbers = #tpu.dot_dimension_numbers<[1], [0], [0], [1], [0, 0, 1, 1], [], []>, transpose_lhs_hint = false} : vector<64x128xf32>, vector<128x4089xf32>, vector<64x4089xf32> -> vector<64x4089xf32>
    %add3A_42 = arith.addf %add3A_33, %dot_general3A_41 : vector<64x4089xf32>
    %get3A_43 = arith.constant 0 : index
    %get3A_44 = arith.constant 0 : index
    %get3A_45 = arith.constant 5 : index
    %get3A_46 = vector.load %arg2[%get3A_43, %get3A_44, %get3A_45] : memref<64x128x8xf32, #tpu.memory_space<vmem>>, vector<64x128x1xf32>
    %get3A_47 = vector.shape_cast %get3A_46 : vector<64x128x1xf32> to vector<64x128xf32>
    %slice3A_48 = vector.extract_strided_slice %reshape3A {offsets = [0, 5], sizes = [128, 4089], strides = [1, 1]} : vector<128x4096xf32> to vector<128x4089xf32>
    %dot_general3A_49 = arith.constant dense<0.000000e+00> : vector<64x4089xf32>
    %dot_general3A_50 = tpu.matmul %get3A_47, %slice3A_48, %dot_general3A_49 {dimension_numbers = #tpu.dot_dimension_numbers<[1], [0], [0], [1], [0, 0, 1, 1], [], []>, transpose_lhs_hint = false} : vector<64x128xf32>, vector<128x4089xf32>, vector<64x4089xf32> -> vector<64x4089xf32>
    %add3A_51 = arith.addf %add3A_42, %dot_general3A_50 : vector<64x4089xf32>
    %get3A_52 = arith.constant 0 : index
    %get3A_53 = arith.constant 0 : index
    %get3A_54 = arith.constant 6 : index
    %get3A_55 = vector.load %arg2[%get3A_52, %get3A_53, %get3A_54] : memref<64x128x8xf32, #tpu.memory_space<vmem>>, vector<64x128x1xf32>
    %get3A_56 = vector.shape_cast %get3A_55 : vector<64x128x1xf32> to vector<64x128xf32>
    %slice3A_57 = vector.extract_strided_slice %reshape3A {offsets = [0, 6], sizes = [128, 4089], strides = [1, 1]} : vector<128x4096xf32> to vector<128x4089xf32>
    %dot_general3A_58 = arith.constant dense<0.000000e+00> : vector<64x4089xf32>
    %dot_general3A_59 = tpu.matmul %get3A_56, %slice3A_57, %dot_general3A_58 {dimension_numbers = #tpu.dot_dimension_numbers<[1], [0], [0], [1], [0, 0, 1, 1], [], []>, transpose_lhs_hint = false} : vector<64x128xf32>, vector<128x4089xf32>, vector<64x4089xf32> -> vector<64x4089xf32>
    %add3A_60 = arith.addf %add3A_51, %dot_general3A_59 : vector<64x4089xf32>
    %get3A_61 = arith.constant 0 : index
    %get3A_62 = arith.constant 0 : index
    %get3A_63 = arith.constant 7 : index
    %get3A_64 = vector.load %arg2[%get3A_61, %get3A_62, %get3A_63] : memref<64x128x8xf32, #tpu.memory_space<vmem>>, vector<64x128x1xf32>
    %get3A_65 = vector.shape_cast %get3A_64 : vector<64x128x1xf32> to vector<64x128xf32>
    %slice3A_66 = vector.extract_strided_slice %reshape3A {offsets = [0, 7], sizes = [128, 4089], strides = [1, 1]} : vector<128x4096xf32> to vector<128x4089xf32>
    %dot_general3A_67 = arith.constant dense<0.000000e+00> : vector<64x4089xf32>
    %dot_general3A_68 = tpu.matmul %get3A_65, %slice3A_66, %dot_general3A_67 {dimension_numbers = #tpu.dot_dimension_numbers<[1], [0], [0], [1], [0, 0, 1, 1], [], []>, transpose_lhs_hint = false} : vector<64x128xf32>, vector<128x4089xf32>, vector<64x4089xf32> -> vector<64x4089xf32>
    %add3A_69 = arith.addf %add3A_60, %dot_general3A_68 : vector<64x4089xf32>
    %get3A_70 = arith.constant 0 : index
    %get3A_71 = arith.constant 0 : index
    %get3A_72 = vector.load %arg5[%get3A_70, %get3A_71] : memref<64x1xf32, #tpu.memory_space<vmem>>, vector<64x1xf32>
    %add3A_73 = vector.broadcast %get3A_72 : vector<64x1xf32> to vector<64x4089xf32>
    %add3A_74 = arith.addf %add3A_69, %add3A_73 : vector<64x4089xf32>
    %max3A = arith.constant 0.000000e+00 : f32
    %max3A_75 = vector.broadcast %max3A : f32 to vector<64x4089xf32>
    %max3A_76 = arith.maximumf %add3A_74, %max3A_75 : vector<64x4089xf32>
    %get3A_77 = arith.constant 0 : index
    %get3A_78 = arith.constant 0 : index
    %get3A_79 = arith.constant 0 : index
    %get3A_80 = vector.load %arg3[%get3A_77, %get3A_78, %get3A_79] : memref<64x64x8xf32, #tpu.memory_space<vmem>>, vector<64x64x1xf32>
    %get3A_81 = vector.shape_cast %get3A_80 : vector<64x64x1xf32> to vector<64x64xf32>
    %slice3A_82 = vector.extract_strided_slice %max3A_76 {offsets = [0, 0], sizes = [64, 4082], strides = [1, 1]} : vector<64x4089xf32> to vector<64x4082xf32>
    %dot_general3A_83 = arith.constant dense<0.000000e+00> : vector<64x4082xf32>
    %dot_general3A_84 = tpu.matmul %get3A_81, %slice3A_82, %dot_general3A_83 {dimension_numbers = #tpu.dot_dimension_numbers<[1], [0], [0], [1], [0, 0, 1, 1], [], []>, transpose_lhs_hint = false} : vector<64x64xf32>, vector<64x4082xf32>, vector<64x4082xf32> -> vector<64x4082xf32>
    %get3A_85 = arith.constant 0 : index
    %get3A_86 = arith.constant 0 : index
    %get3A_87 = arith.constant 1 : index
    %get3A_88 = vector.load %arg3[%get3A_85, %get3A_86, %get3A_87] : memref<64x64x8xf32, #tpu.memory_space<vmem>>, vector<64x64x1xf32>
    %get3A_89 = vector.shape_cast %get3A_88 : vector<64x64x1xf32> to vector<64x64xf32>
    %slice3A_90 = vector.extract_strided_slice %max3A_76 {offsets = [0, 1], sizes = [64, 4082], strides = [1, 1]} : vector<64x4089xf32> to vector<64x4082xf32>
    %dot_general3A_91 = arith.constant dense<0.000000e+00> : vector<64x4082xf32>
    %dot_general3A_92 = tpu.matmul %get3A_89, %slice3A_90, %dot_general3A_91 {dimension_numbers = #tpu.dot_dimension_numbers<[1], [0], [0], [1], [0, 0, 1, 1], [], []>, transpose_lhs_hint = false} : vector<64x64xf32>, vector<64x4082xf32>, vector<64x4082xf32> -> vector<64x4082xf32>
    %add3A_93 = arith.addf %dot_general3A_84, %dot_general3A_92 : vector<64x4082xf32>
    %get3A_94 = arith.constant 0 : index
    %get3A_95 = arith.constant 0 : index
    %get3A_96 = arith.constant 2 : index
    %get3A_97 = vector.load %arg3[%get3A_94, %get3A_95, %get3A_96] : memref<64x64x8xf32, #tpu.memory_space<vmem>>, vector<64x64x1xf32>
    %get3A_98 = vector.shape_cast %get3A_97 : vector<64x64x1xf32> to vector<64x64xf32>
    %slice3A_99 = vector.extract_strided_slice %max3A_76 {offsets = [0, 2], sizes = [64, 4082], strides = [1, 1]} : vector<64x4089xf32> to vector<64x4082xf32>
    %dot_general3A_100 = arith.constant dense<0.000000e+00> : vector<64x4082xf32>
    %dot_general3A_101 = tpu.matmul %get3A_98, %slice3A_99, %dot_general3A_100 {dimension_numbers = #tpu.dot_dimension_numbers<[1], [0], [0], [1], [0, 0, 1, 1], [], []>, transpose_lhs_hint = false} : vector<64x64xf32>, vector<64x4082xf32>, vector<64x4082xf32> -> vector<64x4082xf32>
    %add3A_102 = arith.addf %add3A_93, %dot_general3A_101 : vector<64x4082xf32>
    %get3A_103 = arith.constant 0 : index
    %get3A_104 = arith.constant 0 : index
    %get3A_105 = arith.constant 3 : index
    %get3A_106 = vector.load %arg3[%get3A_103, %get3A_104, %get3A_105] : memref<64x64x8xf32, #tpu.memory_space<vmem>>, vector<64x64x1xf32>
    %get3A_107 = vector.shape_cast %get3A_106 : vector<64x64x1xf32> to vector<64x64xf32>
    %slice3A_108 = vector.extract_strided_slice %max3A_76 {offsets = [0, 3], sizes = [64, 4082], strides = [1, 1]} : vector<64x4089xf32> to vector<64x4082xf32>
    %dot_general3A_109 = arith.constant dense<0.000000e+00> : vector<64x4082xf32>
    %dot_general3A_110 = tpu.matmul %get3A_107, %slice3A_108, %dot_general3A_109 {dimension_numbers = #tpu.dot_dimension_numbers<[1], [0], [0], [1], [0, 0, 1, 1], [], []>, transpose_lhs_hint = false} : vector<64x64xf32>, vector<64x4082xf32>, vector<64x4082xf32> -> vector<64x4082xf32>
    %add3A_111 = arith.addf %add3A_102, %dot_general3A_110 : vector<64x4082xf32>
    %get3A_112 = arith.constant 0 : index
    %get3A_113 = arith.constant 0 : index
    %get3A_114 = arith.constant 4 : index
    %get3A_115 = vector.load %arg3[%get3A_112, %get3A_113, %get3A_114] : memref<64x64x8xf32, #tpu.memory_space<vmem>>, vector<64x64x1xf32>
    %get3A_116 = vector.shape_cast %get3A_115 : vector<64x64x1xf32> to vector<64x64xf32>
    %slice3A_117 = vector.extract_strided_slice %max3A_76 {offsets = [0, 4], sizes = [64, 4082], strides = [1, 1]} : vector<64x4089xf32> to vector<64x4082xf32>
    %dot_general3A_118 = arith.constant dense<0.000000e+00> : vector<64x4082xf32>
    %dot_general3A_119 = tpu.matmul %get3A_116, %slice3A_117, %dot_general3A_118 {dimension_numbers = #tpu.dot_dimension_numbers<[1], [0], [0], [1], [0, 0, 1, 1], [], []>, transpose_lhs_hint = false} : vector<64x64xf32>, vector<64x4082xf32>, vector<64x4082xf32> -> vector<64x4082xf32>
    %add3A_120 = arith.addf %add3A_111, %dot_general3A_119 : vector<64x4082xf32>
    %get3A_121 = arith.constant 0 : index
    %get3A_122 = arith.constant 0 : index
    %get3A_123 = arith.constant 5 : index
    %get3A_124 = vector.load %arg3[%get3A_121, %get3A_122, %get3A_123] : memref<64x64x8xf32, #tpu.memory_space<vmem>>, vector<64x64x1xf32>
    %get3A_125 = vector.shape_cast %get3A_124 : vector<64x64x1xf32> to vector<64x64xf32>
    %slice3A_126 = vector.extract_strided_slice %max3A_76 {offsets = [0, 5], sizes = [64, 4082], strides = [1, 1]} : vector<64x4089xf32> to vector<64x4082xf32>
    %dot_general3A_127 = arith.constant dense<0.000000e+00> : vector<64x4082xf32>
    %dot_general3A_128 = tpu.matmul %get3A_125, %slice3A_126, %dot_general3A_127 {dimension_numbers = #tpu.dot_dimension_numbers<[1], [0], [0], [1], [0, 0, 1, 1], [], []>, transpose_lhs_hint = false} : vector<64x64xf32>, vector<64x4082xf32>, vector<64x4082xf32> -> vector<64x4082xf32>
    %add3A_129 = arith.addf %add3A_120, %dot_general3A_128 : vector<64x4082xf32>
    %get3A_130 = arith.constant 0 : index
    %get3A_131 = arith.constant 0 : index
    %get3A_132 = arith.constant 6 : index
    %get3A_133 = vector.load %arg3[%get3A_130, %get3A_131, %get3A_132] : memref<64x64x8xf32, #tpu.memory_space<vmem>>, vector<64x64x1xf32>
    %get3A_134 = vector.shape_cast %get3A_133 : vector<64x64x1xf32> to vector<64x64xf32>
    %slice3A_135 = vector.extract_strided_slice %max3A_76 {offsets = [0, 6], sizes = [64, 4082], strides = [1, 1]} : vector<64x4089xf32> to vector<64x4082xf32>
    %dot_general3A_136 = arith.constant dense<0.000000e+00> : vector<64x4082xf32>
    %dot_general3A_137 = tpu.matmul %get3A_134, %slice3A_135, %dot_general3A_136 {dimension_numbers = #tpu.dot_dimension_numbers<[1], [0], [0], [1], [0, 0, 1, 1], [], []>, transpose_lhs_hint = false} : vector<64x64xf32>, vector<64x4082xf32>, vector<64x4082xf32> -> vector<64x4082xf32>
    %add3A_138 = arith.addf %add3A_129, %dot_general3A_137 : vector<64x4082xf32>
    %get3A_139 = arith.constant 0 : index
    %get3A_140 = arith.constant 0 : index
    %get3A_141 = arith.constant 7 : index
    %get3A_142 = vector.load %arg3[%get3A_139, %get3A_140, %get3A_141] : memref<64x64x8xf32, #tpu.memory_space<vmem>>, vector<64x64x1xf32>
    %get3A_143 = vector.shape_cast %get3A_142 : vector<64x64x1xf32> to vector<64x64xf32>
    %slice3A_144 = vector.extract_strided_slice %max3A_76 {offsets = [0, 7], sizes = [64, 4082], strides = [1, 1]} : vector<64x4089xf32> to vector<64x4082xf32>
    %dot_general3A_145 = arith.constant dense<0.000000e+00> : vector<64x4082xf32>
    %dot_general3A_146 = tpu.matmul %get3A_143, %slice3A_144, %dot_general3A_145 {dimension_numbers = #tpu.dot_dimension_numbers<[1], [0], [0], [1], [0, 0, 1, 1], [], []>, transpose_lhs_hint = false} : vector<64x64xf32>, vector<64x4082xf32>, vector<64x4082xf32> -> vector<64x4082xf32>
    %add3A_147 = arith.addf %add3A_138, %dot_general3A_146 : vector<64x4082xf32>
    %get3A_148 = arith.constant 0 : index
    %get3A_149 = arith.constant 0 : index
    %get3A_150 = vector.load %arg6[%get3A_148, %get3A_149] : memref<64x1xf32, #tpu.memory_space<vmem>>, vector<64x1xf32>
    %add3A_151 = vector.broadcast %get3A_150 : vector<64x1xf32> to vector<64x4082xf32>
    %add3A_152 = arith.addf %add3A_147, %add3A_151 : vector<64x4082xf32>
    %max3A_153 = arith.constant 0.000000e+00 : f32
    %max3A_154 = vector.broadcast %max3A_153 : f32 to vector<64x4082xf32>
    %max3A_155 = arith.maximumf %add3A_152, %max3A_154 : vector<64x4082xf32>
    %get3A_156 = arith.constant 0 : index
    %get3A_157 = arith.constant 0 : index
    %get3A_158 = arith.constant 0 : index
    %get3A_159 = vector.load %arg4[%get3A_156, %get3A_157, %get3A_158] : memref<64x64x8xf32, #tpu.memory_space<vmem>>, vector<64x64x1xf32>
    %get3A_160 = vector.shape_cast %get3A_159 : vector<64x64x1xf32> to vector<64x64xf32>
    %slice3A_161 = vector.extract_strided_slice %max3A_155 {offsets = [0, 0], sizes = [64, 4075], strides = [1, 1]} : vector<64x4082xf32> to vector<64x4075xf32>
    %dot_general3A_162 = arith.constant dense<0.000000e+00> : vector<64x4075xf32>
    %dot_general3A_163 = tpu.matmul %get3A_160, %slice3A_161, %dot_general3A_162 {dimension_numbers = #tpu.dot_dimension_numbers<[1], [0], [0], [1], [0, 0, 1, 1], [], []>, transpose_lhs_hint = false} : vector<64x64xf32>, vector<64x4075xf32>, vector<64x4075xf32> -> vector<64x4075xf32>
    %get3A_164 = arith.constant 0 : index
    %get3A_165 = arith.constant 0 : index
    %get3A_166 = arith.constant 1 : index
    %get3A_167 = vector.load %arg4[%get3A_164, %get3A_165, %get3A_166] : memref<64x64x8xf32, #tpu.memory_space<vmem>>, vector<64x64x1xf32>
    %get3A_168 = vector.shape_cast %get3A_167 : vector<64x64x1xf32> to vector<64x64xf32>
    %slice3A_169 = vector.extract_strided_slice %max3A_155 {offsets = [0, 1], sizes = [64, 4075], strides = [1, 1]} : vector<64x4082xf32> to vector<64x4075xf32>
    %dot_general3A_170 = arith.constant dense<0.000000e+00> : vector<64x4075xf32>
    %dot_general3A_171 = tpu.matmul %get3A_168, %slice3A_169, %dot_general3A_170 {dimension_numbers = #tpu.dot_dimension_numbers<[1], [0], [0], [1], [0, 0, 1, 1], [], []>, transpose_lhs_hint = false} : vector<64x64xf32>, vector<64x4075xf32>, vector<64x4075xf32> -> vector<64x4075xf32>
    %add3A_172 = arith.addf %dot_general3A_163, %dot_general3A_171 : vector<64x4075xf32>
    %get3A_173 = arith.constant 0 : index
    %get3A_174 = arith.constant 0 : index
    %get3A_175 = arith.constant 2 : index
    %get3A_176 = vector.load %arg4[%get3A_173, %get3A_174, %get3A_175] : memref<64x64x8xf32, #tpu.memory_space<vmem>>, vector<64x64x1xf32>
    %get3A_177 = vector.shape_cast %get3A_176 : vector<64x64x1xf32> to vector<64x64xf32>
    %slice3A_178 = vector.extract_strided_slice %max3A_155 {offsets = [0, 2], sizes = [64, 4075], strides = [1, 1]} : vector<64x4082xf32> to vector<64x4075xf32>
    %dot_general3A_179 = arith.constant dense<0.000000e+00> : vector<64x4075xf32>
    %dot_general3A_180 = tpu.matmul %get3A_177, %slice3A_178, %dot_general3A_179 {dimension_numbers = #tpu.dot_dimension_numbers<[1], [0], [0], [1], [0, 0, 1, 1], [], []>, transpose_lhs_hint = false} : vector<64x64xf32>, vector<64x4075xf32>, vector<64x4075xf32> -> vector<64x4075xf32>
    %add3A_181 = arith.addf %add3A_172, %dot_general3A_180 : vector<64x4075xf32>
    %get3A_182 = arith.constant 0 : index
    %get3A_183 = arith.constant 0 : index
    %get3A_184 = arith.constant 3 : index
    %get3A_185 = vector.load %arg4[%get3A_182, %get3A_183, %get3A_184] : memref<64x64x8xf32, #tpu.memory_space<vmem>>, vector<64x64x1xf32>
    %get3A_186 = vector.shape_cast %get3A_185 : vector<64x64x1xf32> to vector<64x64xf32>
    %slice3A_187 = vector.extract_strided_slice %max3A_155 {offsets = [0, 3], sizes = [64, 4075], strides = [1, 1]} : vector<64x4082xf32> to vector<64x4075xf32>
    %dot_general3A_188 = arith.constant dense<0.000000e+00> : vector<64x4075xf32>
    %dot_general3A_189 = tpu.matmul %get3A_186, %slice3A_187, %dot_general3A_188 {dimension_numbers = #tpu.dot_dimension_numbers<[1], [0], [0], [1], [0, 0, 1, 1], [], []>, transpose_lhs_hint = false} : vector<64x64xf32>, vector<64x4075xf32>, vector<64x4075xf32> -> vector<64x4075xf32>
    %add3A_190 = arith.addf %add3A_181, %dot_general3A_189 : vector<64x4075xf32>
    %get3A_191 = arith.constant 0 : index
    %get3A_192 = arith.constant 0 : index
    %get3A_193 = arith.constant 4 : index
    %get3A_194 = vector.load %arg4[%get3A_191, %get3A_192, %get3A_193] : memref<64x64x8xf32, #tpu.memory_space<vmem>>, vector<64x64x1xf32>
    %get3A_195 = vector.shape_cast %get3A_194 : vector<64x64x1xf32> to vector<64x64xf32>
    %slice3A_196 = vector.extract_strided_slice %max3A_155 {offsets = [0, 4], sizes = [64, 4075], strides = [1, 1]} : vector<64x4082xf32> to vector<64x4075xf32>
    %dot_general3A_197 = arith.constant dense<0.000000e+00> : vector<64x4075xf32>
    %dot_general3A_198 = tpu.matmul %get3A_195, %slice3A_196, %dot_general3A_197 {dimension_numbers = #tpu.dot_dimension_numbers<[1], [0], [0], [1], [0, 0, 1, 1], [], []>, transpose_lhs_hint = false} : vector<64x64xf32>, vector<64x4075xf32>, vector<64x4075xf32> -> vector<64x4075xf32>
    %add3A_199 = arith.addf %add3A_190, %dot_general3A_198 : vector<64x4075xf32>
    %get3A_200 = arith.constant 0 : index
    %get3A_201 = arith.constant 0 : index
    %get3A_202 = arith.constant 5 : index
    %get3A_203 = vector.load %arg4[%get3A_200, %get3A_201, %get3A_202] : memref<64x64x8xf32, #tpu.memory_space<vmem>>, vector<64x64x1xf32>
    %get3A_204 = vector.shape_cast %get3A_203 : vector<64x64x1xf32> to vector<64x64xf32>
    %slice3A_205 = vector.extract_strided_slice %max3A_155 {offsets = [0, 5], sizes = [64, 4075], strides = [1, 1]} : vector<64x4082xf32> to vector<64x4075xf32>
    %dot_general3A_206 = arith.constant dense<0.000000e+00> : vector<64x4075xf32>
    %dot_general3A_207 = tpu.matmul %get3A_204, %slice3A_205, %dot_general3A_206 {dimension_numbers = #tpu.dot_dimension_numbers<[1], [0], [0], [1], [0, 0, 1, 1], [], []>, transpose_lhs_hint = false} : vector<64x64xf32>, vector<64x4075xf32>, vector<64x4075xf32> -> vector<64x4075xf32>
    %add3A_208 = arith.addf %add3A_199, %dot_general3A_207 : vector<64x4075xf32>
    %get3A_209 = arith.constant 0 : index
    %get3A_210 = arith.constant 0 : index
    %get3A_211 = arith.constant 6 : index
    %get3A_212 = vector.load %arg4[%get3A_209, %get3A_210, %get3A_211] : memref<64x64x8xf32, #tpu.memory_space<vmem>>, vector<64x64x1xf32>
    %get3A_213 = vector.shape_cast %get3A_212 : vector<64x64x1xf32> to vector<64x64xf32>
    %slice3A_214 = vector.extract_strided_slice %max3A_155 {offsets = [0, 6], sizes = [64, 4075], strides = [1, 1]} : vector<64x4082xf32> to vector<64x4075xf32>
    %dot_general3A_215 = arith.constant dense<0.000000e+00> : vector<64x4075xf32>
    %dot_general3A_216 = tpu.matmul %get3A_213, %slice3A_214, %dot_general3A_215 {dimension_numbers = #tpu.dot_dimension_numbers<[1], [0], [0], [1], [0, 0, 1, 1], [], []>, transpose_lhs_hint = false} : vector<64x64xf32>, vector<64x4075xf32>, vector<64x4075xf32> -> vector<64x4075xf32>
    %add3A_217 = arith.addf %add3A_208, %dot_general3A_216 : vector<64x4075xf32>
    %get3A_218 = arith.constant 0 : index
    %get3A_219 = arith.constant 0 : index
    %get3A_220 = arith.constant 7 : index
    %get3A_221 = vector.load %arg4[%get3A_218, %get3A_219, %get3A_220] : memref<64x64x8xf32, #tpu.memory_space<vmem>>, vector<64x64x1xf32>
    %get3A_222 = vector.shape_cast %get3A_221 : vector<64x64x1xf32> to vector<64x64xf32>
    %slice3A_223 = vector.extract_strided_slice %max3A_155 {offsets = [0, 7], sizes = [64, 4075], strides = [1, 1]} : vector<64x4082xf32> to vector<64x4075xf32>
    %dot_general3A_224 = arith.constant dense<0.000000e+00> : vector<64x4075xf32>
    %dot_general3A_225 = tpu.matmul %get3A_222, %slice3A_223, %dot_general3A_224 {dimension_numbers = #tpu.dot_dimension_numbers<[1], [0], [0], [1], [0, 0, 1, 1], [], []>, transpose_lhs_hint = false} : vector<64x64xf32>, vector<64x4075xf32>, vector<64x4075xf32> -> vector<64x4075xf32>
    %add3A_226 = arith.addf %add3A_217, %dot_general3A_225 : vector<64x4075xf32>
    %get3A_227 = arith.constant 0 : index
    %get3A_228 = arith.constant 0 : index
    %get3A_229 = vector.load %arg7[%get3A_227, %get3A_228] : memref<64x1xf32, #tpu.memory_space<vmem>>, vector<64x1xf32>
    %add3A_230 = vector.broadcast %get3A_229 : vector<64x1xf32> to vector<64x4075xf32>
    %add3A_231 = arith.addf %add3A_226, %add3A_230 : vector<64x4075xf32>
    %max3A_232 = arith.constant 0.000000e+00 : f32
    %max3A_233 = vector.broadcast %max3A_232 : f32 to vector<64x4075xf32>
    %max3A_234 = arith.maximumf %add3A_231, %max3A_233 : vector<64x4075xf32>
    %swap3A = arith.constant 0 : index
    %swap3A_235 = arith.constant 0 : index
    %swap3A_236 = arith.constant 0 : index
    %swap3A_237 = vector.load %arg8[%swap3A, %swap3A_235, %swap3A_236] : memref<1x64x4075xf32, #tpu.memory_space<vmem>>, vector<1x64x4075xf32>
    %swap3A_238 = vector.shape_cast %swap3A_237 : vector<1x64x4075xf32> to vector<64x4075xf32>
    %swap3A_239 = vector.shape_cast %max3A_234 : vector<64x4075xf32> to vector<1x64x4075xf32>
    tpu.vector_store %arg8[%swap3A, %swap3A_235, %swap3A_236], %swap3A_239 {strides = array<i32>} : memref<1x64x4075xf32, #tpu.memory_space<vmem>>, vector<1x64x4075xf32>,
    return
  }
  func.func @transform_0(%arg0: i32) -> (i32, i32) {
    %c0_i32 = arith.constant 0 : i32
    %c0_i32_0 = arith.constant 0 : i32
    return %arg0, %c0_i32 : i32, i32
  }
  func.func @transform_1(%arg0: i32) -> (i32, i32, i32) {
    %c0_i32 = arith.constant 0 : i32
    %c0_i32_0 = arith.constant 0 : i32
    %c0_i32_1 = arith.constant 0 : i32
    %c0_i32_2 = arith.constant 0 : i32
    return %c0_i32, %c0_i32_0, %c0_i32_1 : i32, i32, i32
  }
  func.func @transform_2(%arg0: i32) -> (i32, i32, i32) {
    %c0_i32 = arith.constant 0 : i32
    %c0_i32_0 = arith.constant 0 : i32
    %c0_i32_1 = arith.constant 0 : i32
    %c0_i32_2 = arith.constant 0 : i32
    return %c0_i32, %c0_i32_0, %c0_i32_1 : i32, i32, i32
  }
  func.func @transform_3(%arg0: i32) -> (i32, i32, i32) {
    %c0_i32 = arith.constant 0 : i32
    %c0_i32_0 = arith.constant 0 : i32
    %c0_i32_1 = arith.constant 0 : i32
    %c0_i32_2 = arith.constant 0 : i32
    return %c0_i32, %c0_i32_0, %c0_i32_1 : i32, i32, i32
  }
  func.func @transform_4(%arg0: i32) -> (i32, i32) {
    %c0_i32 = arith.constant 0 : i32
    %c0_i32_0 = arith.constant 0 : i32
    %c0_i32_1 = arith.constant 0 : i32
    return %c0_i32, %c0_i32_0 : i32, i32
  }
  func.func @transform_5(%arg0: i32) -> (i32, i32) {
    %c0_i32 = arith.constant 0 : i32
    %c0_i32_0 = arith.constant 0 : i32
    %c0_i32_1 = arith.constant 0 : i32
    return %c0_i32, %c0_i32_0 : i32, i32
  }
  func.func @transform_6(%arg0: i32) -> (i32, i32) {
    %c0_i32 = arith.constant 0 : i32
    %c0_i32_0 = arith.constant 0 : i32
    %c0_i32_1 = arith.constant 0 : i32
    return %c0_i32, %c0_i32_0 : i32, i32
  }
  func.func @transform_7(%arg0: i32) -> (i32, i32, i32) {
    %c0_i32 = arith.constant 0 : i32
    %c0_i32_0 = arith.constant 0 : i32
    %c0_i32_1 = arith.constant 0 : i32
    return %arg0, %c0_i32, %c0_i32_0 : i32, i32, i32
  }
}

module attributes {stable_mosaic.version = 14 : i64} {
  func.func @_dense_body(%arg0: i32, %arg1: memref<6520x16xf32, #tpu.memory_space<vmem>>, %arg2: memref<6520x128xf32, #tpu.memory_space<vmem>>, %arg3: memref<1x128xf32, #tpu.memory_space<vmem>>, %arg4: memref<128x128xf32, #tpu.memory_space<vmem>>, %arg5: memref<1x128xf32, #tpu.memory_space<vmem>>, %arg6: memref<16x128xf32, #tpu.memory_space<vmem>>, %arg7: memref<16x128xf32, #tpu.memory_space<vmem>>) attributes {dimension_semantics = [#tpu.dimension_semantics<arbitrary>], iteration_bounds = array<i64: 40>, scalar_prefetch = 0 : i64, scratch_operands = 1 : i64, tpu.core_type = #tpu.core_type<tc>, window_params = [{transform_indices = @transform_0, window_bounds = array<i64: 6520, 16>}, {transform_indices = @transform_1, window_bounds = array<i64: 6520, 128>}, {pipeline_mode = #tpu.pipeline_mode<synchronous>, transform_indices = @transform_2, window_bounds = array<i64: 1, 128>}, {pipeline_mode = #tpu.pipeline_mode<synchronous>, transform_indices = @transform_3, window_bounds = array<i64: 128, 128>}, {pipeline_mode = #tpu.pipeline_mode<synchronous>, transform_indices = @transform_4, window_bounds = array<i64: 1, 128>}, {pipeline_mode = #tpu.pipeline_mode<synchronous>, transform_indices = @transform_5, window_bounds = array<i64: 16, 128>}]} {
    %get3A = arith.constant 0 : index
    %get3A_0 = arith.constant 0 : index
    %get3A_1 = vector.load %arg1[%get3A, %get3A_0] : memref<6520x16xf32, #tpu.memory_space<vmem>>, vector<6520x16xf32>
    %get3A_2 = arith.constant 0 : index
    %get3A_3 = arith.constant 0 : index
    %get3A_4 = vector.load %arg2[%get3A_2, %get3A_3] : memref<6520x128xf32, #tpu.memory_space<vmem>>, vector<6520x128xf32>
    %dot_general3A = arith.constant dense<0.000000e+00> : vector<16x128xf32>
    %dot_general3A_5 = tpu.matmul %get3A_1, %get3A_4, %dot_general3A {dimension_numbers = #tpu.dot_dimension_numbers<[0], [0], [1], [1], [0, 1, 1, 1], [], []>, transpose_lhs_hint = false} : vector<6520x16xf32>, vector<6520x128xf32>, vector<16x128xf32> -> vector<16x128xf32>
    %eq3A = arith.constant 0 : i32
    %eq3A_6 = arith.cmpi eq, %arg0, %eq3A : i32
    %convert_element_type3A = arith.extui %eq3A_6 : i1 to i32
    %cond3A = arith.constant 0 : i32
    %cond3A_7 = arith.cmpi ne, %convert_element_type3A, %cond3A : i32
    scf.if %cond3A_7 {
      %swap3A = arith.constant 0 : index
      %swap3A_17 = arith.constant 0 : index
      %swap3A_18 = vector.load %arg7[%swap3A, %swap3A_17] : memref<16x128xf32, #tpu.memory_space<vmem>>, vector<16x128xf32>
      tpu.vector_store %arg7[%swap3A, %swap3A_17], %dot_general3A_5 {strides = array<i32>} : memref<16x128xf32, #tpu.memory_space<vmem>>, vector<16x128xf32>,
    } else {
    }
    %ne3A = arith.constant 0 : i32
    %ne3A_8 = arith.cmpi ne, %arg0, %ne3A : i32
    %convert_element_type3A_9 = arith.extui %ne3A_8 : i1 to i32
    %cond3A_10 = arith.constant 0 : i32
    %cond3A_11 = arith.cmpi ne, %convert_element_type3A_9, %cond3A_10 : i32
    scf.if %cond3A_11 {
      %get3A_17 = arith.constant 0 : index
      %get3A_18 = arith.constant 0 : index
      %get3A_19 = vector.load %arg7[%get3A_17, %get3A_18] : memref<16x128xf32, #tpu.memory_space<vmem>>, vector<16x128xf32>
      %add3A = arith.addf %get3A_19, %dot_general3A_5 : vector<16x128xf32>
      %swap3A = arith.constant 0 : index
      %swap3A_20 = arith.constant 0 : index
      %swap3A_21 = vector.load %arg7[%swap3A, %swap3A_20] : memref<16x128xf32, #tpu.memory_space<vmem>>, vector<16x128xf32>
      tpu.vector_store %arg7[%swap3A, %swap3A_20], %add3A {strides = array<i32>} : memref<16x128xf32, #tpu.memory_space<vmem>>, vector<16x128xf32>,
    } else {
    }
    %eq3A_12 = arith.constant 39 : i32
    %eq3A_13 = arith.cmpi eq, %arg0, %eq3A_12 : i32
    %convert_element_type3A_14 = arith.extui %eq3A_13 : i1 to i32
    %cond3A_15 = arith.constant 0 : i32
    %cond3A_16 = arith.cmpi ne, %convert_element_type3A_14, %cond3A_15 : i32
    scf.if %cond3A_16 {
      %get3A_17 = arith.constant 0 : index
      %get3A_18 = arith.constant 0 : index
      %get3A_19 = vector.load %arg7[%get3A_17, %get3A_18] : memref<16x128xf32, #tpu.memory_space<vmem>>, vector<16x128xf32>
      %get3A_20 = arith.constant 0 : index
      %get3A_21 = arith.constant 0 : index
      %get3A_22 = vector.load %arg3[%get3A_20, %get3A_21] : memref<1x128xf32, #tpu.memory_space<vmem>>, vector<1x128xf32>
      %add3A = vector.broadcast %get3A_22 : vector<1x128xf32> to vector<16x128xf32>
      %add3A_23 = arith.addf %get3A_19, %add3A : vector<16x128xf32>
      %max3A = arith.constant 0.000000e+00 : f32
      %max3A_24 = vector.broadcast %max3A : f32 to vector<16x128xf32>
      %max3A_25 = arith.maximumf %add3A_23, %max3A_24 : vector<16x128xf32>
      %get3A_26 = arith.constant 0 : index
      %get3A_27 = arith.constant 0 : index
      %get3A_28 = vector.load %arg4[%get3A_26, %get3A_27] : memref<128x128xf32, #tpu.memory_space<vmem>>, vector<128x128xf32>
      %dot_general3A_29 = arith.constant dense<0.000000e+00> : vector<16x128xf32>
      %dot_general3A_30 = tpu.matmul %max3A_25, %get3A_28, %dot_general3A_29 {dimension_numbers = #tpu.dot_dimension_numbers<[1], [0], [0], [1], [0, 0, 1, 1], [], []>, transpose_lhs_hint = false} : vector<16x128xf32>, vector<128x128xf32>, vector<16x128xf32> -> vector<16x128xf32>
      %get3A_31 = arith.constant 0 : index
      %get3A_32 = arith.constant 0 : index
      %get3A_33 = vector.load %arg5[%get3A_31, %get3A_32] : memref<1x128xf32, #tpu.memory_space<vmem>>, vector<1x128xf32>
      %add3A_34 = vector.broadcast %get3A_33 : vector<1x128xf32> to vector<16x128xf32>
      %add3A_35 = arith.addf %dot_general3A_30, %add3A_34 : vector<16x128xf32>
      %swap3A = arith.constant 0 : index
      %swap3A_36 = arith.constant 0 : index
      %swap3A_37 = vector.load %arg6[%swap3A, %swap3A_36] : memref<16x128xf32, #tpu.memory_space<vmem>>, vector<16x128xf32>
      tpu.vector_store %arg6[%swap3A, %swap3A_36], %add3A_35 {strides = array<i32>} : memref<16x128xf32, #tpu.memory_space<vmem>>, vector<16x128xf32>,
    } else {
    }
    return
  }
  func.func @transform_0(%arg0: i32) -> (i32, i32) {
    %c0_i32 = arith.constant 0 : i32
    %c0_i32_0 = arith.constant 0 : i32
    return %arg0, %c0_i32 : i32, i32
  }
  func.func @transform_1(%arg0: i32) -> (i32, i32) {
    %c0_i32 = arith.constant 0 : i32
    %c0_i32_0 = arith.constant 0 : i32
    return %arg0, %c0_i32 : i32, i32
  }
  func.func @transform_2(%arg0: i32) -> (i32, i32) {
    %c0_i32 = arith.constant 0 : i32
    %c0_i32_0 = arith.constant 0 : i32
    %c0_i32_1 = arith.constant 0 : i32
    return %c0_i32, %c0_i32_0 : i32, i32
  }
  func.func @transform_3(%arg0: i32) -> (i32, i32) {
    %c0_i32 = arith.constant 0 : i32
    %c0_i32_0 = arith.constant 0 : i32
    %c0_i32_1 = arith.constant 0 : i32
    return %c0_i32, %c0_i32_0 : i32, i32
  }
  func.func @transform_4(%arg0: i32) -> (i32, i32) {
    %c0_i32 = arith.constant 0 : i32
    %c0_i32_0 = arith.constant 0 : i32
    %c0_i32_1 = arith.constant 0 : i32
    return %c0_i32, %c0_i32_0 : i32, i32
  }
  func.func @transform_5(%arg0: i32) -> (i32, i32) {
    %c0_i32 = arith.constant 0 : i32
    %c0_i32_0 = arith.constant 0 : i32
    %c0_i32_1 = arith.constant 0 : i32
    return %c0_i32, %c0_i32_0 : i32, i32
  }
}

</mosaic_0001>

<sc_bundles>
// kernel: kernel.7.cloned.1.call-start
scs
__scs_entry_jumppad:
0x0: {  	(pc) =	sbr.rel $0x88, $3  }
0x1: {  	(tag) =	ssettag $0x0;
	lr =	simm.s32 $0x1  }
0x2: {  	[smem:$0x3F76] =	sst lr;
	_ =	strace $0xD0000000  }
0x3: {  	_ = 	snop  }
0x4: {  	_ = 	snop  }
0x5: {  	_ = 	snop  }
0x6: {  	_ = 	snop  }
0x7: {  	_ = 	snop  }
__scs_overlays_trampoline_lowered:
0x8: {  	[smem:$0x3F85] =	sst s0  }
0x9: {  	[smem:$0x3F86] =	sst s1  }
0xa: {  	[smem:$0x3F87] =	sst s2  }
0xb: {  	[smem:$0x3F88] =	sst s3  }
0xc: {  	[smem:$0x3F89] =	sst s4  }
0xd: {  	[smem:$0x3F8A] =	sst s5  }
0xe: {  	[smem:$0x3F8B] =	sst s6  }
0xf: {  	[smem:$0x3F8C] =	sst s7  }
0x10: {  	[smem:$0x3F8D] =	sst s8  }
0x11: {  	[smem:$0x3F8E] =	sst s9;
	s0 =	simm.s32 @!p0 $0x0  }
0x12: {  	s1 =	sld [smem:$0x3F74];
	s0 =	simm.s32 @p0 $0x1  }
0x13: {  	[smem:$0x3F8F] =	sst s0;
	s0 =	simm.s32 @!p1 $0x0  }
0x14: {  	s2 =	sld [smem:$0x3F73];
	s0 =	simm.s32 @p1 $0x1  }
0x15: {  	[smem:$0x3F90] =	sst s0;
	s0 =	simm.s32 @!p2 $0x0  }
0x16: {  	s3 =	sld [smem:$0x3FDB];
	s0 =	simm.s32 @p2 $0x1  }
0x17: {  	s4 =	simm.s32 $0x1BF5;
	[smem:$0x3F92] =	sst s0  }
0x18: {  	s0 =	sld [smem:$0x3F75];
	_ =	swait.ge [sflag:s4], $0x0  }
0x19: {  	s7 =	sld [smem:$0x3F76]  }
0x1a: {  	s8 =	sadd.s32 $0xFFFFE003, lr  }
0x1b: {  	s9 =	sadd.s32 $0xFFFFFEF7, lr;
	s5 =	simm.s32 $0xFFFFFFFF;
	p2 =	slt.u32 s8, $0xFFFFF086  }
0x1c: {  	p1 =	slt.u32 s9, $0xF7A;
	s5 =	simm.s32 @!p2 $0x0  }
0x1d: {  	s5 =	simm.s32 @p1 $0x1;
	p0 =	seq.s32 s7, s2  }
0x1e: {  	s7 =	smul.u32 @!p0 $0xF7A, s2;
	p2 =	seq.s32 @!p0 s5, $0x0  }
0x1f: {  	s9 =	smul.u32 $0xF7A, s1;
	s8 =	simm.s32 @!p0 $0x1BF5;
	p2 =	por !p2, p0  }
0x20: {  	[sflag:s8] =	ssyncset.s32 @!p0 $0xFFFFF086;
	s6 =	sadd.s32 @!p0 s3, s7;
	s7 =	simm.s32 @!p0 $0x108  }
0x21: {  	s3 =	sadd.s32 s3, s9;
	s6 =	sadd.s32 @!p0 $0x88, s6;
	s7 =	simm.s32 @p2 $0x1082  }
0x22: {  	[simem:s7], [sflag:s8] =	dma.local @!p0 [hbm:s6], $0xF7A  }
0x23: {  	s9 =	sor.u32 $0xD0000000, s2;
	s6 =	simm.s32 $0x108;
	_ =	swait.ge @!p0 [sflag:s8], $0x0  }
0x24: {  	s3 =	sadd.s32 $0x88, s3;
	s6 =	simm.s32 @!p1 $0x1082;
	[sflag:s4] =	ssyncset.s32 $0xFFFFF086  }
0x25: {  	[simem:s6], [sflag:s4] =	dma.local [hbm:s3], $0xF7A  }
0x26: {  	[smem:$0x3F76] =	sst s1;
	(tag) =	ssettag s2;
	_ =	strace s9  }
0x27: {  	s1 =	sld [smem:$0x3F86]  }
0x28: {  	s2 =	sld [smem:$0x3F87]  }
0x29: {  	s4 =	sld [smem:$0x3F89]  }
0x2a: {  	p0 =	seq.s32 s5, $0x0;
	s5 =	sld [smem:$0x3F8A]  }
0x2b: {  	s6 =	sld [smem:$0x3F8B]  }
0x2c: {  	s7 =	sld [smem:$0x3F8C]  }
0x2d: {  	s3 =	simm.s32 $0x108;
	s8 =	sld [smem:$0x3F8D]  }
0x2e: {  	s3 =	simm.s32 @!p0 $0x1082;
	s9 =	sld [smem:$0x3F8E]  }
0x2f: {  	lr =	sadd.s32 s0, s3;
	s0 =	sld [smem:$0x3F85]  }
0x30: {  	s3 =	sld [smem:$0x3F88]  }
0x31: {  	[smem:$0x3F91] =	sst s10  }
0x32: {  	s10 =	sld [smem:$0x3F8F];
	_ =	sdelay $0x3  }
0x33: {  	p0 =	seq.s32 s10, $0x1;
	s10 =	sld [smem:$0x3F91];
	_ =	sdelay $0x3  }
0x34: {  	[smem:$0x3F91] =	sst s10  }
0x35: {  	s10 =	sld [smem:$0x3F90];
	_ =	sdelay $0x3  }
0x36: {  	p1 =	seq.s32 s10, $0x1;
	s10 =	sld [smem:$0x3F91];
	_ =	sdelay $0x3  }
0x37: {  	[smem:$0x3F91] =	sst s10  }
0x38: {  	s10 =	sld [smem:$0x3F92]  }
0x39: {  	_ = 	snop;
	(pc) =	sbr.ind lr, $3  }
0x3a: {  	_ = 	snop  }
0x3b: {  	_ = 	snop  }
0x3c: {  	p2 =	seq.s32 s10, $0x1;
	s10 =	sld [smem:$0x3F91]  }
0x3d: {  	_ =	shalt  }
0x3e: {  	_ =	shalt  }
0x3f: {  	_ =	shalt  }
0x40: {  	_ =	shalt  }
0x41: {  	_ =	shalt  }
0x42: {  	_ =	shalt  }
0x43: {  	_ =	shalt  }
0x44: {  	_ =	shalt  }
0x45: {  	_ =	shalt  }
0x46: {  	_ =	shalt  }
0x47: {  	_ =	shalt  }
0x48: {  	_ =	shalt  }
0x49: {  	_ =	shalt  }
0x4a: {  	_ =	shalt  }
0x4b: {  	_ =	shalt  }
0x4c: {  	_ =	shalt  }
0x4d: {  	_ =	shalt  }
0x4e: {  	_ =	shalt  }
0x4f: {  	_ =	shalt  }
0x50: {  	_ =	shalt  }
0x51: {  	_ =	shalt  }
0x52: {  	_ =	shalt  }
0x53: {  	_ =	shalt  }
0x54: {  	_ =	shalt  }
0x55: {  	_ =	shalt  }
0x56: {  	_ =	shalt  }
0x57: {  	_ =	shalt  }
0x58: {  	_ =	shalt  }
0x59: {  	_ =	shalt  }
0x5a: {  	_ =	shalt  }
0x5b: {  	_ =	shalt  }
0x5c: {  	_ =	shalt  }
0x5d: {  	_ =	shalt  }
0x5e: {  	_ =	shalt  }
0x5f: {  	_ =	shalt  }
0x60: {  	_ =	shalt  }
0x61: {  	_ =	shalt  }
0x62: {  	_ =	shalt  }
0x63: {  	_ =	shalt  }
0x64: {  	_ =	shalt  }
0x65: {  	_ =	shalt  }
0x66: {  	_ =	shalt  }
0x67: {  	_ =	shalt  }
0x68: {  	_ =	shalt  }
0x69: {  	_ =	shalt  }
0x6a: {  	_ =	shalt  }
0x6b: {  	_ =	shalt  }
0x6c: {  	_ =	shalt  }
0x6d: {  	_ =	shalt  }
0x6e: {  	_ =	shalt  }
0x6f: {  	_ =	shalt  }
0x70: {  	_ =	shalt  }
0x71: {  	_ =	shalt  }
0x72: {  	_ =	shalt  }
0x73: {  	_ =	shalt  }
0x74: {  	_ =	shalt  }
0x75: {  	_ =	shalt  }
0x76: {  	_ =	shalt  }
0x77: {  	_ =	shalt  }
0x78: {  	_ =	shalt  }
0x79: {  	_ =	shalt  }
0x7a: {  	_ =	shalt  }
0x7b: {  	_ =	shalt  }
0x7c: {  	_ =	shalt  }
0x7d: {  	_ =	shalt  }
0x7e: {  	_ =	shalt  }
0x7f: {  	_ =	shalt  }
0x80: {  	_ =	shalt  }
0x81: {  	_ =	shalt  }
0x82: {  	_ =	shalt  }
0x83: {  	_ =	shalt  }
0x84: {  	_ =	shalt  }
0x85: {  	_ =	shalt  }
0x86: {  	_ =	shalt  }
0x87: {  	_ =	shalt  }
.Lfunc_end0:
.L_simem_size_0:
called_computation_lowered:
.L_overlay_start_0:
0x88: {  	s0 =	sld [smem:$0x3FD9]  }
0x89: {  	s1 =	sld [smem:$0x3FFE];
	_ =	sdelay $0x3  }
0x8a: {  	s0 =	sadd.s32 s1, s0  }
0x8b: {  	[smem:$0x3F9D] =	sst s0  }
0x8c: {  	_ = 	snop  }
0x8d: {  	(tm) =	ssettm $0x1  }
0x8e: {  	s15 =	sld [smem:$0x3FFB];
	_ =	sdelay $0x3  }
0x8f: {  	_ =	strace s15  }
0x90: {  	s0 =	sld [smem:$0x3FFC];
	_ =	sdelay $0x3  }
0x91: {  	_ =	strace s0  }
0x92: {  	s0 =	sld [smem:$0x3FFD];
	_ =	sdelay $0x3  }
0x93: {  	_ =	strace s0  }
0x94: {  	_ =	strace $0x8FFFFFFF  }
0x95: {  	s16 =	sld [smem:$0x3FDB];
	_ =	sdelay $0x1  }
0x96: {  	s17 =	simm.s32 $_scs_section_size  }
0x97: {  	s2 =	simm.s32 $_size__tile_overlayer_lowered;
	s3 =	simm.s32 $_tile_overlayer_lowered  }
0x98: {  	s20 =	simm.s32 $0x1BFF;
	s19 =	sshll.u32 s3, $0x1;
	s0 =	sadd.s32 s17, s16  }
0x99: {  	s4 =	simm.s32 $0x0;
	s18 =	sshll.u32 s2, $0x1;
	s2 =	sadd.s32 s19, s0  }
0x9a: {  	[timem:s4], [sflag:s20] =	dma.local [hbm:s2], s18  }
0x9b: {  	_ =	swait.ge [sflag:s20], s18  }
0x9c: {  	s1 =	ssub.s32 $0x0, s18;
	[sflag:s20] =	ssyncset.done $0x0  }
0x9d: {  	[sflag:s20] =	ssyncadd.s32 s1;
	_ =	sdelay $0x1  }
0x9e: {  	s21 =	simm.s32 $0x1B8B  }
0x9f: {  	_ =	swait.ge [sflag:s21], $0x1  }
0xa0: {  	[sflag:s21] =	ssyncset.done $0x0  }
0xa1: {  	s23 =	simm.s32 $0x1B8E;
	s22 =	sld [smem:$0x3FFE];
	[sflag:s21] =	ssyncadd.s32 $0xFFFFFFFF  }
0xa2: {  	s24 =	simm.s32 $execute0_lowered;
	[smem:$0x3FD2] =	sst s23  }
0xa3: {  	s2 =	sshll.u32 s24, $0x1;
	_ =	strace $0x80000046;
	[dreg:$0x1] =	wrdreg $0xFFFFFFFF  }
0xa4: {  	s25 =	simm.s32 $_size_execute0_lowered;
	s0 =	sadd.s32 s0, s2;
	[dreg:$0x0] =	wrdreg $0x0  }
0xa5: {  	s2 =	sshll.u32 s25, $0x1;
	[dreg:$0x2] =	wrdreg s0  }
0xa6: {  	[dreg:$0x3] =	wrdreg s2  }
0xa7: {  	[dreg:$0x4] =	wrdreg $0xC0  }
0xa8: {  	_ =	task [dreg:s4], $0x5FFFF  }
0xa9: {  	[dreg:$0x1] =	wrdreg $0xFFFFFFFF  }
0xaa: {  	[dreg:$0x0] =	wrdreg $0x60  }
0xab: {  	[dreg:$0x2] =	wrdreg s22  }
0xac: {  	[dreg:$0x3] =	wrdreg $0x140800  }
0xad: {  	[dreg:$0x4] =	wrdreg $0x9  }
0xae: {  	_ =	task.clear_ibuf [dreg:s4], $0x5FFFF;
	_ =	strace $0x90000046  }
0xaf: {  	s26 =	simm.s32 $0x9;
	_ =	strace $0x80000048  }
0xb0: {  	_ =	swait.ge [sflag:s26], $0x1  }
0xb1: {  	[sflag:s26] =	ssyncadd.s32 $0xFFFFFFFF  }
0xb2: {  	_ =	strace $0x90000048  }
0xb3: {  	_ =	sfence  }
0xb4: {  	s28 =	sld [smem:$0x0];
	_ =	sdelay $0x1  }
0xb5: {  	s29 =	srdreg.scid  }
0xb6: {  	s30 =	sshll.u32 s29, $0xD;
	s31 =	sshrl.u32 s29, $0x2  }
0xb7: {  	s1 =	sand.u32 $0x1, s29;
	s2 =	sand.u32 $0x4000, s30;
	s0 =	sadd.s32 s31, s28  }
0xb8: {  	s1 =	sor.u32 s2, s1;
	s0 =	sshll.u32 s0, $0x11  }
0xb9: {  	s0 =	sor.u32 s0, s1  }
0xba: {  	s0 =	sadd.s32 $0x8F2B, s0  }
0xbb: {  	[sflag:s0] =	ssyncadd.remote.s32 $0x1  }
0xbc: {  	_ =	sfence.sel $0xFFFF  }
0xbd: {  	[dreg:$0x0] =	wrdreg $0xFFFFFFFF;
	(pc) =	sbr.abs _section_cstart, $3  }
0xbe: {  	[dreg:$0x1] =	wrdreg $0xFFFFFFFF  }
0xbf: {  	_ =	task.clear_ibuf [dreg:s4], $0x2FFFF;
	_ =	strace $0x9FFFFFFF  }
0xc0: {  	(tm) =	ssettm $0x7FFFFFFF  }
0xc1: {  	_ =	shalt  }
tec
execute0_lowered:
.L_overlay_start_1:
0x0: {  	(tag) =	ssettag $0x1  }
0x1: {  	s3 =	rddreg [dreg:$0x0]  }
0x2: {  	s2 =	rddreg [dreg:$0x1];
	s1 =	simm.s32 $0x0  }
0x3: {  	v0 =	vimm.f32 $1.000000000e+00;
	[smem:$0x7FF] =	sst s1  }
0x4: {  	s0 =	rddreg [dreg:$0x2];
	_ =	strace $0x80000047;
	[tilespmem:$0x10000] =	vst v0  }
0x5: {  	[tilespmem:$0x10010] =	vst v0  }
0x6: {  	[tilespmem:$0x10020] =	vst v0  }
0x7: {  	[tilespmem:$0x10030] =	vst v0  }
0x8: {  	[tilespmem:$0x10040] =	vst v0  }
0x9: {  	s1 =	stileid.u32;
	[tilespmem:$0x10050] =	vst v0  }
0xa: {  	s8 =	simm.s32 $0x40;
	s5 =	sadd.s32 $0x5400, s3;
	s6 =	sshll.u32 s1, $0xB;
	[tilespmem:$0x10060] =	vst v0  }
0xb: {  	v5 =	vimm.f32 $0.0e+00;
	s4 =	simm.s32 $0x0;
	s3 =	sadd.s32 $0x15400, s3;
	[tilespmem:$0x10070] =	vst v0;
	s7 =	sadd.s32 s5, s6  }
.LBB2_1:
0xc: {  	p0 =	sne.s32 s8, $0xFFC0;
	[tilespmem:s4+$0x10080] =	vst v5;
	s4 =	smov.u32 s8;
	s8 =	sadd.s32 $0x40, s8  }
.Ltmp0:
0xd: {  	(pc) =	sbr.rel @p0 .LBB2_1-.Ltmp0, $2  }
0xe: {  	_ =	sdelay $0x2  }
0xf: {  	s4 =	sshra.s32 s4, $0x2  }
0x10: {  	v0 =	vlaneseq.u32;
	v1 =	vimm.s32 $0x0;
	vm0 =	vcmask $0x300  }
0x11: {  	s8 =	simm.s32 $0x100;
	s9 =	simm.s32 $0x300;
	s10 =	simm.s32 $0x0;
	v4 =	vmul.u32 $0x2, v0;
	v1 =	vsel vm0, $0x7, v1  }
0x12: {  	s17 =	simm.s32 $0x200;
	s19 =	simm.s32 $0x80;
	s23 =	simm.s32 $0xA0;
	v6 =	vmov s8;
	v7 =	vmov s9;
	v8 =	vmov s10  }
0x13: {  	[tilespmem:s4+$0x10080] =	vst v5;
	s16 =	simm.s32 $0x480;
	v5 =	vmov s17;
	v10 =	vmov s19;
	v23 =	vmov s23  }
0x14: {  	v32 =	vmov s16;
	v7 =	vshrl.u32 v7, $0x7;
	v8 =	vshrl.u32 v8, $0x7  }
0x15: {  	v6 =	vshrl.u32 v6, $0x7;
	v5 =	vshrl.u32 v5, $0x7;
	v3 =	vor.u32 $0x20, v4  }
0x16: {  	s4 =	simm.s32 $0x0;
	s18 =	simm.s32 $0x2;
	v2 =	vor.u32 $0x40, v4;
	v7 =	vshll.u32 v7, v1;
	v6 =	vshll.u32 v6, v1  }
0x17: {  	[tilespmem:s4], [sflag:$0x2] =	stream.linear.gather [hbm4b:s7+s4], $0x4000, $0x38;
	v5 =	vshll.u32 v5, v1;
	v9 =	vbroadcast v7, $0x0;
	v6 =	vbroadcast v6, $0x0;
	[tilespmem:$0x1C100] =	vst v63  }
0x18: {  	_ =	swait.ge [sflag:s18], $0x4000;
	v0 =	vor.u32 $0x60, v4;
	v7 =	vshll.u32 v8, v1;
	v5 =	vbroadcast v5, $0x0  }
0x19: {  	s5 =	sadd.s32 s6, s5;
	[sflag:s18] =	ssyncset.done $0x0;
	v7 =	vbroadcast v7, $0x0;
	v8 =	vor.u32 v4, v9;
	v13 =	vor.u32 v4, v6  }
0x1a: {  	s20 =	simm.s32 $0x4000;
	s5 =	sadd.s32 $0x8000, s5;
	[sflag:s18] =	ssyncadd.s32 $0xFFFFC000;
	v14 =	vor.u32 v3, v6;
	v15 =	vor.u32 v4, v5;
	v17 =	vor.u32 v2, v6  }
0x1b: {  	[tilespmem:s20], [sflag:$0x2] =	stream.linear.gather [hbm4b:s5+s4], $0x4000, $0x38;
	v18 =	vor.u32 v3, v5;
	v20 =	vor.u32 v2, v5;
	v11 =	vor.u32 v4, v7;
	[tilespmem:$0x1C100] =	vst v63  }
0x1c: {  	s21 =	simm.s32 $0x180;
	_ =	swait.ge [sflag:s18], $0x4000;
	v22 =	vor.u32 v0, v5;
	v5 =	vshrl.u32 v10, $0x7;
	v12 =	vor.u32 v3, v7  }
0x1d: {  	v16 =	vor.u32 v2, v7;
	v19 =	vor.u32 v0, v7;
	[sflag:s18] =	ssyncset.done $0x0;
	v7 =	vmov s21  }
0x1e: {  	v21 =	vor.u32 v0, v6;
	v5 =	vshll.u32 v5, v1;
	[sflag:s18] =	ssyncadd.s32 $0xFFFFC000;
	v7 =	vshrl.u32 v7, $0x7  }
0x1f: {  	s22 =	simm.s32 $0x280;
	v6 =	vor.u32 v3, v9;
	v5 =	vbroadcast v5, $0x0;
	v7 =	vshll.u32 v7, v1;
	v8 =	vld.idx.msk [tilespmem:v8+s4+$0x0], $0xffff  }
0x20: {  	s24 =	simm.s32 $0x1A0;
	v10 =	vmov s22;
	v26 =	vor.u32 v2, v9;
	v7 =	vbroadcast v7, $0x0;
	v11 =	vld.idx.msk [tilespmem:v11+s4+$0x0], $0xffff  }
0x21: {  	s25 =	simm.s32 $0x2A0;
	v10 =	vshrl.u32 v10, $0x7;
	v24 =	vor.u32 v4, v5;
	v5 =	vmov s24;
	v13 =	vld.idx.msk [tilespmem:v13+s4+$0x0], $0xffff  }
0x22: {  	v15 =	vld.idx.msk [tilespmem:v15+s4+$0x0], $0xffff;
	v5 =	vshrl.u32 v5, $0x7;
	v25 =	vor.u32 v4, v7;
	v7 =	vmov s25  }
0x23: {  	s5 =	simm.s32 $0x8100;
	v10 =	vshll.u32 v10, v1;
	v5 =	vshll.u32 v5, v1;
	v7 =	vshrl.u32 v7, $0x7  }
0x24: {  	s20 =	simm.s32 $0x4A0;
	v10 =	vbroadcast v10, $0x0;
	v5 =	vbroadcast v5, $0x0;
	v7 =	vshll.u32 v7, v1;
	[tilespmem:s5+$0x80] =	vst v8  }
0x25: {  	v9 =	vor.u32 v0, v9;
	v60 =	vmov s20;
	v7 =	vbroadcast v7, $0x0;
	v6 =	vld.idx.msk [tilespmem:v6+s4+$0x0], $0xffff;
	[tilespmem:s5+$0xFFFFFF00] =	vst v11  }
0x26: {  	s26 =	simm.s32 $0xC0;
	s29 =	simm.s32 $0x2C0;
	v8 =	vshrl.u32 v23, $0x7;
	v23 =	vor.u32 v4, v10;
	[tilespmem:s5+$0xFFFFFF80] =	vst v13;
	v13 =	vor.u32 v3, v5;
	v10 =	vld.idx.msk [tilespmem:v12+s4+$0x0], $0xffff  }
0x27: {  	v5 =	vmov s29;
	[tilespmem:s5+$0x0] =	vst v15;
	v8 =	vshll.u32 v8, v1;
	v11 =	vmov s26;
	v14 =	vld.idx.msk [tilespmem:v14+s4+$0x0], $0xffff  }
0x28: {  	s28 =	simm.s32 $0x1C0;
	v7 =	vor.u32 v3, v7;
	v15 =	vld.idx.msk [tilespmem:v18+s4+$0x0], $0xffff;
	v5 =	vshrl.u32 v5, $0x7;
	v8 =	vbroadcast v8, $0x0  }
0x29: {  	v12 =	vmov s28;
	v11 =	vshrl.u32 v11, $0x7;
	v5 =	vshll.u32 v5, v1  }
0x2a: {  	s30 =	simm.s32 $0x380;
	v12 =	vshrl.u32 v12, $0x7;
	v18 =	vbroadcast v5, $0x0;
	[tilespmem:s5+$0x90] =	vst v6;
	v6 =	vshll.u32 v11, v1  }
0x2b: {  	v5 =	vmov s30;
	v12 =	vshll.u32 v12, v1;
	v11 =	vld.idx.msk [tilespmem:v26+s4+$0x0], $0xffff;
	v6 =	vbroadcast v6, $0x0;
	[tilespmem:s5+$0xFFFFFF10] =	vst v10  }
0x2c: {  	s18 =	simm.s32 $0x580;
	v8 =	vor.u32 v3, v8;
	[tilespmem:s5+$0xFFFFFF90] =	vst v14;
	v10 =	vbroadcast v12, $0x0;
	v26 =	vshrl.u32 v5, $0x7;
	v16 =	vld.idx.msk [tilespmem:v16+s4+$0x0], $0xffff  }
0x2d: {  	s31 =	simm.s32 $0xE0;
	s8 =	simm.s32 $0x1E0;
	v35 =	vmov s18;
	[tilespmem:s5+$0x10] =	vst v15;
	v17 =	vld.idx.msk [tilespmem:v17+s4+$0x0], $0xffff;
	v14 =	vshll.u32 v26, v1;
	v12 =	vor.u32 v2, v6  }
0x2e: {  	v20 =	vld.idx.msk [tilespmem:v20+s4+$0x0], $0xffff;
	v6 =	vmov s31;
	v5 =	vor.u32 v2, v10;
	v10 =	vmov s8  }
0x2f: {  	s9 =	simm.s32 $0x2E0;
	v14 =	vbroadcast v14, $0x0;
	v6 =	vshrl.u32 v6, $0x7;
	v10 =	vshrl.u32 v10, $0x7  }
0x30: {  	s10 =	simm.s32 $0x3A0;
	v15 =	vmov s9;
	v6 =	vshll.u32 v6, v1;
	v10 =	vshll.u32 v10, v1;
	[tilespmem:s5+$0xA0] =	vst v11  }
0x31: {  	v11 =	vshrl.u32 v15, $0x7;
	v15 =	vor.u32 v4, v14;
	v9 =	vld.idx.msk [tilespmem:v9+s4+$0x0], $0xffff;
	[tilespmem:s5+$0xFFFFFF20] =	vst v16;
	v16 =	vmov s10  }
0x32: {  	s12 =	simm.s32 $0x700;
	v6 =	vbroadcast v6, $0x0;
	v14 =	vor.u32 v2, v18;
	[tilespmem:s5+$0xFFFFFFA0] =	vst v17;
	v18 =	vld.idx.msk [tilespmem:v19+s4+$0x0], $0xffff;
	v16 =	vshrl.u32 v16, $0x7  }
0x33: {  	s14 =	simm.s32 $0x600;
	[tilespmem:s5+$0x20] =	vst v20;
	v20 =	vmov s12;
	v11 =	vshll.u32 v11, v1;
	v17 =	vld.idx.msk [tilespmem:v21+s4+$0x0], $0xffff;
	v16 =	vshll.u32 v16, v1  }
0x34: {  	s11 =	simm.s32 $0x500;
	v21 =	vld.idx.msk [tilespmem:v22+s4+$0x0], $0xffff;
	v22 =	vmov s14;
	v20 =	vshrl.u32 v20, $0x7;
	v16 =	vbroadcast v16, $0x0  }
0x35: {  	s13 =	simm.s32 $0x400;
	v11 =	vbroadcast v11, $0x0;
	v19 =	vmov s11;
	v20 =	vshll.u32 v20, v1  }
0x36: {  	[tilespmem:s5+$0xB0] =	vst v9;
	v9 =	vmov s13;
	v26 =	vor.u32 v3, v16;
	v16 =	vshrl.u32 v19, $0x7  }
0x37: {  	s15 =	simm.s32 $0x3C0;
	v19 =	vbroadcast v20, $0x0;
	v15 =	vld.idx.msk [tilespmem:v15+s4+$0x0], $0xffff;
	v9 =	vshrl.u32 v9, $0x7;
	[tilespmem:s5+$0xFFFFFF30] =	vst v18;
	v18 =	vshrl.u32 v22, $0x7  }
0x38: {  	[tilespmem:s5+$0xFFFFFFB0] =	vst v17;
	v16 =	vshll.u32 v16, v1;
	v22 =	vmov s15;
	v9 =	vshll.u32 v9, v1  }
0x39: {  	[tilespmem:s5+$0x30] =	vst v21;
	v20 =	vld.idx.msk [tilespmem:v24+s4+$0x0], $0xffff;
	v17 =	vshll.u32 v18, v1;
	v18 =	vor.u32 v4, v19;
	v21 =	vbroadcast v16, $0x0  }
0x3a: {  	v22 =	vshrl.u32 v22, $0x7;
	v24 =	vld.idx.msk [tilespmem:v25+s4+$0x0], $0xffff;
	v16 =	vor.u32 v0, v11;
	v9 =	vbroadcast v9, $0x0  }
0x3b: {  	v11 =	vld.idx.msk [tilespmem:v23+s4+$0x0], $0xffff;
	v22 =	vshll.u32 v22, v1;
	v27 =	vor.u32 v3, v21;
	v30 =	vor.u32 v2, v21  }
0x3c: {  	v23 =	vor.u32 v4, v9;
	[tilespmem:s5+$0xC0] =	vst v15;
	v15 =	vbroadcast v17, $0x0;
	v17 =	vbroadcast v22, $0x0  }
0x3d: {  	v25 =	vor.u32 v3, v9;
	v29 =	vor.u32 v2, v9;
	v33 =	vor.u32 v0, v9;
	v22 =	vld.idx.msk [tilespmem:v26+s4+$0x0], $0xffff  }
0x3e: {  	s17 =	simm.s32 $0x3E0;
	v10 =	vbroadcast v10, $0x0;
	v26 =	vor.u32 v4, v21;
	[tilespmem:s5+$0xFFFFFF40] =	vst v20;
	v18 =	vld.idx.msk [tilespmem:v18+s4+$0x0], $0xffff;
	v20 =	vor.u32 v2, v17  }
0x3f: {  	[tilespmem:s5+$0xFFFFFFC0] =	vst v24;
	v28 =	vor.u32 v4, v15;
	v31 =	vor.u32 v3, v15;
	v9 =	vld.idx.msk [tilespmem:v8+s4+$0x0], $0xffff;
	v8 =	vmov s17  }
0x40: {  	[tilespmem:s5+$0x40] =	vst v11;
	v34 =	vor.u32 v2, v15;
	v17 =	vor.u32 v0, v21;
	v13 =	vld.idx.msk [tilespmem:v13+s4+$0x0], $0xffff;
	v24 =	vshrl.u32 v8, $0x7  }
0x41: {  	s26 =	simm.s32 $0x4E0;
	v21 =	vor.u32 v3, v19;
	v7 =	vld.idx.msk [tilespmem:v7+s4+$0x0], $0xffff;
	v8 =	vor.u32 v0, v15;
	v15 =	vshll.u32 v24, v1  }
0x42: {  	s6 =	simm.s32 $0x8300;
	s19 =	simm.s32 $0x680;
	v62 =	vmov s26;
	v6 =	vor.u32 v0, v6;
	v23 =	vld.idx.msk [tilespmem:v23+s4+$0x0], $0xffff;
	v11 =	vbroadcast v15, $0x0;
	[tilespmem:s5+$0xD0] =	vst v22  }
0x43: {  	v10 =	vor.u32 v0, v10;
	v24 =	vmov s19;
	v22 =	vshrl.u32 v32, $0x7;
	[tilespmem:s6+$0x80] =	vst v18;
	v20 =	vld.idx.msk [tilespmem:v20+s4+$0x0], $0xffff  }
0x44: {  	v15 =	vshll.u32 v22, v1;
	v22 =	vld.idx.msk [tilespmem:v26+s4+$0x0], $0xffff;
	v26 =	vshrl.u32 v35, $0x7;
	v18 =	vor.u32 v0, v11;
	[tilespmem:s5+$0xFFFFFF50] =	vst v9  }
0x45: {  	v24 =	vshrl.u32 v24, $0x7;
	v28 =	vld.idx.msk [tilespmem:v28+s4+$0x0], $0xffff;
	[tilespmem:s5+$0xFFFFFFD0] =	vst v13;
	v15 =	vbroadcast v15, $0x0;
	v26 =	vshll.u32 v26, v1  }
0x46: {  	s25 =	simm.s32 $0x6C0;
	v32 =	vshrl.u32 v60, $0x7;
	v21 =	vld.idx.msk [tilespmem:v21+s4+$0x0], $0xffff;
	v9 =	vshll.u32 v24, v1;
	[tilespmem:s5+$0x50] =	vst v7;
	v26 =	vbroadcast v26, $0x0  }
0x47: {  	s21 =	simm.s32 $0x5A0;
	v7 =	vmov s25;
	v13 =	vbroadcast v9, $0x0;
	v24 =	vld.idx.msk [tilespmem:v12+s4+$0x0], $0xffff;
	[tilespmem:s6+$0xFFFFFF00] =	vst v23;
	v11 =	vor.u32 v4, v15  }
0x48: {  	s22 =	simm.s32 $0x6A0;
	v15 =	vmov s21;
	v25 =	vld.idx.msk [tilespmem:v25+s4+$0x0], $0xffff;
	v9 =	vor.u32 v4, v26;
	v26 =	vor.u32 v2, v19;
	[tilespmem:s5+$0xE0] =	vst v20  }
0x49: {  	v23 =	vmov s22;
	v12 =	vor.u32 v4, v13;
	v15 =	vshrl.u32 v15, $0x7;
	[tilespmem:s6+$0xFFFFFF80] =	vst v22;
	v18 =	vld.idx.msk [tilespmem:v18+s4+$0x0], $0xffff  }
0x4a: {  	v13 =	vshll.u32 v32, v1;
	v15 =	vshll.u32 v15, v1;
	v20 =	vshrl.u32 v23, $0x7;
	[tilespmem:s6+$0x0] =	vst v28;
	v23 =	vld.idx.msk [tilespmem:v27+s4+$0x0], $0xffff  }
0x4b: {  	s23 =	simm.s32 $0x4C0;
	s24 =	simm.s32 $0x5C0;
	v13 =	vbroadcast v13, $0x0;
	[tilespmem:s6+$0x90] =	vst v21;
	v22 =	vbroadcast v15, $0x0;
	v15 =	vshll.u32 v20, v1;
	v21 =	vld.idx.msk [tilespmem:v31+s4+$0x0], $0xffff  }
0x4c: {  	v20 =	vmov s23;
	v27 =	vmov s24;
	[tilespmem:s5+$0xFFFFFF60] =	vst v24;
	v24 =	vld.idx.msk [tilespmem:v5+s4+$0x0], $0xffff;
	v61 =	vbroadcast v15, $0x0  }
0x4d: {  	v15 =	vor.u32 v3, v13;
	v20 =	vshrl.u32 v20, $0x7;
	v13 =	vor.u32 v3, v22;
	v22 =	vld.idx.msk [tilespmem:v26+s4+$0x0], $0xffff  }
0x4e: {  	v19 =	vor.u32 v0, v19;
	[tilespmem:s6+$0xFFFFFF10] =	vst v25;
	v5 =	vshll.u32 v20, v1;
	v20 =	vld.idx.msk [tilespmem:v14+s4+$0x0], $0xffff;
	v26 =	vshrl.u32 v27, $0x7  }
0x4f: {  	s28 =	simm.s32 $0x780;
	v7 =	vshrl.u32 v7, $0x7;
	v5 =	vbroadcast v5, $0x0;
	v27 =	vld.idx.msk [tilespmem:v6+s4+$0x0], $0xffff;
	v14 =	vshll.u32 v26, v1;
	[tilespmem:s5+$0xF0] =	vst v18  }
0x50: {  	v25 =	vshll.u32 v7, v1;
	v26 =	vmov s28;
	v18 =	vld.idx.msk [tilespmem:v29+s4+$0x0], $0xffff;
	[tilespmem:s6+$0xFFFFFF90] =	vst v23;
	v23 =	vbroadcast v14, $0x0  }
0x51: {  	s29 =	simm.s32 $0x5E0;
	v25 =	vbroadcast v25, $0x0;
	v14 =	vor.u32 v2, v5;
	[tilespmem:s6+$0x10] =	vst v21;
	v6 =	vshrl.u32 v26, $0x7;
	v63 =	vld.idx.msk [tilespmem:v30+s4+$0x0], $0xffff  }
0x52: {  	s30 =	simm.s32 $0x6E0;
	v21 =	vmov s29;
	v26 =	vld.idx.msk [tilespmem:v34+s4+$0x0], $0xffff;
	v5 =	vor.u32 v2, v23;
	v23 =	vshll.u32 v6, v1;
	[tilespmem:s6+$0xA0] =	vst v22  }
0x53: {  	[tilespmem:s5+$0xFFFFFFE0] =	vst v24;
	v6 =	vor.u32 v2, v25;
	v25 =	vmov s30;
	v23 =	vbroadcast v23, $0x0;
	v22 =	vld.idx.msk [tilespmem:v19+s4+$0x0], $0xffff  }
0x54: {  	v24 =	vshrl.u32 v62, $0x7;
	v21 =	vshrl.u32 v21, $0x7;
	[tilespmem:s5+$0x60] =	vst v20;
	v20 =	vshrl.u32 v25, $0x7;
	v19 =	vld.idx.msk [tilespmem:v10+s4+$0x0], $0xffff  }
0x55: {  	v10 =	vshll.u32 v24, v1;
	[tilespmem:s6+$0xFFFFFF20] =	vst v18;
	v18 =	vshll.u32 v21, v1;
	v24 =	vor.u32 v4, v23  }
0x56: {  	s31 =	simm.s32 $0x7A0;
	[tilespmem:s5+$0xFFFFFF70] =	vst v27;
	v10 =	vbroadcast v10, $0x0;
	v21 =	vld.idx.msk [tilespmem:v33+s4+$0x0], $0xffff;
	v25 =	vbroadcast v18, $0x0;
	v18 =	vshll.u32 v20, v1  }
0x57: {  	v7 =	vor.u32 v3, v61;
	v27 =	vmov s31;
	[tilespmem:s6+$0xFFFFFFA0] =	vst v63;
	v20 =	vld.idx.msk [tilespmem:v16+s4+$0x0], $0xffff;
	v23 =	vbroadcast v18, $0x0  }
0x58: {  	s7 =	simm.s32 $0x7E0;
	s9 =	simm.s32 $0xBE0;
	s8 =	simm.s32 $0x4;
	[tilespmem:s6+$0x20] =	vst v26;
	v16 =	vor.u32 v0, v10;
	v18 =	vld.idx.msk [tilespmem:v17+s4+$0x0], $0xffff;
	v10 =	vor.u32 v0, v25;
	v25 =	vshrl.u32 v27, $0x7  }
.LBB2_3:
0x59: {  	s10 =	sadd.s32 $0xFFFFFD20, s9;
	s11 =	sadd.s32 $0xFFFFFF20, s9;
	s8 =	sadd.s32 $0x4, s8;
	v8 =	vld.idx.msk [tilespmem:v8+s4+$0x0], $0xffff;
	v17 =	vor.u32 v0, v23;
	[tilespmem:s6+$0xB0] =	vst v22;
	v22 =	vshll.u32 v25, v1  }
0x5a: {  	s12 =	sadd.s32 $0xFFFFFC20, s9;
	v23 =	vmov s10;
	s10 =	sadd.s32 $0xFFFFFE20, s9;
	v25 =	vmov s11;
	p0 =	slt.u32 s8, $0x7C;
	v24 =	vld.idx.msk [tilespmem:v24+s4+$0x0], $0xffff;
	v22 =	vbroadcast v22, $0x0;
	[tilespmem:s5+$0xFFFFFFF0] =	vst v19  }
0x5b: {  	s21 =	sadd.s32 $0xFFFFFCA0, s9;
	s20 =	sadd.s32 $0xFFFFFDA0, s9;
	s19 =	sadd.s32 $0xFFFFFEA0, s9;
	v19 =	vmov s12;
	v26 =	vmov s10;
	v25 =	vshrl.u32 v25, $0x7  }
0x5c: {  	s18 =	sadd.s32 $0xFFFFFCC0, s9;
	s17 =	sadd.s32 $0xFFFFFDC0, s9;
	s16 =	sadd.s32 $0xFFFFFEC0, s9;
	v27 =	vshrl.u32 v19, $0x7;
	v19 =	vshll.u32 v25, v1;
	[tilespmem:s6+$0xFFFFFF30] =	vst v21;
	v21 =	vor.u32 v3, v22  }
0x5d: {  	s13 =	sadd.s32 $0xFFFFFCE0, s9;
	s14 =	sadd.s32 $0xFFFFFDE0, s9;
	s11 =	sadd.s32 $0xFFFFFFE0, s7;
	v22 =	vshrl.u32 v23, $0x7;
	v23 =	vshrl.u32 v26, $0x7;
	v19 =	vbroadcast v19, $0x0;
	v11 =	vld.idx.msk [tilespmem:v11+s4+$0x0], $0xffff;
	[tilespmem:s5+$0x70] =	vst v20  }
0x5e: {  	s15 =	sadd.s32 $0xFFFFFEE0, s9;
	s12 =	sadd.s32 $0xFFFFFD00, s9;
	s10 =	sadd.s32 $0xFFFFFE00, s9;
	v20 =	vshll.u32 v27, v1;
	v22 =	vshll.u32 v22, v1;
	[tilespmem:s6+$0xFFFFFFB0] =	vst v18;
	v18 =	vmov s11  }
0x5f: {  	v23 =	vshll.u32 v23, v1;
	s5 =	smov.u32 s6;
	s11 =	sadd.s32 $0xFFFFFF00, s9;
	v25 =	vor.u32 v4, v19;
	v9 =	vld.idx.msk [tilespmem:v9+s4+$0x0], $0xffff;
	[tilespmem:s6+$0x30] =	vst v8;
	v8 =	vshrl.u32 v18, $0x7  }
0x60: {  	v22 =	vbroadcast v22, $0x0;
	v18 =	vbroadcast v20, $0x0;
	v12 =	vld.idx.msk [tilespmem:v12+s4+$0x0], $0xffff;
	[tilespmem:s6+$0xC0] =	vst v24;
	v8 =	vshll.u32 v8, v1  }
0x61: {  	v23 =	vbroadcast v23, $0x0;
	v24 =	vmov s21;
	v21 =	vld.idx.msk [tilespmem:v21+s4+$0x0], $0xffff;
	v8 =	vbroadcast v8, $0x0  }
0x62: {  	v28 =	vor.u32 v4, v22;
	v26 =	vor.u32 v4, v18;
	v27 =	vor.u32 v3, v18  }
0x63: {  	v29 =	vor.u32 v3, v22;
	v30 =	vor.u32 v4, v23;
	[tilespmem:s6+$0xFFFFFF40] =	vst v11;
	v11 =	vor.u32 v2, v8  }
0x64: {  	v32 =	vor.u32 v2, v22;
	v33 =	vor.u32 v3, v23;
	v31 =	vor.u32 v2, v18;
	v25 =	vld.idx.msk [tilespmem:v25+s4+$0x0], $0xffff  }
0x65: {  	v34 =	vor.u32 v2, v23;
	v20 =	vor.u32 v0, v18;
	v8 =	vmov s7;
	s7 =	smov.u32 s9;
	v15 =	vld.idx.msk [tilespmem:v15+s4+$0x0], $0xffff;
	[tilespmem:s6+$0xFFFFFFC0] =	vst v9  }
0x66: {  	v18 =	vor.u32 v0, v22;
	v9 =	vor.u32 v3, v19;
	v13 =	vld.idx.msk [tilespmem:v13+s4+$0x0], $0xffff;
	[tilespmem:s6+$0x40] =	vst v12;
	v12 =	vshrl.u32 v8, $0x7  }
0x67: {  	v8 =	vor.u32 v0, v23;
	v22 =	vld.idx.msk [tilespmem:v26+s4+$0x0], $0xffff;
	v26 =	vmov s20;
	[tilespmem:s6+$0xD0] =	vst v21;
	v12 =	vshll.u32 v12, v1  }
0x68: {  	v23 =	vmov s19;
	v21 =	vshrl.u32 v24, $0x7;
	v24 =	vld.idx.msk [tilespmem:v11+s4+$0x0], $0xffff;
	v11 =	vbroadcast v12, $0x0  }
0x69: {  	v23 =	vshrl.u32 v23, $0x7;
	s6 =	sadd.s32 $0x200, s6;
	v12 =	vshll.u32 v21, v1;
	v26 =	vshrl.u32 v26, $0x7;
	v21 =	vld.idx.msk [tilespmem:v28+s4+$0x0], $0xffff  }
0x6a: {  	v12 =	vbroadcast v12, $0x0;
	v26 =	vshll.u32 v26, v1;
	v28 =	vld.idx.msk [tilespmem:v30+s4+$0x0], $0xffff;
	[tilespmem:s6+$0x80] =	vst v25;
	v25 =	vor.u32 v0, v11  }
0x6b: {  	v23 =	vshll.u32 v23, v1;
	v30 =	vmov s18;
	v26 =	vbroadcast v26, $0x0;
	v35 =	vld.idx.msk [tilespmem:v9+s4+$0x0], $0xffff;
	[tilespmem:s5+$0xFFFFFF50] =	vst v15  }
0x6c: {  	v11 =	vor.u32 v4, v12;
	v12 =	vmov s17;
	v15 =	vbroadcast v23, $0x0;
	[tilespmem:s5+$0xFFFFFFD0] =	vst v13;
	v7 =	vld.idx.msk [tilespmem:v7+s4+$0x0], $0xffff  }
0x6d: {  	v9 =	vor.u32 v4, v26;
	v13 =	vmov s16;
	[tilespmem:s6+$0xFFFFFF00] =	vst v22;
	v22 =	vor.u32 v2, v19;
	v14 =	vld.idx.msk [tilespmem:v14+s4+$0x0], $0xffff  }
0x6e: {  	v26 =	vshrl.u32 v30, $0x7;
	v23 =	vld.idx.msk [tilespmem:v27+s4+$0x0], $0xffff;
	v27 =	vshrl.u32 v12, $0x7;
	v12 =	vor.u32 v4, v15;
	[tilespmem:s5+$0xE0] =	vst v24  }
0x6f: {  	v13 =	vshrl.u32 v13, $0x7;
	v15 =	vshll.u32 v26, v1;
	[tilespmem:s6+$0xFFFFFF80] =	vst v21;
	v21 =	vshll.u32 v27, v1;
	v24 =	vld.idx.msk [tilespmem:v25+s4+$0x0], $0xffff  }
0x70: {  	v13 =	vshll.u32 v13, v1;
	v15 =	vbroadcast v15, $0x0;
	v25 =	vld.idx.msk [tilespmem:v29+s4+$0x0], $0xffff;
	v21 =	vbroadcast v21, $0x0;
	[tilespmem:s6+$0x0] =	vst v28  }
0x71: {  	v26 =	vmov s13;
	v27 =	vmov s14;
	v29 =	vbroadcast v13, $0x0;
	v28 =	vld.idx.msk [tilespmem:v33+s4+$0x0], $0xffff;
	[tilespmem:s6+$0x90] =	vst v35  }
0x72: {  	v15 =	vor.u32 v3, v15;
	v13 =	vor.u32 v3, v21;
	v21 =	vmov s15;
	v22 =	vld.idx.msk [tilespmem:v22+s4+$0x0], $0xffff;
	[tilespmem:s5+$0x50] =	vst v7  }
0x73: {  	v26 =	vshrl.u32 v26, $0x7;
	v27 =	vshrl.u32 v27, $0x7;
	v7 =	vor.u32 v3, v29;
	[tilespmem:s5+$0xFFFFFF60] =	vst v14;
	v29 =	vld.idx.msk [tilespmem:v5+s4+$0x0], $0xffff  }
0x74: {  	v19 =	vor.u32 v0, v19;
	v5 =	vshll.u32 v26, v1;
	v14 =	vshrl.u32 v21, $0x7;
	[tilespmem:s6+$0xFFFFFF10] =	vst v23;
	v21 =	vld.idx.msk [tilespmem:v6+s4+$0x0], $0xffff  }
0x75: {  	s13 =	sadd.s32 $0xFFFFFFA0, s9;
	v5 =	vbroadcast v5, $0x0;
	v6 =	vshll.u32 v27, v1;
	v14 =	vshll.u32 v14, v1;
	v23 =	vld.idx.msk [tilespmem:v31+s4+$0x0], $0xffff;
	[tilespmem:s5+$0xF0] =	vst v24  }
0x76: {  	v6 =	vbroadcast v6, $0x0;
	v24 =	vbroadcast v14, $0x0;
	[tilespmem:s6+$0xFFFFFF90] =	vst v25;
	v25 =	vmov s13;
	v16 =	vld.idx.msk [tilespmem:v16+s4+$0x0], $0xffff  }
0x77: {  	v26 =	vmov s12;
	v14 =	vor.u32 v2, v5;
	v27 =	vld.idx.msk [tilespmem:v32+s4+$0x0], $0xffff;
	[tilespmem:s6+$0x10] =	vst v28;
	v25 =	vshrl.u32 v25, $0x7  }
0x78: {  	v5 =	vor.u32 v2, v6;
	v28 =	vmov s10;
	v30 =	vld.idx.msk [tilespmem:v34+s4+$0x0], $0xffff;
	[tilespmem:s6+$0xA0] =	vst v22;
	v25 =	vshll.u32 v25, v1  }
0x79: {  	v6 =	vor.u32 v2, v24;
	v24 =	vmov s11;
	v22 =	vld.idx.msk [tilespmem:v19+s4+$0x0], $0xffff;
	v25 =	vbroadcast v25, $0x0;
	[tilespmem:s5+$0xFFFFFFE0] =	vst v29  }
.Ltmp1:
0x7a: {  	v26 =	vshrl.u32 v26, $0x7;
	v28 =	vshrl.u32 v28, $0x7;
	v29 =	vshrl.u32 v24, $0x7;
	v19 =	vld.idx.msk [tilespmem:v10+s4+$0x0], $0xffff;
	[tilespmem:s5+$0x60] =	vst v21;
	(pc) =	sbr.rel @p0 .LBB2_3-.Ltmp1, $4  }
0x7b: {  	v10 =	vshll.u32 v26, v1;
	[tilespmem:s6+$0xFFFFFF20] =	vst v23;
	v23 =	vshll.u32 v28, v1;
	v24 =	vor.u32 v4, v25  }
0x7c: {  	s10 =	sadd.s32 $0xFFFFFFC0, s9;
	v10 =	vbroadcast v10, $0x0;
	v21 =	vld.idx.msk [tilespmem:v20+s4+$0x0], $0xffff;
	v25 =	vbroadcast v23, $0x0;
	v20 =	vshll.u32 v29, v1;
	[tilespmem:s5+$0xFFFFFF70] =	vst v16  }
0x7d: {  	v26 =	vmov s10;
	[tilespmem:s6+$0xFFFFFFA0] =	vst v27;
	v23 =	vbroadcast v20, $0x0;
	v20 =	vld.idx.msk [tilespmem:v17+s4+$0x0], $0xffff  }
0x7e: {  	s9 =	sadd.s32 $0x400, s9;
	v16 =	vor.u32 v0, v10;
	v18 =	vld.idx.msk [tilespmem:v18+s4+$0x0], $0xffff;
	v10 =	vor.u32 v0, v25;
	[tilespmem:s6+$0x20] =	vst v30;
	v25 =	vshrl.u32 v26, $0x7  }
0x7f: {  	_ =	sdelay $0x3  }
0x80: {  	v4 =	vld.idx.msk [tilespmem:v8+s4+$0x0], $0xffff  }
0x81: {  	v8 =	vshll.u32 v25, v1  }
0x82: {  	[tilespmem:s6+$0xB0] =	vst v22;
	v8 =	vbroadcast v8, $0x0  }
0x83: {  	v17 =	vld.idx.msk [tilespmem:v24+s4+$0x0], $0xffff;
	[tilespmem:s6+$0xFFFFFF30] =	vst v21  }
0x84: {  	s8 =	sadd.s32 $0xFFFFFFE0, s7;
	v3 =	vor.u32 v3, v8;
	v8 =	vld.idx.msk [tilespmem:v11+s4+$0x0], $0xffff;
	[tilespmem:s6+$0xFFFFFFB0] =	vst v18  }
0x85: {  	v11 =	vmov s8;
	v9 =	vld.idx.msk [tilespmem:v9+s4+$0x0], $0xffff;
	[tilespmem:s6+$0x30] =	vst v4  }
0x86: {  	v4 =	vshrl.u32 v11, $0x7;
	v11 =	vld.idx.msk [tilespmem:v12+s4+$0x0], $0xffff  }
0x87: {  	v4 =	vshll.u32 v4, v1  }
0x88: {  	[tilespmem:s6+$0xC0] =	vst v17;
	v4 =	vbroadcast v4, $0x0  }
0x89: {  	v3 =	vld.idx.msk [tilespmem:v3+s4+$0x0], $0xffff;
	[tilespmem:s6+$0xFFFFFF40] =	vst v8  }
0x8a: {  	v2 =	vor.u32 v2, v4;
	v4 =	vld.idx.msk [tilespmem:v15+s4+$0x0], $0xffff;
	[tilespmem:s6+$0xFFFFFFC0] =	vst v9  }
0x8b: {  	v8 =	vmov s7;
	v9 =	vld.idx.msk [tilespmem:v13+s4+$0x0], $0xffff;
	[tilespmem:s6+$0x40] =	vst v11  }
0x8c: {  	v8 =	vshrl.u32 v8, $0x7;
	v7 =	vld.idx.msk [tilespmem:v7+s4+$0x0], $0xffff  }
0x8d: {  	v1 =	vshll.u32 v8, v1  }
0x8e: {  	v1 =	vbroadcast v1, $0x0;
	[tilespmem:s6+$0xD0] =	vst v3  }
0x8f: {  	v2 =	vld.idx.msk [tilespmem:v2+s4+$0x0], $0xffff;
	[tilespmem:s6+$0xFFFFFF50] =	vst v4  }
0x90: {  	v1 =	vor.u32 v0, v1;
	v3 =	vld.idx.msk [tilespmem:v14+s4+$0x0], $0xffff;
	[tilespmem:s6+$0xFFFFFFD0] =	vst v9  }
0x91: {  	[tilespmem:s6+$0x50] =	vst v7;
	v4 =	vld.idx.msk [tilespmem:v5+s4+$0x0], $0xffff  }
0x92: {  	v5 =	vld.idx.msk [tilespmem:v6+s4+$0x0], $0xffff  }
0x93: {  	v0 =	vor.u32 v0, v23  }
0x94: {  	[tilespmem:s6+$0xE0] =	vst v2  }
0x95: {  	v1 =	vld.idx.msk [tilespmem:v1+s4+$0x0], $0xffff;
	[tilespmem:s6+$0xFFFFFF60] =	vst v3  }
0x96: {  	v2 =	vld.idx.msk [tilespmem:v16+s4+$0x0], $0xffff;
	[tilespmem:s6+$0xFFFFFFE0] =	vst v4  }
0x97: {  	v3 =	vld.idx.msk [tilespmem:v10+s4+$0x0], $0xffff;
	[tilespmem:s6+$0x60] =	vst v5  }
0x98: {  	[tilespmem:s5+$0xFFFFFFF0] =	vst v19;
	v0 =	vld.idx.msk [tilespmem:v0+s4+$0x0], $0xffff  }
0x99: {  	[tilespmem:s5+$0x70] =	vst v20  }
0x9a: {  	[tilespmem:s6+$0xF0] =	vst v1  }
0x9b: {  	[tilespmem:s6+$0xFFFFFF70] =	vst v2  }
0x9c: {  	[tilespmem:s6+$0xFFFFFFF0] =	vst v3  }
0x9d: {  	s23 =	simm.s32 $0x8100;
	[tilespmem:s6+$0x70] =	vst v0  }
0x9e: {  	v1 =	vld [tilespmem:s23+$0x80];
	_ =	sdelay $0x2  }
0x9f: {  	s24 =	sshll.u32 s1, $0x7  }
0xa0: {  	s25 =	sor.u32 $0x80000, s24;
	v5 =	vlaneseq.u32;
	v2 =	vld [tilespmem:s23+$0xFFFFFF00]  }
0xa1: {  	v0 =	vor.u32 s25, v5;
	v3 =	vld [tilespmem:s23+$0xFFFFFF80];
	vm1 =	vlt.u32 v1, $0x80000  }
0xa2: {  	s4 =	simm.s32 $0xC100;
	v4 =	vld [tilespmem:s23+$0x0];
	v1 =	vsel vm1, v1, v0  }
0xa3: {  	[tilespmem:s4+$0x80] =	vst v1  }
0xa4: {  	v6 =	vld [tilespmem:s23+$0x90]  }
0xa5: {  	vm1 =	vlt.u32 v2, $0x80000  }
0xa6: {  	vm2 =	vlt.u32 v3, $0x80000;
	v1 =	vsel vm1, v2, v0  }
0xa7: {  	v2 =	vsel vm2, v3, v0;
	vm1 =	vlt.u32 v4, $0x80000;
	[tilespmem:s4+$0xFFFFFF00] =	vst v1  }
0xa8: {  	s26 =	sor.u32 $0x80010, s24;
	[tilespmem:s4+$0xFFFFFF80] =	vst v2;
	v2 =	vsel vm1, v4, v0;
	v3 =	vld [tilespmem:s23+$0xFFFFFF10]  }
0xa9: {  	v1 =	vor.u32 s26, v5;
	v4 =	vld [tilespmem:s23+$0xFFFFFF90];
	[tilespmem:s4+$0x0] =	vst v2;
	vm1 =	vlt.u32 v6, $0x80000  }
0xaa: {  	v2 =	vld [tilespmem:s23+$0x10];
	v6 =	vsel vm1, v6, v1  }
0xab: {  	[tilespmem:s4+$0x90] =	vst v6  }
0xac: {  	v6 =	vld [tilespmem:s23+$0xA0]  }
0xad: {  	vm1 =	vlt.u32 v3, $0x80000  }
0xae: {  	vm2 =	vlt.u32 v4, $0x80000;
	v3 =	vsel vm1, v3, v1  }
0xaf: {  	v4 =	vsel vm2, v4, v1;
	vm1 =	vlt.u32 v2, $0x80000;
	[tilespmem:s4+$0xFFFFFF10] =	vst v3  }
0xb0: {  	s28 =	sor.u32 $0x80020, s24;
	[tilespmem:s4+$0xFFFFFF90] =	vst v4;
	v3 =	vsel vm1, v2, v1;
	v4 =	vld [tilespmem:s23+$0xFFFFFF20]  }
0xb1: {  	v2 =	vor.u32 s28, v5;
	v7 =	vld [tilespmem:s23+$0xFFFFFFA0];
	[tilespmem:s4+$0x10] =	vst v3;
	vm1 =	vlt.u32 v6, $0x80000  }
0xb2: {  	v3 =	vld [tilespmem:s23+$0x20];
	v6 =	vsel vm1, v6, v2  }
0xb3: {  	[tilespmem:s4+$0xA0] =	vst v6  }
0xb4: {  	v6 =	vld [tilespmem:s23+$0xB0]  }
0xb5: {  	vm1 =	vlt.u32 v4, $0x80000  }
0xb6: {  	vm2 =	vlt.u32 v7, $0x80000;
	v4 =	vsel vm1, v4, v2  }
0xb7: {  	v7 =	vsel vm2, v7, v2;
	vm1 =	vlt.u32 v3, $0x80000;
	[tilespmem:s4+$0xFFFFFF20] =	vst v4  }
0xb8: {  	s29 =	sor.u32 $0x80030, s24;
	[tilespmem:s4+$0xFFFFFFA0] =	vst v7;
	v4 =	vsel vm1, v3, v2;
	v7 =	vld [tilespmem:s23+$0xFFFFFF30]  }
0xb9: {  	v3 =	vor.u32 s29, v5;
	v8 =	vld [tilespmem:s23+$0xFFFFFFB0];
	[tilespmem:s4+$0x20] =	vst v4;
	vm1 =	vlt.u32 v6, $0x80000  }
0xba: {  	s5 =	simm.s32 $0x8300;
	v4 =	vld [tilespmem:s23+$0x30];
	v6 =	vsel vm1, v6, v3  }
0xbb: {  	[tilespmem:s4+$0xB0] =	vst v6;
	v6 =	vld [tilespmem:s5+$0x80]  }
0xbc: {  	v9 =	vld [tilespmem:s23+$0xC0]  }
0xbd: {  	v10 =	vld [tilespmem:s5+$0xFFFFFF80];
	vm1 =	vlt.u32 v7, $0x80000  }
0xbe: {  	v11 =	vld [tilespmem:s5+$0x0];
	vm2 =	vlt.u32 v8, $0x80000;
	v7 =	vsel vm1, v7, v3  }
0xbf: {  	v8 =	vsel vm2, v8, v3;
	vm1 =	vlt.u32 v4, $0x80000;
	[tilespmem:s4+$0xFFFFFF30] =	vst v7;
	v7 =	vld [tilespmem:s5+$0xFFFFFF00]  }
0xc0: {  	s30 =	sor.u32 $0x80040, s24;
	[tilespmem:s4+$0xFFFFFFB0] =	vst v8;
	v8 =	vsel vm1, v4, v3;
	v12 =	vld [tilespmem:s23+$0xFFFFFF40];
	vm1 =	vlt.u32 v6, $0x80000  }
0xc1: {  	s6 =	simm.s32 $0xC300;
	v4 =	vor.u32 s30, v5;
	[tilespmem:s4+$0x30] =	vst v8;
	v8 =	vld [tilespmem:s23+$0xFFFFFFC0];
	v6 =	vsel vm1, v6, v0;
	vm1 =	vlt.u32 v9, $0x80000  }
0xc2: {  	vm2 =	vlt.u32 v10, $0x80000;
	[tilespmem:s6+$0x80] =	vst v6;
	v6 =	vld [tilespmem:s23+$0x40];
	v9 =	vsel vm1, v9, v4  }
0xc3: {  	v10 =	vsel vm2, v10, v0;
	vm1 =	vlt.u32 v11, $0x80000;
	v13 =	vld [tilespmem:s5+$0x90];
	[tilespmem:s4+$0xC0] =	vst v9  }
0xc4: {  	[tilespmem:s6+$0xFFFFFF80] =	vst v10;
	vm2 =	vlt.u32 v7, $0x80000;
	v9 =	vsel vm1, v11, v0;
	v10 =	vld [tilespmem:s23+$0xD0]  }
0xc5: {  	v7 =	vsel vm2, v7, v0;
	v11 =	vld [tilespmem:s5+$0xFFFFFF90];
	vm1 =	vlt.u32 v12, $0x80000;
	[tilespmem:s6+$0x0] =	vst v9  }
0xc6: {  	[tilespmem:s6+$0xFFFFFF00] =	vst v7;
	v7 =	vsel vm1, v12, v4;
	vm1 =	vlt.u32 v8, $0x80000;
	v9 =	vld [tilespmem:s5+$0x10]  }
0xc7: {  	v12 =	vld [tilespmem:s5+$0xFFFFFF10];
	[tilespmem:s4+$0xFFFFFF40] =	vst v7;
	v7 =	vsel vm1, v8, v4;
	vm1 =	vlt.u32 v6, $0x80000  }
0xc8: {  	s9 =	sor.u32 $0x80050, s24;
	v8 =	vld [tilespmem:s23+$0xFFFFFF50];
	[tilespmem:s4+$0xFFFFFFC0] =	vst v7;
	vm2 =	vlt.u32 v13, $0x80000;
	v6 =	vsel vm1, v6, v4  }
0xc9: {  	v7 =	vor.u32 s9, v5;
	v14 =	vld [tilespmem:s23+$0xFFFFFFD0];
	v13 =	vsel vm2, v13, v1;
	[tilespmem:s4+$0x40] =	vst v6;
	vm1 =	vlt.u32 v10, $0x80000  }
0xca: {  	vm2 =	vlt.u32 v11, $0x80000;
	[tilespmem:s6+$0x90] =	vst v13;
	v6 =	vld [tilespmem:s23+$0x50];
	v10 =	vsel vm1, v10, v7  }
0xcb: {  	v11 =	vsel vm2, v11, v1;
	vm1 =	vlt.u32 v9, $0x80000;
	v13 =	vld [tilespmem:s5+$0xA0];
	[tilespmem:s4+$0xD0] =	vst v10  }
0xcc: {  	vm2 =	vlt.u32 v12, $0x80000;
	[tilespmem:s6+$0xFFFFFF90] =	vst v11;
	v9 =	vsel vm1, v9, v1;
	v10 =	vld [tilespmem:s23+$0xE0]  }
0xcd: {  	v11 =	vsel vm2, v12, v1;
	vm1 =	vlt.u32 v8, $0x80000;
	v12 =	vld [tilespmem:s5+$0xFFFFFFA0];
	[tilespmem:s6+$0x10] =	vst v9  }
0xce: {  	[tilespmem:s6+$0xFFFFFF10] =	vst v11;
	v8 =	vsel vm1, v8, v7;
	vm1 =	vlt.u32 v14, $0x80000;
	v9 =	vld [tilespmem:s5+$0x20]  }
0xcf: {  	v11 =	vld [tilespmem:s5+$0xFFFFFF20];
	[tilespmem:s4+$0xFFFFFF50] =	vst v8;
	v8 =	vsel vm1, v14, v7;
	vm1 =	vlt.u32 v6, $0x80000  }
0xd0: {  	s31 =	sor.u32 $0x80060, s24;
	v14 =	vld [tilespmem:s23+$0xFFFFFF60];
	[tilespmem:s4+$0xFFFFFFD0] =	vst v8;
	vm2 =	vlt.u32 v13, $0x80000;
	v8 =	vsel vm1, v6, v7  }
0xd1: {  	v15 =	vld [tilespmem:s23+$0xFFFFFFE0];
	v6 =	vor.u32 s31, v5;
	v13 =	vsel vm2, v13, v2;
	[tilespmem:s4+$0x50] =	vst v8;
	vm1 =	vlt.u32 v10, $0x80000  }
0xd2: {  	vm2 =	vlt.u32 v12, $0x80000;
	[tilespmem:s6+$0xA0] =	vst v13;
	v63 =	vld [tilespmem:s23+$0x60];
	v8 =	vsel vm1, v10, v6  }
0xd3: {  	v10 =	vsel vm2, v12, v2;
	vm1 =	vlt.u32 v9, $0x80000;
	v17 =	vld [tilespmem:s5+$0xB0];
	[tilespmem:s4+$0xE0] =	vst v8  }
0xd4: {  	vm2 =	vlt.u32 v11, $0x80000;
	[tilespmem:s6+$0xFFFFFFA0] =	vst v10;
	v8 =	vsel vm1, v9, v2;
	v18 =	vld [tilespmem:s23+$0xF0]  }
0xd5: {  	v9 =	vsel vm2, v11, v2;
	vm1 =	vlt.u32 v14, $0x80000;
	v13 =	vld [tilespmem:s5+$0xFFFFFFB0];
	[tilespmem:s6+$0x20] =	vst v8  }
0xd6: {  	[tilespmem:s6+$0xFFFFFF20] =	vst v9;
	v8 =	vsel vm1, v14, v6;
	vm1 =	vlt.u32 v15, $0x80000;
	v12 =	vld [tilespmem:s5+$0x30]  }
0xd7: {  	v14 =	vld [tilespmem:s5+$0xFFFFFF30];
	[tilespmem:s4+$0xFFFFFF60] =	vst v8;
	v9 =	vsel vm1, v15, v6;
	vm1 =	vlt.u32 v63, $0x80000  }
0xd8: {  	s8 =	sor.u32 $0x80070, s24;
	v8 =	vld [tilespmem:s23+$0xFFFFFF70];
	[tilespmem:s4+$0xFFFFFFE0] =	vst v9;
	vm2 =	vlt.u32 v17, $0x80000;
	v10 =	vsel vm1, v63, v6  }
0xd9: {  	v5 =	vor.u32 s8, v5;
	v9 =	vld [tilespmem:s23+$0xFFFFFFF0];
	v11 =	vsel vm2, v17, v3;
	[tilespmem:s4+$0x60] =	vst v10;
	vm2 =	vlt.u32 v18, $0x80000  }
0xda: {  	s9 =	simm.s32 $0x8500;
	s8 =	simm.s32 $0x4;
	vm1 =	vlt.u32 v13, $0x80000;
	[tilespmem:s6+$0xB0] =	vst v11;
	v10 =	vld [tilespmem:s23+$0x70];
	v11 =	vsel vm2, v18, v5  }
.LBB2_5:
0xdb: {  	v15 =	vld [tilespmem:s9+$0x80];
	v13 =	vsel vm1, v13, v3;
	vm1 =	vlt.u32 v12, $0x80000;
	[tilespmem:s4+$0xF0] =	vst v11  }
0xdc: {  	s8 =	sadd.s32 $0x4, s8;
	vm2 =	vlt.u32 v14, $0x80000;
	[tilespmem:s6+$0xFFFFFFB0] =	vst v13;
	v11 =	vsel vm1, v12, v3;
	v12 =	vld [tilespmem:s5+$0xC0]  }
0xdd: {  	p0 =	slt.u32 s8, $0x7C;
	v13 =	vld [tilespmem:s9+$0xFFFFFF80];
	v14 =	vsel vm2, v14, v3;
	[tilespmem:s6+$0x30] =	vst v11;
	vm1 =	vlt.u32 v8, $0x80000  }
0xde: {  	v11 =	vld [tilespmem:s9+$0x0];
	[tilespmem:s6+$0xFFFFFF30] =	vst v14;
	v8 =	vsel vm1, v8, v5;
	vm1 =	vlt.u32 v9, $0x80000  }
0xdf: {  	v14 =	vld [tilespmem:s9+$0xFFFFFF00];
	[tilespmem:s4+$0xFFFFFF70] =	vst v8;
	v8 =	vsel vm1, v9, v5;
	vm1 =	vlt.u32 v10, $0x80000  }
0xe0: {  	vm2 =	vlt.u32 v15, $0x80000;
	v9 =	vld [tilespmem:s5+$0xFFFFFF40];
	[tilespmem:s4+$0xFFFFFFF0] =	vst v8;
	v8 =	vsel vm1, v10, v5  }
0xe1: {  	v10 =	vsel vm2, v15, v0;
	v15 =	vld [tilespmem:s5+$0xFFFFFFC0];
	vm1 =	vlt.u32 v12, $0x80000;
	[tilespmem:s4+$0x70] =	vst v8;
	s4 =	smov.u32 s6;
	s6 =	sadd.s32 $0x200, s6  }
0xe2: {  	vm2 =	vlt.u32 v13, $0x80000;
	[tilespmem:s6+$0x80] =	vst v10;
	v8 =	vld [tilespmem:s5+$0x40];
	v10 =	vsel vm1, v12, v4  }
0xe3: {  	v12 =	vsel vm2, v13, v0;
	vm1 =	vlt.u32 v11, $0x80000;
	v13 =	vld [tilespmem:s9+$0x90];
	[tilespmem:s4+$0xC0] =	vst v10  }
0xe4: {  	vm2 =	vlt.u32 v14, $0x80000;
	[tilespmem:s6+$0xFFFFFF80] =	vst v12;
	v10 =	vsel vm1, v11, v0;
	v11 =	vld [tilespmem:s5+$0xD0]  }
0xe5: {  	v12 =	vsel vm2, v14, v0;
	v14 =	vld [tilespmem:s9+$0xFFFFFF90];
	[tilespmem:s6+$0x0] =	vst v10;
	vm1 =	vlt.u32 v9, $0x80000  }
0xe6: {  	[tilespmem:s6+$0xFFFFFF00] =	vst v12;
	v10 =	vld [tilespmem:s9+$0x10];
	v9 =	vsel vm1, v9, v4;
	vm1 =	vlt.u32 v15, $0x80000  }
0xe7: {  	v12 =	vld [tilespmem:s9+$0xFFFFFF10];
	[tilespmem:s4+$0xFFFFFF40] =	vst v9;
	v9 =	vsel vm1, v15, v4;
	vm1 =	vlt.u32 v8, $0x80000  }
0xe8: {  	vm2 =	vlt.u32 v13, $0x80000;
	v15 =	vld [tilespmem:s5+$0xFFFFFF50];
	[tilespmem:s4+$0xFFFFFFC0] =	vst v9;
	v8 =	vsel vm1, v8, v4  }
0xe9: {  	v9 =	vsel vm2, v13, v1;
	v13 =	vld [tilespmem:s5+$0xFFFFFFD0];
	[tilespmem:s4+$0x40] =	vst v8;
	vm1 =	vlt.u32 v11, $0x80000  }
0xea: {  	vm2 =	vlt.u32 v14, $0x80000;
	[tilespmem:s6+$0x90] =	vst v9;
	v8 =	vld [tilespmem:s5+$0x50];
	v9 =	vsel vm1, v11, v7  }
0xeb: {  	v11 =	vsel vm2, v14, v1;
	vm1 =	vlt.u32 v10, $0x80000;
	v14 =	vld [tilespmem:s9+$0xA0];
	[tilespmem:s4+$0xD0] =	vst v9  }
0xec: {  	vm2 =	vlt.u32 v12, $0x80000;
	[tilespmem:s6+$0xFFFFFF90] =	vst v11;
	v9 =	vsel vm1, v10, v1;
	v10 =	vld [tilespmem:s5+$0xE0]  }
0xed: {  	v11 =	vsel vm2, v12, v1;
	v12 =	vld [tilespmem:s9+$0xFFFFFFA0];
	[tilespmem:s6+$0x10] =	vst v9;
	vm1 =	vlt.u32 v15, $0x80000  }
0xee: {  	[tilespmem:s6+$0xFFFFFF10] =	vst v11;
	v9 =	vld [tilespmem:s9+$0x20];
	v11 =	vsel vm1, v15, v7;
	vm1 =	vlt.u32 v13, $0x80000  }
0xef: {  	v15 =	vld [tilespmem:s9+$0xFFFFFF20];
	[tilespmem:s4+$0xFFFFFF50] =	vst v11;
	v11 =	vsel vm1, v13, v7;
	vm1 =	vlt.u32 v8, $0x80000  }
0xf0: {  	vm2 =	vlt.u32 v14, $0x80000;
	v16 =	vld [tilespmem:s5+$0xFFFFFF60];
	[tilespmem:s4+$0xFFFFFFD0] =	vst v11;
	v8 =	vsel vm1, v8, v7  }
0xf1: {  	v11 =	vsel vm2, v14, v2;
	v17 =	vld [tilespmem:s5+$0xFFFFFFE0];
	[tilespmem:s4+$0x50] =	vst v8;
	vm1 =	vlt.u32 v10, $0x80000  }
0xf2: {  	vm2 =	vlt.u32 v12, $0x80000;
	[tilespmem:s6+$0xA0] =	vst v11;
	v11 =	vld [tilespmem:s5+$0x60];
	v8 =	vsel vm1, v10, v6  }
0xf3: {  	v10 =	vsel vm2, v12, v2;
	vm1 =	vlt.u32 v9, $0x80000;
	v18 =	vld [tilespmem:s9+$0xB0];
	[tilespmem:s4+$0xE0] =	vst v8  }
0xf4: {  	vm2 =	vlt.u32 v15, $0x80000;
	[tilespmem:s6+$0xFFFFFFA0] =	vst v10;
	v8 =	vsel vm1, v9, v2;
	v19 =	vld [tilespmem:s5+$0xF0]  }
0xf5: {  	v9 =	vsel vm2, v15, v2;
	v13 =	vld [tilespmem:s9+$0xFFFFFFB0];
	[tilespmem:s6+$0x20] =	vst v8;
	vm1 =	vlt.u32 v16, $0x80000  }
.Ltmp2:
0xf6: {  	[tilespmem:s6+$0xFFFFFF20] =	vst v9;
	v12 =	vld [tilespmem:s9+$0x30];
	v8 =	vsel vm1, v16, v6;
	vm1 =	vlt.u32 v17, $0x80000;
	(pc) =	sbr.rel @p0 .LBB2_5-.Ltmp2, $4  }
0xf7: {  	v14 =	vld [tilespmem:s9+$0xFFFFFF30];
	[tilespmem:s4+$0xFFFFFF60] =	vst v8;
	v9 =	vsel vm1, v17, v6;
	vm1 =	vlt.u32 v11, $0x80000  }
0xf8: {  	vm2 =	vlt.u32 v18, $0x80000;
	v8 =	vld [tilespmem:s5+$0xFFFFFF70];
	[tilespmem:s4+$0xFFFFFFE0] =	vst v9;
	v10 =	vsel vm1, v11, v6  }
0xf9: {  	v11 =	vsel vm2, v18, v3;
	v9 =	vld [tilespmem:s5+$0xFFFFFFF0];
	[tilespmem:s4+$0x60] =	vst v10;
	vm2 =	vlt.u32 v19, $0x80000  }
0xfa: {  	vm1 =	vlt.u32 v13, $0x80000;
	[tilespmem:s6+$0xB0] =	vst v11;
	v10 =	vld [tilespmem:s5+$0x70];
	v11 =	vsel vm2, v19, v5;
	s5 =	smov.u32 s9;
	s9 =	sadd.s32 $0x200, s9  }
0xfb: {  	_ = 	snop  }
0xfc: {  	vm2 =	vlt.u32 v14, $0x80000  }
0xfd: {  	v14 =	vsel vm2, v14, v3  }
0xfe: {  	v13 =	vsel vm1, v13, v3;
	vm1 =	vlt.u32 v12, $0x80000;
	v15 =	vld [tilespmem:s5+$0xC0];
	[tilespmem:s6+$0xFFFFFF30] =	vst v14  }
0xff: {  	[tilespmem:s6+$0xFFFFFFB0] =	vst v13;
	v12 =	vsel vm1, v12, v3;
	v53 =	vld [tilespmem:s5+$0xFFFFFF40]  }
0x100: {  	[tilespmem:s6+$0x30] =	vst v12;
	v54 =	vld [tilespmem:s5+$0xFFFFFFC0]  }
0x101: {  	v55 =	vld [tilespmem:s5+$0x40];
	_ =	sdelay $0x1  }
0x102: {  	vm1 =	vlt.u32 v15, $0x80000  }
0x103: {  	v15 =	vsel vm1, v15, v4;
	vm1 =	vlt.u32 v53, $0x80000  }
0x104: {  	[tilespmem:s6+$0xC0] =	vst v15;
	v13 =	vsel vm1, v53, v4;
	vm1 =	vlt.u32 v54, $0x80000  }
0x105: {  	v15 =	vld [tilespmem:s5+$0xD0];
	[tilespmem:s6+$0xFFFFFF40] =	vst v13;
	v12 =	vsel vm1, v54, v4;
	vm1 =	vlt.u32 v55, $0x80000  }
0x106: {  	v13 =	vld [tilespmem:s5+$0xFFFFFF50];
	[tilespmem:s6+$0xFFFFFFC0] =	vst v12;
	v56 =	vsel vm1, v55, v4  }
0x107: {  	v57 =	vld [tilespmem:s5+$0xFFFFFFD0];
	[tilespmem:s6+$0x40] =	vst v56  }
0x108: {  	v12 =	vld [tilespmem:s5+$0x50];
	_ =	sdelay $0x1  }
0x109: {  	vm1 =	vlt.u32 v15, $0x80000  }
0x10a: {  	v15 =	vsel vm1, v15, v7;
	vm1 =	vlt.u32 v13, $0x80000  }
0x10b: {  	[tilespmem:s6+$0xD0] =	vst v15;
	v13 =	vsel vm1, v13, v7;
	vm1 =	vlt.u32 v57, $0x80000  }
0x10c: {  	v15 =	vld [tilespmem:s5+$0xE0];
	[tilespmem:s6+$0xFFFFFF50] =	vst v13;
	v58 =	vsel vm1, v57, v7;
	vm1 =	vlt.u32 v12, $0x80000  }
0x10d: {  	v59 =	vld [tilespmem:s5+$0xFFFFFF60];
	[tilespmem:s6+$0xFFFFFFD0] =	vst v58;
	v12 =	vsel vm1, v12, v7  }
0x10e: {  	v13 =	vld [tilespmem:s5+$0xFFFFFFE0];
	[tilespmem:s6+$0x50] =	vst v12  }
0x10f: {  	v12 =	vld [tilespmem:s5+$0x60];
	_ =	sdelay $0x1  }
0x110: {  	vm1 =	vlt.u32 v15, $0x80000  }
0x111: {  	v15 =	vsel vm1, v15, v6;
	vm1 =	vlt.u32 v59, $0x80000  }
0x112: {  	[tilespmem:s6+$0xE0] =	vst v15;
	v14 =	vsel vm1, v59, v6;
	vm1 =	vlt.u32 v13, $0x80000  }
0x113: {  	v60 =	vld [tilespmem:s5+$0xF0];
	[tilespmem:s6+$0xFFFFFF60] =	vst v14;
	v13 =	vsel vm1, v13, v6;
	vm1 =	vlt.u32 v12, $0x80000  }
0x114: {  	[tilespmem:s6+$0xFFFFFFE0] =	vst v13;
	v61 =	vld [tilespmem:s5+$0xFFFFFF70];
	v12 =	vsel vm1, v12, v6  }
0x115: {  	vm1 =	vlt.u32 v8, $0x80000;
	[tilespmem:s6+$0x60] =	vst v12;
	v62 =	vld [tilespmem:s5+$0xFFFFFFF0]  }
0x116: {  	[tilespmem:s4+$0xF0] =	vst v11;
	v8 =	vsel vm1, v8, v5;
	vm1 =	vlt.u32 v9, $0x80000;
	v63 =	vld [tilespmem:s5+$0x70]  }
0x117: {  	[tilespmem:s4+$0xFFFFFF70] =	vst v8;
	v8 =	vsel vm1, v9, v5;
	vm1 =	vlt.u32 v10, $0x80000  }
0x118: {  	[tilespmem:s4+$0xFFFFFFF0] =	vst v8;
	v8 =	vsel vm1, v10, v5;
	vm1 =	vlt.u32 v60, $0x80000  }
0x119: {  	[tilespmem:s4+$0x70] =	vst v8;
	v8 =	vsel vm1, v60, v5;
	vm1 =	vlt.u32 v61, $0x80000  }
0x11a: {  	[tilespmem:s6+$0xF0] =	vst v8;
	v8 =	vsel vm1, v61, v5;
	vm1 =	vlt.u32 v62, $0x80000  }
0x11b: {  	[tilespmem:s6+$0xFFFFFF70] =	vst v8;
	v8 =	vsel vm1, v62, v5;
	vm1 =	vlt.u32 v63, $0x80000  }
0x11c: {  	s29 =	sshll.u32 s1, $0xF;
	s30 =	simm.s32 $0x10080;
	[tilespmem:s6+$0xFFFFFFF0] =	vst v8;
	v8 =	vsel vm1, v63, v5  }
0x11d: {  	s31 =	sshll.u32 s1, $0x8;
	s7 =	simm.s32 $0x2;
	s5 =	sadd.s32 s29, s2;
	[tilespmem:s6+$0x70] =	vst v8  }
0x11e: {  	[spmem:s5] =	stream.linear.scatter [tilespmem:s30], [sflag:$0x2], $0x4000, $0x38;
	[tilespmem:$0x1C100] =	vst v63  }
0x11f: {  	s8 =	sor.u32 $0x80, s31;
	_ =	swait.ge [sflag:s7], $0x4000  }
0x120: {  	s6 =	sshll.u32 s8, $0x7;
	[sflag:s7] =	ssyncset.done $0x0  }
0x121: {  	s6 =	sadd.s32 s6, s2;
	[sflag:s7] =	ssyncadd.s32 $0xFFFFC000  }
0x122: {  	[spmem:s6] =	stream.linear.scatter [tilespmem:s30], [sflag:$0x2], $0x4000, $0x38;
	[tilespmem:$0x1C100] =	vst v63  }
0x123: {  	_ =	swait.ge [sflag:s7], $0x4000  }
0x124: {  	[sflag:s7] =	ssyncset.done $0x0  }
0x125: {  	s10 =	simm.s32 $0x80;
	[sflag:s7] =	ssyncadd.s32 $0xFFFFC000  }
0x126: {  	s4 =	simm.s32 $0x0;
	s7 =	simm.s32 $0x10000;
	[bflag:$0x0] =	sbarrier.arrive $0xFFFF  }
.LBB2_7:
0x127: {  	p0 =	sne.s32 s4, $0xFE00  }
.Ltmp3:
0x128: {  	_ = 	snop;
	(pc) =	sbr.rel @p0 .LBB2_7-.Ltmp3, $4  }
0x129: {  	_ = 	snop  }
0x12a: {  	s9 =	sshra.s32 s4, $0x2  }
0x12b: {  	s4 =	sadd.s32 $0x200, s4;
	s9 =	sadd.s32 $0xC000, s9  }
0x12c: {  	[spmem:s2] =	stream.indirect.scatter.add.f32 [tilespmem:s7], [sflag:$0x1], $0x1, s9, s10, $0xb8;
	[tilespmem:$0x1C100] =	vst v63  }
0x12d: {  	s4 =	simm.s32 $0x1  }
0x12e: {  	_ =	swait.ge [sflag:s4], $0x80  }
0x12f: {  	s7 =	simm.s32 $0x7F;
	[sflag:s4] =	ssyncset.done $0x0  }
.LBB2_9:
0x130: {  	p0 =	sne.s32 s7, $0x1;
	s7 =	sadd.s32 $0xFFFFFFFF, s7;
	[sflag:s4] =	ssyncadd.s32 $0xFFFFFF80  }
.Ltmp4:
0x131: {  	(pc) =	sbr.rel @p0 .LBB2_9-.Ltmp4, $3  }
0x132: {  	_ =	sdelay $0x1  }
0x133: {  	_ =	swait.ge [sflag:s4], $0x80  }
0x134: {  	[sflag:s4] =	ssyncset.done $0x0  }
0x135: {  	s9 =	sshll.u32 s1, $0xD;
	[sflag:s4] =	ssyncadd.s32 $0xFFFFFF80  }
0x136: {  	s30 =	sshll.u32 s1, $0x6;
	s7 =	sshrl.u32 s5, $0x3;
	s12 =	simm.s32 $0x1  }
0x137: {  	s13 =	simm.s32 $0x20;
	s14 =	simm.s32 $0x10;
	s31 =	simm.s32 $0x2  }
0x138: {  	s10 =	sadd.s32 s3, s9;
	[bflag:$0x0] =	sbarrier.arrive $0xFFFF;
	s4 =	sor.u32 $0x1C02, s30  }
0x139: {  	[hbm:s10@s13], [sflag:s4] =	dma.strided [spmem:s7@s14], $0x800, s12, $0x10   }
0x13a: {  	_ =	swait.ge [sflag:s31], $0x800  }
0x13b: {  	s11 =	sshll.u32 s8, $0x5;
	[sflag:s31] =	ssyncset.done $0x0  }
0x13c: {  	s8 =	sshrl.u32 s6, $0x3;
	s15 =	sadd.s32 s3, s11;
	[sflag:s31] =	ssyncadd.s32 $0xFFFFF800  }
0x13d: {  	[hbm:s15@s13], [sflag:s4] =	dma.strided [spmem:s8@s14], $0x800, s12, $0x10   }
0x13e: {  	_ =	swait.ge [sflag:s31], $0x800  }
0x13f: {  	[sflag:s31] =	ssyncset.done $0x0  }
0x140: {  	s16 =	simm.s32 $0x8100;
	[sflag:s31] =	ssyncadd.s32 $0xFFFFF800  }
0x141: {  	v8 =	vld [tilespmem:s16+$0x80];
	_ =	sdelay $0x4  }
0x142: {  	v9 =	vand.u32 $0xFFF80000, v8  }
0x143: {  	v8 =	vadd.s32 $0xFFF80000, v8;
	vm1 =	veq.s32 v9, $0x80000  }
0x144: {  	s10 =	simm.s32 $0xC100;
	v8 =	vsel vm1, v8, v0  }
0x145: {  	[tilespmem:s10+$0x80] =	vst v8  }
0x146: {  	v8 =	vld [tilespmem:s16+$0x90];
	_ =	sdelay $0x2  }
0x147: {  	v9 =	vld [tilespmem:s16+$0xFFFFFF00];
	_ =	sdelay $0x1  }
0x148: {  	v10 =	vld [tilespmem:s16+$0xFFFFFF80];
	v11 =	vand.u32 $0xFFF80000, v8  }
0x149: {  	v8 =	vadd.s32 $0xFFF80000, v8;
	vm1 =	veq.s32 v11, $0x80000  }
0x14a: {  	v11 =	vld [tilespmem:s16+$0x0];
	v8 =	vsel vm1, v8, v1  }
0x14b: {  	v12 =	vand.u32 $0xFFF80000, v9;
	[tilespmem:s10+$0x90] =	vst v8  }
0x14c: {  	v9 =	vadd.s32 $0xFFF80000, v9;
	vm1 =	veq.s32 v12, $0x80000;
	v12 =	vld [tilespmem:s16+$0xA0]  }
0x14d: {  	v8 =	vand.u32 $0xFFF80000, v10;
	v9 =	vsel vm1, v9, v0  }
0x14e: {  	vm2 =	veq.s32 v8, $0x80000;
	v8 =	vadd.s32 $0xFFF80000, v10;
	[tilespmem:s10+$0xFFFFFF00] =	vst v9  }
0x14f: {  	v8 =	vsel vm2, v8, v0;
	v10 =	vld [tilespmem:s16+$0xFFFFFF10];
	v9 =	vand.u32 $0xFFF80000, v11  }
0x150: {  	[tilespmem:s10+$0xFFFFFF80] =	vst v8;
	v8 =	vadd.s32 $0xFFF80000, v11;
	vm1 =	veq.s32 v9, $0x80000  }
0x151: {  	v9 =	vld [tilespmem:s16+$0xFFFFFF90];
	v8 =	vsel vm1, v8, v0;
	v11 =	vand.u32 $0xFFF80000, v12  }
0x152: {  	[tilespmem:s10+$0x0] =	vst v8;
	v8 =	vadd.s32 $0xFFF80000, v12;
	vm1 =	veq.s32 v11, $0x80000  }
0x153: {  	v11 =	vld [tilespmem:s16+$0x10];
	v8 =	vsel vm1, v8, v2  }
0x154: {  	v12 =	vand.u32 $0xFFF80000, v10;
	[tilespmem:s10+$0xA0] =	vst v8  }
0x155: {  	vm1 =	veq.s32 v12, $0x80000;
	v8 =	vadd.s32 $0xFFF80000, v10;
	v12 =	vld [tilespmem:s16+$0xB0]  }
0x156: {  	v10 =	vand.u32 $0xFFF80000, v9;
	v8 =	vsel vm1, v8, v1  }
0x157: {  	v9 =	vadd.s32 $0xFFF80000, v9;
	vm2 =	veq.s32 v10, $0x80000;
	[tilespmem:s10+$0xFFFFFF10] =	vst v8  }
0x158: {  	v9 =	vsel vm2, v9, v1;
	v8 =	vand.u32 $0xFFF80000, v11;
	v10 =	vld [tilespmem:s16+$0xFFFFFF20]  }
0x159: {  	[tilespmem:s10+$0xFFFFFF90] =	vst v9;
	v9 =	vadd.s32 $0xFFF80000, v11;
	vm1 =	veq.s32 v8, $0x80000  }
0x15a: {  	v8 =	vld [tilespmem:s16+$0xFFFFFFA0];
	v9 =	vsel vm1, v9, v1;
	v11 =	vand.u32 $0xFFF80000, v12  }
0x15b: {  	[tilespmem:s10+$0x10] =	vst v9;
	v9 =	vadd.s32 $0xFFF80000, v12;
	vm1 =	veq.s32 v11, $0x80000  }
0x15c: {  	v11 =	vld [tilespmem:s16+$0x20];
	v9 =	vsel vm1, v9, v3  }
0x15d: {  	v12 =	vand.u32 $0xFFF80000, v10;
	[tilespmem:s10+$0xB0] =	vst v9  }
0x15e: {  	vm1 =	veq.s32 v12, $0x80000;
	v12 =	vld [tilespmem:s16+$0xC0]  }
0x15f: {  	v9 =	vadd.s32 $0xFFF80000, v10;
	v10 =	vand.u32 $0xFFF80000, v8  }
0x160: {  	v8 =	vadd.s32 $0xFFF80000, v8;
	vm2 =	veq.s32 v10, $0x80000;
	v9 =	vsel vm1, v9, v2  }
0x161: {  	v8 =	vsel vm2, v8, v2;
	[tilespmem:s10+$0xFFFFFF20] =	vst v9;
	v9 =	vand.u32 $0xFFF80000, v11  }
0x162: {  	s13 =	simm.s32 $0x8300;
	[tilespmem:s10+$0xFFFFFFA0] =	vst v8;
	v8 =	vadd.s32 $0xFFF80000, v11;
	vm1 =	veq.s32 v9, $0x80000  }
0x163: {  	v13 =	vld [tilespmem:s13+$0x80];
	v8 =	vsel vm1, v8, v2;
	v11 =	vand.u32 $0xFFF80000, v12  }
0x164: {  	v10 =	vld [tilespmem:s16+$0xFFFFFF30];
	[tilespmem:s10+$0x20] =	vst v8;
	v8 =	vadd.s32 $0xFFF80000, v12;
	vm1 =	veq.s32 v11, $0x80000  }
0x165: {  	v9 =	vld [tilespmem:s16+$0xFFFFFFB0];
	v8 =	vsel vm1, v8, v4  }
0x166: {  	v11 =	vld [tilespmem:s16+$0x30];
	[tilespmem:s10+$0xC0] =	vst v8  }
0x167: {  	v14 =	vld [tilespmem:s16+$0xD0]  }
0x168: {  	v15 =	vld [tilespmem:s13+$0xFFFFFF00];
	v16 =	vand.u32 $0xFFF80000, v13;
	v13 =	vadd.s32 $0xFFF80000, v13  }
0x169: {  	vm2 =	veq.s32 v16, $0x80000;
	v12 =	vld [tilespmem:s13+$0xFFFFFF80];
	v8 =	vadd.s32 $0xFFF80000, v10;
	v10 =	vand.u32 $0xFFF80000, v10  }
0x16a: {  	vm1 =	veq.s32 v10, $0x80000;
	v10 =	vadd.s32 $0xFFF80000, v9;
	v9 =	vand.u32 $0xFFF80000, v9  }
0x16b: {  	s12 =	simm.s32 $0xC300;
	v13 =	vsel vm2, v13, v0;
	vm3 =	veq.s32 v9, $0x80000;
	v9 =	vand.u32 $0xFFF80000, v11  }
0x16c: {  	[tilespmem:s12+$0x80] =	vst v13;
	v8 =	vsel vm1, v8, v3;
	vm1 =	veq.s32 v9, $0x80000;
	v9 =	vld [tilespmem:s13+$0x0];
	v16 =	vand.u32 $0xFFF80000, v14  }
0x16d: {  	v17 =	vld [tilespmem:s13+$0x90];
	v10 =	vsel vm3, v10, v3;
	[tilespmem:s10+$0xFFFFFF30] =	vst v8;
	v8 =	vadd.s32 $0xFFF80000, v14;
	vm2 =	veq.s32 v16, $0x80000  }
0x16e: {  	v13 =	vand.u32 $0xFFF80000, v12;
	[tilespmem:s10+$0xFFFFFFB0] =	vst v10;
	v10 =	vld [tilespmem:s16+$0xFFFFFF40];
	v14 =	vand.u32 $0xFFF80000, v15;
	v8 =	vsel vm2, v8, v7  }
0x16f: {  	v12 =	vadd.s32 $0xFFF80000, v12;
	v15 =	vadd.s32 $0xFFF80000, v15;
	vm2 =	veq.s32 v14, $0x80000;
	v14 =	vld [tilespmem:s16+$0xFFFFFFC0];
	[tilespmem:s10+$0xD0] =	vst v8  }
0x170: {  	v11 =	vadd.s32 $0xFFF80000, v11;
	vm3 =	veq.s32 v13, $0x80000;
	v8 =	vsel vm2, v15, v0;
	v15 =	vld [tilespmem:s16+$0xE0]  }
0x171: {  	v12 =	vsel vm3, v12, v0;
	v11 =	vsel vm1, v11, v3;
	v13 =	vand.u32 $0xFFF80000, v9;
	[tilespmem:s12+$0xFFFFFF00] =	vst v8  }
0x172: {  	[tilespmem:s12+$0xFFFFFF80] =	vst v12;
	v12 =	vand.u32 $0xFFF80000, v17;
	vm1 =	veq.s32 v13, $0x80000;
	v8 =	vadd.s32 $0xFFF80000, v9;
	v9 =	vld [tilespmem:s13+$0xFFFFFF10]  }
0x173: {  	[tilespmem:s10+$0x30] =	vst v11;
	v11 =	vld [tilespmem:s13+$0xFFFFFF90];
	v13 =	vadd.s32 $0xFFF80000, v17;
	v8 =	vsel vm1, v8, v0;
	vm1 =	veq.s32 v12, $0x80000  }
0x174: {  	v16 =	vand.u32 $0xFFF80000, v10;
	v10 =	vadd.s32 $0xFFF80000, v10;
	v12 =	vld [tilespmem:s16+$0x40];
	[tilespmem:s12+$0x0] =	vst v8;
	v8 =	vsel vm1, v13, v1  }
0x175: {  	vm1 =	veq.s32 v16, $0x80000;
	v13 =	vand.u32 $0xFFF80000, v14;
	v16 =	vld [tilespmem:s13+$0x10];
	[tilespmem:s12+$0x90] =	vst v8;
	v8 =	vand.u32 $0xFFF80000, v15  }
0x176: {  	v10 =	vsel vm1, v10, v4;
	v17 =	vld [tilespmem:s13+$0xA0];
	v15 =	vadd.s32 $0xFFF80000, v15;
	vm1 =	veq.s32 v8, $0x80000  }
0x177: {  	[tilespmem:s10+$0xFFFFFF40] =	vst v10;
	v8 =	vadd.s32 $0xFFF80000, v9;
	v9 =	vand.u32 $0xFFF80000, v9;
	v10 =	vsel vm1, v15, v6  }
0x178: {  	vm1 =	veq.s32 v9, $0x80000;
	v9 =	vand.u32 $0xFFF80000, v11;
	v11 =	vadd.s32 $0xFFF80000, v11  }
0x179: {  	v15 =	vld [tilespmem:s16+$0xFFFFFF50];
	[tilespmem:s10+$0xE0] =	vst v10;
	vm2 =	veq.s32 v9, $0x80000;
	v8 =	vsel vm1, v8, v1;
	v9 =	vand.u32 $0xFFF80000, v12  }
0x17a: {  	v10 =	vand.u32 $0xFFF80000, v16;
	v18 =	vld [tilespmem:s16+$0xF0];
	v11 =	vsel vm2, v11, v1;
	[tilespmem:s12+$0xFFFFFF10] =	vst v8;
	v8 =	vadd.s32 $0xFFF80000, v16  }
0x17b: {  	vm1 =	veq.s32 v10, $0x80000;
	vm2 =	veq.s32 v13, $0x80000;
	v10 =	vld [tilespmem:s13+$0xFFFFFF20];
	[tilespmem:s12+$0xFFFFFF90] =	vst v11;
	v11 =	vand.u32 $0xFFF80000, v17  }
0x17c: {  	v8 =	vsel vm1, v8, v1;
	v17 =	vadd.s32 $0xFFF80000, v17;
	v16 =	vld [tilespmem:s13+$0xFFFFFFA0];
	vm1 =	veq.s32 v11, $0x80000  }
0x17d: {  	vm3 =	veq.s32 v9, $0x80000;
	[tilespmem:s12+$0x10] =	vst v8;
	v11 =	vadd.s32 $0xFFF80000, v12;
	v8 =	vsel vm1, v17, v2  }
0x17e: {  	v9 =	vadd.s32 $0xFFF80000, v14;
	v12 =	vand.u32 $0xFFF80000, v15;
	v13 =	vld [tilespmem:s13+$0x20];
	v11 =	vsel vm3, v11, v4;
	[tilespmem:s12+$0xA0] =	vst v8  }
0x17f: {  	v8 =	vsel vm2, v9, v4;
	vm1 =	veq.s32 v12, $0x80000;
	v9 =	vadd.s32 $0xFFF80000, v15;
	[tilespmem:s10+$0x40] =	vst v11;
	v12 =	vld [tilespmem:s13+$0xB0]  }
0x180: {  	[tilespmem:s10+$0xFFFFFFC0] =	vst v8;
	v8 =	vand.u32 $0xFFF80000, v18;
	v9 =	vsel vm1, v9, v7  }
0x181: {  	v17 =	vld [tilespmem:s16+$0x50];
	v11 =	vadd.s32 $0xFFF80000, v10;
	v10 =	vand.u32 $0xFFF80000, v10;
	v15 =	vand.u32 $0xFFF80000, v16  }
0x182: {  	v14 =	vld [tilespmem:s16+$0xFFFFFFD0];
	vm1 =	veq.s32 v10, $0x80000;
	v10 =	vadd.s32 $0xFFF80000, v16;
	vm2 =	veq.s32 v15, $0x80000  }
0x183: {  	[tilespmem:s10+$0xFFFFFF50] =	vst v9;
	v9 =	vadd.s32 $0xFFF80000, v13;
	v13 =	vand.u32 $0xFFF80000, v13;
	v11 =	vsel vm1, v11, v2  }
0x184: {  	v15 =	vld [tilespmem:s16+$0xFFFFFF60];
	v10 =	vsel vm2, v10, v2;
	vm1 =	veq.s32 v13, $0x80000;
	[tilespmem:s12+$0xFFFFFF20] =	vst v11;
	v11 =	vand.u32 $0xFFF80000, v12  }
0x185: {  	v9 =	vsel vm1, v9, v2;
	[tilespmem:s12+$0xFFFFFFA0] =	vst v10;
	v10 =	vadd.s32 $0xFFF80000, v12;
	vm1 =	veq.s32 v11, $0x80000  }
0x186: {  	vm2 =	veq.s32 v8, $0x80000;
	v13 =	vld [tilespmem:s13+$0xFFFFFF30];
	v11 =	vadd.s32 $0xFFF80000, v18;
	[tilespmem:s12+$0x20] =	vst v9;
	v9 =	vsel vm1, v10, v3  }
0x187: {  	v12 =	vld [tilespmem:s13+$0xFFFFFFB0];
	v8 =	vsel vm2, v11, v5;
	v10 =	vand.u32 $0xFFF80000, v14;
	v11 =	vand.u32 $0xFFF80000, v17  }
0x188: {  	vm1 =	veq.s32 v10, $0x80000;
	vm2 =	veq.s32 v11, $0x80000  }
0x189: {  	v16 =	vld [tilespmem:s13+$0x30];
	[tilespmem:s12+$0xB0] =	vst v9;
	v9 =	vadd.s32 $0xFFF80000, v14;
	v11 =	vand.u32 $0xFFF80000, v15;
	v14 =	vadd.s32 $0xFFF80000, v17  }
0x18a: {  	v10 =	vld [tilespmem:s13+$0xC0];
	v9 =	vsel vm1, v9, v7;
	vm1 =	veq.s32 v11, $0x80000;
	v11 =	vsel vm2, v14, v7  }
0x18b: {  	v14 =	vadd.s32 $0xFFF80000, v15;
	[tilespmem:s10+$0xFFFFFFD0] =	vst v9;
	v9 =	vadd.s32 $0xFFF80000, v13;
	v13 =	vand.u32 $0xFFF80000, v13  }
0x18c: {  	v14 =	vsel vm1, v14, v6;
	[tilespmem:s10+$0x50] =	vst v11;
	v15 =	vld [tilespmem:s16+$0xFFFFFFE0];
	v11 =	vadd.s32 $0xFFF80000, v12;
	v12 =	vand.u32 $0xFFF80000, v12  }
0x18d: {  	vm1 =	veq.s32 v13, $0x80000;
	[tilespmem:s10+$0xFFFFFF60] =	vst v14;
	v13 =	vld [tilespmem:s16+$0x60];
	vm2 =	veq.s32 v12, $0x80000  }
0x18e: {  	s14 =	simm.s32 $0x8500;
	v12 =	vadd.s32 $0xFFF80000, v16;
	v14 =	vld [tilespmem:s16+$0xFFFFFF70];
	v16 =	vand.u32 $0xFFF80000, v16;
	v9 =	vsel vm1, v9, v3  }
0x18f: {  	v50 =	vld [tilespmem:s14+$0xFFFFFF80];
	vm1 =	veq.s32 v16, $0x80000;
	v11 =	vsel vm2, v11, v3;
	v17 =	vand.u32 $0xFFF80000, v10  }
0x190: {  	v16 =	vld [tilespmem:s14+$0x80];
	v10 =	vadd.s32 $0xFFF80000, v10;
	v12 =	vsel vm1, v12, v3;
	[tilespmem:s12+$0xFFFFFFB0] =	vst v11;
	vm3 =	veq.s32 v17, $0x80000  }
0x191: {  	v19 =	vld [tilespmem:s14+$0x0];
	[tilespmem:s12+$0x30] =	vst v12;
	v10 =	vsel vm3, v10, v4;
	v17 =	vand.u32 $0xFFF80000, v15  }
0x192: {  	v12 =	vld [tilespmem:s13+$0xFFFFFFC0];
	[tilespmem:s12+$0xC0] =	vst v10;
	v10 =	vadd.s32 $0xFFF80000, v15;
	vm1 =	veq.s32 v17, $0x80000;
	v15 =	vand.u32 $0xFFF80000, v13  }
0x193: {  	v13 =	vadd.s32 $0xFFF80000, v13;
	v20 =	vand.u32 $0xFFF80000, v14;
	v14 =	vadd.s32 $0xFFF80000, v14;
	v17 =	vld [tilespmem:s13+$0xD0]  }
0x194: {  	v10 =	vsel vm1, v10, v6;
	vm1 =	veq.s32 v15, $0x80000;
	v15 =	vld [tilespmem:s14+$0xFFFFFF00];
	vm2 =	veq.s32 v20, $0x80000  }
0x195: {  	[tilespmem:s12+$0xFFFFFF30] =	vst v9;
	v51 =	vand.u32 $0xFFF80000, v16;
	v16 =	vadd.s32 $0xFFF80000, v16;
	v13 =	vsel vm1, v13, v6  }
0x196: {  	v11 =	vld [tilespmem:s13+$0xFFFFFF40];
	v9 =	vsel vm2, v14, v5;
	v14 =	vand.u32 $0xFFF80000, v50;
	vm1 =	veq.s32 v51, $0x80000;
	[tilespmem:s10+$0xFFFFFFE0] =	vst v10  }
0x197: {  	s15 =	simm.s32 $0xC500;
	v21 =	vand.u32 $0xFFF80000, v19;
	vm2 =	veq.s32 v14, $0x80000;
	v14 =	vsel vm1, v16, v0;
	[tilespmem:s10+$0x60] =	vst v13;
	v13 =	vld [tilespmem:s16+$0xFFFFFFF0]  }
0x198: {  	v52 =	vld [tilespmem:s13+$0x40];
	vm3 =	veq.s32 v21, $0x80000;
	v54 =	vand.u32 $0xFFF80000, v12;
	[tilespmem:s15+$0x80] =	vst v14;
	v16 =	vand.u32 $0xFFF80000, v17  }
0x199: {  	v14 =	vadd.s32 $0xFFF80000, v17;
	v17 =	vld [tilespmem:s14+$0x90];
	vm1 =	veq.s32 v16, $0x80000;
	v16 =	vand.u32 $0xFFF80000, v15  }
0x19a: {  	[tilespmem:s10+$0xFFFFFF70] =	vst v9;
	v15 =	vadd.s32 $0xFFF80000, v15;
	v14 =	vsel vm1, v14, v7;
	vm1 =	veq.s32 v16, $0x80000  }
0x19b: {  	v12 =	vadd.s32 $0xFFF80000, v12;
	v56 =	vld [tilespmem:s16+$0x70];
	v16 =	vadd.s32 $0xFFF80000, v50;
	[tilespmem:s12+$0xD0] =	vst v14;
	v14 =	vsel vm1, v15, v0  }
0x19c: {  	v9 =	vadd.s32 $0xFFF80000, v13;
	v15 =	vsel vm2, v16, v0;
	v16 =	vadd.s32 $0xFFF80000, v19;
	v53 =	vld [tilespmem:s13+$0xE0];
	[tilespmem:s15+$0xFFFFFF00] =	vst v14  }
0x19d: {  	vm1 =	veq.s32 v54, $0x80000;
	v14 =	vsel vm3, v16, v0;
	v16 =	vand.u32 $0xFFF80000, v11;
	[tilespmem:s15+$0xFFFFFF80] =	vst v15;
	v55 =	vld [tilespmem:s14+$0xFFFFFF10]  }
0x19e: {  	v15 =	vand.u32 $0xFFF80000, v52;
	vm3 =	veq.s32 v16, $0x80000;
	v16 =	vld [tilespmem:s14+$0xFFFFFF90];
	[tilespmem:s15+$0x0] =	vst v14;
	v14 =	vand.u32 $0xFFF80000, v17  }
0x19f: {  	vm2 =	veq.s32 v15, $0x80000;
	v15 =	vadd.s32 $0xFFF80000, v17;
	vm4 =	veq.s32 v14, $0x80000  }
0x1a0: {  	v60 =	vand.u32 $0xFFF80000, v56;
	v11 =	vadd.s32 $0xFFF80000, v11;
	v10 =	vld [tilespmem:s14+$0x10];
	v14 =	vsel vm4, v15, v1  }
0x1a1: {  	v11 =	vsel vm3, v11, v4;
	v15 =	vadd.s32 $0xFFF80000, v52;
	[tilespmem:s15+$0x90] =	vst v14;
	v17 =	vand.u32 $0xFFF80000, v53  }
0x1a2: {  	[tilespmem:s12+$0xFFFFFF40] =	vst v11;
	v14 =	vadd.s32 $0xFFF80000, v53;
	v58 =	vld [tilespmem:s14+$0xA0];
	vm3 =	veq.s32 v17, $0x80000;
	v57 =	vand.u32 $0xFFF80000, v55  }
0x1a3: {  	v59 =	vld [tilespmem:s13+$0xFFFFFF50];
	v11 =	vsel vm3, v14, v6;
	v14 =	vadd.s32 $0xFFF80000, v16;
	v16 =	vand.u32 $0xFFF80000, v16  }
0x1a4: {  	[tilespmem:s10+$0xF0] =	vst v8;
	v17 =	vadd.s32 $0xFFF80000, v55;
	vm3 =	veq.s32 v57, $0x80000;
	vm4 =	veq.s32 v16, $0x80000  }
0x1a5: {  	[tilespmem:s12+$0xE0] =	vst v11;
	v11 =	vand.u32 $0xFFF80000, v10;
	v16 =	vsel vm3, v17, v1;
	v10 =	vadd.s32 $0xFFF80000, v10  }
0x1a6: {  	v17 =	vld [tilespmem:s13+$0xF0];
	v14 =	vsel vm4, v14, v1;
	vm3 =	veq.s32 v11, $0x80000;
	[tilespmem:s15+$0xFFFFFF10] =	vst v16;
	v11 =	vsel vm1, v12, v4  }
0x1a7: {  	v12 =	vsel vm2, v15, v4;
	v10 =	vsel vm3, v10, v1;
	v15 =	vld [tilespmem:s14+$0xFFFFFF20];
	[tilespmem:s15+$0xFFFFFF90] =	vst v14;
	v14 =	vand.u32 $0xFFF80000, v58  }
0x1a8: {  	v20 =	vadd.s32 $0xFFF80000, v58;
	[tilespmem:s15+$0x10] =	vst v10;
	v10 =	vld [tilespmem:s14+$0xFFFFFFA0];
	vm1 =	veq.s32 v14, $0x80000;
	v14 =	vand.u32 $0xFFF80000, v59  }
0x1a9: {  	v18 =	vadd.s32 $0xFFF80000, v59;
	[tilespmem:s12+$0xFFFFFFC0] =	vst v11;
	vm2 =	veq.s32 v14, $0x80000;
	v14 =	vld [tilespmem:s14+$0x20];
	v20 =	vsel vm1, v20, v2  }
0x1aa: {  	v8 =	vadd.s32 $0xFFF80000, v56;
	v16 =	vand.u32 $0xFFF80000, v13;
	[tilespmem:s15+$0xA0] =	vst v20;
	v18 =	vsel vm2, v18, v7  }
0x1ab: {  	[tilespmem:s12+$0x40] =	vst v12;
	vm2 =	veq.s32 v16, $0x80000;
	v11 =	vand.u32 $0xFFF80000, v17;
	v17 =	vadd.s32 $0xFFF80000, v17;
	v12 =	vld [tilespmem:s14+$0xB0]  }
0x1ac: {  	v61 =	vld [tilespmem:s13+$0x50];
	vm1 =	veq.s32 v11, $0x80000;
	v16 =	vadd.s32 $0xFFF80000, v15;
	v15 =	vand.u32 $0xFFF80000, v15  }
0x1ad: {  	v11 =	vld [tilespmem:s13+$0xFFFFFFD0];
	vm3 =	veq.s32 v15, $0x80000;
	v15 =	vadd.s32 $0xFFF80000, v10;
	v10 =	vand.u32 $0xFFF80000, v10  }
0x1ae: {  	[tilespmem:s12+$0xFFFFFF50] =	vst v18;
	v17 =	vsel vm1, v17, v5;
	vm4 =	veq.s32 v10, $0x80000;
	v10 =	vand.u32 $0xFFF80000, v14  }
0x1af: {  	v18 =	vld [tilespmem:s13+$0xFFFFFF60];
	v16 =	vsel vm3, v16, v2;
	v14 =	vadd.s32 $0xFFF80000, v14;
	vm3 =	veq.s32 v10, $0x80000  }
0x1b0: {  	v15 =	vsel vm4, v15, v2;
	[tilespmem:s15+$0xFFFFFF20] =	vst v16;
	v10 =	vsel vm3, v14, v2;
	v14 =	vand.u32 $0xFFF80000, v12  }
0x1b1: {  	vm1 =	veq.s32 v60, $0x80000;
	[tilespmem:s15+$0xFFFFFFA0] =	vst v15;
	v15 =	vld [tilespmem:s14+$0xFFFFFF30];
	v12 =	vadd.s32 $0xFFF80000, v12;
	vm3 =	veq.s32 v14, $0x80000  }
0x1b2: {  	v16 =	vand.u32 $0xFFF80000, v11;
	v14 =	vand.u32 $0xFFF80000, v61;
	[tilespmem:s15+$0x20] =	vst v10;
	v10 =	vld [tilespmem:s14+$0xFFFFFFB0];
	v12 =	vsel vm3, v12, v3  }
0x1b3: {  	v11 =	vadd.s32 $0xFFF80000, v11;
	vm3 =	veq.s32 v16, $0x80000;
	vm4 =	veq.s32 v14, $0x80000;
	v14 =	vld [tilespmem:s14+$0x30];
	[tilespmem:s15+$0xB0] =	vst v12  }
0x1b4: {  	[tilespmem:s12+$0xF0] =	vst v17;
	v16 =	vadd.s32 $0xFFF80000, v61;
	v12 =	vand.u32 $0xFFF80000, v18;
	v11 =	vsel vm3, v11, v7;
	v62 =	vld [tilespmem:s14+$0xC0]  }
0x1b5: {  	v16 =	vsel vm4, v16, v7;
	vm3 =	veq.s32 v12, $0x80000;
	v12 =	vadd.s32 $0xFFF80000, v18;
	[tilespmem:s12+$0xFFFFFFD0] =	vst v11  }
0x1b6: {  	[tilespmem:s12+$0x50] =	vst v16;
	v17 =	vadd.s32 $0xFFF80000, v15;
	v13 =	vand.u32 $0xFFF80000, v15;
	v15 =	vsel vm3, v12, v6;
	v12 =	vld [tilespmem:s13+$0xFFFFFFE0]  }
0x1b7: {  	v11 =	vld [tilespmem:s13+$0x60];
	vm3 =	veq.s32 v13, $0x80000;
	v63 =	vadd.s32 $0xFFF80000, v10;
	v10 =	vand.u32 $0xFFF80000, v10  }
0x1b8: {  	[tilespmem:s12+$0xFFFFFF60] =	vst v15;
	vm4 =	veq.s32 v10, $0x80000;
	v13 =	vadd.s32 $0xFFF80000, v14;
	v10 =	vand.u32 $0xFFF80000, v14  }
0x1b9: {  	v14 =	vsel vm3, v17, v3;
	vm3 =	veq.s32 v10, $0x80000;
	v10 =	vld [tilespmem:s13+$0xFFFFFF70];
	v16 =	vand.u32 $0xFFF80000, v62  }
0x1ba: {  	s17 =	simm.s32 $0x8700;
	s16 =	simm.s32 $0x8;
	[tilespmem:s15+$0xFFFFFF30] =	vst v14;
	v15 =	vsel vm4, v63, v3;
	v14 =	vadd.s32 $0xFFF80000, v62;
	vm4 =	veq.s32 v16, $0x80000  }
.LBB2_11:
0x1bb: {  	v16 =	vld [tilespmem:s17+$0x80];
	s16 =	sadd.s32 $0x4, s16;
	[tilespmem:s15+$0xFFFFFFB0] =	vst v15;
	v13 =	vsel vm3, v13, v3;
	v14 =	vsel vm4, v14, v4;
	v15 =	vand.u32 $0xFFF80000, v12  }
0x1bc: {  	v12 =	vadd.s32 $0xFFF80000, v12;
	v17 =	vld [tilespmem:s17+$0xFFFFFF80];
	p0 =	slt.u32 s16, $0x7C;
	[tilespmem:s15+$0xC0] =	vst v14;
	vm3 =	veq.s32 v15, $0x80000;
	v14 =	vand.u32 $0xFFF80000, v11  }
0x1bd: {  	v11 =	vadd.s32 $0xFFF80000, v11;
	[tilespmem:s15+$0x30] =	vst v13;
	v13 =	vld [tilespmem:s14+$0xD0];
	v12 =	vsel vm3, v12, v6;
	vm3 =	veq.s32 v14, $0x80000  }
0x1be: {  	v15 =	vadd.s32 $0xFFF80000, v10;
	v10 =	vand.u32 $0xFFF80000, v10;
	v14 =	vld [tilespmem:s17+$0x0];
	[tilespmem:s12+$0xFFFFFFE0] =	vst v12;
	v11 =	vsel vm3, v11, v6  }
0x1bf: {  	v9 =	vsel vm2, v9, v5;
	v8 =	vsel vm1, v8, v5;
	vm3 =	veq.s32 v10, $0x80000;
	v12 =	vld [tilespmem:s17+$0xFFFFFF00];
	[tilespmem:s12+$0x60] =	vst v11  }
0x1c0: {  	v15 =	vsel vm3, v15, v5;
	v10 =	vand.u32 $0xFFF80000, v16;
	v11 =	vld [tilespmem:s14+$0xFFFFFF40];
	[tilespmem:s10+$0xFFFFFFF0] =	vst v9  }
0x1c1: {  	v16 =	vadd.s32 $0xFFF80000, v16;
	v9 =	vand.u32 $0xFFF80000, v17;
	vm1 =	veq.s32 v10, $0x80000;
	v18 =	vld [tilespmem:s14+$0xFFFFFFC0];
	[tilespmem:s12+$0xFFFFFF70] =	vst v15  }
0x1c2: {  	vm2 =	veq.s32 v9, $0x80000;
	v9 =	vsel vm1, v16, v0;
	v15 =	vld [tilespmem:s14+$0x40];
	v10 =	vand.u32 $0xFFF80000, v13;
	[tilespmem:s10+$0x70] =	vst v8;
	s10 =	smov.u32 s12;
	s12 =	smov.u32 s15;
	s15 =	sadd.s32 $0x200, s15  }
0x1c3: {  	v16 =	vand.u32 $0xFFF80000, v14;
	[tilespmem:s15+$0x80] =	vst v9;
	v9 =	vadd.s32 $0xFFF80000, v13;
	vm1 =	veq.s32 v10, $0x80000;
	v8 =	vld [tilespmem:s13+$0xFFFFFFF0]  }
0x1c4: {  	v10 =	vand.u32 $0xFFF80000, v12;
	vm3 =	veq.s32 v16, $0x80000;
	v13 =	vld [tilespmem:s17+$0x90];
	v9 =	vsel vm1, v9, v7  }
0x1c5: {  	v12 =	vadd.s32 $0xFFF80000, v12;
	v16 =	vadd.s32 $0xFFF80000, v17;
	vm1 =	veq.s32 v10, $0x80000;
	[tilespmem:s12+$0xD0] =	vst v9;
	v10 =	vld [tilespmem:s13+$0x70];
	s13 =	smov.u32 s14;
	s14 =	smov.u32 s17  }
0x1c6: {  	v14 =	vadd.s32 $0xFFF80000, v14;
	v9 =	vsel vm1, v12, v0;
	v12 =	vsel vm2, v16, v0;
	v16 =	vld [tilespmem:s13+$0xE0]  }
0x1c7: {  	v17 =	vand.u32 $0xFFF80000, v18;
	[tilespmem:s15+$0xFFFFFF00] =	vst v9;
	v9 =	vsel vm3, v14, v0;
	v14 =	vand.u32 $0xFFF80000, v11  }
0x1c8: {  	vm1 =	veq.s32 v17, $0x80000;
	v19 =	vld [tilespmem:s17+$0xFFFFFF10];
	[tilespmem:s15+$0xFFFFFF80] =	vst v12;
	vm3 =	veq.s32 v14, $0x80000;
	v12 =	vand.u32 $0xFFF80000, v15  }
0x1c9: {  	v11 =	vadd.s32 $0xFFF80000, v11;
	v14 =	vld [tilespmem:s17+$0xFFFFFF90];
	[tilespmem:s15+$0x0] =	vst v9;
	v9 =	vand.u32 $0xFFF80000, v13;
	vm2 =	veq.s32 v12, $0x80000  }
0x1ca: {  	v13 =	vadd.s32 $0xFFF80000, v13;
	v12 =	vld [tilespmem:s17+$0x10];
	vm4 =	veq.s32 v9, $0x80000;
	v9 =	vadd.s32 $0xFFF80000, v18  }
0x1cb: {  	v15 =	vadd.s32 $0xFFF80000, v15;
	v13 =	vsel vm4, v13, v1;
	v17 =	vand.u32 $0xFFF80000, v16  }
0x1cc: {  	v11 =	vsel vm3, v11, v4;
	[tilespmem:s15+$0x90] =	vst v13;
	v13 =	vadd.s32 $0xFFF80000, v16;
	vm3 =	veq.s32 v17, $0x80000  }
0x1cd: {  	v16 =	vadd.s32 $0xFFF80000, v19;
	v17 =	vand.u32 $0xFFF80000, v19;
	v18 =	vld [tilespmem:s17+$0xA0];
	[tilespmem:s12+$0xFFFFFF40] =	vst v11;
	v11 =	vsel vm3, v13, v6  }
0x1ce: {  	vm3 =	veq.s32 v17, $0x80000;
	v13 =	vadd.s32 $0xFFF80000, v14;
	v14 =	vand.u32 $0xFFF80000, v14;
	v17 =	vld [tilespmem:s13+$0xFFFFFF50];
	[tilespmem:s12+$0xE0] =	vst v11  }
0x1cf: {  	vm4 =	veq.s32 v14, $0x80000;
	v11 =	vadd.s32 $0xFFF80000, v12;
	v12 =	vand.u32 $0xFFF80000, v12;
	v14 =	vld [tilespmem:s13+$0xF0]  }
0x1d0: {  	v16 =	vsel vm3, v16, v1;
	v13 =	vsel vm4, v13, v1;
	vm3 =	veq.s32 v12, $0x80000  }
0x1d1: {  	v9 =	vsel vm1, v9, v4;
	v12 =	vsel vm2, v15, v4;
	[tilespmem:s15+$0xFFFFFF10] =	vst v16;
	v11 =	vsel vm3, v11, v1  }
0x1d2: {  	v19 =	vand.u32 $0xFFF80000, v10;
	v16 =	vand.u32 $0xFFF80000, v8;
	v15 =	vld [tilespmem:s17+$0xFFFFFF20];
	[tilespmem:s15+$0xFFFFFF90] =	vst v13;
	v13 =	vand.u32 $0xFFF80000, v18  }
0x1d3: {  	v20 =	vld [tilespmem:s17+$0xFFFFFFA0];
	[tilespmem:s15+$0x10] =	vst v11;
	v11 =	vadd.s32 $0xFFF80000, v18;
	vm1 =	veq.s32 v13, $0x80000;
	v13 =	vand.u32 $0xFFF80000, v17  }
0x1d4: {  	v18 =	vld [tilespmem:s17+$0x20];
	v11 =	vsel vm1, v11, v2;
	vm1 =	veq.s32 v13, $0x80000;
	[tilespmem:s12+$0xFFFFFFC0] =	vst v9;
	v9 =	vand.u32 $0xFFF80000, v14  }
0x1d5: {  	v14 =	vadd.s32 $0xFFF80000, v14;
	[tilespmem:s15+$0xA0] =	vst v11;
	v11 =	vadd.s32 $0xFFF80000, v17;
	v13 =	vld [tilespmem:s13+$0xFFFFFFD0];
	vm2 =	veq.s32 v9, $0x80000  }
0x1d6: {  	v9 =	vld [tilespmem:s17+$0xB0];
	v11 =	vsel vm1, v11, v7;
	[tilespmem:s12+$0x40] =	vst v12;
	v12 =	vsel vm2, v14, v5;
	vm2 =	veq.s32 v16, $0x80000  }
0x1d7: {  	vm1 =	veq.s32 v19, $0x80000;
	v14 =	vadd.s32 $0xFFF80000, v15;
	v15 =	vand.u32 $0xFFF80000, v15;
	v16 =	vld [tilespmem:s13+$0x50];
	[tilespmem:s12+$0xF0] =	vst v12  }
0x1d8: {  	vm3 =	veq.s32 v15, $0x80000;
	v12 =	vadd.s32 $0xFFF80000, v20;
	v15 =	vand.u32 $0xFFF80000, v20;
	[tilespmem:s12+$0xFFFFFF50] =	vst v11  }
0x1d9: {  	vm4 =	veq.s32 v15, $0x80000;
	v11 =	vadd.s32 $0xFFF80000, v18;
	v15 =	vand.u32 $0xFFF80000, v18;
	v17 =	vld [tilespmem:s13+$0xFFFFFF60]  }
0x1da: {  	v14 =	vsel vm3, v14, v2;
	v12 =	vsel vm4, v12, v2;
	vm3 =	veq.s32 v15, $0x80000  }
0x1db: {  	v15 =	vand.u32 $0xFFF80000, v13;
	[tilespmem:s15+$0xFFFFFF20] =	vst v14;
	v11 =	vsel vm3, v11, v2;
	v14 =	vand.u32 $0xFFF80000, v9  }
0x1dc: {  	v9 =	vadd.s32 $0xFFF80000, v9;
	v18 =	vld [tilespmem:s17+$0xFFFFFF30];
	[tilespmem:s15+$0xFFFFFFA0] =	vst v12;
	vm3 =	veq.s32 v14, $0x80000;
	v12 =	vand.u32 $0xFFF80000, v16  }
0x1dd: {  	v14 =	vld [tilespmem:s17+$0xFFFFFFB0];
	[tilespmem:s15+$0x20] =	vst v11;
	v9 =	vsel vm3, v9, v3;
	vm3 =	veq.s32 v15, $0x80000;
	vm4 =	veq.s32 v12, $0x80000  }
0x1de: {  	v11 =	vadd.s32 $0xFFF80000, v13;
	v12 =	vadd.s32 $0xFFF80000, v16;
	v15 =	vld [tilespmem:s17+$0x30];
	[tilespmem:s15+$0xB0] =	vst v9;
	v9 =	vand.u32 $0xFFF80000, v17  }
0x1df: {  	v16 =	vld [tilespmem:s17+$0xC0];
	vm5 =	veq.s32 v9, $0x80000;
	v9 =	vsel vm3, v11, v7;
	v11 =	vsel vm4, v12, v7  }
0x1e0: {  	v12 =	vadd.s32 $0xFFF80000, v17;
	[tilespmem:s12+$0xFFFFFFD0] =	vst v9;
	v9 =	vadd.s32 $0xFFF80000, v8;
	v8 =	vadd.s32 $0xFFF80000, v10  }
.Ltmp5:
0x1e1: {  	v13 =	vsel vm5, v12, v6;
	v17 =	vadd.s32 $0xFFF80000, v18;
	v10 =	vand.u32 $0xFFF80000, v18;
	v12 =	vld [tilespmem:s13+$0xFFFFFFE0];
	[tilespmem:s12+$0x50] =	vst v11;
	(pc) =	sbr.rel @p0 .LBB2_11-.Ltmp5, $4  }
0x1e2: {  	vm3 =	veq.s32 v10, $0x80000;
	v18 =	vadd.s32 $0xFFF80000, v14;
	v10 =	vand.u32 $0xFFF80000, v14;
	[tilespmem:s12+$0xFFFFFF60] =	vst v13;
	v11 =	vld [tilespmem:s13+$0x60]  }
0x1e3: {  	vm4 =	veq.s32 v10, $0x80000;
	v13 =	vadd.s32 $0xFFF80000, v15;
	v14 =	vand.u32 $0xFFF80000, v15;
	v10 =	vld [tilespmem:s13+$0xFFFFFF70]  }
0x1e4: {  	v15 =	vsel vm3, v17, v3;
	vm3 =	veq.s32 v14, $0x80000;
	v17 =	vand.u32 $0xFFF80000, v16  }
0x1e5: {  	s17 =	sadd.s32 $0x200, s17;
	v14 =	vadd.s32 $0xFFF80000, v16;
	[tilespmem:s15+$0xFFFFFF30] =	vst v15;
	v15 =	vsel vm4, v18, v3;
	vm4 =	veq.s32 v17, $0x80000  }
0x1e6: {  	v16 =	vld [tilespmem:s14+$0xFFFFFF40]  }
0x1e7: {  	[tilespmem:s15+$0xFFFFFFB0] =	vst v15;
	v13 =	vsel vm3, v13, v3  }
0x1e8: {  	[tilespmem:s15+$0x30] =	vst v13;
	v58 =	vld [tilespmem:s14+$0xFFFFFFC0]  }
0x1e9: {  	v59 =	vld [tilespmem:s14+$0x40];
	_ =	sdelay $0x1  }
0x1ea: {  	v14 =	vsel vm4, v14, v4;
	v60 =	vand.u32 $0xFFF80000, v16  }
0x1eb: {  	[tilespmem:s15+$0xC0] =	vst v14;
	v61 =	vadd.s32 $0xFFF80000, v16;
	vm3 =	veq.s32 v60, $0x80000  }
0x1ec: {  	v17 =	vld [tilespmem:s14+$0xD0];
	v62 =	vand.u32 $0xFFF80000, v58;
	v14 =	vsel vm3, v61, v4  }
0x1ed: {  	v13 =	vadd.s32 $0xFFF80000, v58;
	vm3 =	veq.s32 v62, $0x80000;
	v63 =	vand.u32 $0xFFF80000, v59;
	[tilespmem:s15+$0xFFFFFF40] =	vst v14  }
0x1ee: {  	v20 =	vadd.s32 $0xFFF80000, v59;
	vm13 =	veq.s32 v63, $0x80000;
	v13 =	vsel vm3, v13, v4;
	v21 =	vld [tilespmem:s14+$0xFFFFFF50]  }
0x1ef: {  	v14 =	vsel vm13, v20, v4;
	[tilespmem:s15+$0xFFFFFFC0] =	vst v13  }
0x1f0: {  	v23 =	vld [tilespmem:s14+$0xFFFFFFD0];
	[tilespmem:s15+$0x40] =	vst v14  }
0x1f1: {  	v22 =	vand.u32 $0xFFF80000, v17;
	v25 =	vld [tilespmem:s14+$0x50]  }
0x1f2: {  	v24 =	vadd.s32 $0xFFF80000, v17;
	vm3 =	veq.s32 v22, $0x80000  }
0x1f3: {  	v14 =	vsel vm3, v24, v7;
	v26 =	vand.u32 $0xFFF80000, v21  }
0x1f4: {  	[tilespmem:s15+$0xD0] =	vst v14;
	v28 =	vadd.s32 $0xFFF80000, v21;
	vm3 =	veq.s32 v26, $0x80000  }
0x1f5: {  	v27 =	vld [tilespmem:s14+$0xE0];
	v29 =	vand.u32 $0xFFF80000, v23;
	v14 =	vsel vm3, v28, v7  }
0x1f6: {  	v31 =	vadd.s32 $0xFFF80000, v23;
	v30 =	vand.u32 $0xFFF80000, v25;
	vm3 =	veq.s32 v29, $0x80000;
	[tilespmem:s15+$0xFFFFFF50] =	vst v14  }
0x1f7: {  	v13 =	vadd.s32 $0xFFF80000, v25;
	vm14 =	veq.s32 v30, $0x80000;
	v33 =	vsel vm3, v31, v7;
	v32 =	vld [tilespmem:s14+$0xFFFFFF60]  }
0x1f8: {  	v34 =	vand.u32 $0xFFF80000, v12;
	v36 =	vand.u32 $0xFFF80000, v11;
	v13 =	vsel vm14, v13, v7;
	[tilespmem:s15+$0xFFFFFFD0] =	vst v33  }
0x1f9: {  	v35 =	vadd.s32 $0xFFF80000, v12;
	v40 =	vadd.s32 $0xFFF80000, v11;
	vm15 =	veq.s32 v36, $0x80000;
	[tilespmem:s15+$0x50] =	vst v13;
	v38 =	vld [tilespmem:s14+$0xFFFFFFE0]  }
0x1fa: {  	v11 =	vsel vm15, v40, v6;
	vm3 =	veq.s32 v34, $0x80000;
	v37 =	vand.u32 $0xFFF80000, v27;
	v39 =	vld [tilespmem:s14+$0x60]  }
0x1fb: {  	[tilespmem:s12+$0x60] =	vst v11;
	v17 =	vadd.s32 $0xFFF80000, v27;
	v12 =	vsel vm3, v35, v6;
	vm3 =	veq.s32 v37, $0x80000  }
0x1fc: {  	v9 =	vsel vm2, v9, v5;
	v48 =	vld [tilespmem:s13+$0x70];
	[tilespmem:s12+$0xFFFFFFE0] =	vst v12;
	v41 =	vsel vm3, v17, v6;
	v44 =	vand.u32 $0xFFF80000, v32  }
0x1fd: {  	v8 =	vsel vm1, v8, v5;
	v43 =	vld [tilespmem:s13+$0xFFFFFFF0];
	[tilespmem:s15+$0xE0] =	vst v41;
	v47 =	vadd.s32 $0xFFF80000, v32;
	vm3 =	veq.s32 v44, $0x80000  }
0x1fe: {  	v42 =	vadd.s32 $0xFFF80000, v10;
	v46 =	vld [tilespmem:s14+$0xF0];
	v18 =	vand.u32 $0xFFF80000, v38;
	v12 =	vsel vm3, v47, v6  }
0x1ff: {  	v49 =	vadd.s32 $0xFFF80000, v38;
	vm2 =	veq.s32 v18, $0x80000;
	v50 =	vand.u32 $0xFFF80000, v39;
	[tilespmem:s15+$0xFFFFFF60] =	vst v12  }
0x200: {  	v15 =	vadd.s32 $0xFFF80000, v39;
	v12 =	vsel vm2, v49, v6;
	vm2 =	veq.s32 v50, $0x80000;
	v51 =	vld [tilespmem:s14+$0xFFFFFF70]  }
0x201: {  	v45 =	vand.u32 $0xFFF80000, v10;
	v57 =	vand.u32 $0xFFF80000, v48;
	[tilespmem:s15+$0xFFFFFFE0] =	vst v12;
	v52 =	vsel vm2, v15, v6  }
0x202: {  	v59 =	vadd.s32 $0xFFF80000, v48;
	vm3 =	veq.s32 v45, $0x80000;
	v54 =	vand.u32 $0xFFF80000, v43;
	[tilespmem:s15+$0x60] =	vst v52;
	v56 =	vld [tilespmem:s14+$0xFFFFFFF0]  }
0x203: {  	[tilespmem:s10+$0x70] =	vst v8;
	v8 =	vadd.s32 $0xFFF80000, v43;
	v53 =	vsel vm3, v42, v5;
	v55 =	vand.u32 $0xFFF80000, v46;
	v58 =	vld [tilespmem:s14+$0x70]  }
0x204: {  	[tilespmem:s10+$0xFFFFFFF0] =	vst v9;
	v11 =	vadd.s32 $0xFFF80000, v46;
	vm1 =	veq.s32 v55, $0x80000;
	vm2 =	veq.s32 v57, $0x80000  }
0x205: {  	[tilespmem:s12+$0xFFFFFF70] =	vst v53;
	v11 =	vsel vm1, v11, v5;
	vm1 =	veq.s32 v54, $0x80000;
	v60 =	vand.u32 $0xFFF80000, v51  }
0x206: {  	[tilespmem:s15+$0xF0] =	vst v11;
	v8 =	vsel vm1, v8, v5;
	v61 =	vadd.s32 $0xFFF80000, v51;
	vm3 =	veq.s32 v60, $0x80000  }
0x207: {  	v9 =	vsel vm2, v59, v5;
	[tilespmem:s12+$0xFFFFFFF0] =	vst v8;
	v8 =	vand.u32 $0xFFF80000, v56;
	v11 =	vsel vm3, v61, v5  }
0x208: {  	[tilespmem:s12+$0x70] =	vst v9;
	v62 =	vand.u32 $0xFFF80000, v58;
	vm1 =	veq.s32 v8, $0x80000;
	v8 =	vadd.s32 $0xFFF80000, v56  }
0x209: {  	v63 =	vadd.s32 $0xFFF80000, v58;
	[tilespmem:s15+$0xFFFFFF70] =	vst v11;
	vm2 =	veq.s32 v62, $0x80000;
	v8 =	vsel vm1, v8, v5  }
0x20a: {  	v9 =	vsel vm2, v63, v5;
	[tilespmem:s15+$0xFFFFFFF0] =	vst v8  }
0x20b: {  	s30 =	simm.s32 $0x10080;
	s31 =	simm.s32 $0x2;
	[tilespmem:s15+$0x70] =	vst v9  }
0x20c: {  	[spmem:s5] =	stream.linear.scatter [tilespmem:s30], [sflag:$0x2], $0x4000, $0x38;
	[tilespmem:$0x1C100] =	vst v63  }
0x20d: {  	_ =	swait.ge [sflag:s31], $0x4000  }
0x20e: {  	[sflag:s31] =	ssyncset.done $0x0  }
0x20f: {  	[sflag:s31] =	ssyncadd.s32 $0xFFFFC000  }
0x210: {  	[spmem:s6] =	stream.linear.scatter [tilespmem:s30], [sflag:$0x2], $0x4000, $0x38;
	[tilespmem:$0x1C100] =	vst v63  }
0x211: {  	_ =	swait.ge [sflag:s31], $0x4000  }
0x212: {  	[sflag:s31] =	ssyncset.done $0x0  }
0x213: {  	s10 =	simm.s32 $0x0;
	[sflag:s31] =	ssyncadd.s32 $0xFFFFC000  }
0x214: {  	s14 =	simm.s32 $0x80;
	s12 =	simm.s32 $0x10000;
	[bflag:$0x0] =	sbarrier.arrive $0xFFFF  }
.LBB2_13:
0x215: {  	p0 =	sne.s32 s10, $0xFE00  }
.Ltmp6:
0x216: {  	_ = 	snop;
	(pc) =	sbr.rel @p0 .LBB2_13-.Ltmp6, $4  }
0x217: {  	_ = 	snop  }
0x218: {  	s13 =	sshra.s32 s10, $0x2  }
0x219: {  	s10 =	sadd.s32 $0x200, s10;
	s13 =	sadd.s32 $0xC000, s13  }
0x21a: {  	[spmem:s2] =	stream.indirect.scatter.add.f32 [tilespmem:s12], [sflag:$0x1], $0x1, s13, s14, $0xb8;
	[tilespmem:$0x1C100] =	vst v63  }
0x21b: {  	s10 =	simm.s32 $0x1  }
0x21c: {  	_ =	swait.ge [sflag:s10], $0x80  }
0x21d: {  	s12 =	simm.s32 $0x7F;
	[sflag:s10] =	ssyncset.done $0x0  }
.LBB2_15:
0x21e: {  	p0 =	sne.s32 s12, $0x1;
	s12 =	sadd.s32 $0xFFFFFFFF, s12;
	[sflag:s10] =	ssyncadd.s32 $0xFFFFFF80  }
.Ltmp7:
0x21f: {  	(pc) =	sbr.rel @p0 .LBB2_15-.Ltmp7, $3  }
0x220: {  	_ =	sdelay $0x1  }
0x221: {  	_ =	swait.ge [sflag:s10], $0x80  }
0x222: {  	[sflag:s10] =	ssyncset.done $0x0  }
0x223: {  	v8 =	vlaneseq.u32;
	v9 =	vimm.s32 $0x0;
	s12 =	simm.s32 $0x100  }
0x224: {  	s13 =	simm.s32 $0x300;
	s14 =	simm.s32 $0x0;
	s25 =	simm.s32 $0x200;
	v8 =	vmul.u32 $0x2, v8;
	v9 =	vsel vm0, $0x7, v9;
	v13 =	vmov s12  }
0x225: {  	s30 =	simm.s32 $0x81;
	s23 =	simm.s32 $0xE1;
	v14 =	vmov s13;
	v15 =	vmov s14;
	v16 =	vmov s25  }
0x226: {  	[sflag:s10] =	ssyncadd.s32 $0xFFFFFF80;
	v18 =	vmov s30;
	v59 =	vmov s23;
	v14 =	vshrl.u32 v14, $0x7  }
0x227: {  	s10 =	sadd.s32 s9, s3;
	s26 =	simm.s32 $0x1;
	s28 =	simm.s32 $0x20;
	v15 =	vshrl.u32 v15, $0x7;
	v13 =	vshrl.u32 v13, $0x7;
	v16 =	vshrl.u32 v16, $0x7  }
0x228: {  	s16 =	simm.s32 $0x10;
	s15 =	sadd.s32 $0x20000, s10;
	[bflag:$0x0] =	sbarrier.arrive $0xFFFF;
	v18 =	vshrl.u32 v18, $0x7;
	v12 =	vor.u32 $0x1, v8;
	v11 =	vor.u32 $0x21, v8  }
0x229: {  	[hbm:s15@s28], [sflag:s4] =	dma.strided [spmem:s7@s16], $0x800, s26, $0x10 ;
	v10 =	vor.u32 $0x41, v8;
	v8 =	vor.u32 $0x61, v8;
	v14 =	vshll.u32 v14, v9  }
0x22a: {  	s29 =	simm.s32 $0x2;
	s15 =	simm.s32 $0x281;
	v15 =	vshll.u32 v15, v9;
	v13 =	vshll.u32 v13, v9;
	v16 =	vshll.u32 v16, v9  }
0x22b: {  	_ =	swait.ge [sflag:s29], $0x800;
	v30 =	vmov s15;
	v14 =	vbroadcast v14, $0x0;
	v15 =	vbroadcast v15, $0x0  }
0x22c: {  	v18 =	vshll.u32 v18, v9;
	v13 =	vbroadcast v13, $0x0;
	[sflag:s29] =	ssyncset.done $0x0;
	v16 =	vbroadcast v16, $0x0  }
0x22d: {  	s31 =	sadd.s32 $0x21000, s10;
	v30 =	vshrl.u32 v30, $0x7;
	v18 =	vbroadcast v18, $0x0;
	[sflag:s29] =	ssyncadd.s32 $0xFFFFF800;
	v17 =	vor.u32 v12, v14  }
0x22e: {  	v30 =	vshll.u32 v30, v9;
	v19 =	vor.u32 v12, v15;
	v20 =	vor.u32 v11, v15;
	[hbm:s31@s28], [sflag:s4] =	dma.strided [spmem:s8@s16], $0x800, s26, $0x10   }
0x22f: {  	s14 =	simm.s32 $0x181;
	v21 =	vor.u32 v12, v13;
	v22 =	vor.u32 v11, v13;
	v23 =	vor.u32 v12, v16;
	_ =	swait.ge [sflag:s29], $0x800  }
0x230: {  	v24 =	vor.u32 v10, v15;
	v27 =	vor.u32 v8, v15;
	v15 =	vmov s14;
	[sflag:s29] =	ssyncset.done $0x0  }
0x231: {  	s12 =	simm.s32 $0x0;
	v25 =	vor.u32 v10, v13;
	v26 =	vor.u32 v11, v16;
	v15 =	vshrl.u32 v15, $0x7;
	[sflag:s29] =	ssyncadd.s32 $0xFFFFF800  }
0x232: {  	v28 =	vor.u32 v10, v16;
	v29 =	vor.u32 v8, v13;
	v15 =	vshll.u32 v15, v9;
	v17 =	vld.idx.msk [tilespmem:v17+s12+$0x0], $0xffff  }
0x233: {  	s17 =	simm.s32 $0x1A1;
	v13 =	vor.u32 v11, v14;
	v16 =	vor.u32 v8, v16;
	v15 =	vbroadcast v15, $0x0;
	v19 =	vld.idx.msk [tilespmem:v19+s12+$0x0], $0xffff  }
0x234: {  	s18 =	simm.s32 $0x2A1;
	v32 =	vor.u32 v12, v18;
	v18 =	vmov s17;
	v30 =	vbroadcast v30, $0x0;
	v23 =	vld.idx.msk [tilespmem:v23+s12+$0x0], $0xffff  }
0x235: {  	v34 =	vor.u32 v10, v14;
	v21 =	vld.idx.msk [tilespmem:v21+s12+$0x0], $0xffff;
	v33 =	vor.u32 v12, v15;
	v15 =	vmov s18  }
0x236: {  	s13 =	simm.s32 $0x8100;
	s16 =	simm.s32 $0xA1;
	v14 =	vor.u32 v8, v14;
	v18 =	vshrl.u32 v18, $0x7;
	v15 =	vshrl.u32 v15, $0x7  }
0x237: {  	s17 =	simm.s32 $0x481;
	v31 =	vmov s16;
	v18 =	vshll.u32 v18, v9;
	v15 =	vshll.u32 v15, v9;
	[tilespmem:s13+$0x80] =	vst v17  }
0x238: {  	s20 =	simm.s32 $0x1C1;
	v39 =	vmov s17;
	v18 =	vbroadcast v18, $0x0;
	v15 =	vbroadcast v15, $0x0;
	[tilespmem:s13+$0xFFFFFF00] =	vst v19;
	v13 =	vld.idx.msk [tilespmem:v13+s12+$0x0], $0xffff  }
0x239: {  	s21 =	simm.s32 $0x2C1;
	v30 =	vor.u32 v12, v30;
	v17 =	vshrl.u32 v31, $0x7;
	v31 =	vmov s20;
	[tilespmem:s13+$0x0] =	vst v23;
	v19 =	vld.idx.msk [tilespmem:v20+s12+$0x0], $0xffff  }
0x23a: {  	s19 =	simm.s32 $0xC1;
	[tilespmem:s13+$0xFFFFFF80] =	vst v21;
	v21 =	vor.u32 v11, v18;
	v18 =	vmov s21;
	v15 =	vor.u32 v11, v15;
	v26 =	vld.idx.msk [tilespmem:v26+s12+$0x0], $0xffff  }
0x23b: {  	v17 =	vshll.u32 v17, v9;
	v20 =	vmov s19;
	v22 =	vld.idx.msk [tilespmem:v22+s12+$0x0], $0xffff;
	v18 =	vshrl.u32 v18, $0x7  }
0x23c: {  	v23 =	vshrl.u32 v31, $0x7;
	s19 =	simm.s32 $0x581;
	v17 =	vbroadcast v17, $0x0;
	v18 =	vshll.u32 v18, v9  }
0x23d: {  	v20 =	vshrl.u32 v20, $0x7;
	v43 =	vmov s19;
	v18 =	vbroadcast v18, $0x0;
	[tilespmem:s13+$0x90] =	vst v13  }
0x23e: {  	s22 =	simm.s32 $0x381;
	v44 =	vshrl.u32 v43, $0x7;
	v17 =	vor.u32 v11, v17;
	v13 =	vshll.u32 v20, v9;
	[tilespmem:s13+$0xFFFFFF10] =	vst v19;
	v31 =	vld.idx.msk [tilespmem:v34+s12+$0x0], $0xffff  }
0x23f: {  	v20 =	vshll.u32 v23, v9;
	v23 =	vmov s22;
	[tilespmem:s13+$0x10] =	vst v26;
	v26 =	vshrl.u32 v59, $0x7  }
0x240: {  	[tilespmem:s13+$0xFFFFFF90] =	vst v22;
	v13 =	vbroadcast v13, $0x0;
	v19 =	vbroadcast v20, $0x0;
	v24 =	vld.idx.msk [tilespmem:v24+s12+$0x0], $0xffff;
	v23 =	vshrl.u32 v23, $0x7  }
0x241: {  	s24 =	simm.s32 $0x1E1;
	v28 =	vld.idx.msk [tilespmem:v28+s12+$0x0], $0xffff;
	v26 =	vshll.u32 v26, v9;
	v34 =	vshll.u32 v44, v9;
	v22 =	vshll.u32 v23, v9  }
0x242: {  	s25 =	simm.s32 $0x2E1;
	v20 =	vor.u32 v10, v13;
	v13 =	vor.u32 v10, v19;
	v19 =	vmov s24  }
0x243: {  	v23 =	vld.idx.msk [tilespmem:v25+s12+$0x0], $0xffff;
	v25 =	vmov s25;
	v22 =	vbroadcast v22, $0x0;
	v19 =	vshrl.u32 v19, $0x7;
	[tilespmem:s13+$0xA0] =	vst v31  }
0x244: {  	v26 =	vbroadcast v26, $0x0;
	v25 =	vshrl.u32 v25, $0x7;
	v31 =	vld.idx.msk [tilespmem:v14+s12+$0x0], $0xffff;
	v14 =	vshll.u32 v19, v9  }
0x245: {  	s30 =	simm.s32 $0x400;
	s26 =	simm.s32 $0x3A1;
	[tilespmem:s13+$0xFFFFFF20] =	vst v24;
	v19 =	vor.u32 v12, v22;
	v24 =	vbroadcast v14, $0x0;
	v14 =	vshll.u32 v25, v9  }
0x246: {  	s29 =	simm.s32 $0x700;
	[tilespmem:s13+$0x20] =	vst v28;
	v28 =	vmov s30;
	v27 =	vld.idx.msk [tilespmem:v27+s12+$0x0], $0xffff;
	v25 =	vmov s26;
	v60 =	vbroadcast v14, $0x0  }
0x247: {  	v16 =	vld.idx.msk [tilespmem:v16+s12+$0x0], $0xffff;
	v25 =	vshrl.u32 v25, $0x7;
	v14 =	vor.u32 v8, v26;
	v26 =	vmov s29  }
0x248: {  	v22 =	vor.u32 v10, v18;
	[tilespmem:s13+$0xFFFFFFA0] =	vst v23;
	v23 =	vshll.u32 v25, v9;
	v26 =	vshrl.u32 v26, $0x7  }
0x249: {  	s28 =	simm.s32 $0x500;
	v18 =	vor.u32 v8, v24;
	v24 =	vld.idx.msk [tilespmem:v29+s12+$0x0], $0xffff;
	v23 =	vbroadcast v23, $0x0;
	v26 =	vshll.u32 v26, v9;
	[tilespmem:s13+$0xB0] =	vst v31  }
0x24a: {  	s31 =	simm.s32 $0x600;
	v28 =	vshrl.u32 v28, $0x7;
	v25 =	vmov s28;
	v26 =	vbroadcast v26, $0x0;
	v19 =	vld.idx.msk [tilespmem:v19+s12+$0x0], $0xffff  }
0x24b: {  	v29 =	vmov s31;
	v25 =	vshrl.u32 v25, $0x7;
	[tilespmem:s13+$0xFFFFFF30] =	vst v27;
	v23 =	vor.u32 v11, v23  }
0x24c: {  	s16 =	simm.s32 $0x3C1;
	v27 =	vshrl.u32 v29, $0x7;
	v25 =	vshll.u32 v25, v9;
	[tilespmem:s13+$0x30] =	vst v16;
	v29 =	vld.idx.msk [tilespmem:v32+s12+$0x0], $0xffff;
	v61 =	vor.u32 v12, v26  }
0x24d: {  	v28 =	vshll.u32 v28, v9;
	v31 =	vmov s16;
	v25 =	vbroadcast v25, $0x0;
	v30 =	vld.idx.msk [tilespmem:v30+s12+$0x0], $0xffff  }
0x24e: {  	s21 =	simm.s32 $0x4A1;
	v16 =	vbroadcast v28, $0x0;
	v27 =	vshll.u32 v27, v9;
	[tilespmem:s13+$0xFFFFFFB0] =	vst v24;
	v24 =	vshrl.u32 v31, $0x7  }
0x24f: {  	v46 =	vmov s21;
	v63 =	vor.u32 v12, v25;
	v31 =	vld.idx.msk [tilespmem:v33+s12+$0x0], $0xffff;
	v28 =	vshll.u32 v24, v9;
	[tilespmem:s13+$0xC0] =	vst v19  }
0x250: {  	v62 =	vor.u32 v11, v16;
	v19 =	vbroadcast v27, $0x0;
	v27 =	vbroadcast v28, $0x0;
	v23 =	vld.idx.msk [tilespmem:v23+s12+$0x0], $0xffff  }
0x251: {  	v34 =	vbroadcast v34, $0x0;
	s25 =	simm.s32 $0x5C1;
	v40 =	vor.u32 v8, v16;
	v28 =	vor.u32 v12, v16;
	[tilespmem:s13+$0xFFFFFF40] =	vst v29;
	v32 =	vld.idx.msk [tilespmem:v61+s12+$0x0], $0xffff  }
0x252: {  	s18 =	simm.s32 $0x3E1;
	v50 =	vmov s25;
	v29 =	vor.u32 v10, v16;
	[tilespmem:s13+$0x40] =	vst v30;
	v17 =	vld.idx.msk [tilespmem:v17+s12+$0x0], $0xffff;
	v27 =	vor.u32 v10, v27  }
0x253: {  	v16 =	vmov s18;
	v15 =	vld.idx.msk [tilespmem:v15+s12+$0x0], $0xffff;
	v36 =	vor.u32 v12, v19;
	v38 =	vor.u32 v11, v19  }
0x254: {  	s29 =	simm.s32 $0x781;
	v42 =	vshrl.u32 v16, $0x7;
	v41 =	vor.u32 v10, v19;
	v16 =	vor.u32 v8, v19;
	v30 =	vld.idx.msk [tilespmem:v63+s12+$0x0], $0xffff;
	[tilespmem:s13+$0xFFFFFFC0] =	vst v31  }
0x255: {  	s14 =	simm.s32 $0x8300;
	s28 =	simm.s32 $0x4E1;
	v55 =	vmov s29;
	v19 =	vshll.u32 v42, v9;
	v31 =	vor.u32 v11, v26;
	v21 =	vld.idx.msk [tilespmem:v21+s12+$0x0], $0xffff;
	[tilespmem:s13+$0xD0] =	vst v23  }
0x256: {  	s20 =	simm.s32 $0x681;
	v57 =	vmov s28;
	v35 =	vor.u32 v11, v25;
	v19 =	vbroadcast v19, $0x0;
	v28 =	vld.idx.msk [tilespmem:v28+s12+$0x0], $0xffff;
	[tilespmem:s14+$0x80] =	vst v32  }
0x257: {  	v48 =	vor.u32 v10, v26;
	v42 =	vmov s20;
	v23 =	vshrl.u32 v39, $0x7;
	[tilespmem:s13+$0xFFFFFF50] =	vst v17;
	v27 =	vld.idx.msk [tilespmem:v27+s12+$0x0], $0xffff  }
0x258: {  	v45 =	vor.u32 v8, v19;
	v39 =	vshrl.u32 v42, $0x7;
	[tilespmem:s13+$0x50] =	vst v15;
	v23 =	vshll.u32 v23, v9;
	v36 =	vld.idx.msk [tilespmem:v36+s12+$0x0], $0xffff  }
0x259: {  	v37 =	vor.u32 v10, v25;
	v17 =	vshll.u32 v39, v9;
	v47 =	vld.idx.msk [tilespmem:v20+s12+$0x0], $0xffff;
	[tilespmem:s14+$0xFFFFFF80] =	vst v30;
	v23 =	vbroadcast v23, $0x0  }
0x25a: {  	s22 =	simm.s32 $0x5A1;
	v25 =	vor.u32 v8, v25;
	v24 =	vor.u32 v8, v60;
	v31 =	vld.idx.msk [tilespmem:v31+s12+$0x0], $0xffff;
	[tilespmem:s13+$0xFFFFFFD0] =	vst v21;
	v21 =	vbroadcast v17, $0x0  }
0x25b: {  	s23 =	simm.s32 $0x6A1;
	v42 =	vshrl.u32 v46, $0x7;
	v49 =	vld.idx.msk [tilespmem:v35+s12+$0x0], $0xffff;
	v19 =	vor.u32 v12, v23;
	v23 =	vmov s22;
	[tilespmem:s14+$0xFFFFFF00] =	vst v28  }
0x25c: {  	v28 =	vmov s23;
	v33 =	vld.idx.msk [tilespmem:v62+s12+$0x0], $0xffff;
	v23 =	vshrl.u32 v23, $0x7;
	v20 =	vor.u32 v12, v21;
	[tilespmem:s13+$0xE0] =	vst v27  }
0x25d: {  	v21 =	vshll.u32 v42, v9;
	v23 =	vshll.u32 v23, v9;
	v27 =	vshrl.u32 v28, $0x7;
	[tilespmem:s14+$0x0] =	vst v36;
	v28 =	vld.idx.msk [tilespmem:v45+s12+$0x0], $0xffff  }
0x25e: {  	s24 =	simm.s32 $0x4C1;
	s30 =	simm.s32 $0x6E1;
	v52 =	vld.idx.msk [tilespmem:v13+s12+$0x0], $0xffff;
	v21 =	vbroadcast v21, $0x0;
	[tilespmem:s13+$0xFFFFFF60] =	vst v47;
	v30 =	vbroadcast v23, $0x0;
	v23 =	vshll.u32 v27, v9  }
0x25f: {  	v60 =	vmov s30;
	v27 =	vmov s24;
	[tilespmem:s14+$0x90] =	vst v31;
	v31 =	vld.idx.msk [tilespmem:v38+s12+$0x0], $0xffff;
	v51 =	vbroadcast v23, $0x0  }
0x260: {  	[tilespmem:s14+$0xFFFFFF90] =	vst v49;
	v23 =	vor.u32 v11, v21;
	v27 =	vshrl.u32 v27, $0x7;
	v21 =	vor.u32 v11, v30;
	v30 =	vld.idx.msk [tilespmem:v48+s12+$0x0], $0xffff  }
0x261: {  	s26 =	simm.s32 $0x6C1;
	v26 =	vor.u32 v8, v26;
	v35 =	vshrl.u32 v50, $0x7;
	v13 =	vshll.u32 v27, v9;
	v27 =	vld.idx.msk [tilespmem:v22+s12+$0x0], $0xffff;
	[tilespmem:s14+$0xFFFFFF10] =	vst v33  }
0x262: {  	v61 =	vshrl.u32 v57, $0x7;
	v15 =	vmov s26;
	v22 =	vshll.u32 v35, v9;
	[tilespmem:s13+$0xF0] =	vst v28;
	v28 =	vld.idx.msk [tilespmem:v29+s12+$0x0], $0xffff  }
0x263: {  	v56 =	vld.idx.msk [tilespmem:v14+s12+$0x0], $0xffff;
	v14 =	vshrl.u32 v55, $0x7;
	[tilespmem:s13+$0xFFFFFFE0] =	vst v52;
	v13 =	vbroadcast v13, $0x0;
	v29 =	vbroadcast v22, $0x0  }
0x264: {  	s17 =	simm.s32 $0x5E1;
	v32 =	vshrl.u32 v60, $0x7;
	v15 =	vshrl.u32 v15, $0x7;
	v59 =	vshll.u32 v14, v9;
	[tilespmem:s14+$0x10] =	vst v31;
	v31 =	vld.idx.msk [tilespmem:v37+s12+$0x0], $0xffff  }
0x265: {  	v22 =	vor.u32 v10, v13;
	v58 =	vld.idx.msk [tilespmem:v41+s12+$0x0], $0xffff;
	v13 =	vor.u32 v10, v29;
	v29 =	vmov s17;
	[tilespmem:s14+$0xA0] =	vst v30  }
0x266: {  	v53 =	vshll.u32 v15, v9;
	[tilespmem:s13+$0x60] =	vst v27;
	v30 =	vld.idx.msk [tilespmem:v26+s12+$0x0], $0xffff;
	v26 =	vbroadcast v59, $0x0;
	v29 =	vshrl.u32 v29, $0x7  }
0x267: {  	v54 =	vbroadcast v53, $0x0;
	v27 =	vld.idx.msk [tilespmem:v18+s12+$0x0], $0xffff;
	v18 =	vshll.u32 v61, v9;
	[tilespmem:s14+$0xFFFFFF20] =	vst v28;
	v28 =	vshll.u32 v29, v9  }
0x268: {  	s31 =	simm.s32 $0x7A1;
	v62 =	vbroadcast v28, $0x0;
	v28 =	vshll.u32 v32, v9;
	v32 =	vor.u32 v12, v26  }
0x269: {  	v63 =	vmov s31;
	v17 =	vor.u32 v12, v34;
	v18 =	vbroadcast v18, $0x0;
	[tilespmem:s14+$0xFFFFFFA0] =	vst v31;
	v29 =	vld.idx.msk [tilespmem:v40+s12+$0x0], $0xffff  }
0x26a: {  	v14 =	vor.u32 v10, v54;
	v15 =	vor.u32 v11, v51;
	[tilespmem:s13+$0xFFFFFF70] =	vst v56;
	v26 =	vld.idx.msk [tilespmem:v25+s12+$0x0], $0xffff;
	v31 =	vbroadcast v28, $0x0  }
0x26b: {  	s15 =	simm.s32 $0x7E1;
	s16 =	simm.s32 $0x4;
	v33 =	vshrl.u32 v63, $0x7;
	s17 =	simm.s32 $0xBE1;
	[tilespmem:s14+$0x20] =	vst v58;
	v28 =	vld.idx.msk [tilespmem:v24+s12+$0x0], $0xffff;
	v24 =	vor.u32 v8, v18;
	v18 =	vor.u32 v8, v62  }
.LBB2_17:
0x26c: {  	s18 =	sadd.s32 $0xFFFFFD1F, s17;
	s19 =	sadd.s32 $0xFFFFFF1F, s17;
	s16 =	sadd.s32 $0x4, s16;
	v16 =	vld.idx.msk [tilespmem:v16+s12+$0x0], $0xffff;
	v25 =	vor.u32 v8, v31;
	[tilespmem:s14+$0xB0] =	vst v30;
	v30 =	vshll.u32 v33, v9  }
0x26d: {  	s20 =	sadd.s32 $0xFFFFFC1F, s17;
	v31 =	vmov s18;
	s18 =	sadd.s32 $0xFFFFFE1F, s17;
	v33 =	vmov s19;
	p0 =	slt.u32 s16, $0x7C;
	v32 =	vld.idx.msk [tilespmem:v32+s12+$0x0], $0xffff;
	v30 =	vbroadcast v30, $0x0;
	[tilespmem:s13+$0xFFFFFFF0] =	vst v27  }
0x26e: {  	s30 =	sadd.s32 $0xFFFFFCA0, s17;
	s29 =	sadd.s32 $0xFFFFFDA0, s17;
	s28 =	sadd.s32 $0xFFFFFEA0, s17;
	v27 =	vmov s20;
	v34 =	vmov s18;
	v33 =	vshrl.u32 v33, $0x7  }
0x26f: {  	s26 =	sadd.s32 $0xFFFFFCC0, s17;
	s25 =	sadd.s32 $0xFFFFFDC0, s17;
	s24 =	sadd.s32 $0xFFFFFEC0, s17;
	v35 =	vshrl.u32 v27, $0x7;
	v27 =	vshll.u32 v33, v9;
	[tilespmem:s14+$0xFFFFFF30] =	vst v29;
	v29 =	vor.u32 v11, v30  }
0x270: {  	s21 =	sadd.s32 $0xFFFFFCE0, s17;
	s22 =	sadd.s32 $0xFFFFFDE0, s17;
	s19 =	sadd.s32 $0xFFFFFFE0, s15;
	v30 =	vshrl.u32 v31, $0x7;
	v31 =	vshrl.u32 v34, $0x7;
	v27 =	vbroadcast v27, $0x0;
	v19 =	vld.idx.msk [tilespmem:v19+s12+$0x0], $0xffff;
	[tilespmem:s13+$0x70] =	vst v28  }
0x271: {  	s23 =	sadd.s32 $0xFFFFFEE0, s17;
	s20 =	sadd.s32 $0xFFFFFD00, s17;
	s18 =	sadd.s32 $0xFFFFFE00, s17;
	v28 =	vshll.u32 v35, v9;
	v30 =	vshll.u32 v30, v9;
	[tilespmem:s14+$0xFFFFFFB0] =	vst v26;
	v26 =	vmov s19  }
0x272: {  	v31 =	vshll.u32 v31, v9;
	s13 =	smov.u32 s14;
	s19 =	sadd.s32 $0xFFFFFF00, s17;
	v33 =	vor.u32 v12, v27;
	v17 =	vld.idx.msk [tilespmem:v17+s12+$0x0], $0xffff;
	[tilespmem:s14+$0x30] =	vst v16;
	v16 =	vshrl.u32 v26, $0x7  }
0x273: {  	v30 =	vbroadcast v30, $0x0;
	v26 =	vbroadcast v28, $0x0;
	v20 =	vld.idx.msk [tilespmem:v20+s12+$0x0], $0xffff;
	[tilespmem:s14+$0xC0] =	vst v32;
	v16 =	vshll.u32 v16, v9  }
0x274: {  	v31 =	vbroadcast v31, $0x0;
	v32 =	vmov s30;
	v29 =	vld.idx.msk [tilespmem:v29+s12+$0x0], $0xffff;
	v16 =	vbroadcast v16, $0x0  }
0x275: {  	v36 =	vor.u32 v12, v30;
	v34 =	vor.u32 v12, v26;
	v35 =	vor.u32 v11, v26  }
0x276: {  	v37 =	vor.u32 v11, v30;
	v38 =	vor.u32 v12, v31;
	[tilespmem:s14+$0xFFFFFF40] =	vst v19;
	v19 =	vor.u32 v10, v16  }
0x277: {  	v40 =	vor.u32 v10, v30;
	v41 =	vor.u32 v11, v31;
	v39 =	vor.u32 v10, v26;
	v33 =	vld.idx.msk [tilespmem:v33+s12+$0x0], $0xffff  }
0x278: {  	v42 =	vor.u32 v10, v31;
	v28 =	vor.u32 v8, v26;
	v16 =	vmov s15;
	s15 =	smov.u32 s17;
	v23 =	vld.idx.msk [tilespmem:v23+s12+$0x0], $0xffff;
	[tilespmem:s14+$0xFFFFFFC0] =	vst v17  }
0x279: {  	v26 =	vor.u32 v8, v30;
	v17 =	vor.u32 v11, v27;
	v21 =	vld.idx.msk [tilespmem:v21+s12+$0x0], $0xffff;
	[tilespmem:s14+$0x40] =	vst v20;
	v20 =	vshrl.u32 v16, $0x7  }
0x27a: {  	v16 =	vor.u32 v8, v31;
	v30 =	vld.idx.msk [tilespmem:v34+s12+$0x0], $0xffff;
	v34 =	vmov s29;
	[tilespmem:s14+$0xD0] =	vst v29;
	v20 =	vshll.u32 v20, v9  }
0x27b: {  	v31 =	vmov s28;
	v29 =	vshrl.u32 v32, $0x7;
	v32 =	vld.idx.msk [tilespmem:v19+s12+$0x0], $0xffff;
	v19 =	vbroadcast v20, $0x0  }
0x27c: {  	v31 =	vshrl.u32 v31, $0x7;
	s14 =	sadd.s32 $0x200, s14;
	v20 =	vshll.u32 v29, v9;
	v34 =	vshrl.u32 v34, $0x7;
	v29 =	vld.idx.msk [tilespmem:v36+s12+$0x0], $0xffff  }
0x27d: {  	v20 =	vbroadcast v20, $0x0;
	v34 =	vshll.u32 v34, v9;
	v36 =	vld.idx.msk [tilespmem:v38+s12+$0x0], $0xffff;
	[tilespmem:s14+$0x80] =	vst v33;
	v33 =	vor.u32 v8, v19  }
0x27e: {  	v31 =	vshll.u32 v31, v9;
	v38 =	vmov s26;
	v34 =	vbroadcast v34, $0x0;
	v43 =	vld.idx.msk [tilespmem:v17+s12+$0x0], $0xffff;
	[tilespmem:s13+$0xFFFFFF50] =	vst v23  }
0x27f: {  	v19 =	vor.u32 v12, v20;
	v20 =	vmov s25;
	v23 =	vbroadcast v31, $0x0;
	[tilespmem:s13+$0xFFFFFFD0] =	vst v21;
	v15 =	vld.idx.msk [tilespmem:v15+s12+$0x0], $0xffff  }
0x280: {  	v17 =	vor.u32 v12, v34;
	v21 =	vmov s24;
	[tilespmem:s14+$0xFFFFFF00] =	vst v30;
	v30 =	vor.u32 v10, v27;
	v22 =	vld.idx.msk [tilespmem:v22+s12+$0x0], $0xffff  }
0x281: {  	v34 =	vshrl.u32 v38, $0x7;
	v31 =	vld.idx.msk [tilespmem:v35+s12+$0x0], $0xffff;
	v35 =	vshrl.u32 v20, $0x7;
	v20 =	vor.u32 v12, v23;
	[tilespmem:s13+$0xE0] =	vst v32  }
0x282: {  	v21 =	vshrl.u32 v21, $0x7;
	v23 =	vshll.u32 v34, v9;
	[tilespmem:s14+$0xFFFFFF80] =	vst v29;
	v29 =	vshll.u32 v35, v9;
	v32 =	vld.idx.msk [tilespmem:v33+s12+$0x0], $0xffff  }
0x283: {  	v21 =	vshll.u32 v21, v9;
	v23 =	vbroadcast v23, $0x0;
	v33 =	vld.idx.msk [tilespmem:v37+s12+$0x0], $0xffff;
	v29 =	vbroadcast v29, $0x0;
	[tilespmem:s14+$0x0] =	vst v36  }
0x284: {  	v34 =	vmov s21;
	v35 =	vmov s22;
	v37 =	vbroadcast v21, $0x0;
	v36 =	vld.idx.msk [tilespmem:v41+s12+$0x0], $0xffff;
	[tilespmem:s14+$0x90] =	vst v43  }
0x285: {  	v23 =	vor.u32 v11, v23;
	v21 =	vor.u32 v11, v29;
	v29 =	vmov s23;
	v30 =	vld.idx.msk [tilespmem:v30+s12+$0x0], $0xffff;
	[tilespmem:s13+$0x50] =	vst v15  }
0x286: {  	v34 =	vshrl.u32 v34, $0x7;
	v35 =	vshrl.u32 v35, $0x7;
	v15 =	vor.u32 v11, v37;
	[tilespmem:s13+$0xFFFFFF60] =	vst v22;
	v37 =	vld.idx.msk [tilespmem:v13+s12+$0x0], $0xffff  }
0x287: {  	v27 =	vor.u32 v8, v27;
	v13 =	vshll.u32 v34, v9;
	v22 =	vshrl.u32 v29, $0x7;
	[tilespmem:s14+$0xFFFFFF10] =	vst v31;
	v29 =	vld.idx.msk [tilespmem:v14+s12+$0x0], $0xffff  }
0x288: {  	s21 =	sadd.s32 $0xFFFFFFA0, s17;
	v13 =	vbroadcast v13, $0x0;
	v14 =	vshll.u32 v35, v9;
	v22 =	vshll.u32 v22, v9;
	v31 =	vld.idx.msk [tilespmem:v39+s12+$0x0], $0xffff;
	[tilespmem:s13+$0xF0] =	vst v32  }
0x289: {  	v14 =	vbroadcast v14, $0x0;
	v32 =	vbroadcast v22, $0x0;
	[tilespmem:s14+$0xFFFFFF90] =	vst v33;
	v33 =	vmov s21;
	v24 =	vld.idx.msk [tilespmem:v24+s12+$0x0], $0xffff  }
0x28a: {  	v34 =	vmov s20;
	v22 =	vor.u32 v10, v13;
	v35 =	vld.idx.msk [tilespmem:v40+s12+$0x0], $0xffff;
	[tilespmem:s14+$0x10] =	vst v36;
	v33 =	vshrl.u32 v33, $0x7  }
0x28b: {  	v13 =	vor.u32 v10, v14;
	v36 =	vmov s18;
	v38 =	vld.idx.msk [tilespmem:v42+s12+$0x0], $0xffff;
	[tilespmem:s14+$0xA0] =	vst v30;
	v33 =	vshll.u32 v33, v9  }
0x28c: {  	v14 =	vor.u32 v10, v32;
	v32 =	vmov s19;
	v30 =	vld.idx.msk [tilespmem:v27+s12+$0x0], $0xffff;
	v33 =	vbroadcast v33, $0x0;
	[tilespmem:s13+$0xFFFFFFE0] =	vst v37  }
.Ltmp8:
0x28d: {  	v34 =	vshrl.u32 v34, $0x7;
	v36 =	vshrl.u32 v36, $0x7;
	v37 =	vshrl.u32 v32, $0x7;
	v27 =	vld.idx.msk [tilespmem:v18+s12+$0x0], $0xffff;
	[tilespmem:s13+$0x60] =	vst v29;
	(pc) =	sbr.rel @p0 .LBB2_17-.Ltmp8, $4  }
0x28e: {  	v18 =	vshll.u32 v34, v9;
	[tilespmem:s14+$0xFFFFFF20] =	vst v31;
	v31 =	vshll.u32 v36, v9;
	v32 =	vor.u32 v12, v33  }
0x28f: {  	s18 =	sadd.s32 $0xFFFFFFC0, s17;
	v18 =	vbroadcast v18, $0x0;
	v29 =	vld.idx.msk [tilespmem:v28+s12+$0x0], $0xffff;
	v33 =	vbroadcast v31, $0x0;
	v28 =	vshll.u32 v37, v9;
	[tilespmem:s13+$0xFFFFFF70] =	vst v24  }
0x290: {  	v34 =	vmov s18;
	[tilespmem:s14+$0xFFFFFFA0] =	vst v35;
	v31 =	vbroadcast v28, $0x0;
	v28 =	vld.idx.msk [tilespmem:v25+s12+$0x0], $0xffff  }
0x291: {  	s17 =	sadd.s32 $0x400, s17;
	v24 =	vor.u32 v8, v18;
	v26 =	vld.idx.msk [tilespmem:v26+s12+$0x0], $0xffff;
	v18 =	vor.u32 v8, v33;
	[tilespmem:s14+$0x20] =	vst v38;
	v33 =	vshrl.u32 v34, $0x7  }
0x292: {  	_ =	sdelay $0x3  }
0x293: {  	v12 =	vld.idx.msk [tilespmem:v16+s12+$0x0], $0xffff  }
0x294: {  	v57 =	vshll.u32 v33, v9  }
0x295: {  	[tilespmem:s14+$0xB0] =	vst v30;
	v16 =	vbroadcast v57, $0x0  }
0x296: {  	v25 =	vld.idx.msk [tilespmem:v32+s12+$0x0], $0xffff;
	[tilespmem:s14+$0xFFFFFF30] =	vst v29  }
0x297: {  	s16 =	sadd.s32 $0xFFFFFFE0, s15;
	v11 =	vor.u32 v11, v16;
	v58 =	vld.idx.msk [tilespmem:v19+s12+$0x0], $0xffff;
	[tilespmem:s14+$0xFFFFFFB0] =	vst v26  }
0x298: {  	v59 =	vmov s16;
	v17 =	vld.idx.msk [tilespmem:v17+s12+$0x0], $0xffff;
	[tilespmem:s14+$0x30] =	vst v12  }
0x299: {  	v12 =	vshrl.u32 v59, $0x7;
	v60 =	vld.idx.msk [tilespmem:v20+s12+$0x0], $0xffff  }
0x29a: {  	v12 =	vshll.u32 v12, v9  }
0x29b: {  	[tilespmem:s14+$0xC0] =	vst v25;
	v12 =	vbroadcast v12, $0x0  }
0x29c: {  	v11 =	vld.idx.msk [tilespmem:v11+s12+$0x0], $0xffff;
	[tilespmem:s14+$0xFFFFFF40] =	vst v58  }
0x29d: {  	v10 =	vor.u32 v10, v12;
	v12 =	vld.idx.msk [tilespmem:v23+s12+$0x0], $0xffff;
	[tilespmem:s14+$0xFFFFFFC0] =	vst v17  }
0x29e: {  	v61 =	vmov s15;
	v17 =	vld.idx.msk [tilespmem:v21+s12+$0x0], $0xffff;
	[tilespmem:s14+$0x40] =	vst v60  }
0x29f: {  	v16 =	vshrl.u32 v61, $0x7;
	v15 =	vld.idx.msk [tilespmem:v15+s12+$0x0], $0xffff  }
0x2a0: {  	v9 =	vshll.u32 v16, v9  }
0x2a1: {  	v9 =	vbroadcast v9, $0x0;
	[tilespmem:s14+$0xD0] =	vst v11  }
0x2a2: {  	v10 =	vld.idx.msk [tilespmem:v10+s12+$0x0], $0xffff;
	[tilespmem:s14+$0xFFFFFF50] =	vst v12  }
0x2a3: {  	v9 =	vor.u32 v8, v9;
	v11 =	vld.idx.msk [tilespmem:v22+s12+$0x0], $0xffff;
	[tilespmem:s14+$0xFFFFFFD0] =	vst v17  }
0x2a4: {  	[tilespmem:s14+$0x50] =	vst v15;
	v12 =	vld.idx.msk [tilespmem:v13+s12+$0x0], $0xffff  }
0x2a5: {  	v13 =	vld.idx.msk [tilespmem:v14+s12+$0x0], $0xffff  }
0x2a6: {  	v8 =	vor.u32 v8, v31  }
0x2a7: {  	[tilespmem:s14+$0xE0] =	vst v10  }
0x2a8: {  	v9 =	vld.idx.msk [tilespmem:v9+s12+$0x0], $0xffff;
	[tilespmem:s14+$0xFFFFFF60] =	vst v11  }
0x2a9: {  	v10 =	vld.idx.msk [tilespmem:v24+s12+$0x0], $0xffff;
	[tilespmem:s14+$0xFFFFFFE0] =	vst v12  }
0x2aa: {  	v11 =	vld.idx.msk [tilespmem:v18+s12+$0x0], $0xffff;
	[tilespmem:s14+$0x60] =	vst v13  }
0x2ab: {  	[tilespmem:s13+$0xFFFFFFF0] =	vst v27;
	v8 =	vld.idx.msk [tilespmem:v8+s12+$0x0], $0xffff  }
0x2ac: {  	[tilespmem:s13+$0x70] =	vst v28  }
0x2ad: {  	[tilespmem:s14+$0xF0] =	vst v9  }
0x2ae: {  	[tilespmem:s14+$0xFFFFFF70] =	vst v10  }
0x2af: {  	[tilespmem:s14+$0xFFFFFFF0] =	vst v11  }
0x2b0: {  	s31 =	simm.s32 $0x8100;
	[tilespmem:s14+$0x70] =	vst v8  }
0x2b1: {  	v8 =	vld [tilespmem:s31+$0x80];
	_ =	sdelay $0x3  }
0x2b2: {  	v9 =	vld [tilespmem:s31+$0xFFFFFF00]  }
0x2b3: {  	v10 =	vld [tilespmem:s31+$0xFFFFFF80];
	vm0 =	vlt.u32 v8, $0x80000  }
0x2b4: {  	s12 =	simm.s32 $0xC100;
	v11 =	vld [tilespmem:s31+$0x0];
	v8 =	vsel vm0, v8, v0  }
0x2b5: {  	[tilespmem:s12+$0x80] =	vst v8  }
0x2b6: {  	v8 =	vld [tilespmem:s31+$0x90]  }
0x2b7: {  	vm0 =	vlt.u32 v9, $0x80000  }
0x2b8: {  	vm1 =	vlt.u32 v10, $0x80000;
	v9 =	vsel vm0, v9, v0  }
0x2b9: {  	v10 =	vsel vm1, v10, v0;
	vm0 =	vlt.u32 v11, $0x80000;
	[tilespmem:s12+$0xFFFFFF00] =	vst v9  }
0x2ba: {  	[tilespmem:s12+$0xFFFFFF80] =	vst v10;
	v9 =	vsel vm0, v11, v0;
	v10 =	vld [tilespmem:s31+$0xFFFFFF10]  }
0x2bb: {  	v11 =	vld [tilespmem:s31+$0xFFFFFF90];
	[tilespmem:s12+$0x0] =	vst v9;
	vm0 =	vlt.u32 v8, $0x80000  }
0x2bc: {  	v9 =	vld [tilespmem:s31+$0x10];
	v8 =	vsel vm0, v8, v1  }
0x2bd: {  	[tilespmem:s12+$0x90] =	vst v8  }
0x2be: {  	v8 =	vld [tilespmem:s31+$0xA0]  }
0x2bf: {  	vm0 =	vlt.u32 v10, $0x80000  }
0x2c0: {  	vm1 =	vlt.u32 v11, $0x80000;
	v10 =	vsel vm0, v10, v1  }
0x2c1: {  	v11 =	vsel vm1, v11, v1;
	vm0 =	vlt.u32 v9, $0x80000;
	[tilespmem:s12+$0xFFFFFF10] =	vst v10  }
0x2c2: {  	[tilespmem:s12+$0xFFFFFF90] =	vst v11;
	v9 =	vsel vm0, v9, v1;
	v10 =	vld [tilespmem:s31+$0xFFFFFF20]  }
0x2c3: {  	v11 =	vld [tilespmem:s31+$0xFFFFFFA0];
	[tilespmem:s12+$0x10] =	vst v9;
	vm0 =	vlt.u32 v8, $0x80000  }
0x2c4: {  	v9 =	vld [tilespmem:s31+$0x20];
	v8 =	vsel vm0, v8, v2  }
0x2c5: {  	[tilespmem:s12+$0xA0] =	vst v8  }
0x2c6: {  	v8 =	vld [tilespmem:s31+$0xB0]  }
0x2c7: {  	vm0 =	vlt.u32 v10, $0x80000  }
0x2c8: {  	vm1 =	vlt.u32 v11, $0x80000;
	v10 =	vsel vm0, v10, v2  }
0x2c9: {  	v11 =	vsel vm1, v11, v2;
	vm0 =	vlt.u32 v9, $0x80000;
	[tilespmem:s12+$0xFFFFFF20] =	vst v10  }
0x2ca: {  	[tilespmem:s12+$0xFFFFFFA0] =	vst v11;
	v9 =	vsel vm0, v9, v2;
	v10 =	vld [tilespmem:s31+$0xFFFFFF30]  }
0x2cb: {  	v11 =	vld [tilespmem:s31+$0xFFFFFFB0];
	[tilespmem:s12+$0x20] =	vst v9;
	vm0 =	vlt.u32 v8, $0x80000  }
0x2cc: {  	s13 =	simm.s32 $0x8300;
	v9 =	vld [tilespmem:s31+$0x30];
	v8 =	vsel vm0, v8, v3  }
0x2cd: {  	[tilespmem:s12+$0xB0] =	vst v8;
	v8 =	vld [tilespmem:s13+$0x80]  }
0x2ce: {  	v12 =	vld [tilespmem:s31+$0xC0]  }
0x2cf: {  	v13 =	vld [tilespmem:s13+$0xFFFFFF80];
	vm0 =	vlt.u32 v10, $0x80000  }
0x2d0: {  	v14 =	vld [tilespmem:s13+$0x0];
	vm1 =	vlt.u32 v11, $0x80000;
	v10 =	vsel vm0, v10, v3  }
0x2d1: {  	v11 =	vsel vm1, v11, v3;
	vm0 =	vlt.u32 v9, $0x80000;
	[tilespmem:s12+$0xFFFFFF30] =	vst v10;
	v10 =	vld [tilespmem:s13+$0xFFFFFF00]  }
0x2d2: {  	[tilespmem:s12+$0xFFFFFFB0] =	vst v11;
	v9 =	vsel vm0, v9, v3;
	v11 =	vld [tilespmem:s31+$0xFFFFFF40];
	vm0 =	vlt.u32 v8, $0x80000  }
0x2d3: {  	s14 =	simm.s32 $0xC300;
	[tilespmem:s12+$0x30] =	vst v9;
	v9 =	vld [tilespmem:s31+$0xFFFFFFC0];
	v8 =	vsel vm0, v8, v0;
	vm0 =	vlt.u32 v12, $0x80000  }
0x2d4: {  	vm1 =	vlt.u32 v13, $0x80000;
	[tilespmem:s14+$0x80] =	vst v8;
	v8 =	vld [tilespmem:s31+$0x40];
	v12 =	vsel vm0, v12, v4  }
0x2d5: {  	v13 =	vsel vm1, v13, v0;
	vm0 =	vlt.u32 v14, $0x80000;
	v15 =	vld [tilespmem:s13+$0x90];
	[tilespmem:s12+$0xC0] =	vst v12  }
0x2d6: {  	[tilespmem:s14+$0xFFFFFF80] =	vst v13;
	vm1 =	vlt.u32 v10, $0x80000;
	v12 =	vsel vm0, v14, v0;
	v13 =	vld [tilespmem:s31+$0xD0]  }
0x2d7: {  	v10 =	vsel vm1, v10, v0;
	v14 =	vld [tilespmem:s13+$0xFFFFFF90];
	vm0 =	vlt.u32 v11, $0x80000;
	[tilespmem:s14+$0x0] =	vst v12  }
0x2d8: {  	[tilespmem:s14+$0xFFFFFF00] =	vst v10;
	v11 =	vsel vm0, v11, v4;
	vm0 =	vlt.u32 v9, $0x80000;
	v10 =	vld [tilespmem:s13+$0x10]  }
0x2d9: {  	v12 =	vld [tilespmem:s13+$0xFFFFFF10];
	[tilespmem:s12+$0xFFFFFF40] =	vst v11;
	v9 =	vsel vm0, v9, v4;
	vm0 =	vlt.u32 v8, $0x80000  }
0x2da: {  	v11 =	vld [tilespmem:s31+$0xFFFFFF50];
	[tilespmem:s12+$0xFFFFFFC0] =	vst v9;
	vm1 =	vlt.u32 v15, $0x80000;
	v8 =	vsel vm0, v8, v4  }
0x2db: {  	v9 =	vsel vm1, v15, v1;
	v15 =	vld [tilespmem:s31+$0xFFFFFFD0];
	[tilespmem:s12+$0x40] =	vst v8;
	vm0 =	vlt.u32 v13, $0x80000  }
0x2dc: {  	vm1 =	vlt.u32 v14, $0x80000;
	[tilespmem:s14+$0x90] =	vst v9;
	v8 =	vld [tilespmem:s31+$0x50];
	v9 =	vsel vm0, v13, v7  }
0x2dd: {  	v13 =	vsel vm1, v14, v1;
	vm0 =	vlt.u32 v10, $0x80000;
	v14 =	vld [tilespmem:s13+$0xA0];
	[tilespmem:s12+$0xD0] =	vst v9  }
0x2de: {  	vm1 =	vlt.u32 v12, $0x80000;
	[tilespmem:s14+$0xFFFFFF90] =	vst v13;
	v9 =	vsel vm0, v10, v1;
	v10 =	vld [tilespmem:s31+$0xE0]  }
0x2df: {  	v12 =	vsel vm1, v12, v1;
	vm0 =	vlt.u32 v11, $0x80000;
	v13 =	vld [tilespmem:s13+$0xFFFFFFA0];
	[tilespmem:s14+$0x10] =	vst v9  }
0x2e0: {  	[tilespmem:s14+$0xFFFFFF10] =	vst v12;
	v11 =	vsel vm0, v11, v7;
	v9 =	vld [tilespmem:s13+$0x20];
	vm0 =	vlt.u32 v15, $0x80000  }
0x2e1: {  	v12 =	vld [tilespmem:s13+$0xFFFFFF20];
	[tilespmem:s12+$0xFFFFFF50] =	vst v11;
	v11 =	vsel vm0, v15, v7;
	vm0 =	vlt.u32 v8, $0x80000  }
0x2e2: {  	v15 =	vld [tilespmem:s31+$0xFFFFFF60];
	vm1 =	vlt.u32 v14, $0x80000;
	[tilespmem:s12+$0xFFFFFFD0] =	vst v11;
	v8 =	vsel vm0, v8, v7  }
0x2e3: {  	v11 =	vsel vm1, v14, v2;
	v62 =	vld [tilespmem:s31+$0xFFFFFFE0];
	[tilespmem:s12+$0x50] =	vst v8;
	vm0 =	vlt.u32 v10, $0x80000  }
0x2e4: {  	vm1 =	vlt.u32 v13, $0x80000;
	[tilespmem:s14+$0xA0] =	vst v11;
	v11 =	vld [tilespmem:s31+$0x60];
	v8 =	vsel vm0, v10, v6  }
0x2e5: {  	v10 =	vsel vm1, v13, v2;
	vm0 =	vlt.u32 v9, $0x80000;
	v17 =	vld [tilespmem:s13+$0xB0];
	[tilespmem:s12+$0xE0] =	vst v8  }
0x2e6: {  	vm1 =	vlt.u32 v12, $0x80000;
	[tilespmem:s14+$0xFFFFFFA0] =	vst v10;
	v8 =	vsel vm0, v9, v2;
	v63 =	vld [tilespmem:s31+$0xF0]  }
0x2e7: {  	v9 =	vsel vm1, v12, v2;
	v13 =	vld [tilespmem:s13+$0xFFFFFFB0];
	[tilespmem:s14+$0x20] =	vst v8;
	vm0 =	vlt.u32 v15, $0x80000  }
0x2e8: {  	[tilespmem:s14+$0xFFFFFF20] =	vst v9;
	v12 =	vld [tilespmem:s13+$0x30];
	v8 =	vsel vm0, v15, v6;
	vm0 =	vlt.u32 v62, $0x80000  }
0x2e9: {  	v14 =	vld [tilespmem:s13+$0xFFFFFF30];
	[tilespmem:s12+$0xFFFFFF60] =	vst v8;
	v9 =	vsel vm0, v62, v6;
	vm0 =	vlt.u32 v11, $0x80000  }
0x2ea: {  	v8 =	vld [tilespmem:s31+$0xFFFFFF70];
	vm1 =	vlt.u32 v17, $0x80000;
	[tilespmem:s12+$0xFFFFFFE0] =	vst v9;
	v10 =	vsel vm0, v11, v6  }
0x2eb: {  	v11 =	vsel vm1, v17, v3;
	v9 =	vld [tilespmem:s31+$0xFFFFFFF0];
	[tilespmem:s12+$0x60] =	vst v10;
	vm1 =	vlt.u32 v63, $0x80000  }
0x2ec: {  	s17 =	simm.s32 $0x8500;
	s16 =	simm.s32 $0x4;
	vm0 =	vlt.u32 v13, $0x80000;
	[tilespmem:s14+$0xB0] =	vst v11;
	v10 =	vld [tilespmem:s31+$0x70];
	v11 =	vsel vm1, v63, v5  }
.LBB2_19:
0x2ed: {  	v15 =	vld [tilespmem:s17+$0x80];
	v13 =	vsel vm0, v13, v3;
	vm0 =	vlt.u32 v12, $0x80000;
	[tilespmem:s12+$0xF0] =	vst v11  }
0x2ee: {  	s16 =	sadd.s32 $0x4, s16;
	vm1 =	vlt.u32 v14, $0x80000;
	[tilespmem:s14+$0xFFFFFFB0] =	vst v13;
	v11 =	vsel vm0, v12, v3;
	v12 =	vld [tilespmem:s13+$0xC0]  }
0x2ef: {  	p0 =	slt.u32 s16, $0x7C;
	v13 =	vld [tilespmem:s17+$0xFFFFFF80];
	v14 =	vsel vm1, v14, v3;
	[tilespmem:s14+$0x30] =	vst v11;
	vm0 =	vlt.u32 v8, $0x80000  }
0x2f0: {  	v11 =	vld [tilespmem:s17+$0x0];
	[tilespmem:s14+$0xFFFFFF30] =	vst v14;
	v8 =	vsel vm0, v8, v5;
	vm0 =	vlt.u32 v9, $0x80000  }
0x2f1: {  	v14 =	vld [tilespmem:s17+$0xFFFFFF00];
	[tilespmem:s12+$0xFFFFFF70] =	vst v8;
	v8 =	vsel vm0, v9, v5;
	vm0 =	vlt.u32 v10, $0x80000  }
0x2f2: {  	vm1 =	vlt.u32 v15, $0x80000;
	v9 =	vld [tilespmem:s13+$0xFFFFFF40];
	[tilespmem:s12+$0xFFFFFFF0] =	vst v8;
	v8 =	vsel vm0, v10, v5  }
0x2f3: {  	v10 =	vsel vm1, v15, v0;
	v15 =	vld [tilespmem:s13+$0xFFFFFFC0];
	vm0 =	vlt.u32 v12, $0x80000;
	[tilespmem:s12+$0x70] =	vst v8;
	s12 =	smov.u32 s14;
	s14 =	sadd.s32 $0x200, s14  }
0x2f4: {  	vm1 =	vlt.u32 v13, $0x80000;
	[tilespmem:s14+$0x80] =	vst v10;
	v8 =	vld [tilespmem:s13+$0x40];
	v10 =	vsel vm0, v12, v4  }
0x2f5: {  	v12 =	vsel vm1, v13, v0;
	vm0 =	vlt.u32 v11, $0x80000;
	v13 =	vld [tilespmem:s17+$0x90];
	[tilespmem:s12+$0xC0] =	vst v10  }
0x2f6: {  	vm1 =	vlt.u32 v14, $0x80000;
	[tilespmem:s14+$0xFFFFFF80] =	vst v12;
	v10 =	vsel vm0, v11, v0;
	v11 =	vld [tilespmem:s13+$0xD0]  }
0x2f7: {  	v12 =	vsel vm1, v14, v0;
	v14 =	vld [tilespmem:s17+$0xFFFFFF90];
	[tilespmem:s14+$0x0] =	vst v10;
	vm0 =	vlt.u32 v9, $0x80000  }
0x2f8: {  	[tilespmem:s14+$0xFFFFFF00] =	vst v12;
	v10 =	vld [tilespmem:s17+$0x10];
	v9 =	vsel vm0, v9, v4;
	vm0 =	vlt.u32 v15, $0x80000  }
0x2f9: {  	v12 =	vld [tilespmem:s17+$0xFFFFFF10];
	[tilespmem:s12+$0xFFFFFF40] =	vst v9;
	v9 =	vsel vm0, v15, v4;
	vm0 =	vlt.u32 v8, $0x80000  }
0x2fa: {  	vm1 =	vlt.u32 v13, $0x80000;
	v15 =	vld [tilespmem:s13+$0xFFFFFF50];
	[tilespmem:s12+$0xFFFFFFC0] =	vst v9;
	v8 =	vsel vm0, v8, v4  }
0x2fb: {  	v9 =	vsel vm1, v13, v1;
	v13 =	vld [tilespmem:s13+$0xFFFFFFD0];
	[tilespmem:s12+$0x40] =	vst v8;
	vm0 =	vlt.u32 v11, $0x80000  }
0x2fc: {  	vm1 =	vlt.u32 v14, $0x80000;
	[tilespmem:s14+$0x90] =	vst v9;
	v8 =	vld [tilespmem:s13+$0x50];
	v9 =	vsel vm0, v11, v7  }
0x2fd: {  	v11 =	vsel vm1, v14, v1;
	vm0 =	vlt.u32 v10, $0x80000;
	v14 =	vld [tilespmem:s17+$0xA0];
	[tilespmem:s12+$0xD0] =	vst v9  }
0x2fe: {  	vm1 =	vlt.u32 v12, $0x80000;
	[tilespmem:s14+$0xFFFFFF90] =	vst v11;
	v9 =	vsel vm0, v10, v1;
	v10 =	vld [tilespmem:s13+$0xE0]  }
0x2ff: {  	v11 =	vsel vm1, v12, v1;
	v12 =	vld [tilespmem:s17+$0xFFFFFFA0];
	[tilespmem:s14+$0x10] =	vst v9;
	vm0 =	vlt.u32 v15, $0x80000  }
0x300: {  	[tilespmem:s14+$0xFFFFFF10] =	vst v11;
	v9 =	vld [tilespmem:s17+$0x20];
	v11 =	vsel vm0, v15, v7;
	vm0 =	vlt.u32 v13, $0x80000  }
0x301: {  	v15 =	vld [tilespmem:s17+$0xFFFFFF20];
	[tilespmem:s12+$0xFFFFFF50] =	vst v11;
	v11 =	vsel vm0, v13, v7;
	vm0 =	vlt.u32 v8, $0x80000  }
0x302: {  	vm1 =	vlt.u32 v14, $0x80000;
	v16 =	vld [tilespmem:s13+$0xFFFFFF60];
	[tilespmem:s12+$0xFFFFFFD0] =	vst v11;
	v8 =	vsel vm0, v8, v7  }
0x303: {  	v11 =	vsel vm1, v14, v2;
	v17 =	vld [tilespmem:s13+$0xFFFFFFE0];
	[tilespmem:s12+$0x50] =	vst v8;
	vm0 =	vlt.u32 v10, $0x80000  }
0x304: {  	vm1 =	vlt.u32 v12, $0x80000;
	[tilespmem:s14+$0xA0] =	vst v11;
	v11 =	vld [tilespmem:s13+$0x60];
	v8 =	vsel vm0, v10, v6  }
0x305: {  	v10 =	vsel vm1, v12, v2;
	vm0 =	vlt.u32 v9, $0x80000;
	v18 =	vld [tilespmem:s17+$0xB0];
	[tilespmem:s12+$0xE0] =	vst v8  }
0x306: {  	vm1 =	vlt.u32 v15, $0x80000;
	[tilespmem:s14+$0xFFFFFFA0] =	vst v10;
	v8 =	vsel vm0, v9, v2;
	v19 =	vld [tilespmem:s13+$0xF0]  }
0x307: {  	v9 =	vsel vm1, v15, v2;
	v13 =	vld [tilespmem:s17+$0xFFFFFFB0];
	[tilespmem:s14+$0x20] =	vst v8;
	vm0 =	vlt.u32 v16, $0x80000  }
.Ltmp9:
0x308: {  	[tilespmem:s14+$0xFFFFFF20] =	vst v9;
	v12 =	vld [tilespmem:s17+$0x30];
	v8 =	vsel vm0, v16, v6;
	vm0 =	vlt.u32 v17, $0x80000;
	(pc) =	sbr.rel @p0 .LBB2_19-.Ltmp9, $4  }
0x309: {  	v14 =	vld [tilespmem:s17+$0xFFFFFF30];
	[tilespmem:s12+$0xFFFFFF60] =	vst v8;
	v9 =	vsel vm0, v17, v6;
	vm0 =	vlt.u32 v11, $0x80000  }
0x30a: {  	vm1 =	vlt.u32 v18, $0x80000;
	v8 =	vld [tilespmem:s13+$0xFFFFFF70];
	[tilespmem:s12+$0xFFFFFFE0] =	vst v9;
	v10 =	vsel vm0, v11, v6  }
0x30b: {  	v11 =	vsel vm1, v18, v3;
	v9 =	vld [tilespmem:s13+$0xFFFFFFF0];
	[tilespmem:s12+$0x60] =	vst v10;
	vm1 =	vlt.u32 v19, $0x80000  }
0x30c: {  	vm0 =	vlt.u32 v13, $0x80000;
	[tilespmem:s14+$0xB0] =	vst v11;
	v10 =	vld [tilespmem:s13+$0x70];
	v11 =	vsel vm1, v19, v5;
	s13 =	smov.u32 s17;
	s17 =	sadd.s32 $0x200, s17  }
0x30d: {  	_ = 	snop  }
0x30e: {  	vm1 =	vlt.u32 v14, $0x80000  }
0x30f: {  	v14 =	vsel vm1, v14, v3  }
0x310: {  	v13 =	vsel vm0, v13, v3;
	vm8 =	vlt.u32 v12, $0x80000;
	v15 =	vld [tilespmem:s13+$0xC0];
	[tilespmem:s14+$0xFFFFFF30] =	vst v14  }
0x311: {  	[tilespmem:s14+$0xFFFFFFB0] =	vst v13;
	v12 =	vsel vm8, v12, v3;
	v53 =	vld [tilespmem:s13+$0xFFFFFF40]  }
0x312: {  	[tilespmem:s14+$0x30] =	vst v12;
	v54 =	vld [tilespmem:s13+$0xFFFFFFC0]  }
0x313: {  	v55 =	vld [tilespmem:s13+$0x40];
	_ =	sdelay $0x1  }
0x314: {  	vm9 =	vlt.u32 v15, $0x80000  }
0x315: {  	v15 =	vsel vm9, v15, v4;
	vm10 =	vlt.u32 v53, $0x80000  }
0x316: {  	[tilespmem:s14+$0xC0] =	vst v15;
	vm11 =	vlt.u32 v54, $0x80000;
	v13 =	vsel vm10, v53, v4  }
0x317: {  	v15 =	vld [tilespmem:s13+$0xD0];
	v12 =	vsel vm11, v54, v4;
	vm12 =	vlt.u32 v55, $0x80000;
	[tilespmem:s14+$0xFFFFFF40] =	vst v13  }
0x318: {  	[tilespmem:s14+$0xFFFFFFC0] =	vst v12;
	v56 =	vsel vm12, v55, v4;
	v13 =	vld [tilespmem:s13+$0xFFFFFF50]  }
0x319: {  	v57 =	vld [tilespmem:s13+$0xFFFFFFD0];
	[tilespmem:s14+$0x40] =	vst v56  }
0x31a: {  	v12 =	vld [tilespmem:s13+$0x50];
	_ =	sdelay $0x1  }
0x31b: {  	vm13 =	vlt.u32 v15, $0x80000  }
0x31c: {  	v15 =	vsel vm13, v15, v7;
	vm14 =	vlt.u32 v13, $0x80000  }
0x31d: {  	[tilespmem:s14+$0xD0] =	vst v15;
	vm15 =	vlt.u32 v57, $0x80000;
	v13 =	vsel vm14, v13, v7  }
0x31e: {  	v15 =	vld [tilespmem:s13+$0xE0];
	v58 =	vsel vm15, v57, v7;
	vm4 =	vlt.u32 v12, $0x80000;
	[tilespmem:s14+$0xFFFFFF50] =	vst v13  }
0x31f: {  	[tilespmem:s14+$0xFFFFFFD0] =	vst v58;
	v12 =	vsel vm4, v12, v7;
	v59 =	vld [tilespmem:s13+$0xFFFFFF60]  }
0x320: {  	[tilespmem:s14+$0x50] =	vst v12;
	v13 =	vld [tilespmem:s13+$0xFFFFFFE0]  }
0x321: {  	v12 =	vld [tilespmem:s13+$0x60];
	_ =	sdelay $0x1  }
0x322: {  	vm5 =	vlt.u32 v15, $0x80000  }
0x323: {  	v15 =	vsel vm5, v15, v6;
	vm6 =	vlt.u32 v59, $0x80000  }
0x324: {  	[tilespmem:s14+$0xE0] =	vst v15;
	vm7 =	vlt.u32 v13, $0x80000;
	v14 =	vsel vm6, v59, v6  }
0x325: {  	v60 =	vld [tilespmem:s13+$0xF0];
	vm8 =	vlt.u32 v12, $0x80000;
	v13 =	vsel vm7, v13, v6;
	[tilespmem:s14+$0xFFFFFF60] =	vst v14  }
0x326: {  	v12 =	vsel vm8, v12, v6;
	[tilespmem:s14+$0xFFFFFFE0] =	vst v13;
	v61 =	vld [tilespmem:s13+$0xFFFFFF70]  }
0x327: {  	vm9 =	vlt.u32 v8, $0x80000;
	[tilespmem:s14+$0x60] =	vst v12;
	v62 =	vld [tilespmem:s13+$0xFFFFFFF0]  }
0x328: {  	[tilespmem:s12+$0xF0] =	vst v11;
	v8 =	vsel vm9, v8, v5;
	vm10 =	vlt.u32 v9, $0x80000;
	v63 =	vld [tilespmem:s13+$0x70]  }
0x329: {  	[tilespmem:s12+$0xFFFFFF70] =	vst v8;
	vm11 =	vlt.u32 v10, $0x80000;
	v8 =	vsel vm10, v9, v5  }
0x32a: {  	[tilespmem:s12+$0xFFFFFFF0] =	vst v8;
	v8 =	vsel vm11, v10, v5;
	vm12 =	vlt.u32 v60, $0x80000  }
0x32b: {  	[tilespmem:s12+$0x70] =	vst v8;
	v8 =	vsel vm12, v60, v5;
	vm13 =	vlt.u32 v61, $0x80000  }
0x32c: {  	[tilespmem:s14+$0xF0] =	vst v8;
	vm14 =	vlt.u32 v62, $0x80000;
	v8 =	vsel vm13, v61, v5  }
0x32d: {  	vm15 =	vlt.u32 v63, $0x80000;
	[tilespmem:s14+$0xFFFFFF70] =	vst v8;
	v8 =	vsel vm14, v62, v5  }
0x32e: {  	[tilespmem:s14+$0xFFFFFFF0] =	vst v8;
	v8 =	vsel vm15, v63, v5  }
0x32f: {  	s30 =	simm.s32 $0x10080;
	s31 =	simm.s32 $0x2;
	[tilespmem:s14+$0x70] =	vst v8  }
0x330: {  	[spmem:s5] =	stream.linear.scatter [tilespmem:s30], [sflag:$0x2], $0x4000, $0x38;
	[tilespmem:$0x1C100] =	vst v63  }
0x331: {  	_ =	swait.ge [sflag:s31], $0x4000  }
0x332: {  	[sflag:s31] =	ssyncset.done $0x0  }
0x333: {  	[sflag:s31] =	ssyncadd.s32 $0xFFFFC000  }
0x334: {  	[spmem:s6] =	stream.linear.scatter [tilespmem:s30], [sflag:$0x2], $0x4000, $0x38;
	[tilespmem:$0x1C100] =	vst v63  }
0x335: {  	_ =	swait.ge [sflag:s31], $0x4000  }
0x336: {  	[sflag:s31] =	ssyncset.done $0x0  }
0x337: {  	s15 =	simm.s32 $0x80;
	[sflag:s31] =	ssyncadd.s32 $0xFFFFC000  }
0x338: {  	s12 =	simm.s32 $0x0;
	s13 =	simm.s32 $0x10000;
	[bflag:$0x0] =	sbarrier.arrive $0xFFFF  }
.LBB2_21:
0x339: {  	p0 =	sne.s32 s12, $0xFE00  }
.Ltmp10:
0x33a: {  	_ = 	snop;
	(pc) =	sbr.rel @p0 .LBB2_21-.Ltmp10, $4  }
0x33b: {  	_ = 	snop  }
0x33c: {  	s14 =	sshra.s32 s12, $0x2  }
0x33d: {  	s12 =	sadd.s32 $0x200, s12;
	s14 =	sadd.s32 $0xC000, s14  }
0x33e: {  	[spmem:s2] =	stream.indirect.scatter.add.f32 [tilespmem:s13], [sflag:$0x1], $0x1, s14, s15, $0xb8;
	[tilespmem:$0x1C100] =	vst v63  }
0x33f: {  	s12 =	simm.s32 $0x1  }
0x340: {  	_ =	swait.ge [sflag:s12], $0x80  }
0x341: {  	s13 =	simm.s32 $0x7F;
	[sflag:s12] =	ssyncset.done $0x0  }
.LBB2_23:
0x342: {  	p0 =	sne.s32 s13, $0x1;
	s13 =	sadd.s32 $0xFFFFFFFF, s13;
	[sflag:s12] =	ssyncadd.s32 $0xFFFFFF80  }
.Ltmp11:
0x343: {  	(pc) =	sbr.rel @p0 .LBB2_23-.Ltmp11, $3  }
0x344: {  	_ =	sdelay $0x1  }
0x345: {  	_ =	swait.ge [sflag:s12], $0x80  }
0x346: {  	[sflag:s12] =	ssyncset.done $0x0  }
0x347: {  	[sflag:s12] =	ssyncadd.s32 $0xFFFFFF80;
	s3 =	sadd.s32 $0x10, s3  }
0x348: {  	s29 =	simm.s32 $0x1;
	s13 =	simm.s32 $0x20;
	s14 =	simm.s32 $0x10  }
0x349: {  	s30 =	simm.s32 $0x2;
	s9 =	sadd.s32 s9, s3;
	[bflag:$0x0] =	sbarrier.arrive $0xFFFF  }
0x34a: {  	[hbm:s9@s13], [sflag:s4] =	dma.strided [spmem:s7@s14], $0x800, s29, $0x10   }
0x34b: {  	_ =	swait.ge [sflag:s30], $0x800  }
0x34c: {  	[sflag:s30] =	ssyncset.done $0x0  }
0x34d: {  	s3 =	sadd.s32 s11, s3;
	[sflag:s30] =	ssyncadd.s32 $0xFFFFF800  }
0x34e: {  	[hbm:s3@s13], [sflag:s4] =	dma.strided [spmem:s8@s14], $0x800, s29, $0x10   }
0x34f: {  	_ =	swait.ge [sflag:s30], $0x800  }
0x350: {  	[sflag:s30] =	ssyncset.done $0x0  }
0x351: {  	s31 =	simm.s32 $0x8100;
	[sflag:s30] =	ssyncadd.s32 $0xFFFFF800  }
0x352: {  	v8 =	vld [tilespmem:s31+$0x80];
	_ =	sdelay $0x4  }
0x353: {  	v9 =	vand.u32 $0xFFF80000, v8  }
0x354: {  	v8 =	vadd.s32 $0xFFF80000, v8;
	vm0 =	veq.s32 v9, $0x80000  }
0x355: {  	s3 =	simm.s32 $0xC100;
	v8 =	vsel vm0, v8, v0  }
0x356: {  	[tilespmem:s3+$0x80] =	vst v8  }
0x357: {  	v8 =	vld [tilespmem:s31+$0x90];
	_ =	sdelay $0x2  }
0x358: {  	v9 =	vld [tilespmem:s31+$0xFFFFFF00];
	_ =	sdelay $0x1  }
0x359: {  	v10 =	vld [tilespmem:s31+$0xFFFFFF80];
	v11 =	vand.u32 $0xFFF80000, v8  }
0x35a: {  	v8 =	vadd.s32 $0xFFF80000, v8;
	vm0 =	veq.s32 v11, $0x80000  }
0x35b: {  	v11 =	vld [tilespmem:s31+$0x0];
	v8 =	vsel vm0, v8, v1  }
0x35c: {  	v12 =	vand.u32 $0xFFF80000, v9;
	[tilespmem:s3+$0x90] =	vst v8  }
0x35d: {  	v9 =	vadd.s32 $0xFFF80000, v9;
	vm0 =	veq.s32 v12, $0x80000;
	v12 =	vld [tilespmem:s31+$0xA0]  }
0x35e: {  	v8 =	vand.u32 $0xFFF80000, v10;
	v9 =	vsel vm0, v9, v0  }
0x35f: {  	vm1 =	veq.s32 v8, $0x80000;
	v8 =	vadd.s32 $0xFFF80000, v10;
	[tilespmem:s3+$0xFFFFFF00] =	vst v9  }
0x360: {  	v8 =	vsel vm1, v8, v0;
	v10 =	vld [tilespmem:s31+$0xFFFFFF10];
	v9 =	vand.u32 $0xFFF80000, v11  }
0x361: {  	[tilespmem:s3+$0xFFFFFF80] =	vst v8;
	v8 =	vadd.s32 $0xFFF80000, v11;
	vm0 =	veq.s32 v9, $0x80000  }
0x362: {  	v9 =	vld [tilespmem:s31+$0xFFFFFF90];
	v8 =	vsel vm0, v8, v0;
	v11 =	vand.u32 $0xFFF80000, v12  }
0x363: {  	[tilespmem:s3+$0x0] =	vst v8;
	v8 =	vadd.s32 $0xFFF80000, v12;
	vm0 =	veq.s32 v11, $0x80000  }
0x364: {  	v11 =	vld [tilespmem:s31+$0x10];
	v8 =	vsel vm0, v8, v2  }
0x365: {  	v12 =	vand.u32 $0xFFF80000, v10;
	[tilespmem:s3+$0xA0] =	vst v8  }
0x366: {  	vm0 =	veq.s32 v12, $0x80000;
	v8 =	vadd.s32 $0xFFF80000, v10;
	v12 =	vld [tilespmem:s31+$0xB0]  }
0x367: {  	v10 =	vand.u32 $0xFFF80000, v9;
	v8 =	vsel vm0, v8, v1  }
0x368: {  	v9 =	vadd.s32 $0xFFF80000, v9;
	vm1 =	veq.s32 v10, $0x80000;
	[tilespmem:s3+$0xFFFFFF10] =	vst v8  }
0x369: {  	v9 =	vsel vm1, v9, v1;
	v8 =	vand.u32 $0xFFF80000, v11;
	v10 =	vld [tilespmem:s31+$0xFFFFFF20]  }
0x36a: {  	[tilespmem:s3+$0xFFFFFF90] =	vst v9;
	v9 =	vadd.s32 $0xFFF80000, v11;
	vm0 =	veq.s32 v8, $0x80000  }
0x36b: {  	v8 =	vld [tilespmem:s31+$0xFFFFFFA0];
	v9 =	vsel vm0, v9, v1;
	v11 =	vand.u32 $0xFFF80000, v12  }
0x36c: {  	[tilespmem:s3+$0x10] =	vst v9;
	v9 =	vadd.s32 $0xFFF80000, v12;
	vm0 =	veq.s32 v11, $0x80000  }
0x36d: {  	v11 =	vld [tilespmem:s31+$0x20];
	v9 =	vsel vm0, v9, v3  }
0x36e: {  	v12 =	vand.u32 $0xFFF80000, v10;
	[tilespmem:s3+$0xB0] =	vst v9  }
0x36f: {  	vm0 =	veq.s32 v12, $0x80000;
	v12 =	vld [tilespmem:s31+$0xC0]  }
0x370: {  	v9 =	vadd.s32 $0xFFF80000, v10;
	v10 =	vand.u32 $0xFFF80000, v8  }
0x371: {  	v8 =	vadd.s32 $0xFFF80000, v8;
	vm1 =	veq.s32 v10, $0x80000;
	v9 =	vsel vm0, v9, v2  }
0x372: {  	v8 =	vsel vm1, v8, v2;
	[tilespmem:s3+$0xFFFFFF20] =	vst v9;
	v9 =	vand.u32 $0xFFF80000, v11  }
0x373: {  	s11 =	simm.s32 $0x8300;
	[tilespmem:s3+$0xFFFFFFA0] =	vst v8;
	v8 =	vadd.s32 $0xFFF80000, v11;
	vm0 =	veq.s32 v9, $0x80000  }
0x374: {  	v13 =	vld [tilespmem:s11+$0x80];
	v8 =	vsel vm0, v8, v2;
	v11 =	vand.u32 $0xFFF80000, v12  }
0x375: {  	v10 =	vld [tilespmem:s31+$0xFFFFFF30];
	[tilespmem:s3+$0x20] =	vst v8;
	v8 =	vadd.s32 $0xFFF80000, v12;
	vm0 =	veq.s32 v11, $0x80000  }
0x376: {  	v9 =	vld [tilespmem:s31+$0xFFFFFFB0];
	v8 =	vsel vm0, v8, v4  }
0x377: {  	v11 =	vld [tilespmem:s31+$0x30];
	[tilespmem:s3+$0xC0] =	vst v8  }
0x378: {  	v14 =	vld [tilespmem:s31+$0xD0]  }
0x379: {  	v15 =	vld [tilespmem:s11+$0xFFFFFF00];
	v16 =	vand.u32 $0xFFF80000, v13;
	v13 =	vadd.s32 $0xFFF80000, v13  }
0x37a: {  	vm1 =	veq.s32 v16, $0x80000;
	v12 =	vld [tilespmem:s11+$0xFFFFFF80];
	v8 =	vadd.s32 $0xFFF80000, v10;
	v10 =	vand.u32 $0xFFF80000, v10  }
0x37b: {  	vm0 =	veq.s32 v10, $0x80000;
	v10 =	vadd.s32 $0xFFF80000, v9;
	v9 =	vand.u32 $0xFFF80000, v9  }
0x37c: {  	s9 =	simm.s32 $0xC300;
	v13 =	vsel vm1, v13, v0;
	vm2 =	veq.s32 v9, $0x80000;
	v9 =	vand.u32 $0xFFF80000, v11  }
0x37d: {  	[tilespmem:s9+$0x80] =	vst v13;
	v8 =	vsel vm0, v8, v3;
	vm0 =	veq.s32 v9, $0x80000;
	v9 =	vld [tilespmem:s11+$0x0];
	v16 =	vand.u32 $0xFFF80000, v14  }
0x37e: {  	v17 =	vld [tilespmem:s11+$0x90];
	v10 =	vsel vm2, v10, v3;
	[tilespmem:s3+$0xFFFFFF30] =	vst v8;
	v8 =	vadd.s32 $0xFFF80000, v14;
	vm1 =	veq.s32 v16, $0x80000  }
0x37f: {  	v13 =	vand.u32 $0xFFF80000, v12;
	[tilespmem:s3+$0xFFFFFFB0] =	vst v10;
	v10 =	vld [tilespmem:s31+$0xFFFFFF40];
	v14 =	vand.u32 $0xFFF80000, v15;
	v8 =	vsel vm1, v8, v7  }
0x380: {  	v12 =	vadd.s32 $0xFFF80000, v12;
	v15 =	vadd.s32 $0xFFF80000, v15;
	vm1 =	veq.s32 v14, $0x80000;
	v14 =	vld [tilespmem:s31+$0xFFFFFFC0];
	[tilespmem:s3+$0xD0] =	vst v8  }
0x381: {  	v11 =	vadd.s32 $0xFFF80000, v11;
	vm2 =	veq.s32 v13, $0x80000;
	v8 =	vsel vm1, v15, v0;
	v15 =	vld [tilespmem:s31+$0xE0]  }
0x382: {  	v12 =	vsel vm2, v12, v0;
	v11 =	vsel vm0, v11, v3;
	v13 =	vand.u32 $0xFFF80000, v9;
	[tilespmem:s9+$0xFFFFFF00] =	vst v8  }
0x383: {  	[tilespmem:s9+$0xFFFFFF80] =	vst v12;
	v12 =	vand.u32 $0xFFF80000, v17;
	vm0 =	veq.s32 v13, $0x80000;
	v8 =	vadd.s32 $0xFFF80000, v9;
	v9 =	vld [tilespmem:s11+$0xFFFFFF10]  }
0x384: {  	[tilespmem:s3+$0x30] =	vst v11;
	v11 =	vld [tilespmem:s11+$0xFFFFFF90];
	v13 =	vadd.s32 $0xFFF80000, v17;
	v8 =	vsel vm0, v8, v0;
	vm0 =	veq.s32 v12, $0x80000  }
0x385: {  	v16 =	vand.u32 $0xFFF80000, v10;
	v10 =	vadd.s32 $0xFFF80000, v10;
	v12 =	vld [tilespmem:s31+$0x40];
	[tilespmem:s9+$0x0] =	vst v8;
	v8 =	vsel vm0, v13, v1  }
0x386: {  	vm0 =	veq.s32 v16, $0x80000;
	v13 =	vand.u32 $0xFFF80000, v14;
	v16 =	vld [tilespmem:s11+$0x10];
	[tilespmem:s9+$0x90] =	vst v8;
	v8 =	vand.u32 $0xFFF80000, v15  }
0x387: {  	v10 =	vsel vm0, v10, v4;
	v17 =	vld [tilespmem:s11+$0xA0];
	v15 =	vadd.s32 $0xFFF80000, v15;
	vm0 =	veq.s32 v8, $0x80000  }
0x388: {  	[tilespmem:s3+$0xFFFFFF40] =	vst v10;
	v8 =	vadd.s32 $0xFFF80000, v9;
	v9 =	vand.u32 $0xFFF80000, v9;
	v10 =	vsel vm0, v15, v6  }
0x389: {  	vm0 =	veq.s32 v9, $0x80000;
	v9 =	vand.u32 $0xFFF80000, v11;
	v11 =	vadd.s32 $0xFFF80000, v11  }
0x38a: {  	v15 =	vld [tilespmem:s31+$0xFFFFFF50];
	[tilespmem:s3+$0xE0] =	vst v10;
	vm1 =	veq.s32 v9, $0x80000;
	v8 =	vsel vm0, v8, v1;
	v9 =	vand.u32 $0xFFF80000, v12  }
0x38b: {  	v10 =	vand.u32 $0xFFF80000, v16;
	v18 =	vld [tilespmem:s31+$0xF0];
	v11 =	vsel vm1, v11, v1;
	[tilespmem:s9+$0xFFFFFF10] =	vst v8;
	v8 =	vadd.s32 $0xFFF80000, v16  }
0x38c: {  	vm0 =	veq.s32 v10, $0x80000;
	vm1 =	veq.s32 v13, $0x80000;
	v10 =	vld [tilespmem:s11+$0xFFFFFF20];
	[tilespmem:s9+$0xFFFFFF90] =	vst v11;
	v11 =	vand.u32 $0xFFF80000, v17  }
0x38d: {  	v8 =	vsel vm0, v8, v1;
	v17 =	vadd.s32 $0xFFF80000, v17;
	v16 =	vld [tilespmem:s11+$0xFFFFFFA0];
	vm0 =	veq.s32 v11, $0x80000  }
0x38e: {  	vm2 =	veq.s32 v9, $0x80000;
	[tilespmem:s9+$0x10] =	vst v8;
	v11 =	vadd.s32 $0xFFF80000, v12;
	v8 =	vsel vm0, v17, v2  }
0x38f: {  	v9 =	vadd.s32 $0xFFF80000, v14;
	v12 =	vand.u32 $0xFFF80000, v15;
	v13 =	vld [tilespmem:s11+$0x20];
	v11 =	vsel vm2, v11, v4;
	[tilespmem:s9+$0xA0] =	vst v8  }
0x390: {  	v8 =	vsel vm1, v9, v4;
	vm0 =	veq.s32 v12, $0x80000;
	v9 =	vadd.s32 $0xFFF80000, v15;
	[tilespmem:s3+$0x40] =	vst v11;
	v12 =	vld [tilespmem:s11+$0xB0]  }
0x391: {  	[tilespmem:s3+$0xFFFFFFC0] =	vst v8;
	v8 =	vand.u32 $0xFFF80000, v18;
	v9 =	vsel vm0, v9, v7  }
0x392: {  	v17 =	vld [tilespmem:s31+$0x50];
	v11 =	vadd.s32 $0xFFF80000, v10;
	v10 =	vand.u32 $0xFFF80000, v10;
	v15 =	vand.u32 $0xFFF80000, v16  }
0x393: {  	v14 =	vld [tilespmem:s31+$0xFFFFFFD0];
	vm0 =	veq.s32 v10, $0x80000;
	v10 =	vadd.s32 $0xFFF80000, v16;
	vm1 =	veq.s32 v15, $0x80000  }
0x394: {  	[tilespmem:s3+$0xFFFFFF50] =	vst v9;
	v9 =	vadd.s32 $0xFFF80000, v13;
	v13 =	vand.u32 $0xFFF80000, v13;
	v11 =	vsel vm0, v11, v2  }
0x395: {  	v15 =	vld [tilespmem:s31+$0xFFFFFF60];
	v10 =	vsel vm1, v10, v2;
	vm0 =	veq.s32 v13, $0x80000;
	[tilespmem:s9+$0xFFFFFF20] =	vst v11;
	v11 =	vand.u32 $0xFFF80000, v12  }
0x396: {  	v9 =	vsel vm0, v9, v2;
	v13 =	vld [tilespmem:s11+$0xFFFFFF30];
	[tilespmem:s9+$0xFFFFFFA0] =	vst v10;
	v10 =	vadd.s32 $0xFFF80000, v12;
	vm0 =	veq.s32 v11, $0x80000  }
0x397: {  	vm1 =	veq.s32 v8, $0x80000;
	v11 =	vadd.s32 $0xFFF80000, v18;
	v12 =	vld [tilespmem:s11+$0xFFFFFFB0];
	[tilespmem:s9+$0x20] =	vst v9;
	v9 =	vsel vm0, v10, v3  }
0x398: {  	v8 =	vsel vm1, v11, v5;
	v10 =	vand.u32 $0xFFF80000, v14;
	v11 =	vand.u32 $0xFFF80000, v17;
	v16 =	vld [tilespmem:s11+$0x30];
	[tilespmem:s9+$0xB0] =	vst v9  }
0x399: {  	vm0 =	veq.s32 v10, $0x80000;
	vm1 =	veq.s32 v11, $0x80000;
	v9 =	vadd.s32 $0xFFF80000, v14;
	v10 =	vld [tilespmem:s11+$0xC0]  }
0x39a: {  	v11 =	vand.u32 $0xFFF80000, v15;
	v14 =	vadd.s32 $0xFFF80000, v17;
	v9 =	vsel vm0, v9, v7  }
0x39b: {  	vm0 =	veq.s32 v11, $0x80000;
	v11 =	vsel vm1, v14, v7;
	v14 =	vadd.s32 $0xFFF80000, v15;
	[tilespmem:s3+$0xFFFFFFD0] =	vst v9  }
0x39c: {  	v9 =	vadd.s32 $0xFFF80000, v13;
	v13 =	vand.u32 $0xFFF80000, v13;
	v14 =	vsel vm0, v14, v6;
	[tilespmem:s3+$0x50] =	vst v11;
	v15 =	vld [tilespmem:s31+$0xFFFFFFE0]  }
0x39d: {  	vm0 =	veq.s32 v13, $0x80000;
	v11 =	vadd.s32 $0xFFF80000, v12;
	v12 =	vand.u32 $0xFFF80000, v12;
	[tilespmem:s3+$0xFFFFFF60] =	vst v14;
	v13 =	vld [tilespmem:s31+$0x60]  }
0x39e: {  	vm1 =	veq.s32 v12, $0x80000;
	v12 =	vadd.s32 $0xFFF80000, v16;
	v14 =	vld [tilespmem:s31+$0xFFFFFF70];
	v17 =	vand.u32 $0xFFF80000, v10  }
0x39f: {  	s12 =	simm.s32 $0x8500;
	v16 =	vand.u32 $0xFFF80000, v16;
	v10 =	vadd.s32 $0xFFF80000, v10;
	vm2 =	veq.s32 v17, $0x80000  }
0x3a0: {  	v9 =	vsel vm0, v9, v3;
	vm0 =	veq.s32 v16, $0x80000;
	v16 =	vld [tilespmem:s12+$0x80];
	v10 =	vsel vm2, v10, v4  }
0x3a1: {  	v50 =	vld [tilespmem:s12+$0xFFFFFF80];
	v11 =	vsel vm1, v11, v3;
	v12 =	vsel vm0, v12, v3;
	v17 =	vand.u32 $0xFFF80000, v15;
	[tilespmem:s9+$0xC0] =	vst v10  }
0x3a2: {  	v10 =	vadd.s32 $0xFFF80000, v15;
	vm0 =	veq.s32 v17, $0x80000;
	v15 =	vand.u32 $0xFFF80000, v13;
	v17 =	vld [tilespmem:s11+$0xD0]  }
0x3a3: {  	v19 =	vld [tilespmem:s12+$0x0];
	[tilespmem:s9+$0xFFFFFF30] =	vst v9;
	v13 =	vadd.s32 $0xFFF80000, v13;
	v20 =	vand.u32 $0xFFF80000, v14;
	v14 =	vadd.s32 $0xFFF80000, v14  }
0x3a4: {  	[tilespmem:s9+$0xFFFFFFB0] =	vst v11;
	v10 =	vsel vm0, v10, v6;
	vm0 =	veq.s32 v15, $0x80000;
	v15 =	vld [tilespmem:s12+$0xFFFFFF00];
	vm1 =	veq.s32 v20, $0x80000  }
0x3a5: {  	[tilespmem:s9+$0x30] =	vst v12;
	v12 =	vld [tilespmem:s11+$0xFFFFFFC0];
	v51 =	vand.u32 $0xFFF80000, v16;
	v16 =	vadd.s32 $0xFFF80000, v16;
	v13 =	vsel vm0, v13, v6  }
0x3a6: {  	v11 =	vld [tilespmem:s11+$0xFFFFFF40];
	v9 =	vsel vm1, v14, v5;
	v14 =	vand.u32 $0xFFF80000, v50;
	vm0 =	veq.s32 v51, $0x80000;
	[tilespmem:s3+$0xFFFFFFE0] =	vst v10  }
0x3a7: {  	s13 =	simm.s32 $0xC500;
	vm1 =	veq.s32 v14, $0x80000;
	v14 =	vsel vm0, v16, v0;
	[tilespmem:s3+$0x60] =	vst v13;
	v13 =	vld [tilespmem:s31+$0xFFFFFFF0];
	v16 =	vand.u32 $0xFFF80000, v17  }
0x3a8: {  	v21 =	vand.u32 $0xFFF80000, v19;
	v52 =	vld [tilespmem:s11+$0x40];
	[tilespmem:s13+$0x80] =	vst v14;
	v14 =	vadd.s32 $0xFFF80000, v17;
	vm0 =	veq.s32 v16, $0x80000  }
0x3a9: {  	vm2 =	veq.s32 v21, $0x80000;
	v17 =	vld [tilespmem:s12+$0x90];
	v16 =	vand.u32 $0xFFF80000, v15;
	v14 =	vsel vm0, v14, v7  }
0x3aa: {  	v54 =	vand.u32 $0xFFF80000, v12;
	v15 =	vadd.s32 $0xFFF80000, v15;
	vm0 =	veq.s32 v16, $0x80000;
	[tilespmem:s9+$0xD0] =	vst v14  }
0x3ab: {  	[tilespmem:s3+$0xF0] =	vst v8;
	v12 =	vadd.s32 $0xFFF80000, v12;
	v16 =	vadd.s32 $0xFFF80000, v50;
	v14 =	vsel vm0, v15, v0;
	v53 =	vld [tilespmem:s11+$0xE0]  }
0x3ac: {  	v8 =	vadd.s32 $0xFFF80000, v13;
	v15 =	vsel vm1, v16, v0;
	v16 =	vadd.s32 $0xFFF80000, v19;
	[tilespmem:s13+$0xFFFFFF00] =	vst v14  }
0x3ad: {  	vm0 =	veq.s32 v54, $0x80000;
	v14 =	vsel vm2, v16, v0;
	v16 =	vand.u32 $0xFFF80000, v11;
	[tilespmem:s13+$0xFFFFFF80] =	vst v15;
	v55 =	vld [tilespmem:s12+$0xFFFFFF10]  }
0x3ae: {  	v15 =	vand.u32 $0xFFF80000, v52;
	vm2 =	veq.s32 v16, $0x80000;
	v16 =	vld [tilespmem:s12+$0xFFFFFF90];
	[tilespmem:s13+$0x0] =	vst v14;
	v14 =	vand.u32 $0xFFF80000, v17  }
0x3af: {  	v56 =	vld [tilespmem:s31+$0x70];
	vm1 =	veq.s32 v15, $0x80000;
	v15 =	vadd.s32 $0xFFF80000, v17;
	vm3 =	veq.s32 v14, $0x80000  }
0x3b0: {  	v11 =	vadd.s32 $0xFFF80000, v11;
	v10 =	vld [tilespmem:s12+$0x10];
	v14 =	vsel vm3, v15, v1;
	v17 =	vand.u32 $0xFFF80000, v53  }
0x3b1: {  	v11 =	vsel vm2, v11, v4;
	[tilespmem:s13+$0x90] =	vst v14;
	v14 =	vadd.s32 $0xFFF80000, v53;
	vm2 =	veq.s32 v17, $0x80000  }
0x3b2: {  	[tilespmem:s9+$0xFFFFFF40] =	vst v11;
	v58 =	vld [tilespmem:s12+$0xA0];
	v17 =	vadd.s32 $0xFFF80000, v55;
	v57 =	vand.u32 $0xFFF80000, v55;
	v11 =	vsel vm2, v14, v6  }
0x3b3: {  	v59 =	vld [tilespmem:s11+$0xFFFFFF50];
	vm2 =	veq.s32 v57, $0x80000;
	v14 =	vadd.s32 $0xFFF80000, v16;
	v16 =	vand.u32 $0xFFF80000, v16;
	[tilespmem:s9+$0xE0] =	vst v11  }
0x3b4: {  	v60 =	vand.u32 $0xFFF80000, v56;
	vm3 =	veq.s32 v16, $0x80000;
	v16 =	vsel vm2, v17, v1;
	v17 =	vld [tilespmem:s11+$0xF0]  }
0x3b5: {  	v15 =	vadd.s32 $0xFFF80000, v52;
	v11 =	vand.u32 $0xFFF80000, v10;
	v10 =	vadd.s32 $0xFFF80000, v10  }
0x3b6: {  	v14 =	vsel vm3, v14, v1;
	vm2 =	veq.s32 v11, $0x80000;
	[tilespmem:s13+$0xFFFFFF10] =	vst v16;
	v11 =	vsel vm0, v12, v4  }
0x3b7: {  	v12 =	vsel vm1, v15, v4;
	v10 =	vsel vm2, v10, v1;
	v15 =	vld [tilespmem:s12+$0xFFFFFF20];
	[tilespmem:s13+$0xFFFFFF90] =	vst v14;
	v14 =	vand.u32 $0xFFF80000, v58  }
0x3b8: {  	v20 =	vadd.s32 $0xFFF80000, v58;
	[tilespmem:s13+$0x10] =	vst v10;
	v10 =	vld [tilespmem:s12+$0xFFFFFFA0];
	vm0 =	veq.s32 v14, $0x80000;
	v14 =	vand.u32 $0xFFF80000, v59  }
0x3b9: {  	[tilespmem:s9+$0xFFFFFFC0] =	vst v11;
	vm1 =	veq.s32 v14, $0x80000;
	v14 =	vld [tilespmem:s12+$0x20];
	v20 =	vsel vm0, v20, v2;
	v11 =	vand.u32 $0xFFF80000, v17  }
0x3ba: {  	v18 =	vadd.s32 $0xFFF80000, v59;
	[tilespmem:s13+$0xA0] =	vst v20;
	v17 =	vadd.s32 $0xFFF80000, v17;
	vm0 =	veq.s32 v11, $0x80000  }
0x3bb: {  	v16 =	vand.u32 $0xFFF80000, v13;
	[tilespmem:s9+$0x40] =	vst v12;
	v18 =	vsel vm1, v18, v7;
	v12 =	vld [tilespmem:s12+$0xB0];
	v17 =	vsel vm0, v17, v5  }
0x3bc: {  	v61 =	vld [tilespmem:s11+$0x50];
	vm0 =	veq.s32 v16, $0x80000;
	v16 =	vadd.s32 $0xFFF80000, v15;
	v15 =	vand.u32 $0xFFF80000, v15  }
0x3bd: {  	[tilespmem:s3+$0xFFFFFF70] =	vst v9;
	v11 =	vld [tilespmem:s11+$0xFFFFFFD0];
	vm2 =	veq.s32 v15, $0x80000;
	v15 =	vadd.s32 $0xFFF80000, v10;
	v10 =	vand.u32 $0xFFF80000, v10  }
0x3be: {  	v9 =	vadd.s32 $0xFFF80000, v56;
	[tilespmem:s9+$0xFFFFFF50] =	vst v18;
	vm3 =	veq.s32 v10, $0x80000;
	v10 =	vand.u32 $0xFFF80000, v14  }
0x3bf: {  	v18 =	vld [tilespmem:s11+$0xFFFFFF60];
	v16 =	vsel vm2, v16, v2;
	v14 =	vadd.s32 $0xFFF80000, v14;
	vm2 =	veq.s32 v10, $0x80000  }
0x3c0: {  	v15 =	vsel vm3, v15, v2;
	[tilespmem:s13+$0xFFFFFF20] =	vst v16;
	v10 =	vsel vm2, v14, v2;
	v14 =	vand.u32 $0xFFF80000, v12  }
0x3c1: {  	vm1 =	veq.s32 v60, $0x80000;
	[tilespmem:s13+$0xFFFFFFA0] =	vst v15;
	v15 =	vld [tilespmem:s12+$0xFFFFFF30];
	v12 =	vadd.s32 $0xFFF80000, v12;
	vm2 =	veq.s32 v14, $0x80000  }
0x3c2: {  	v16 =	vand.u32 $0xFFF80000, v11;
	v14 =	vand.u32 $0xFFF80000, v61;
	[tilespmem:s13+$0x20] =	vst v10;
	v10 =	vld [tilespmem:s12+$0xFFFFFFB0];
	v12 =	vsel vm2, v12, v3  }
0x3c3: {  	v11 =	vadd.s32 $0xFFF80000, v11;
	vm2 =	veq.s32 v16, $0x80000;
	vm3 =	veq.s32 v14, $0x80000;
	v14 =	vld [tilespmem:s12+$0x30];
	[tilespmem:s13+$0xB0] =	vst v12  }
0x3c4: {  	[tilespmem:s9+$0xF0] =	vst v17;
	v16 =	vadd.s32 $0xFFF80000, v61;
	v12 =	vand.u32 $0xFFF80000, v18;
	v11 =	vsel vm2, v11, v7;
	v62 =	vld [tilespmem:s12+$0xC0]  }
0x3c5: {  	v16 =	vsel vm3, v16, v7;
	vm2 =	veq.s32 v12, $0x80000;
	v12 =	vadd.s32 $0xFFF80000, v18;
	[tilespmem:s9+$0xFFFFFFD0] =	vst v11  }
0x3c6: {  	[tilespmem:s9+$0x50] =	vst v16;
	v17 =	vadd.s32 $0xFFF80000, v15;
	v13 =	vand.u32 $0xFFF80000, v15;
	v15 =	vsel vm2, v12, v6;
	v12 =	vld [tilespmem:s11+$0xFFFFFFE0]  }
0x3c7: {  	v11 =	vld [tilespmem:s11+$0x60];
	vm2 =	veq.s32 v13, $0x80000;
	v63 =	vadd.s32 $0xFFF80000, v10;
	v10 =	vand.u32 $0xFFF80000, v10  }
0x3c8: {  	[tilespmem:s9+$0xFFFFFF60] =	vst v15;
	vm3 =	veq.s32 v10, $0x80000;
	v13 =	vadd.s32 $0xFFF80000, v14;
	v10 =	vand.u32 $0xFFF80000, v14  }
0x3c9: {  	v14 =	vsel vm2, v17, v3;
	vm2 =	veq.s32 v10, $0x80000;
	v10 =	vld [tilespmem:s11+$0xFFFFFF70];
	v16 =	vand.u32 $0xFFF80000, v62  }
0x3ca: {  	s15 =	simm.s32 $0x8700;
	s14 =	simm.s32 $0x8;
	[tilespmem:s13+$0xFFFFFF30] =	vst v14;
	v15 =	vsel vm3, v63, v3;
	v14 =	vadd.s32 $0xFFF80000, v62;
	vm3 =	veq.s32 v16, $0x80000  }
.LBB2_25:
0x3cb: {  	v16 =	vld [tilespmem:s15+$0x80];
	s14 =	sadd.s32 $0x4, s14;
	[tilespmem:s13+$0xFFFFFFB0] =	vst v15;
	v13 =	vsel vm2, v13, v3;
	v14 =	vsel vm3, v14, v4;
	v15 =	vand.u32 $0xFFF80000, v12  }
0x3cc: {  	v12 =	vadd.s32 $0xFFF80000, v12;
	v17 =	vld [tilespmem:s15+$0xFFFFFF80];
	p0 =	slt.u32 s14, $0x7C;
	[tilespmem:s13+$0xC0] =	vst v14;
	vm2 =	veq.s32 v15, $0x80000;
	v14 =	vand.u32 $0xFFF80000, v11  }
0x3cd: {  	v11 =	vadd.s32 $0xFFF80000, v11;
	[tilespmem:s13+$0x30] =	vst v13;
	v13 =	vld [tilespmem:s12+$0xD0];
	v12 =	vsel vm2, v12, v6;
	vm2 =	veq.s32 v14, $0x80000  }
0x3ce: {  	v15 =	vadd.s32 $0xFFF80000, v10;
	v10 =	vand.u32 $0xFFF80000, v10;
	v14 =	vld [tilespmem:s15+$0x0];
	[tilespmem:s9+$0xFFFFFFE0] =	vst v12;
	v11 =	vsel vm2, v11, v6  }
0x3cf: {  	v8 =	vsel vm0, v8, v5;
	v9 =	vsel vm1, v9, v5;
	vm2 =	veq.s32 v10, $0x80000;
	v12 =	vld [tilespmem:s15+$0xFFFFFF00];
	[tilespmem:s9+$0x60] =	vst v11  }
0x3d0: {  	v15 =	vsel vm2, v15, v5;
	v10 =	vand.u32 $0xFFF80000, v16;
	v11 =	vld [tilespmem:s12+$0xFFFFFF40];
	[tilespmem:s3+$0xFFFFFFF0] =	vst v8  }
0x3d1: {  	v16 =	vadd.s32 $0xFFF80000, v16;
	v8 =	vand.u32 $0xFFF80000, v17;
	vm0 =	veq.s32 v10, $0x80000;
	v10 =	vld [tilespmem:s12+$0xFFFFFFC0];
	[tilespmem:s9+$0xFFFFFF70] =	vst v15  }
0x3d2: {  	vm1 =	veq.s32 v8, $0x80000;
	v8 =	vsel vm0, v16, v0;
	v15 =	vld [tilespmem:s12+$0x40];
	v16 =	vand.u32 $0xFFF80000, v13;
	[tilespmem:s3+$0x70] =	vst v9;
	s3 =	smov.u32 s9;
	s9 =	smov.u32 s13;
	s13 =	sadd.s32 $0x200, s13  }
0x3d3: {  	v13 =	vadd.s32 $0xFFF80000, v13;
	v9 =	vand.u32 $0xFFF80000, v14;
	[tilespmem:s13+$0x80] =	vst v8;
	vm0 =	veq.s32 v16, $0x80000;
	v8 =	vld [tilespmem:s11+$0xFFFFFFF0]  }
0x3d4: {  	v16 =	vand.u32 $0xFFF80000, v12;
	vm2 =	veq.s32 v9, $0x80000;
	v18 =	vld [tilespmem:s15+$0x90];
	v9 =	vsel vm0, v13, v7  }
0x3d5: {  	v12 =	vadd.s32 $0xFFF80000, v12;
	v13 =	vadd.s32 $0xFFF80000, v17;
	vm0 =	veq.s32 v16, $0x80000;
	[tilespmem:s9+$0xD0] =	vst v9;
	v9 =	vld [tilespmem:s11+$0x70];
	s11 =	smov.u32 s12;
	s12 =	smov.u32 s15  }
0x3d6: {  	v14 =	vadd.s32 $0xFFF80000, v14;
	v13 =	vsel vm1, v13, v0;
	v12 =	vsel vm0, v12, v0;
	v16 =	vld [tilespmem:s11+$0xE0]  }
0x3d7: {  	v17 =	vand.u32 $0xFFF80000, v10;
	[tilespmem:s13+$0xFFFFFF00] =	vst v12;
	v12 =	vsel vm2, v14, v0;
	v14 =	vand.u32 $0xFFF80000, v11  }
0x3d8: {  	vm0 =	veq.s32 v17, $0x80000;
	v19 =	vld [tilespmem:s15+$0xFFFFFF10];
	[tilespmem:s13+$0xFFFFFF80] =	vst v13;
	vm2 =	veq.s32 v14, $0x80000;
	v13 =	vand.u32 $0xFFF80000, v15  }
0x3d9: {  	v11 =	vadd.s32 $0xFFF80000, v11;
	v14 =	vld [tilespmem:s15+$0xFFFFFF90];
	[tilespmem:s13+$0x0] =	vst v12;
	v12 =	vand.u32 $0xFFF80000, v18;
	vm1 =	veq.s32 v13, $0x80000  }
0x3da: {  	v10 =	vadd.s32 $0xFFF80000, v10;
	v17 =	vadd.s32 $0xFFF80000, v18;
	v13 =	vld [tilespmem:s15+$0x10];
	vm3 =	veq.s32 v12, $0x80000  }
0x3db: {  	v15 =	vadd.s32 $0xFFF80000, v15;
	v12 =	vsel vm3, v17, v1;
	v17 =	vand.u32 $0xFFF80000, v16  }
0x3dc: {  	v11 =	vsel vm2, v11, v4;
	[tilespmem:s13+$0x90] =	vst v12;
	v12 =	vadd.s32 $0xFFF80000, v16;
	vm2 =	veq.s32 v17, $0x80000  }
0x3dd: {  	v16 =	vadd.s32 $0xFFF80000, v19;
	v17 =	vand.u32 $0xFFF80000, v19;
	v18 =	vld [tilespmem:s15+$0xA0];
	[tilespmem:s9+$0xFFFFFF40] =	vst v11;
	v11 =	vsel vm2, v12, v6  }
0x3de: {  	vm2 =	veq.s32 v17, $0x80000;
	v12 =	vadd.s32 $0xFFF80000, v14;
	v14 =	vand.u32 $0xFFF80000, v14;
	v17 =	vld [tilespmem:s11+$0xFFFFFF50];
	[tilespmem:s9+$0xE0] =	vst v11  }
0x3df: {  	vm3 =	veq.s32 v14, $0x80000;
	v11 =	vadd.s32 $0xFFF80000, v13;
	v13 =	vand.u32 $0xFFF80000, v13;
	v14 =	vld [tilespmem:s11+$0xF0]  }
0x3e0: {  	v16 =	vsel vm2, v16, v1;
	v12 =	vsel vm3, v12, v1;
	vm2 =	veq.s32 v13, $0x80000  }
0x3e1: {  	v10 =	vsel vm0, v10, v4;
	v13 =	vsel vm1, v15, v4;
	[tilespmem:s13+$0xFFFFFF10] =	vst v16;
	v11 =	vsel vm2, v11, v1  }
0x3e2: {  	v19 =	vand.u32 $0xFFF80000, v9;
	v16 =	vand.u32 $0xFFF80000, v8;
	v15 =	vld [tilespmem:s15+$0xFFFFFF20];
	[tilespmem:s13+$0xFFFFFF90] =	vst v12;
	v12 =	vand.u32 $0xFFF80000, v18  }
0x3e3: {  	v20 =	vld [tilespmem:s15+$0xFFFFFFA0];
	[tilespmem:s13+$0x10] =	vst v11;
	v11 =	vadd.s32 $0xFFF80000, v18;
	vm0 =	veq.s32 v12, $0x80000;
	v12 =	vand.u32 $0xFFF80000, v17  }
0x3e4: {  	v18 =	vld [tilespmem:s15+$0x20];
	v11 =	vsel vm0, v11, v2;
	vm0 =	veq.s32 v12, $0x80000;
	[tilespmem:s9+$0xFFFFFFC0] =	vst v10;
	v10 =	vand.u32 $0xFFF80000, v14  }
0x3e5: {  	v14 =	vadd.s32 $0xFFF80000, v14;
	[tilespmem:s13+$0xA0] =	vst v11;
	v11 =	vadd.s32 $0xFFF80000, v17;
	v12 =	vld [tilespmem:s11+$0xFFFFFFD0];
	vm1 =	veq.s32 v10, $0x80000  }
0x3e6: {  	v10 =	vld [tilespmem:s15+$0xB0];
	v11 =	vsel vm0, v11, v7;
	[tilespmem:s9+$0x40] =	vst v13;
	v13 =	vsel vm1, v14, v5;
	vm0 =	veq.s32 v16, $0x80000  }
0x3e7: {  	vm1 =	veq.s32 v19, $0x80000;
	v14 =	vadd.s32 $0xFFF80000, v15;
	v15 =	vand.u32 $0xFFF80000, v15;
	v16 =	vld [tilespmem:s11+$0x50];
	[tilespmem:s9+$0xF0] =	vst v13  }
0x3e8: {  	vm2 =	veq.s32 v15, $0x80000;
	v13 =	vadd.s32 $0xFFF80000, v20;
	v15 =	vand.u32 $0xFFF80000, v20;
	[tilespmem:s9+$0xFFFFFF50] =	vst v11  }
0x3e9: {  	vm3 =	veq.s32 v15, $0x80000;
	v11 =	vadd.s32 $0xFFF80000, v18;
	v15 =	vand.u32 $0xFFF80000, v18;
	v17 =	vld [tilespmem:s11+$0xFFFFFF60]  }
0x3ea: {  	v14 =	vsel vm2, v14, v2;
	v13 =	vsel vm3, v13, v2;
	vm2 =	veq.s32 v15, $0x80000  }
0x3eb: {  	v15 =	vand.u32 $0xFFF80000, v12;
	[tilespmem:s13+$0xFFFFFF20] =	vst v14;
	v11 =	vsel vm2, v11, v2;
	v14 =	vand.u32 $0xFFF80000, v10  }
0x3ec: {  	v10 =	vadd.s32 $0xFFF80000, v10;
	v18 =	vld [tilespmem:s15+$0xFFFFFF30];
	[tilespmem:s13+$0xFFFFFFA0] =	vst v13;
	vm2 =	veq.s32 v14, $0x80000;
	v13 =	vand.u32 $0xFFF80000, v16  }
0x3ed: {  	v14 =	vld [tilespmem:s15+$0xFFFFFFB0];
	[tilespmem:s13+$0x20] =	vst v11;
	v10 =	vsel vm2, v10, v3;
	vm2 =	veq.s32 v15, $0x80000;
	vm3 =	veq.s32 v13, $0x80000  }
0x3ee: {  	v11 =	vadd.s32 $0xFFF80000, v12;
	v12 =	vadd.s32 $0xFFF80000, v16;
	v15 =	vld [tilespmem:s15+$0x30];
	[tilespmem:s13+$0xB0] =	vst v10;
	v10 =	vand.u32 $0xFFF80000, v17  }
0x3ef: {  	v16 =	vld [tilespmem:s15+$0xC0];
	vm4 =	veq.s32 v10, $0x80000;
	v10 =	vsel vm2, v11, v7;
	v11 =	vsel vm3, v12, v7  }
0x3f0: {  	v9 =	vadd.s32 $0xFFF80000, v9;
	v8 =	vadd.s32 $0xFFF80000, v8;
	v12 =	vadd.s32 $0xFFF80000, v17;
	[tilespmem:s9+$0xFFFFFFD0] =	vst v10  }
.Ltmp12:
0x3f1: {  	v13 =	vsel vm4, v12, v6;
	v17 =	vadd.s32 $0xFFF80000, v18;
	v10 =	vand.u32 $0xFFF80000, v18;
	v12 =	vld [tilespmem:s11+$0xFFFFFFE0];
	[tilespmem:s9+$0x50] =	vst v11;
	(pc) =	sbr.rel @p0 .LBB2_25-.Ltmp12, $4  }
0x3f2: {  	vm2 =	veq.s32 v10, $0x80000;
	v18 =	vadd.s32 $0xFFF80000, v14;
	v10 =	vand.u32 $0xFFF80000, v14;
	[tilespmem:s9+$0xFFFFFF60] =	vst v13;
	v11 =	vld [tilespmem:s11+$0x60]  }
0x3f3: {  	vm3 =	veq.s32 v10, $0x80000;
	v13 =	vadd.s32 $0xFFF80000, v15;
	v14 =	vand.u32 $0xFFF80000, v15;
	v10 =	vld [tilespmem:s11+$0xFFFFFF70]  }
0x3f4: {  	v15 =	vsel vm2, v17, v3;
	vm2 =	veq.s32 v14, $0x80000;
	v17 =	vand.u32 $0xFFF80000, v16  }
0x3f5: {  	s15 =	sadd.s32 $0x200, s15;
	v14 =	vadd.s32 $0xFFF80000, v16;
	[tilespmem:s13+$0xFFFFFF30] =	vst v15;
	v15 =	vsel vm3, v18, v3;
	vm3 =	veq.s32 v17, $0x80000  }
0x3f6: {  	v0 =	vld [tilespmem:s12+$0xFFFFFF40];
	[tilespmem:s13+$0xFFFFFFB0] =	vst v15;
	v1 =	vsel vm2, v13, v3  }
0x3f7: {  	[tilespmem:s13+$0x30] =	vst v1;
	v57 =	vld [tilespmem:s12+$0xFFFFFFC0]  }
0x3f8: {  	v2 =	vld [tilespmem:s12+$0x40];
	_ =	sdelay $0x2  }
0x3f9: {  	v58 =	vsel vm3, v14, v4;
	v59 =	vand.u32 $0xFFF80000, v0;
	v0 =	vadd.s32 $0xFFF80000, v0  }
0x3fa: {  	[tilespmem:s13+$0xC0] =	vst v58;
	vm6 =	veq.s32 v59, $0x80000;
	v61 =	vand.u32 $0xFFF80000, v57;
	v1 =	vadd.s32 $0xFFF80000, v57  }
0x3fb: {  	v60 =	vld [tilespmem:s12+$0xD0];
	v0 =	vsel vm6, v0, v4;
	vm7 =	veq.s32 v61, $0x80000;
	v62 =	vand.u32 $0xFFF80000, v2  }
0x3fc: {  	v63 =	vadd.s32 $0xFFF80000, v2;
	[tilespmem:s13+$0xFFFFFF40] =	vst v0;
	vm8 =	veq.s32 v62, $0x80000;
	v1 =	vsel vm7, v1, v4  }
0x3fd: {  	v14 =	vld [tilespmem:s12+$0xFFFFFF50];
	v0 =	vsel vm8, v63, v4;
	[tilespmem:s13+$0xFFFFFFC0] =	vst v1  }
0x3fe: {  	v16 =	vld [tilespmem:s12+$0xFFFFFFD0];
	[tilespmem:s13+$0x40] =	vst v0  }
0x3ff: {  	v18 =	vld [tilespmem:s12+$0x50]  }
0x400: {  	v15 =	vand.u32 $0xFFF80000, v60  }
0x401: {  	v17 =	vadd.s32 $0xFFF80000, v60;
	vm9 =	veq.s32 v15, $0x80000  }
0x402: {  	v0 =	vsel vm9, v17, v7;
	v19 =	vand.u32 $0xFFF80000, v14;
	v21 =	vadd.s32 $0xFFF80000, v14  }
0x403: {  	[tilespmem:s13+$0xD0] =	vst v0;
	vm10 =	veq.s32 v19, $0x80000;
	v22 =	vand.u32 $0xFFF80000, v16;
	v24 =	vadd.s32 $0xFFF80000, v16  }
0x404: {  	v20 =	vld [tilespmem:s12+$0xE0];
	v0 =	vsel vm10, v21, v7;
	v23 =	vand.u32 $0xFFF80000, v18;
	vm11 =	veq.s32 v22, $0x80000  }
0x405: {  	v26 =	vadd.s32 $0xFFF80000, v18;
	[tilespmem:s13+$0xFFFFFF50] =	vst v0;
	vm12 =	veq.s32 v23, $0x80000;
	v27 =	vsel vm11, v24, v7  }
0x406: {  	v28 =	vand.u32 $0xFFF80000, v12;
	v29 =	vadd.s32 $0xFFF80000, v12;
	v25 =	vld [tilespmem:s12+$0xFFFFFF60];
	v0 =	vsel vm12, v26, v7;
	[tilespmem:s13+$0xFFFFFFD0] =	vst v27  }
0x407: {  	v49 =	vsel vm0, v8, v5;
	vm13 =	veq.s32 v28, $0x80000;
	v30 =	vand.u32 $0xFFF80000, v11;
	v32 =	vld [tilespmem:s12+$0xFFFFFFE0];
	[tilespmem:s13+$0x50] =	vst v0  }
0x408: {  	v35 =	vadd.s32 $0xFFF80000, v11;
	v33 =	vsel vm13, v29, v6;
	vm15 =	veq.s32 v30, $0x80000;
	v34 =	vld [tilespmem:s12+$0x60]  }
0x409: {  	v50 =	vsel vm1, v9, v5;
	[tilespmem:s9+$0xFFFFFFE0] =	vst v33;
	v38 =	vsel vm15, v35, v6;
	v31 =	vand.u32 $0xFFF80000, v20  }
0x40a: {  	v41 =	vand.u32 $0xFFF80000, v10;
	v39 =	vld [tilespmem:s11+$0xFFFFFFF0];
	[tilespmem:s9+$0x60] =	vst v38;
	v4 =	vadd.s32 $0xFFF80000, v20;
	vm14 =	veq.s32 v31, $0x80000  }
0x40b: {  	v44 =	vld [tilespmem:s11+$0x70];
	v36 =	vsel vm14, v4, v6;
	v40 =	vand.u32 $0xFFF80000, v25;
	v43 =	vadd.s32 $0xFFF80000, v25  }
0x40c: {  	[tilespmem:s13+$0xE0] =	vst v36;
	vm6 =	veq.s32 v40, $0x80000;
	v45 =	vand.u32 $0xFFF80000, v32;
	v46 =	vadd.s32 $0xFFF80000, v32  }
0x40d: {  	v42 =	vld [tilespmem:s12+$0xF0];
	v0 =	vsel vm6, v43, v6;
	vm8 =	veq.s32 v45, $0x80000;
	v47 =	vand.u32 $0xFFF80000, v34  }
0x40e: {  	v2 =	vadd.s32 $0xFFF80000, v34;
	[tilespmem:s13+$0xFFFFFF60] =	vst v0;
	v0 =	vsel vm8, v46, v6;
	vm9 =	veq.s32 v47, $0x80000  }
0x40f: {  	v37 =	vadd.s32 $0xFFF80000, v10;
	vm7 =	veq.s32 v41, $0x80000;
	v48 =	vld [tilespmem:s12+$0xFFFFFF70];
	[tilespmem:s13+$0xFFFFFFE0] =	vst v0;
	v51 =	vsel vm9, v2, v6  }
0x410: {  	v1 =	vsel vm7, v37, v5;
	v52 =	vand.u32 $0xFFF80000, v39;
	v55 =	vand.u32 $0xFFF80000, v44;
	[tilespmem:s13+$0x60] =	vst v51;
	v54 =	vld [tilespmem:s12+$0xFFFFFFF0]  }
0x411: {  	[tilespmem:s3+$0xFFFFFFF0] =	vst v49;
	v58 =	vadd.s32 $0xFFF80000, v39;
	v3 =	vadd.s32 $0xFFF80000, v44;
	vm12 =	veq.s32 v55, $0x80000;
	v56 =	vld [tilespmem:s12+$0x70]  }
0x412: {  	[tilespmem:s3+$0x70] =	vst v50;
	vm11 =	veq.s32 v52, $0x80000;
	v3 =	vsel vm12, v3, v5;
	v53 =	vand.u32 $0xFFF80000, v42  }
0x413: {  	[tilespmem:s9+$0xFFFFFF70] =	vst v1;
	v4 =	vadd.s32 $0xFFF80000, v42;
	vm10 =	veq.s32 v53, $0x80000;
	v2 =	vsel vm11, v58, v5  }
0x414: {  	[tilespmem:s9+$0x70] =	vst v3;
	v57 =	vsel vm10, v4, v5;
	v59 =	vand.u32 $0xFFF80000, v48;
	v60 =	vadd.s32 $0xFFF80000, v48  }
0x415: {  	[tilespmem:s9+$0xFFFFFFF0] =	vst v2;
	vm13 =	veq.s32 v59, $0x80000;
	v61 =	vand.u32 $0xFFF80000, v54;
	v0 =	vadd.s32 $0xFFF80000, v54  }
0x416: {  	[tilespmem:s13+$0xF0] =	vst v57;
	v1 =	vsel vm13, v60, v5;
	v62 =	vand.u32 $0xFFF80000, v56;
	vm14 =	veq.s32 v61, $0x80000  }
0x417: {  	v63 =	vadd.s32 $0xFFF80000, v56;
	[tilespmem:s13+$0xFFFFFF70] =	vst v1;
	vm15 =	veq.s32 v62, $0x80000;
	v0 =	vsel vm14, v0, v5  }
0x418: {  	v1 =	vsel vm15, v63, v5;
	[tilespmem:s13+$0xFFFFFFF0] =	vst v0  }
0x419: {  	s30 =	simm.s32 $0x10080;
	s31 =	simm.s32 $0x2;
	[tilespmem:s13+$0x70] =	vst v1  }
0x41a: {  	[spmem:s5] =	stream.linear.scatter [tilespmem:s30], [sflag:$0x2], $0x4000, $0x38;
	[tilespmem:$0x1C100] =	vst v63  }
0x41b: {  	_ =	swait.ge [sflag:s31], $0x4000  }
0x41c: {  	[sflag:s31] =	ssyncset.done $0x0  }
0x41d: {  	[sflag:s31] =	ssyncadd.s32 $0xFFFFC000  }
0x41e: {  	[spmem:s6] =	stream.linear.scatter [tilespmem:s30], [sflag:$0x2], $0x4000, $0x38;
	[tilespmem:$0x1C100] =	vst v63  }
0x41f: {  	_ =	swait.ge [sflag:s31], $0x4000  }
0x420: {  	[sflag:s31] =	ssyncset.done $0x0  }
0x421: {  	s3 =	simm.s32 $0x0;
	[sflag:s31] =	ssyncadd.s32 $0xFFFFC000  }
0x422: {  	s9 =	simm.s32 $0x80;
	s5 =	simm.s32 $0x10000;
	[bflag:$0x0] =	sbarrier.arrive $0xFFFF  }
.LBB2_27:
0x423: {  	p0 =	sne.s32 s3, $0xFE00  }
.Ltmp13:
0x424: {  	_ = 	snop;
	(pc) =	sbr.rel @p0 .LBB2_27-.Ltmp13, $4  }
0x425: {  	_ = 	snop  }
0x426: {  	s6 =	sshra.s32 s3, $0x2  }
0x427: {  	s3 =	sadd.s32 $0x200, s3;
	s6 =	sadd.s32 $0xC000, s6  }
0x428: {  	[spmem:s2] =	stream.indirect.scatter.add.f32 [tilespmem:s5], [sflag:$0x1], $0x1, s6, s9, $0xb8;
	[tilespmem:$0x1C100] =	vst v63  }
0x429: {  	s2 =	simm.s32 $0x1  }
0x42a: {  	_ =	swait.ge [sflag:s2], $0x80  }
0x42b: {  	s3 =	simm.s32 $0x7F;
	[sflag:s2] =	ssyncset.done $0x0  }
.LBB2_29:
0x42c: {  	p0 =	sne.s32 s3, $0x1;
	s3 =	sadd.s32 $0xFFFFFFFF, s3;
	[sflag:s2] =	ssyncadd.s32 $0xFFFFFF80  }
.Ltmp14:
0x42d: {  	(pc) =	sbr.rel @p0 .LBB2_29-.Ltmp14, $3  }
0x42e: {  	_ =	sdelay $0x1  }
0x42f: {  	_ =	swait.ge [sflag:s2], $0x80  }
0x430: {  	[sflag:s2] =	ssyncset.done $0x0  }
0x431: {  	[sflag:s2] =	ssyncadd.s32 $0xFFFFFF80  }
0x432: {  	s29 =	sadd.s32 $0x20010, s10;
	s3 =	simm.s32 $0x1;
	s5 =	simm.s32 $0x20  }
0x433: {  	s6 =	simm.s32 $0x10;
	s30 =	simm.s32 $0x2;
	[bflag:$0x0] =	sbarrier.arrive $0xFFFF  }
0x434: {  	[hbm:s29@s5], [sflag:s4] =	dma.strided [spmem:s7@s6], $0x800, s3, $0x10   }
0x435: {  	_ =	swait.ge [sflag:s30], $0x800  }
0x436: {  	[sflag:s30] =	ssyncset.done $0x0  }
0x437: {  	s31 =	sadd.s32 $0x21010, s10;
	[sflag:s30] =	ssyncadd.s32 $0xFFFFF800  }
0x438: {  	[hbm:s31@s5], [sflag:s4] =	dma.strided [spmem:s8@s6], $0x800, s3, $0x10   }
0x439: {  	_ =	swait.ge [sflag:s30], $0x800  }
0x43a: {  	[sflag:s30] =	ssyncset.done $0x0  }
0x43b: {  	[sflag:s30] =	ssyncadd.s32 $0xFFFFF800  }
0x43c: {  	_ =	sfence.sel $0x180000  }
0x43d: {  	[bflag:$0x0] =	sbarrier.arrive $0xFFFF  }
0x43e: {  	p0 =	sne.s32 s1, $0x0;
	_ =	strace $0x90000047  }
0x43f: {  	s0 =	sadd.s32 @!p0 $0x100000, s0;
	[bflag:$0x2] =	sbarrier.arrive $0xFFFF  }
0x440: {  	[sflag:s0] =	ssyncadd.tile.s32 @!p0 $0x1;
	_ =	shalt  }
.Lfunc_end2:
_tile_overlayer_lowered:
.L_overlay_start_2:
0x441: {  	(tag) =	ssettag $0x2  }
0x442: {  	s0 =	rddreg [dreg:$0x0];
	s2 =	stileid.u32  }
0x443: {  	s1 =	rddreg [dreg:$0x1];
	p0 =	sne.s32 s2, $0x0  }
0x444: {  	s3 =	rddreg [dreg:$0x2];
	[bflag:$0x3] =	sbarrier.arrive $0xFFFF;
	s2 =	simm.s32 @!p0 $0x1C02  }
0x445: {  	[timem:s3], [sflag:s2] =	dma.local @!p0 [hbm:s0], s1  }
0x446: {  	s0 =	simm.s32 @!p0 $0x2  }
0x447: {  	_ =	swait.ge @!p0 [sflag:s0], s1  }
0x448: {  	s1 =	ssub.s32 @!p0 $0x0, s1;
	[sflag:s0] =	ssyncset.done @!p0 $0x0  }
0x449: {  	[sflag:s0] =	ssyncadd.s32 @!p0 s1  }
0x44a: {  	[bflag:$0x3] =	sbarrier.arrive $0xFFFF  }
0x44b: {  	_ =	shalt  }

</sc_bundles>
